<compile_context>
chip_gen: v7x
topology: tpu7x:2x2x1
jax: 0.10.2.dev20260603
libtpu: 0.0.44.dev20260713+nightly
codegen_flags: <defaults>
</compile_context>

<pallas_src>
import dataclasses
import functools

import jax
import jax.numpy as jnp
from jax import lax
from jax.experimental import pallas as pl
from jax.experimental.pallas import tpu as pltpu
from jax.experimental.pallas import tpu_sc as plsc

N_NODES = 10000
D = 128
E = 320000

NC = 2
NS = 16
LANES = 16
K = 128
CHUNKS = 80
EPT = K * CHUNKS
E_PAD = EPT * NC * NS
N_ACC = 10240
OUT_PT = N_ACC // NS


def _sc_compiler_params():
    cp = pltpu.CompilerParams()
    if "needs_layout_passes" in pltpu.CompilerParams.__dataclass_fields__:
        cp = dataclasses.replace(cp, needs_layout_passes=False)
    return cp


def _sc_partial(edata, embeds):
    mesh = plsc.VectorSubcoreMesh(core_axis_name="core", subcore_axis_name="subcore")

    @functools.partial(
        pl.kernel,
        compiler_params=_sc_compiler_params(),
        out_type=jax.ShapeDtypeStruct((NC, N_ACC, D), jnp.float32),
        mesh=mesh,
        scratch_types=[
            pltpu.VMEM((1, 3, K), jnp.int32),
            pltpu.VMEM((1, 3, K), jnp.int32),
            pltpu.VMEM((1, K), jnp.int32),
            pltpu.VMEM((1, K), jnp.int32),
            pltpu.VMEM((K, D), jnp.float32),
            pltpu.VMEM((K, D), jnp.float32),
            pltpu.VMEM_SHARED((N_ACC, D), jnp.float32),
            pltpu.SemaphoreType.DMA,
            pltpu.SemaphoreType.DMA,
            pltpu.SemaphoreType.DMA,
            pltpu.SemaphoreType.DMA,
            pltpu.SemaphoreType.DMA,
            pltpu.SemaphoreType.DMA,
            pltpu.SemaphoreType.DMA,
        ],
    )
    def body(edata_hbm, zeros_hbm, emb_hbm, out_hbm,
             ibuf0, ibuf1, rb0, rb1, msg0, msg1, acc,
             si0, si1, sg0, sg1, ss0, ss1, sz):
        cid = lax.axis_index("core")
        sid = lax.axis_index("subcore")
        wid = cid * NS + sid
        cbase = wid * CHUNKS

        def idx_cp(j, ibuf, sem):
            return pltpu.make_async_copy(
                edata_hbm.at[pl.ds(cbase + j, 1)], ibuf, sem)

        def gather_cp(ibuf, msg, sem):
            return pltpu.make_async_copy(emb_hbm.at[ibuf.at[0, 1]], msg, sem)

        def scatter_start(msg, rb, sem):
            pltpu.async_copy(msg, acc.at[rb.at[0]], sem, add=True)

        def scatter_wait(msg, rb, sem):
            pltpu.make_async_copy(msg, acc.at[rb.at[0]], sem).wait()

        zslice = pl.ds(sid * OUT_PT, OUT_PT)
        zcp = pltpu.make_async_copy(zeros_hbm.at[zslice], acc.at[zslice], sz)
        zcp.start()

        bufs = ((ibuf0, rb0, msg0, si0, sg0, ss0), (ibuf1, rb1, msg1, si1, sg1, ss1))

        idx_cp(0, ibuf0, si0).start()
        idx_cp(1, ibuf1, si1).start()
        idx_cp(0, ibuf0, si0).wait()
        gather_cp(ibuf0, msg0, sg0).start()

        zcp.wait()
        plsc.subcore_barrier()

        @pl.loop(0, CHUNKS // 2)
        def _(jj):
            for b in range(2):
                j = jj * 2 + b
                ib, rb, mb, si, sg, ss = bufs[b]
                io, ro, mo, sio, sgo, sso = bufs[1 - b]

                @pl.when(j + 1 < CHUNKS)
                def _():
                    idx_cp(j + 1, io, sio).wait()

                    @pl.when(j >= 1)
                    def _():
                        scatter_wait(mo, ro, sso)

                    gather_cp(io, mo, sgo).start()

                gather_cp(ib, mb, sg).wait()

                @plsc.parallel_loop(0, K // LANES, unroll=2)
                def _(g):
                    vv = plsc.bitcast(ib[0, 2, pl.ds(g * LANES, LANES)],
                                      jnp.float32)
                    for u in range(LANES):
                        vb = vv.at[jnp.full((LANES,), u, jnp.int32)].get(
                            mode="promise_in_bounds")
                        e = g * LANES + u
                        for f in range(D // LANES):
                            sl = pl.ds(f * LANES, LANES)
                            mb[e, sl] = mb[e, sl] * vb

                for f in range(K // LANES):
                    sl = pl.ds(f * LANES, LANES)
                    rb[0, sl] = ib[0, 0, sl]

                scatter_start(mb, rb, ss)

                @pl.when(j + 2 < CHUNKS)
                def _():
                    idx_cp(j + 2, ib, si).start()

        scatter_wait(msg0, rb0, ss0)
        scatter_wait(msg1, rb1, ss1)

        plsc.subcore_barrier()

        pltpu.sync_copy(
            acc.at[pl.ds(sid * OUT_PT, OUT_PT)],
            out_hbm.at[cid, pl.ds(sid * OUT_PT, OUT_PT)],
        )

    return body(edata, jnp.zeros((N_ACC, D), jnp.float32), embeds)


def _merge(partial):
    def add_body(a_ref, b_ref, o_ref):
        o_ref[...] = a_ref[0] + b_ref[0]

    return pl.pallas_call(
        add_body,
        grid=(10,),
        in_specs=[
            pl.BlockSpec((1, N_NODES // 10, D), lambda i: (0, i, 0)),
            pl.BlockSpec((1, N_NODES // 10, D), lambda i: (1, i, 0)),
        ],
        out_specs=pl.BlockSpec((N_NODES // 10, D), lambda i: (i, 0)),
        out_shape=jax.ShapeDtypeStruct((N_NODES, D), jnp.float32),
    )(partial, partial)


def kernel(edge_index, edge_vals, embeds):
    pad = E_PAD - E
    fill = jnp.arange(pad, dtype=jnp.int32) % N_NODES
    rows = jnp.concatenate([edge_index[0], fill]).reshape(-1, 1, K)
    cols = jnp.concatenate([edge_index[1], fill]).reshape(-1, 1, K)
    vals = lax.bitcast_convert_type(
        jnp.pad(edge_vals, (0, pad)), jnp.int32).reshape(-1, 1, K)
    edata = jnp.concatenate([rows, cols, vals], axis=1)
    partial = _sc_partial(edata, embeds)
    return _merge(partial)

# --- scband reference (transcript-rebuilt; emitter-appended) ---
"""Pipeline reference for scband-gcnlayer-31817117729542 (READ-ONLY COPY).

The authoritative reference and input builder live on the scoring server;
editing this copy changes nothing except your own understanding.
"""

import jax, jax.numpy as jnp
import numpy as np

N_NODES = 10000
N_EDGES = 320000
D_FEAT = 128


def setup_inputs(seed: int = 0) -> dict:
    key = jax.random.key(seed)
    k1, k2, k3 = jax.random.split(key, 3)
    edge_index = jax.random.randint(k1, (2, N_EDGES), 0, N_NODES, dtype=jnp.int64 if jax.config.jax_enable_x64 else jnp.int32).astype(jnp.int32)
    edge_vals = jax.random.uniform(k2, (N_EDGES,), dtype=jnp.float32)
    embeds = jax.random.normal(k3, (N_NODES, D_FEAT), dtype=jnp.float32)
    return {"edge_index": edge_index, "edge_vals": edge_vals, "embeds": embeds}


def reference(edge_index, edge_vals, embeds):
    # torch.spmm(adj, embeds) where adj is sparse COO with indices edge_index
    # (row=edge_index[0], col=edge_index[1]) and values edge_vals.
    # out[r, :] = sum over edges e with row[e]==r of edge_vals[e] * embeds[col[e], :]
    row = edge_index[0]
    col = edge_index[1]
    gathered = jnp.take(embeds, col, axis=0)            # [E, d] gather
    msgs = edge_vals[:, None] * gathered                 # [E, d]
    out = jnp.zeros((embeds.shape[0], embeds.shape[1]), dtype=embeds.dtype)
    out = out.at[row].add(msgs)                          # scatter-add over dst rows
    return out

if __name__ == "__main__":
    import jax
    _d = setup_inputs()
    print(jax.jit(kernel)(*tuple(_d.values())))

</pallas_src>

<mosaic_0001>
#map = affine_map<(d0, d1) -> (0, 0, 0)>
#map1 = affine_map<(d0, d1) -> (0, 0)>
module attributes {stable_mosaic.version = 14 : i64} {
  func.func @body(%arg0: i32, %arg1: i32, %arg2: memref<2560x3x128xi32, #tpu.memory_space<hbm>>, %arg3: memref<10240x128xf32, #tpu.memory_space<hbm>>, %arg4: memref<10000x128xf32, #tpu.memory_space<hbm>>, %arg5: memref<2x10240x128xf32, #tpu.memory_space<hbm>>, %arg6: memref<1x3x128xi32, #tpu.memory_space<vmem>>, %arg7: memref<1x3x128xi32, #tpu.memory_space<vmem>>, %arg8: memref<1x128xi32, #tpu.memory_space<vmem>>, %arg9: memref<1x128xi32, #tpu.memory_space<vmem>>, %arg10: memref<128x128xf32, #tpu.memory_space<vmem>>, %arg11: memref<128x128xf32, #tpu.memory_space<vmem>>, %arg12: memref<10240x128xf32, #tpu.memory_space<vmem_shared>>, %arg13: memref<!tpu.dma_semaphore, #tpu.memory_space<semaphore_mem>>, %arg14: memref<!tpu.dma_semaphore, #tpu.memory_space<semaphore_mem>>, %arg15: memref<!tpu.dma_semaphore, #tpu.memory_space<semaphore_mem>>, %arg16: memref<!tpu.dma_semaphore, #tpu.memory_space<semaphore_mem>>, %arg17: memref<!tpu.dma_semaphore, #tpu.memory_space<semaphore_mem>>, %arg18: memref<!tpu.dma_semaphore, #tpu.memory_space<semaphore_mem>>, %arg19: memref<!tpu.dma_semaphore, #tpu.memory_space<semaphore_mem>>) attributes {dimension_semantics = [#tpu.dimension_semantics<core_parallel>, #tpu.dimension_semantics<subcore_parallel>], iteration_bounds = array<i64: 2, 16>, scalar_prefetch = 0 : i64, scratch_operands = 14 : i64, tpu.core_type = #tpu.core_type<sc_vector_subcore>, window_params = [{transform_indices = #map}, {transform_indices = #map1}, {transform_indices = #map1}, {transform_indices = #map}]} {
    %mul3A = arith.constant 16 : i32
    %mul3A_0 = arith.muli %arg0, %mul3A : i32
    %add3A = arith.addi %mul3A_0, %arg1 : i32
    %mul3A_1 = arith.constant 80 : i32
    %mul3A_2 = arith.muli %add3A, %mul3A_1 : i32
    %mul3A_3 = arith.constant 640 : i32
    %mul3A_4 = arith.muli %arg1, %mul3A_3 : i32
    %dma_start3A = arith.constant 0 : i32
    %dma_start3A_5 = tpu.memref_slice %arg12[%mul3A_4, %dma_start3A] : memref<10240x128xf32, #tpu.memory_space<vmem_shared>> -> memref<640x128xf32, #tpu.memory_space<vmem_shared>>
    %dma_start3A_6 = arith.constant 0 : i32
    %dma_start3A_7 = tpu.memref_slice %arg3[%mul3A_4, %dma_start3A_6] : memref<10240x128xf32, #tpu.memory_space<hbm>> -> memref<640x128xf32, #tpu.memory_space<hbm>>
    tpu.enqueue_dma source(%dma_start3A_7 : memref<640x128xf32, #tpu.memory_space<hbm>>) target(%dma_start3A_5 : memref<640x128xf32, #tpu.memory_space<vmem_shared>>) target_semaphore(%arg19 : memref<!tpu.dma_semaphore, #tpu.memory_space<semaphore_mem>>)
    %add3A_8 = arith.constant 0 : i32
    %add3A_9 = arith.addi %mul3A_2, %add3A_8 : i32
    %dma_start3A_10 = arith.constant 0 : i32
    %dma_start3A_11 = arith.constant 0 : i32
    %dma_start3A_12 = tpu.memref_slice %arg2[%add3A_9, %dma_start3A_10, %dma_start3A_11] : memref<2560x3x128xi32, #tpu.memory_space<hbm>> -> memref<1x3x128xi32, #tpu.memory_space<hbm>>
    %dma_start3A_13 = arith.constant 0 : i32
    %dma_start3A_14 = arith.constant 0 : i32
    %dma_start3A_15 = tpu.memref_slice %arg2[%add3A_9, %dma_start3A_13, %dma_start3A_14] : memref<2560x3x128xi32, #tpu.memory_space<hbm>> -> memref<1x3x128xi32, #tpu.memory_space<hbm>>
    tpu.enqueue_dma source(%dma_start3A_15 : memref<1x3x128xi32, #tpu.memory_space<hbm>>) target(%arg6 : memref<1x3x128xi32, #tpu.memory_space<vmem>>) target_semaphore(%arg13 : memref<!tpu.dma_semaphore, #tpu.memory_space<semaphore_mem>>)
    %add3A_16 = arith.constant 1 : i32
    %add3A_17 = arith.addi %mul3A_2, %add3A_16 : i32
    %dma_start3A_18 = arith.constant 0 : i32
    %dma_start3A_19 = arith.constant 0 : i32
    %dma_start3A_20 = tpu.memref_slice %arg2[%add3A_17, %dma_start3A_18, %dma_start3A_19] : memref<2560x3x128xi32, #tpu.memory_space<hbm>> -> memref<1x3x128xi32, #tpu.memory_space<hbm>>
    %dma_start3A_21 = arith.constant 0 : i32
    %dma_start3A_22 = arith.constant 0 : i32
    %dma_start3A_23 = tpu.memref_slice %arg2[%add3A_17, %dma_start3A_21, %dma_start3A_22] : memref<2560x3x128xi32, #tpu.memory_space<hbm>> -> memref<1x3x128xi32, #tpu.memory_space<hbm>>
    tpu.enqueue_dma source(%dma_start3A_23 : memref<1x3x128xi32, #tpu.memory_space<hbm>>) target(%arg7 : memref<1x3x128xi32, #tpu.memory_space<vmem>>) target_semaphore(%arg14 : memref<!tpu.dma_semaphore, #tpu.memory_space<semaphore_mem>>)
    %add3A_24 = arith.constant 0 : i32
    %add3A_25 = arith.addi %mul3A_2, %add3A_24 : i32
    %dma_wait3A = arith.constant 0 : i32
    %dma_wait3A_26 = arith.constant 0 : i32
    %dma_wait3A_27 = tpu.memref_slice %arg2[%add3A_25, %dma_wait3A, %dma_wait3A_26] : memref<2560x3x128xi32, #tpu.memory_space<hbm>> -> memref<1x3x128xi32, #tpu.memory_space<hbm>>
    %dma_wait3A_28 = arith.constant 0 : i32
    %dma_wait3A_29 = arith.constant 0 : i32
    %dma_wait3A_30 = tpu.memref_slice %arg2[%add3A_25, %dma_wait3A_28, %dma_wait3A_29] : memref<2560x3x128xi32, #tpu.memory_space<hbm>> -> memref<1x3x128xi32, #tpu.memory_space<hbm>>
    tpu.wait_dma2 semaphore(%arg13 : memref<!tpu.dma_semaphore, #tpu.memory_space<semaphore_mem>>) src(%dma_wait3A_30 : memref<1x3x128xi32, #tpu.memory_space<hbm>>) dst(%arg6 : memref<1x3x128xi32, #tpu.memory_space<vmem>>)
    %dma_start3A_31 = arith.constant 0 : i32
    %dma_start3A_32 = arith.constant 1 : i32
    %dma_start3A_33 = arith.constant 0 : i32
    %dma_start3A_34 = tpu.memref_slice %arg6[%dma_start3A_31, %dma_start3A_32, %dma_start3A_33] : memref<1x3x128xi32, #tpu.memory_space<vmem>> -> memref<1x1x128xi32, #tpu.memory_space<vmem>>
    %dma_start3A_35 = tpu.memref_squeeze %dma_start3A_34 : memref<1x1x128xi32, #tpu.memory_space<vmem>> -> memref<128xi32, #tpu.memory_space<vmem>>
    %dma_start3A_36 = arith.constant 0 : i32
    %dma_start3A_37 = arith.constant 0 : i32
    %dma_start3A_38 = tpu.memref_slice %arg4[%dma_start3A_36, %dma_start3A_37] : memref<10000x128xf32, #tpu.memory_space<hbm>> -> memref<10000x128xf32, #tpu.memory_space<hbm>>
    tpu.enqueue_indirect_dma source(%dma_start3A_38 : memref<10000x128xf32, #tpu.memory_space<hbm>>) target(%arg10 : memref<128x128xf32, #tpu.memory_space<vmem>>) offsets(%dma_start3A_35 : memref<128xi32, #tpu.memory_space<vmem>>) semaphore(%arg15 : memref<!tpu.dma_semaphore, #tpu.memory_space<semaphore_mem>>)
    %dma_wait3A_39 = arith.constant 0 : i32
    %dma_wait3A_40 = tpu.memref_slice %arg12[%mul3A_4, %dma_wait3A_39] : memref<10240x128xf32, #tpu.memory_space<vmem_shared>> -> memref<640x128xf32, #tpu.memory_space<vmem_shared>>
    %dma_wait3A_41 = arith.constant 0 : i32
    %dma_wait3A_42 = tpu.memref_slice %arg3[%mul3A_4, %dma_wait3A_41] : memref<10240x128xf32, #tpu.memory_space<hbm>> -> memref<640x128xf32, #tpu.memory_space<hbm>>
    tpu.wait_dma2 semaphore(%arg19 : memref<!tpu.dma_semaphore, #tpu.memory_space<semaphore_mem>>) src(%dma_wait3A_42 : memref<640x128xf32, #tpu.memory_space<hbm>>) dst(%dma_wait3A_40 : memref<640x128xf32, #tpu.memory_space<vmem_shared>>)
    %barrier3A = arith.constant 0 : index
    tpu.barrier barrier_id(%barrier3A)
    %scan3A = arith.constant 0 : i32
    %scan3A_43 = arith.constant 40 : i32
    %scan3A_44 = arith.addi %scan3A, %scan3A_43 : i32
    %scan3A_45 = arith.constant 1 : i32
    scf.for %scan3A_66 = %scan3A to %scan3A_44 step %scan3A_45  : i32 {
      %mul3A_67 = arith.constant 1 : i32
      %mul3A_68 = arith.muli %scan3A_66, %mul3A_67 : i32
      %add3A_69 = arith.constant 0 : i32
      %add3A_70 = arith.addi %add3A_69, %mul3A_68 : i32
      %mul3A_71 = arith.constant 2 : i32
      %mul3A_72 = arith.muli %add3A_70, %mul3A_71 : i32
      %add3A_73 = arith.constant 0 : i32
      %add3A_74 = arith.addi %mul3A_72, %add3A_73 : i32
      %add3A_75 = arith.constant 1 : i32
      %add3A_76 = arith.addi %add3A_74, %add3A_75 : i32
      %lt3A = arith.constant 80 : i32
      %lt3A_77 = arith.cmpi slt, %add3A_76, %lt3A : i32
      %convert_element_type3A = arith.extui %lt3A_77 : i1 to i32
      %cond3A = arith.constant 0 : i32
      %cond3A_78 = arith.cmpi ne, %convert_element_type3A, %cond3A : i32
      scf.if %cond3A_78 {
        %add3A_297 = arith.constant 1 : i32
        %add3A_298 = arith.addi %add3A_74, %add3A_297 : i32
        %add3A_299 = arith.addi %mul3A_2, %add3A_298 : i32
        %dma_wait3A_300 = arith.constant 0 : i32
        %dma_wait3A_301 = arith.constant 0 : i32
        %dma_wait3A_302 = tpu.memref_slice %arg2[%add3A_299, %dma_wait3A_300, %dma_wait3A_301] : memref<2560x3x128xi32, #tpu.memory_space<hbm>> -> memref<1x3x128xi32, #tpu.memory_space<hbm>>
        %dma_wait3A_303 = arith.constant 0 : i32
        %dma_wait3A_304 = arith.constant 0 : i32
        %dma_wait3A_305 = tpu.memref_slice %arg2[%add3A_299, %dma_wait3A_303, %dma_wait3A_304] : memref<2560x3x128xi32, #tpu.memory_space<hbm>> -> memref<1x3x128xi32, #tpu.memory_space<hbm>>
        tpu.wait_dma2 semaphore(%arg14 : memref<!tpu.dma_semaphore, #tpu.memory_space<semaphore_mem>>) src(%dma_wait3A_305 : memref<1x3x128xi32, #tpu.memory_space<hbm>>) dst(%arg7 : memref<1x3x128xi32, #tpu.memory_space<vmem>>)
        %ge3A = arith.constant 1 : i32
        %ge3A_306 = arith.cmpi sge, %add3A_74, %ge3A : i32
        %convert_element_type3A_307 = arith.extui %ge3A_306 : i1 to i32
        %cond3A_308 = arith.constant 0 : i32
        %cond3A_309 = arith.cmpi ne, %convert_element_type3A_307, %cond3A_308 : i32
        scf.if %cond3A_309 {
          %dma_wait3A_318 = arith.constant 0 : i32
          %dma_wait3A_319 = arith.constant 0 : i32
          %dma_wait3A_320 = tpu.memref_slice %arg9[%dma_wait3A_318, %dma_wait3A_319] : memref<1x128xi32, #tpu.memory_space<vmem>> -> memref<1x128xi32, #tpu.memory_space<vmem>>
          %dma_wait3A_321 = tpu.memref_squeeze %dma_wait3A_320 : memref<1x128xi32, #tpu.memory_space<vmem>> -> memref<128xi32, #tpu.memory_space<vmem>>
          %dma_wait3A_322 = arith.constant 0 : i32
          %dma_wait3A_323 = arith.constant 0 : i32
          %dma_wait3A_324 = tpu.memref_slice %arg12[%dma_wait3A_322, %dma_wait3A_323] : memref<10240x128xf32, #tpu.memory_space<vmem_shared>> -> memref<10240x128xf32, #tpu.memory_space<vmem_shared>>
          tpu.wait_indirect_dma semaphore(%arg18 : memref<!tpu.dma_semaphore, #tpu.memory_space<semaphore_mem>>) src(%arg11 : memref<128x128xf32, #tpu.memory_space<vmem>>) dst(%dma_wait3A_324 : memref<10240x128xf32, #tpu.memory_space<vmem_shared>>)
        } else {
        }
        %dma_start3A_310 = arith.constant 0 : i32
        %dma_start3A_311 = arith.constant 1 : i32
        %dma_start3A_312 = arith.constant 0 : i32
        %dma_start3A_313 = tpu.memref_slice %arg7[%dma_start3A_310, %dma_start3A_311, %dma_start3A_312] : memref<1x3x128xi32, #tpu.memory_space<vmem>> -> memref<1x1x128xi32, #tpu.memory_space<vmem>>
        %dma_start3A_314 = tpu.memref_squeeze %dma_start3A_313 : memref<1x1x128xi32, #tpu.memory_space<vmem>> -> memref<128xi32, #tpu.memory_space<vmem>>
        %dma_start3A_315 = arith.constant 0 : i32
        %dma_start3A_316 = arith.constant 0 : i32
        %dma_start3A_317 = tpu.memref_slice %arg4[%dma_start3A_315, %dma_start3A_316] : memref<10000x128xf32, #tpu.memory_space<hbm>> -> memref<10000x128xf32, #tpu.memory_space<hbm>>
        tpu.enqueue_indirect_dma source(%dma_start3A_317 : memref<10000x128xf32, #tpu.memory_space<hbm>>) target(%arg11 : memref<128x128xf32, #tpu.memory_space<vmem>>) offsets(%dma_start3A_314 : memref<128xi32, #tpu.memory_space<vmem>>) semaphore(%arg16 : memref<!tpu.dma_semaphore, #tpu.memory_space<semaphore_mem>>)
      } else {
      }
      %dma_wait3A_79 = arith.constant 0 : i32
      %dma_wait3A_80 = arith.constant 1 : i32
      %dma_wait3A_81 = arith.constant 0 : i32
      %dma_wait3A_82 = tpu.memref_slice %arg6[%dma_wait3A_79, %dma_wait3A_80, %dma_wait3A_81] : memref<1x3x128xi32, #tpu.memory_space<vmem>> -> memref<1x1x128xi32, #tpu.memory_space<vmem>>
      %dma_wait3A_83 = tpu.memref_squeeze %dma_wait3A_82 : memref<1x1x128xi32, #tpu.memory_space<vmem>> -> memref<128xi32, #tpu.memory_space<vmem>>
      %dma_wait3A_84 = arith.constant 0 : i32
      %dma_wait3A_85 = arith.constant 0 : i32
      %dma_wait3A_86 = tpu.memref_slice %arg4[%dma_wait3A_84, %dma_wait3A_85] : memref<10000x128xf32, #tpu.memory_space<hbm>> -> memref<10000x128xf32, #tpu.memory_space<hbm>>
      tpu.wait_indirect_dma semaphore(%arg15 : memref<!tpu.dma_semaphore, #tpu.memory_space<semaphore_mem>>) src(%dma_wait3A_86 : memref<10000x128xf32, #tpu.memory_space<hbm>>) dst(%arg10 : memref<128x128xf32, #tpu.memory_space<vmem>>)
      %parallel_loop3A = arith.constant 0 : i32
      %parallel_loop3A_87 = arith.constant 8 : i32
      %parallel_loop3A_88 = arith.constant 1 : i32
      scf.for %parallel_loop3A_297 = %parallel_loop3A to %parallel_loop3A_87 step %parallel_loop3A_88  : i32 {
        %parallel_loop3A_298 = arith.constant 16 : i32
        %parallel_loop3A_299 = arith.muli %parallel_loop3A_297, %parallel_loop3A_298 : i32
        %parallel_loop3A_300 = arith.constant 0 : i32
        %parallel_loop3A_301 = arith.constant 2 : i32
        %parallel_loop3A_302 = arith.index_cast %parallel_loop3A_300 : i32 to index
        %parallel_loop3A_303 = arith.index_cast %parallel_loop3A_301 : i32 to index
        %parallel_loop3A_304 = arith.index_cast %parallel_loop3A_299 : i32 to index
        %parallel_loop3A_305 = tpu.vector_load %arg6[%parallel_loop3A_302, %parallel_loop3A_303, %parallel_loop3A_304] {strides = array<i32>} : memref<1x3x128xi32, #tpu.memory_space<vmem>>, vector<16xi32>,
        %parallel_loop3A_306 = vector.bitcast %parallel_loop3A_305 : vector<16xi32> to vector<16xf32>
        %parallel_loop3A_307 = arith.constant 0 : i32
        %parallel_loop3A_308 = vector.broadcast %parallel_loop3A_307 : i32 to vector<16xi32>
        %parallel_loop3A_309 = arith.constant 0 : i32
        %parallel_loop3A_310 = vector.broadcast %parallel_loop3A_309 : i32 to vector<16xi32>
        %parallel_loop3A_311 = arith.cmpi slt, %parallel_loop3A_308, %parallel_loop3A_310 : vector<16xi32>
        %parallel_loop3A_312 = arith.constant 16 : i32
        %parallel_loop3A_313 = vector.broadcast %parallel_loop3A_312 : i32 to vector<16xi32>
        %parallel_loop3A_314 = arith.addi %parallel_loop3A_308, %parallel_loop3A_313 : vector<16xi32>
        %parallel_loop3A_315 = arith.select %parallel_loop3A_311, %parallel_loop3A_314, %parallel_loop3A_308 : vector<16xi1>, vector<16xi32>
        %parallel_loop3A_316 = vector.shape_cast %parallel_loop3A_315 : vector<16xi32> to vector<16x1xi32>
        %parallel_loop3A_317 = vector.shape_cast %parallel_loop3A_316 : vector<16x1xi32> to vector<16xi32>
        %parallel_loop3A_318 = tpu.dynamic_gather %parallel_loop3A_306[%parallel_loop3A_317] in [0] : vector<16xf32>, vector<16xi32> -> vector<16xf32>
        %parallel_loop3A_319 = arith.constant 16 : i32
        %parallel_loop3A_320 = arith.muli %parallel_loop3A_297, %parallel_loop3A_319 : i32
        %parallel_loop3A_321 = arith.constant 0 : i32
        %parallel_loop3A_322 = arith.addi %parallel_loop3A_320, %parallel_loop3A_321 : i32
        %parallel_loop3A_323 = arith.index_cast %parallel_loop3A_322 : i32 to index
        %parallel_loop3A_324 = arith.constant 0 : index
        %parallel_loop3A_325 = tpu.vector_load %arg10[%parallel_loop3A_323, %parallel_loop3A_324] {strides = array<i32>} : memref<128x128xf32, #tpu.memory_space<vmem>>, vector<16xf32>,
        %parallel_loop3A_326 = arith.mulf %parallel_loop3A_325, %parallel_loop3A_318 : vector<16xf32>
        %parallel_loop3A_327 = arith.index_cast %parallel_loop3A_322 : i32 to index
        %parallel_loop3A_328 = arith.constant 0 : index
        %parallel_loop3A_329 = tpu.vector_load %arg10[%parallel_loop3A_327, %parallel_loop3A_328] {strides = array<i32>} : memref<128x128xf32, #tpu.memory_space<vmem>>, vector<16xf32>,
        tpu.vector_store %arg10[%parallel_loop3A_327, %parallel_loop3A_328], %parallel_loop3A_326 {strides = array<i32>} : memref<128x128xf32, #tpu.memory_space<vmem>>, vector<16xf32>,
        %parallel_loop3A_330 = arith.index_cast %parallel_loop3A_322 : i32 to index
        %parallel_loop3A_331 = arith.constant 16 : index
        %parallel_loop3A_332 = tpu.vector_load %arg10[%parallel_loop3A_330, %parallel_loop3A_331] {strides = array<i32>} : memref<128x128xf32, #tpu.memory_space<vmem>>, vector<16xf32>,
        %parallel_loop3A_333 = arith.mulf %parallel_loop3A_332, %parallel_loop3A_318 : vector<16xf32>
        %parallel_loop3A_334 = arith.index_cast %parallel_loop3A_322 : i32 to index
        %parallel_loop3A_335 = arith.constant 16 : index
        %parallel_loop3A_336 = tpu.vector_load %arg10[%parallel_loop3A_334, %parallel_loop3A_335] {strides = array<i32>} : memref<128x128xf32, #tpu.memory_space<vmem>>, vector<16xf32>,
        tpu.vector_store %arg10[%parallel_loop3A_334, %parallel_loop3A_335], %parallel_loop3A_333 {strides = array<i32>} : memref<128x128xf32, #tpu.memory_space<vmem>>, vector<16xf32>,
        %parallel_loop3A_337 = arith.index_cast %parallel_loop3A_322 : i32 to index
        %parallel_loop3A_338 = arith.constant 32 : index
        %parallel_loop3A_339 = tpu.vector_load %arg10[%parallel_loop3A_337, %parallel_loop3A_338] {strides = array<i32>} : memref<128x128xf32, #tpu.memory_space<vmem>>, vector<16xf32>,
        %parallel_loop3A_340 = arith.mulf %parallel_loop3A_339, %parallel_loop3A_318 : vector<16xf32>
        %parallel_loop3A_341 = arith.index_cast %parallel_loop3A_322 : i32 to index
        %parallel_loop3A_342 = arith.constant 32 : index
        %parallel_loop3A_343 = tpu.vector_load %arg10[%parallel_loop3A_341, %parallel_loop3A_342] {strides = array<i32>} : memref<128x128xf32, #tpu.memory_space<vmem>>, vector<16xf32>,
        tpu.vector_store %arg10[%parallel_loop3A_341, %parallel_loop3A_342], %parallel_loop3A_340 {strides = array<i32>} : memref<128x128xf32, #tpu.memory_space<vmem>>, vector<16xf32>,
        %parallel_loop3A_344 = arith.index_cast %parallel_loop3A_322 : i32 to index
        %parallel_loop3A_345 = arith.constant 48 : index
        %parallel_loop3A_346 = tpu.vector_load %arg10[%parallel_loop3A_344, %parallel_loop3A_345] {strides = array<i32>} : memref<128x128xf32, #tpu.memory_space<vmem>>, vector<16xf32>,
        %parallel_loop3A_347 = arith.mulf %parallel_loop3A_346, %parallel_loop3A_318 : vector<16xf32>
        %parallel_loop3A_348 = arith.index_cast %parallel_loop3A_322 : i32 to index
        %parallel_loop3A_349 = arith.constant 48 : index
        %parallel_loop3A_350 = tpu.vector_load %arg10[%parallel_loop3A_348, %parallel_loop3A_349] {strides = array<i32>} : memref<128x128xf32, #tpu.memory_space<vmem>>, vector<16xf32>,
        tpu.vector_store %arg10[%parallel_loop3A_348, %parallel_loop3A_349], %parallel_loop3A_347 {strides = array<i32>} : memref<128x128xf32, #tpu.memory_space<vmem>>, vector<16xf32>,
        %parallel_loop3A_351 = arith.index_cast %parallel_loop3A_322 : i32 to index
        %parallel_loop3A_352 = arith.constant 64 : index
        %parallel_loop3A_353 = tpu.vector_load %arg10[%parallel_loop3A_351, %parallel_loop3A_352] {strides = array<i32>} : memref<128x128xf32, #tpu.memory_space<vmem>>, vector<16xf32>,
        %parallel_loop3A_354 = arith.mulf %parallel_loop3A_353, %parallel_loop3A_318 : vector<16xf32>
        %parallel_loop3A_355 = arith.index_cast %parallel_loop3A_322 : i32 to index
        %parallel_loop3A_356 = arith.constant 64 : index
        %parallel_loop3A_357 = tpu.vector_load %arg10[%parallel_loop3A_355, %parallel_loop3A_356] {strides = array<i32>} : memref<128x128xf32, #tpu.memory_space<vmem>>, vector<16xf32>,
        tpu.vector_store %arg10[%parallel_loop3A_355, %parallel_loop3A_356], %parallel_loop3A_354 {strides = array<i32>} : memref<128x128xf32, #tpu.memory_space<vmem>>, vector<16xf32>,
        %parallel_loop3A_358 = arith.index_cast %parallel_loop3A_322 : i32 to index
        %parallel_loop3A_359 = arith.constant 80 : index
        %parallel_loop3A_360 = tpu.vector_load %arg10[%parallel_loop3A_358, %parallel_loop3A_359] {strides = array<i32>} : memref<128x128xf32, #tpu.memory_space<vmem>>, vector<16xf32>,
        %parallel_loop3A_361 = arith.mulf %parallel_loop3A_360, %parallel_loop3A_318 : vector<16xf32>
        %parallel_loop3A_362 = arith.index_cast %parallel_loop3A_322 : i32 to index
        %parallel_loop3A_363 = arith.constant 80 : index
        %parallel_loop3A_364 = tpu.vector_load %arg10[%parallel_loop3A_362, %parallel_loop3A_363] {strides = array<i32>} : memref<128x128xf32, #tpu.memory_space<vmem>>, vector<16xf32>,
        tpu.vector_store %arg10[%parallel_loop3A_362, %parallel_loop3A_363], %parallel_loop3A_361 {strides = array<i32>} : memref<128x128xf32, #tpu.memory_space<vmem>>, vector<16xf32>,
        %parallel_loop3A_365 = arith.index_cast %parallel_loop3A_322 : i32 to index
        %parallel_loop3A_366 = arith.constant 96 : index
        %parallel_loop3A_367 = tpu.vector_load %arg10[%parallel_loop3A_365, %parallel_loop3A_366] {strides = array<i32>} : memref<128x128xf32, #tpu.memory_space<vmem>>, vector<16xf32>,
        %parallel_loop3A_368 = arith.mulf %parallel_loop3A_367, %parallel_loop3A_318 : vector<16xf32>
        %parallel_loop3A_369 = arith.index_cast %parallel_loop3A_322 : i32 to index
        %parallel_loop3A_370 = arith.constant 96 : index
        %parallel_loop3A_371 = tpu.vector_load %arg10[%parallel_loop3A_369, %parallel_loop3A_370] {strides = array<i32>} : memref<128x128xf32, #tpu.memory_space<vmem>>, vector<16xf32>,
        tpu.vector_store %arg10[%parallel_loop3A_369, %parallel_loop3A_370], %parallel_loop3A_368 {strides = array<i32>} : memref<128x128xf32, #tpu.memory_space<vmem>>, vector<16xf32>,
        %parallel_loop3A_372 = arith.index_cast %parallel_loop3A_322 : i32 to index
        %parallel_loop3A_373 = arith.constant 112 : index
        %parallel_loop3A_374 = tpu.vector_load %arg10[%parallel_loop3A_372, %parallel_loop3A_373] {strides = array<i32>} : memref<128x128xf32, #tpu.memory_space<vmem>>, vector<16xf32>,
        %parallel_loop3A_375 = arith.mulf %parallel_loop3A_374, %parallel_loop3A_318 : vector<16xf32>
        %parallel_loop3A_376 = arith.index_cast %parallel_loop3A_322 : i32 to index
        %parallel_loop3A_377 = arith.constant 112 : index
        %parallel_loop3A_378 = tpu.vector_load %arg10[%parallel_loop3A_376, %parallel_loop3A_377] {strides = array<i32>} : memref<128x128xf32, #tpu.memory_space<vmem>>, vector<16xf32>,
        tpu.vector_store %arg10[%parallel_loop3A_376, %parallel_loop3A_377], %parallel_loop3A_375 {strides = array<i32>} : memref<128x128xf32, #tpu.memory_space<vmem>>, vector<16xf32>,
        %parallel_loop3A_379 = arith.constant 1 : i32
        %parallel_loop3A_380 = vector.broadcast %parallel_loop3A_379 : i32 to vector<16xi32>
        %parallel_loop3A_381 = arith.constant 0 : i32
        %parallel_loop3A_382 = vector.broadcast %parallel_loop3A_381 : i32 to vector<16xi32>
        %parallel_loop3A_383 = arith.cmpi slt, %parallel_loop3A_380, %parallel_loop3A_382 : vector<16xi32>
        %parallel_loop3A_384 = arith.constant 16 : i32
        %parallel_loop3A_385 = vector.broadcast %parallel_loop3A_384 : i32 to vector<16xi32>
        %parallel_loop3A_386 = arith.addi %parallel_loop3A_380, %parallel_loop3A_385 : vector<16xi32>
        %parallel_loop3A_387 = arith.select %parallel_loop3A_383, %parallel_loop3A_386, %parallel_loop3A_380 : vector<16xi1>, vector<16xi32>
        %parallel_loop3A_388 = vector.shape_cast %parallel_loop3A_387 : vector<16xi32> to vector<16x1xi32>
        %parallel_loop3A_389 = vector.shape_cast %parallel_loop3A_388 : vector<16x1xi32> to vector<16xi32>
        %parallel_loop3A_390 = tpu.dynamic_gather %parallel_loop3A_306[%parallel_loop3A_389] in [0] : vector<16xf32>, vector<16xi32> -> vector<16xf32>
        %parallel_loop3A_391 = arith.constant 16 : i32
        %parallel_loop3A_392 = arith.muli %parallel_loop3A_297, %parallel_loop3A_391 : i32
        %parallel_loop3A_393 = arith.constant 1 : i32
        %parallel_loop3A_394 = arith.addi %parallel_loop3A_392, %parallel_loop3A_393 : i32
        %parallel_loop3A_395 = arith.index_cast %parallel_loop3A_394 : i32 to index
        %parallel_loop3A_396 = arith.constant 0 : index
        %parallel_loop3A_397 = tpu.vector_load %arg10[%parallel_loop3A_395, %parallel_loop3A_396] {strides = array<i32>} : memref<128x128xf32, #tpu.memory_space<vmem>>, vector<16xf32>,
        %parallel_loop3A_398 = arith.mulf %parallel_loop3A_397, %parallel_loop3A_390 : vector<16xf32>
        %parallel_loop3A_399 = arith.index_cast %parallel_loop3A_394 : i32 to index
        %parallel_loop3A_400 = arith.constant 0 : index
        %parallel_loop3A_401 = tpu.vector_load %arg10[%parallel_loop3A_399, %parallel_loop3A_400] {strides = array<i32>} : memref<128x128xf32, #tpu.memory_space<vmem>>, vector<16xf32>,
        tpu.vector_store %arg10[%parallel_loop3A_399, %parallel_loop3A_400], %parallel_loop3A_398 {strides = array<i32>} : memref<128x128xf32, #tpu.memory_space<vmem>>, vector<16xf32>,
        %parallel_loop3A_402 = arith.index_cast %parallel_loop3A_394 : i32 to index
        %parallel_loop3A_403 = arith.constant 16 : index
        %parallel_loop3A_404 = tpu.vector_load %arg10[%parallel_loop3A_402, %parallel_loop3A_403] {strides = array<i32>} : memref<128x128xf32, #tpu.memory_space<vmem>>, vector<16xf32>,
        %parallel_loop3A_405 = arith.mulf %parallel_loop3A_404, %parallel_loop3A_390 : vector<16xf32>
        %parallel_loop3A_406 = arith.index_cast %parallel_loop3A_394 : i32 to index
        %parallel_loop3A_407 = arith.constant 16 : index
        %parallel_loop3A_408 = tpu.vector_load %arg10[%parallel_loop3A_406, %parallel_loop3A_407] {strides = array<i32>} : memref<128x128xf32, #tpu.memory_space<vmem>>, vector<16xf32>,
        tpu.vector_store %arg10[%parallel_loop3A_406, %parallel_loop3A_407], %parallel_loop3A_405 {strides = array<i32>} : memref<128x128xf32, #tpu.memory_space<vmem>>, vector<16xf32>,
        %parallel_loop3A_409 = arith.index_cast %parallel_loop3A_394 : i32 to index
        %parallel_loop3A_410 = arith.constant 32 : index
        %parallel_loop3A_411 = tpu.vector_load %arg10[%parallel_loop3A_409, %parallel_loop3A_410] {strides = array<i32>} : memref<128x128xf32, #tpu.memory_space<vmem>>, vector<16xf32>,
        %parallel_loop3A_412 = arith.mulf %parallel_loop3A_411, %parallel_loop3A_390 : vector<16xf32>
        %parallel_loop3A_413 = arith.index_cast %parallel_loop3A_394 : i32 to index
        %parallel_loop3A_414 = arith.constant 32 : index
        %parallel_loop3A_415 = tpu.vector_load %arg10[%parallel_loop3A_413, %parallel_loop3A_414] {strides = array<i32>} : memref<128x128xf32, #tpu.memory_space<vmem>>, vector<16xf32>,
        tpu.vector_store %arg10[%parallel_loop3A_413, %parallel_loop3A_414], %parallel_loop3A_412 {strides = array<i32>} : memref<128x128xf32, #tpu.memory_space<vmem>>, vector<16xf32>,
        %parallel_loop3A_416 = arith.index_cast %parallel_loop3A_394 : i32 to index
        %parallel_loop3A_417 = arith.constant 48 : index
        %parallel_loop3A_418 = tpu.vector_load %arg10[%parallel_loop3A_416, %parallel_loop3A_417] {strides = array<i32>} : memref<128x128xf32, #tpu.memory_space<vmem>>, vector<16xf32>,
        %parallel_loop3A_419 = arith.mulf %parallel_loop3A_418, %parallel_loop3A_390 : vector<16xf32>
        %parallel_loop3A_420 = arith.index_cast %parallel_loop3A_394 : i32 to index
        %parallel_loop3A_421 = arith.constant 48 : index
        %parallel_loop3A_422 = tpu.vector_load %arg10[%parallel_loop3A_420, %parallel_loop3A_421] {strides = array<i32>} : memref<128x128xf32, #tpu.memory_space<vmem>>, vector<16xf32>,
        tpu.vector_store %arg10[%parallel_loop3A_420, %parallel_loop3A_421], %parallel_loop3A_419 {strides = array<i32>} : memref<128x128xf32, #tpu.memory_space<vmem>>, vector<16xf32>,
        %parallel_loop3A_423 = arith.index_cast %parallel_loop3A_394 : i32 to index
        %parallel_loop3A_424 = arith.constant 64 : index
        %parallel_loop3A_425 = tpu.vector_load %arg10[%parallel_loop3A_423, %parallel_loop3A_424] {strides = array<i32>} : memref<128x128xf32, #tpu.memory_space<vmem>>, vector<16xf32>,
        %parallel_loop3A_426 = arith.mulf %parallel_loop3A_425, %parallel_loop3A_390 : vector<16xf32>
        %parallel_loop3A_427 = arith.index_cast %parallel_loop3A_394 : i32 to index
        %parallel_loop3A_428 = arith.constant 64 : index
        %parallel_loop3A_429 = tpu.vector_load %arg10[%parallel_loop3A_427, %parallel_loop3A_428] {strides = array<i32>} : memref<128x128xf32, #tpu.memory_space<vmem>>, vector<16xf32>,
        tpu.vector_store %arg10[%parallel_loop3A_427, %parallel_loop3A_428], %parallel_loop3A_426 {strides = array<i32>} : memref<128x128xf32, #tpu.memory_space<vmem>>, vector<16xf32>,
        %parallel_loop3A_430 = arith.index_cast %parallel_loop3A_394 : i32 to index
        %parallel_loop3A_431 = arith.constant 80 : index
        %parallel_loop3A_432 = tpu.vector_load %arg10[%parallel_loop3A_430, %parallel_loop3A_431] {strides = array<i32>} : memref<128x128xf32, #tpu.memory_space<vmem>>, vector<16xf32>,
        %parallel_loop3A_433 = arith.mulf %parallel_loop3A_432, %parallel_loop3A_390 : vector<16xf32>
        %parallel_loop3A_434 = arith.index_cast %parallel_loop3A_394 : i32 to index
        %parallel_loop3A_435 = arith.constant 80 : index
        %parallel_loop3A_436 = tpu.vector_load %arg10[%parallel_loop3A_434, %parallel_loop3A_435] {strides = array<i32>} : memref<128x128xf32, #tpu.memory_space<vmem>>, vector<16xf32>,
        tpu.vector_store %arg10[%parallel_loop3A_434, %parallel_loop3A_435], %parallel_loop3A_433 {strides = array<i32>} : memref<128x128xf32, #tpu.memory_space<vmem>>, vector<16xf32>,
        %parallel_loop3A_437 = arith.index_cast %parallel_loop3A_394 : i32 to index
        %parallel_loop3A_438 = arith.constant 96 : index
        %parallel_loop3A_439 = tpu.vector_load %arg10[%parallel_loop3A_437, %parallel_loop3A_438] {strides = array<i32>} : memref<128x128xf32, #tpu.memory_space<vmem>>, vector<16xf32>,
        %parallel_loop3A_440 = arith.mulf %parallel_loop3A_439, %parallel_loop3A_390 : vector<16xf32>
        %parallel_loop3A_441 = arith.index_cast %parallel_loop3A_394 : i32 to index
        %parallel_loop3A_442 = arith.constant 96 : index
        %parallel_loop3A_443 = tpu.vector_load %arg10[%parallel_loop3A_441, %parallel_loop3A_442] {strides = array<i32>} : memref<128x128xf32, #tpu.memory_space<vmem>>, vector<16xf32>,
        tpu.vector_store %arg10[%parallel_loop3A_441, %parallel_loop3A_442], %parallel_loop3A_440 {strides = array<i32>} : memref<128x128xf32, #tpu.memory_space<vmem>>, vector<16xf32>,
        %parallel_loop3A_444 = arith.index_cast %parallel_loop3A_394 : i32 to index
        %parallel_loop3A_445 = arith.constant 112 : index
        %parallel_loop3A_446 = tpu.vector_load %arg10[%parallel_loop3A_444, %parallel_loop3A_445] {strides = array<i32>} : memref<128x128xf32, #tpu.memory_space<vmem>>, vector<16xf32>,
        %parallel_loop3A_447 = arith.mulf %parallel_loop3A_446, %parallel_loop3A_390 : vector<16xf32>
        %parallel_loop3A_448 = arith.index_cast %parallel_loop3A_394 : i32 to index
        %parallel_loop3A_449 = arith.constant 112 : index
        %parallel_loop3A_450 = tpu.vector_load %arg10[%parallel_loop3A_448, %parallel_loop3A_449] {strides = array<i32>} : memref<128x128xf32, #tpu.memory_space<vmem>>, vector<16xf32>,
        tpu.vector_store %arg10[%parallel_loop3A_448, %parallel_loop3A_449], %parallel_loop3A_447 {strides = array<i32>} : memref<128x128xf32, #tpu.memory_space<vmem>>, vector<16xf32>,
        %parallel_loop3A_451 = arith.constant 2 : i32
        %parallel_loop3A_452 = vector.broadcast %parallel_loop3A_451 : i32 to vector<16xi32>
        %parallel_loop3A_453 = arith.constant 0 : i32
        %parallel_loop3A_454 = vector.broadcast %parallel_loop3A_453 : i32 to vector<16xi32>
        %parallel_loop3A_455 = arith.cmpi slt, %parallel_loop3A_452, %parallel_loop3A_454 : vector<16xi32>
        %parallel_loop3A_456 = arith.constant 16 : i32
        %parallel_loop3A_457 = vector.broadcast %parallel_loop3A_456 : i32 to vector<16xi32>
        %parallel_loop3A_458 = arith.addi %parallel_loop3A_452, %parallel_loop3A_457 : vector<16xi32>
        %parallel_loop3A_459 = arith.select %parallel_loop3A_455, %parallel_loop3A_458, %parallel_loop3A_452 : vector<16xi1>, vector<16xi32>
        %parallel_loop3A_460 = vector.shape_cast %parallel_loop3A_459 : vector<16xi32> to vector<16x1xi32>
        %parallel_loop3A_461 = vector.shape_cast %parallel_loop3A_460 : vector<16x1xi32> to vector<16xi32>
        %parallel_loop3A_462 = tpu.dynamic_gather %parallel_loop3A_306[%parallel_loop3A_461] in [0] : vector<16xf32>, vector<16xi32> -> vector<16xf32>
        %parallel_loop3A_463 = arith.constant 16 : i32
        %parallel_loop3A_464 = arith.muli %parallel_loop3A_297, %parallel_loop3A_463 : i32
        %parallel_loop3A_465 = arith.constant 2 : i32
        %parallel_loop3A_466 = arith.addi %parallel_loop3A_464, %parallel_loop3A_465 : i32
        %parallel_loop3A_467 = arith.index_cast %parallel_loop3A_466 : i32 to index
        %parallel_loop3A_468 = arith.constant 0 : index
        %parallel_loop3A_469 = tpu.vector_load %arg10[%parallel_loop3A_467, %parallel_loop3A_468] {strides = array<i32>} : memref<128x128xf32, #tpu.memory_space<vmem>>, vector<16xf32>,
        %parallel_loop3A_470 = arith.mulf %parallel_loop3A_469, %parallel_loop3A_462 : vector<16xf32>
        %parallel_loop3A_471 = arith.index_cast %parallel_loop3A_466 : i32 to index
        %parallel_loop3A_472 = arith.constant 0 : index
        %parallel_loop3A_473 = tpu.vector_load %arg10[%parallel_loop3A_471, %parallel_loop3A_472] {strides = array<i32>} : memref<128x128xf32, #tpu.memory_space<vmem>>, vector<16xf32>,
        tpu.vector_store %arg10[%parallel_loop3A_471, %parallel_loop3A_472], %parallel_loop3A_470 {strides = array<i32>} : memref<128x128xf32, #tpu.memory_space<vmem>>, vector<16xf32>,
        %parallel_loop3A_474 = arith.index_cast %parallel_loop3A_466 : i32 to index
        %parallel_loop3A_475 = arith.constant 16 : index
        %parallel_loop3A_476 = tpu.vector_load %arg10[%parallel_loop3A_474, %parallel_loop3A_475] {strides = array<i32>} : memref<128x128xf32, #tpu.memory_space<vmem>>, vector<16xf32>,
        %parallel_loop3A_477 = arith.mulf %parallel_loop3A_476, %parallel_loop3A_462 : vector<16xf32>
        %parallel_loop3A_478 = arith.index_cast %parallel_loop3A_466 : i32 to index
        %parallel_loop3A_479 = arith.constant 16 : index
        %parallel_loop3A_480 = tpu.vector_load %arg10[%parallel_loop3A_478, %parallel_loop3A_479] {strides = array<i32>} : memref<128x128xf32, #tpu.memory_space<vmem>>, vector<16xf32>,
        tpu.vector_store %arg10[%parallel_loop3A_478, %parallel_loop3A_479], %parallel_loop3A_477 {strides = array<i32>} : memref<128x128xf32, #tpu.memory_space<vmem>>, vector<16xf32>,
        %parallel_loop3A_481 = arith.index_cast %parallel_loop3A_466 : i32 to index
        %parallel_loop3A_482 = arith.constant 32 : index
        %parallel_loop3A_483 = tpu.vector_load %arg10[%parallel_loop3A_481, %parallel_loop3A_482] {strides = array<i32>} : memref<128x128xf32, #tpu.memory_space<vmem>>, vector<16xf32>,
        %parallel_loop3A_484 = arith.mulf %parallel_loop3A_483, %parallel_loop3A_462 : vector<16xf32>
        %parallel_loop3A_485 = arith.index_cast %parallel_loop3A_466 : i32 to index
        %parallel_loop3A_486 = arith.constant 32 : index
        %parallel_loop3A_487 = tpu.vector_load %arg10[%parallel_loop3A_485, %parallel_loop3A_486] {strides = array<i32>} : memref<128x128xf32, #tpu.memory_space<vmem>>, vector<16xf32>,
        tpu.vector_store %arg10[%parallel_loop3A_485, %parallel_loop3A_486], %parallel_loop3A_484 {strides = array<i32>} : memref<128x128xf32, #tpu.memory_space<vmem>>, vector<16xf32>,
        %parallel_loop3A_488 = arith.index_cast %parallel_loop3A_466 : i32 to index
        %parallel_loop3A_489 = arith.constant 48 : index
        %parallel_loop3A_490 = tpu.vector_load %arg10[%parallel_loop3A_488, %parallel_loop3A_489] {strides = array<i32>} : memref<128x128xf32, #tpu.memory_space<vmem>>, vector<16xf32>,
        %parallel_loop3A_491 = arith.mulf %parallel_loop3A_490, %parallel_loop3A_462 : vector<16xf32>
        %parallel_loop3A_492 = arith.index_cast %parallel_loop3A_466 : i32 to index
        %parallel_loop3A_493 = arith.constant 48 : index
        %parallel_loop3A_494 = tpu.vector_load %arg10[%parallel_loop3A_492, %parallel_loop3A_493] {strides = array<i32>} : memref<128x128xf32, #tpu.memory_space<vmem>>, vector<16xf32>,
        tpu.vector_store %arg10[%parallel_loop3A_492, %parallel_loop3A_493], %parallel_loop3A_491 {strides = array<i32>} : memref<128x128xf32, #tpu.memory_space<vmem>>, vector<16xf32>,
        %parallel_loop3A_495 = arith.index_cast %parallel_loop3A_466 : i32 to index
        %parallel_loop3A_496 = arith.constant 64 : index
        %parallel_loop3A_497 = tpu.vector_load %arg10[%parallel_loop3A_495, %parallel_loop3A_496] {strides = array<i32>} : memref<128x128xf32, #tpu.memory_space<vmem>>, vector<16xf32>,
        %parallel_loop3A_498 = arith.mulf %parallel_loop3A_497, %parallel_loop3A_462 : vector<16xf32>
        %parallel_loop3A_499 = arith.index_cast %parallel_loop3A_466 : i32 to index
        %parallel_loop3A_500 = arith.constant 64 : index
        %parallel_loop3A_501 = tpu.vector_load %arg10[%parallel_loop3A_499, %parallel_loop3A_500] {strides = array<i32>} : memref<128x128xf32, #tpu.memory_space<vmem>>, vector<16xf32>,
        tpu.vector_store %arg10[%parallel_loop3A_499, %parallel_loop3A_500], %parallel_loop3A_498 {strides = array<i32>} : memref<128x128xf32, #tpu.memory_space<vmem>>, vector<16xf32>,
        %parallel_loop3A_502 = arith.index_cast %parallel_loop3A_466 : i32 to index
        %parallel_loop3A_503 = arith.constant 80 : index
        %parallel_loop3A_504 = tpu.vector_load %arg10[%parallel_loop3A_502, %parallel_loop3A_503] {strides = array<i32>} : memref<128x128xf32, #tpu.memory_space<vmem>>, vector<16xf32>,
        %parallel_loop3A_505 = arith.mulf %parallel_loop3A_504, %parallel_loop3A_462 : vector<16xf32>
        %parallel_loop3A_506 = arith.index_cast %parallel_loop3A_466 : i32 to index
        %parallel_loop3A_507 = arith.constant 80 : index
        %parallel_loop3A_508 = tpu.vector_load %arg10[%parallel_loop3A_506, %parallel_loop3A_507] {strides = array<i32>} : memref<128x128xf32, #tpu.memory_space<vmem>>, vector<16xf32>,
        tpu.vector_store %arg10[%parallel_loop3A_506, %parallel_loop3A_507], %parallel_loop3A_505 {strides = array<i32>} : memref<128x128xf32, #tpu.memory_space<vmem>>, vector<16xf32>,
        %parallel_loop3A_509 = arith.index_cast %parallel_loop3A_466 : i32 to index
        %parallel_loop3A_510 = arith.constant 96 : index
        %parallel_loop3A_511 = tpu.vector_load %arg10[%parallel_loop3A_509, %parallel_loop3A_510] {strides = array<i32>} : memref<128x128xf32, #tpu.memory_space<vmem>>, vector<16xf32>,
        %parallel_loop3A_512 = arith.mulf %parallel_loop3A_511, %parallel_loop3A_462 : vector<16xf32>
        %parallel_loop3A_513 = arith.index_cast %parallel_loop3A_466 : i32 to index
        %parallel_loop3A_514 = arith.constant 96 : index
        %parallel_loop3A_515 = tpu.vector_load %arg10[%parallel_loop3A_513, %parallel_loop3A_514] {strides = array<i32>} : memref<128x128xf32, #tpu.memory_space<vmem>>, vector<16xf32>,
        tpu.vector_store %arg10[%parallel_loop3A_513, %parallel_loop3A_514], %parallel_loop3A_512 {strides = array<i32>} : memref<128x128xf32, #tpu.memory_space<vmem>>, vector<16xf32>,
        %parallel_loop3A_516 = arith.index_cast %parallel_loop3A_466 : i32 to index
        %parallel_loop3A_517 = arith.constant 112 : index
        %parallel_loop3A_518 = tpu.vector_load %arg10[%parallel_loop3A_516, %parallel_loop3A_517] {strides = array<i32>} : memref<128x128xf32, #tpu.memory_space<vmem>>, vector<16xf32>,
        %parallel_loop3A_519 = arith.mulf %parallel_loop3A_518, %parallel_loop3A_462 : vector<16xf32>
        %parallel_loop3A_520 = arith.index_cast %parallel_loop3A_466 : i32 to index
        %parallel_loop3A_521 = arith.constant 112 : index
        %parallel_loop3A_522 = tpu.vector_load %arg10[%parallel_loop3A_520, %parallel_loop3A_521] {strides = array<i32>} : memref<128x128xf32, #tpu.memory_space<vmem>>, vector<16xf32>,
        tpu.vector_store %arg10[%parallel_loop3A_520, %parallel_loop3A_521], %parallel_loop3A_519 {strides = array<i32>} : memref<128x128xf32, #tpu.memory_space<vmem>>, vector<16xf32>,
        %parallel_loop3A_523 = arith.constant 3 : i32
        %parallel_loop3A_524 = vector.broadcast %parallel_loop3A_523 : i32 to vector<16xi32>
        %parallel_loop3A_525 = arith.constant 0 : i32
        %parallel_loop3A_526 = vector.broadcast %parallel_loop3A_525 : i32 to vector<16xi32>
        %parallel_loop3A_527 = arith.cmpi slt, %parallel_loop3A_524, %parallel_loop3A_526 : vector<16xi32>
        %parallel_loop3A_528 = arith.constant 16 : i32
        %parallel_loop3A_529 = vector.broadcast %parallel_loop3A_528 : i32 to vector<16xi32>
        %parallel_loop3A_530 = arith.addi %parallel_loop3A_524, %parallel_loop3A_529 : vector<16xi32>
        %parallel_loop3A_531 = arith.select %parallel_loop3A_527, %parallel_loop3A_530, %parallel_loop3A_524 : vector<16xi1>, vector<16xi32>
        %parallel_loop3A_532 = vector.shape_cast %parallel_loop3A_531 : vector<16xi32> to vector<16x1xi32>
        %parallel_loop3A_533 = vector.shape_cast %parallel_loop3A_532 : vector<16x1xi32> to vector<16xi32>
        %parallel_loop3A_534 = tpu.dynamic_gather %parallel_loop3A_306[%parallel_loop3A_533] in [0] : vector<16xf32>, vector<16xi32> -> vector<16xf32>
        %parallel_loop3A_535 = arith.constant 16 : i32
        %parallel_loop3A_536 = arith.muli %parallel_loop3A_297, %parallel_loop3A_535 : i32
        %parallel_loop3A_537 = arith.constant 3 : i32
        %parallel_loop3A_538 = arith.addi %parallel_loop3A_536, %parallel_loop3A_537 : i32
        %parallel_loop3A_539 = arith.index_cast %parallel_loop3A_538 : i32 to index
        %parallel_loop3A_540 = arith.constant 0 : index
        %parallel_loop3A_541 = tpu.vector_load %arg10[%parallel_loop3A_539, %parallel_loop3A_540] {strides = array<i32>} : memref<128x128xf32, #tpu.memory_space<vmem>>, vector<16xf32>,
        %parallel_loop3A_542 = arith.mulf %parallel_loop3A_541, %parallel_loop3A_534 : vector<16xf32>
        %parallel_loop3A_543 = arith.index_cast %parallel_loop3A_538 : i32 to index
        %parallel_loop3A_544 = arith.constant 0 : index
        %parallel_loop3A_545 = tpu.vector_load %arg10[%parallel_loop3A_543, %parallel_loop3A_544] {strides = array<i32>} : memref<128x128xf32, #tpu.memory_space<vmem>>, vector<16xf32>,
        tpu.vector_store %arg10[%parallel_loop3A_543, %parallel_loop3A_544], %parallel_loop3A_542 {strides = array<i32>} : memref<128x128xf32, #tpu.memory_space<vmem>>, vector<16xf32>,
        %parallel_loop3A_546 = arith.index_cast %parallel_loop3A_538 : i32 to index
        %parallel_loop3A_547 = arith.constant 16 : index
        %parallel_loop3A_548 = tpu.vector_load %arg10[%parallel_loop3A_546, %parallel_loop3A_547] {strides = array<i32>} : memref<128x128xf32, #tpu.memory_space<vmem>>, vector<16xf32>,
        %parallel_loop3A_549 = arith.mulf %parallel_loop3A_548, %parallel_loop3A_534 : vector<16xf32>
        %parallel_loop3A_550 = arith.index_cast %parallel_loop3A_538 : i32 to index
        %parallel_loop3A_551 = arith.constant 16 : index
        %parallel_loop3A_552 = tpu.vector_load %arg10[%parallel_loop3A_550, %parallel_loop3A_551] {strides = array<i32>} : memref<128x128xf32, #tpu.memory_space<vmem>>, vector<16xf32>,
        tpu.vector_store %arg10[%parallel_loop3A_550, %parallel_loop3A_551], %parallel_loop3A_549 {strides = array<i32>} : memref<128x128xf32, #tpu.memory_space<vmem>>, vector<16xf32>,
        %parallel_loop3A_553 = arith.index_cast %parallel_loop3A_538 : i32 to index
        %parallel_loop3A_554 = arith.constant 32 : index
        %parallel_loop3A_555 = tpu.vector_load %arg10[%parallel_loop3A_553, %parallel_loop3A_554] {strides = array<i32>} : memref<128x128xf32, #tpu.memory_space<vmem>>, vector<16xf32>,
        %parallel_loop3A_556 = arith.mulf %parallel_loop3A_555, %parallel_loop3A_534 : vector<16xf32>
        %parallel_loop3A_557 = arith.index_cast %parallel_loop3A_538 : i32 to index
        %parallel_loop3A_558 = arith.constant 32 : index
        %parallel_loop3A_559 = tpu.vector_load %arg10[%parallel_loop3A_557, %parallel_loop3A_558] {strides = array<i32>} : memref<128x128xf32, #tpu.memory_space<vmem>>, vector<16xf32>,
        tpu.vector_store %arg10[%parallel_loop3A_557, %parallel_loop3A_558], %parallel_loop3A_556 {strides = array<i32>} : memref<128x128xf32, #tpu.memory_space<vmem>>, vector<16xf32>,
        %parallel_loop3A_560 = arith.index_cast %parallel_loop3A_538 : i32 to index
        %parallel_loop3A_561 = arith.constant 48 : index
        %parallel_loop3A_562 = tpu.vector_load %arg10[%parallel_loop3A_560, %parallel_loop3A_561] {strides = array<i32>} : memref<128x128xf32, #tpu.memory_space<vmem>>, vector<16xf32>,
        %parallel_loop3A_563 = arith.mulf %parallel_loop3A_562, %parallel_loop3A_534 : vector<16xf32>
        %parallel_loop3A_564 = arith.index_cast %parallel_loop3A_538 : i32 to index
        %parallel_loop3A_565 = arith.constant 48 : index
        %parallel_loop3A_566 = tpu.vector_load %arg10[%parallel_loop3A_564, %parallel_loop3A_565] {strides = array<i32>} : memref<128x128xf32, #tpu.memory_space<vmem>>, vector<16xf32>,
        tpu.vector_store %arg10[%parallel_loop3A_564, %parallel_loop3A_565], %parallel_loop3A_563 {strides = array<i32>} : memref<128x128xf32, #tpu.memory_space<vmem>>, vector<16xf32>,
        %parallel_loop3A_567 = arith.index_cast %parallel_loop3A_538 : i32 to index
        %parallel_loop3A_568 = arith.constant 64 : index
        %parallel_loop3A_569 = tpu.vector_load %arg10[%parallel_loop3A_567, %parallel_loop3A_568] {strides = array<i32>} : memref<128x128xf32, #tpu.memory_space<vmem>>, vector<16xf32>,
        %parallel_loop3A_570 = arith.mulf %parallel_loop3A_569, %parallel_loop3A_534 : vector<16xf32>
        %parallel_loop3A_571 = arith.index_cast %parallel_loop3A_538 : i32 to index
        %parallel_loop3A_572 = arith.constant 64 : index
        %parallel_loop3A_573 = tpu.vector_load %arg10[%parallel_loop3A_571, %parallel_loop3A_572] {strides = array<i32>} : memref<128x128xf32, #tpu.memory_space<vmem>>, vector<16xf32>,
        tpu.vector_store %arg10[%parallel_loop3A_571, %parallel_loop3A_572], %parallel_loop3A_570 {strides = array<i32>} : memref<128x128xf32, #tpu.memory_space<vmem>>, vector<16xf32>,
        %parallel_loop3A_574 = arith.index_cast %parallel_loop3A_538 : i32 to index
        %parallel_loop3A_575 = arith.constant 80 : index
        %parallel_loop3A_576 = tpu.vector_load %arg10[%parallel_loop3A_574, %parallel_loop3A_575] {strides = array<i32>} : memref<128x128xf32, #tpu.memory_space<vmem>>, vector<16xf32>,
        %parallel_loop3A_577 = arith.mulf %parallel_loop3A_576, %parallel_loop3A_534 : vector<16xf32>
        %parallel_loop3A_578 = arith.index_cast %parallel_loop3A_538 : i32 to index
        %parallel_loop3A_579 = arith.constant 80 : index
        %parallel_loop3A_580 = tpu.vector_load %arg10[%parallel_loop3A_578, %parallel_loop3A_579] {strides = array<i32>} : memref<128x128xf32, #tpu.memory_space<vmem>>, vector<16xf32>,
        tpu.vector_store %arg10[%parallel_loop3A_578, %parallel_loop3A_579], %parallel_loop3A_577 {strides = array<i32>} : memref<128x128xf32, #tpu.memory_space<vmem>>, vector<16xf32>,
        %parallel_loop3A_581 = arith.index_cast %parallel_loop3A_538 : i32 to index
        %parallel_loop3A_582 = arith.constant 96 : index
        %parallel_loop3A_583 = tpu.vector_load %arg10[%parallel_loop3A_581, %parallel_loop3A_582] {strides = array<i32>} : memref<128x128xf32, #tpu.memory_space<vmem>>, vector<16xf32>,
        %parallel_loop3A_584 = arith.mulf %parallel_loop3A_583, %parallel_loop3A_534 : vector<16xf32>
        %parallel_loop3A_585 = arith.index_cast %parallel_loop3A_538 : i32 to index
        %parallel_loop3A_586 = arith.constant 96 : index
        %parallel_loop3A_587 = tpu.vector_load %arg10[%parallel_loop3A_585, %parallel_loop3A_586] {strides = array<i32>} : memref<128x128xf32, #tpu.memory_space<vmem>>, vector<16xf32>,
        tpu.vector_store %arg10[%parallel_loop3A_585, %parallel_loop3A_586], %parallel_loop3A_584 {strides = array<i32>} : memref<128x128xf32, #tpu.memory_space<vmem>>, vector<16xf32>,
        %parallel_loop3A_588 = arith.index_cast %parallel_loop3A_538 : i32 to index
        %parallel_loop3A_589 = arith.constant 112 : index
        %parallel_loop3A_590 = tpu.vector_load %arg10[%parallel_loop3A_588, %parallel_loop3A_589] {strides = array<i32>} : memref<128x128xf32, #tpu.memory_space<vmem>>, vector<16xf32>,
        %parallel_loop3A_591 = arith.mulf %parallel_loop3A_590, %parallel_loop3A_534 : vector<16xf32>
        %parallel_loop3A_592 = arith.index_cast %parallel_loop3A_538 : i32 to index
        %parallel_loop3A_593 = arith.constant 112 : index
        %parallel_loop3A_594 = tpu.vector_load %arg10[%parallel_loop3A_592, %parallel_loop3A_593] {strides = array<i32>} : memref<128x128xf32, #tpu.memory_space<vmem>>, vector<16xf32>,
        tpu.vector_store %arg10[%parallel_loop3A_592, %parallel_loop3A_593], %parallel_loop3A_591 {strides = array<i32>} : memref<128x128xf32, #tpu.memory_space<vmem>>, vector<16xf32>,
        %parallel_loop3A_595 = arith.constant 4 : i32
        %parallel_loop3A_596 = vector.broadcast %parallel_loop3A_595 : i32 to vector<16xi32>
        %parallel_loop3A_597 = arith.constant 0 : i32
        %parallel_loop3A_598 = vector.broadcast %parallel_loop3A_597 : i32 to vector<16xi32>
        %parallel_loop3A_599 = arith.cmpi slt, %parallel_loop3A_596, %parallel_loop3A_598 : vector<16xi32>
        %parallel_loop3A_600 = arith.constant 16 : i32
        %parallel_loop3A_601 = vector.broadcast %parallel_loop3A_600 : i32 to vector<16xi32>
        %parallel_loop3A_602 = arith.addi %parallel_loop3A_596, %parallel_loop3A_601 : vector<16xi32>
        %parallel_loop3A_603 = arith.select %parallel_loop3A_599, %parallel_loop3A_602, %parallel_loop3A_596 : vector<16xi1>, vector<16xi32>
        %parallel_loop3A_604 = vector.shape_cast %parallel_loop3A_603 : vector<16xi32> to vector<16x1xi32>
        %parallel_loop3A_605 = vector.shape_cast %parallel_loop3A_604 : vector<16x1xi32> to vector<16xi32>
        %parallel_loop3A_606 = tpu.dynamic_gather %parallel_loop3A_306[%parallel_loop3A_605] in [0] : vector<16xf32>, vector<16xi32> -> vector<16xf32>
        %parallel_loop3A_607 = arith.constant 16 : i32
        %parallel_loop3A_608 = arith.muli %parallel_loop3A_297, %parallel_loop3A_607 : i32
        %parallel_loop3A_609 = arith.constant 4 : i32
        %parallel_loop3A_610 = arith.addi %parallel_loop3A_608, %parallel_loop3A_609 : i32
        %parallel_loop3A_611 = arith.index_cast %parallel_loop3A_610 : i32 to index
        %parallel_loop3A_612 = arith.constant 0 : index
        %parallel_loop3A_613 = tpu.vector_load %arg10[%parallel_loop3A_611, %parallel_loop3A_612] {strides = array<i32>} : memref<128x128xf32, #tpu.memory_space<vmem>>, vector<16xf32>,
        %parallel_loop3A_614 = arith.mulf %parallel_loop3A_613, %parallel_loop3A_606 : vector<16xf32>
        %parallel_loop3A_615 = arith.index_cast %parallel_loop3A_610 : i32 to index
        %parallel_loop3A_616 = arith.constant 0 : index
        %parallel_loop3A_617 = tpu.vector_load %arg10[%parallel_loop3A_615, %parallel_loop3A_616] {strides = array<i32>} : memref<128x128xf32, #tpu.memory_space<vmem>>, vector<16xf32>,
        tpu.vector_store %arg10[%parallel_loop3A_615, %parallel_loop3A_616], %parallel_loop3A_614 {strides = array<i32>} : memref<128x128xf32, #tpu.memory_space<vmem>>, vector<16xf32>,
        %parallel_loop3A_618 = arith.index_cast %parallel_loop3A_610 : i32 to index
        %parallel_loop3A_619 = arith.constant 16 : index
        %parallel_loop3A_620 = tpu.vector_load %arg10[%parallel_loop3A_618, %parallel_loop3A_619] {strides = array<i32>} : memref<128x128xf32, #tpu.memory_space<vmem>>, vector<16xf32>,
        %parallel_loop3A_621 = arith.mulf %parallel_loop3A_620, %parallel_loop3A_606 : vector<16xf32>
        %parallel_loop3A_622 = arith.index_cast %parallel_loop3A_610 : i32 to index
        %parallel_loop3A_623 = arith.constant 16 : index
        %parallel_loop3A_624 = tpu.vector_load %arg10[%parallel_loop3A_622, %parallel_loop3A_623] {strides = array<i32>} : memref<128x128xf32, #tpu.memory_space<vmem>>, vector<16xf32>,
        tpu.vector_store %arg10[%parallel_loop3A_622, %parallel_loop3A_623], %parallel_loop3A_621 {strides = array<i32>} : memref<128x128xf32, #tpu.memory_space<vmem>>, vector<16xf32>,
        %parallel_loop3A_625 = arith.index_cast %parallel_loop3A_610 : i32 to index
        %parallel_loop3A_626 = arith.constant 32 : index
        %parallel_loop3A_627 = tpu.vector_load %arg10[%parallel_loop3A_625, %parallel_loop3A_626] {strides = array<i32>} : memref<128x128xf32, #tpu.memory_space<vmem>>, vector<16xf32>,
        %parallel_loop3A_628 = arith.mulf %parallel_loop3A_627, %parallel_loop3A_606 : vector<16xf32>
        %parallel_loop3A_629 = arith.index_cast %parallel_loop3A_610 : i32 to index
        %parallel_loop3A_630 = arith.constant 32 : index
        %parallel_loop3A_631 = tpu.vector_load %arg10[%parallel_loop3A_629, %parallel_loop3A_630] {strides = array<i32>} : memref<128x128xf32, #tpu.memory_space<vmem>>, vector<16xf32>,
        tpu.vector_store %arg10[%parallel_loop3A_629, %parallel_loop3A_630], %parallel_loop3A_628 {strides = array<i32>} : memref<128x128xf32, #tpu.memory_space<vmem>>, vector<16xf32>,
        %parallel_loop3A_632 = arith.index_cast %parallel_loop3A_610 : i32 to index
        %parallel_loop3A_633 = arith.constant 48 : index
        %parallel_loop3A_634 = tpu.vector_load %arg10[%parallel_loop3A_632, %parallel_loop3A_633] {strides = array<i32>} : memref<128x128xf32, #tpu.memory_space<vmem>>, vector<16xf32>,
        %parallel_loop3A_635 = arith.mulf %parallel_loop3A_634, %parallel_loop3A_606 : vector<16xf32>
        %parallel_loop3A_636 = arith.index_cast %parallel_loop3A_610 : i32 to index
        %parallel_loop3A_637 = arith.constant 48 : index
        %parallel_loop3A_638 = tpu.vector_load %arg10[%parallel_loop3A_636, %parallel_loop3A_637] {strides = array<i32>} : memref<128x128xf32, #tpu.memory_space<vmem>>, vector<16xf32>,
        tpu.vector_store %arg10[%parallel_loop3A_636, %parallel_loop3A_637], %parallel_loop3A_635 {strides = array<i32>} : memref<128x128xf32, #tpu.memory_space<vmem>>, vector<16xf32>,
        %parallel_loop3A_639 = arith.index_cast %parallel_loop3A_610 : i32 to index
        %parallel_loop3A_640 = arith.constant 64 : index
        %parallel_loop3A_641 = tpu.vector_load %arg10[%parallel_loop3A_639, %parallel_loop3A_640] {strides = array<i32>} : memref<128x128xf32, #tpu.memory_space<vmem>>, vector<16xf32>,
        %parallel_loop3A_642 = arith.mulf %parallel_loop3A_641, %parallel_loop3A_606 : vector<16xf32>
        %parallel_loop3A_643 = arith.index_cast %parallel_loop3A_610 : i32 to index
        %parallel_loop3A_644 = arith.constant 64 : index
        %parallel_loop3A_645 = tpu.vector_load %arg10[%parallel_loop3A_643, %parallel_loop3A_644] {strides = array<i32>} : memref<128x128xf32, #tpu.memory_space<vmem>>, vector<16xf32>,
        tpu.vector_store %arg10[%parallel_loop3A_643, %parallel_loop3A_644], %parallel_loop3A_642 {strides = array<i32>} : memref<128x128xf32, #tpu.memory_space<vmem>>, vector<16xf32>,
        %parallel_loop3A_646 = arith.index_cast %parallel_loop3A_610 : i32 to index
        %parallel_loop3A_647 = arith.constant 80 : index
        %parallel_loop3A_648 = tpu.vector_load %arg10[%parallel_loop3A_646, %parallel_loop3A_647] {strides = array<i32>} : memref<128x128xf32, #tpu.memory_space<vmem>>, vector<16xf32>,
        %parallel_loop3A_649 = arith.mulf %parallel_loop3A_648, %parallel_loop3A_606 : vector<16xf32>
        %parallel_loop3A_650 = arith.index_cast %parallel_loop3A_610 : i32 to index
        %parallel_loop3A_651 = arith.constant 80 : index
        %parallel_loop3A_652 = tpu.vector_load %arg10[%parallel_loop3A_650, %parallel_loop3A_651] {strides = array<i32>} : memref<128x128xf32, #tpu.memory_space<vmem>>, vector<16xf32>,
        tpu.vector_store %arg10[%parallel_loop3A_650, %parallel_loop3A_651], %parallel_loop3A_649 {strides = array<i32>} : memref<128x128xf32, #tpu.memory_space<vmem>>, vector<16xf32>,
        %parallel_loop3A_653 = arith.index_cast %parallel_loop3A_610 : i32 to index
        %parallel_loop3A_654 = arith.constant 96 : index
        %parallel_loop3A_655 = tpu.vector_load %arg10[%parallel_loop3A_653, %parallel_loop3A_654] {strides = array<i32>} : memref<128x128xf32, #tpu.memory_space<vmem>>, vector<16xf32>,
        %parallel_loop3A_656 = arith.mulf %parallel_loop3A_655, %parallel_loop3A_606 : vector<16xf32>
        %parallel_loop3A_657 = arith.index_cast %parallel_loop3A_610 : i32 to index
        %parallel_loop3A_658 = arith.constant 96 : index
        %parallel_loop3A_659 = tpu.vector_load %arg10[%parallel_loop3A_657, %parallel_loop3A_658] {strides = array<i32>} : memref<128x128xf32, #tpu.memory_space<vmem>>, vector<16xf32>,
        tpu.vector_store %arg10[%parallel_loop3A_657, %parallel_loop3A_658], %parallel_loop3A_656 {strides = array<i32>} : memref<128x128xf32, #tpu.memory_space<vmem>>, vector<16xf32>,
        %parallel_loop3A_660 = arith.index_cast %parallel_loop3A_610 : i32 to index
        %parallel_loop3A_661 = arith.constant 112 : index
        %parallel_loop3A_662 = tpu.vector_load %arg10[%parallel_loop3A_660, %parallel_loop3A_661] {strides = array<i32>} : memref<128x128xf32, #tpu.memory_space<vmem>>, vector<16xf32>,
        %parallel_loop3A_663 = arith.mulf %parallel_loop3A_662, %parallel_loop3A_606 : vector<16xf32>
        %parallel_loop3A_664 = arith.index_cast %parallel_loop3A_610 : i32 to index
        %parallel_loop3A_665 = arith.constant 112 : index
        %parallel_loop3A_666 = tpu.vector_load %arg10[%parallel_loop3A_664, %parallel_loop3A_665] {strides = array<i32>} : memref<128x128xf32, #tpu.memory_space<vmem>>, vector<16xf32>,
        tpu.vector_store %arg10[%parallel_loop3A_664, %parallel_loop3A_665], %parallel_loop3A_663 {strides = array<i32>} : memref<128x128xf32, #tpu.memory_space<vmem>>, vector<16xf32>,
        %parallel_loop3A_667 = arith.constant 5 : i32
        %parallel_loop3A_668 = vector.broadcast %parallel_loop3A_667 : i32 to vector<16xi32>
        %parallel_loop3A_669 = arith.constant 0 : i32
        %parallel_loop3A_670 = vector.broadcast %parallel_loop3A_669 : i32 to vector<16xi32>
        %parallel_loop3A_671 = arith.cmpi slt, %parallel_loop3A_668, %parallel_loop3A_670 : vector<16xi32>
        %parallel_loop3A_672 = arith.constant 16 : i32
        %parallel_loop3A_673 = vector.broadcast %parallel_loop3A_672 : i32 to vector<16xi32>
        %parallel_loop3A_674 = arith.addi %parallel_loop3A_668, %parallel_loop3A_673 : vector<16xi32>
        %parallel_loop3A_675 = arith.select %parallel_loop3A_671, %parallel_loop3A_674, %parallel_loop3A_668 : vector<16xi1>, vector<16xi32>
        %parallel_loop3A_676 = vector.shape_cast %parallel_loop3A_675 : vector<16xi32> to vector<16x1xi32>
        %parallel_loop3A_677 = vector.shape_cast %parallel_loop3A_676 : vector<16x1xi32> to vector<16xi32>
        %parallel_loop3A_678 = tpu.dynamic_gather %parallel_loop3A_306[%parallel_loop3A_677] in [0] : vector<16xf32>, vector<16xi32> -> vector<16xf32>
        %parallel_loop3A_679 = arith.constant 16 : i32
        %parallel_loop3A_680 = arith.muli %parallel_loop3A_297, %parallel_loop3A_679 : i32
        %parallel_loop3A_681 = arith.constant 5 : i32
        %parallel_loop3A_682 = arith.addi %parallel_loop3A_680, %parallel_loop3A_681 : i32
        %parallel_loop3A_683 = arith.index_cast %parallel_loop3A_682 : i32 to index
        %parallel_loop3A_684 = arith.constant 0 : index
        %parallel_loop3A_685 = tpu.vector_load %arg10[%parallel_loop3A_683, %parallel_loop3A_684] {strides = array<i32>} : memref<128x128xf32, #tpu.memory_space<vmem>>, vector<16xf32>,
        %parallel_loop3A_686 = arith.mulf %parallel_loop3A_685, %parallel_loop3A_678 : vector<16xf32>
        %parallel_loop3A_687 = arith.index_cast %parallel_loop3A_682 : i32 to index
        %parallel_loop3A_688 = arith.constant 0 : index
        %parallel_loop3A_689 = tpu.vector_load %arg10[%parallel_loop3A_687, %parallel_loop3A_688] {strides = array<i32>} : memref<128x128xf32, #tpu.memory_space<vmem>>, vector<16xf32>,
        tpu.vector_store %arg10[%parallel_loop3A_687, %parallel_loop3A_688], %parallel_loop3A_686 {strides = array<i32>} : memref<128x128xf32, #tpu.memory_space<vmem>>, vector<16xf32>,
        %parallel_loop3A_690 = arith.index_cast %parallel_loop3A_682 : i32 to index
        %parallel_loop3A_691 = arith.constant 16 : index
        %parallel_loop3A_692 = tpu.vector_load %arg10[%parallel_loop3A_690, %parallel_loop3A_691] {strides = array<i32>} : memref<128x128xf32, #tpu.memory_space<vmem>>, vector<16xf32>,
        %parallel_loop3A_693 = arith.mulf %parallel_loop3A_692, %parallel_loop3A_678 : vector<16xf32>
        %parallel_loop3A_694 = arith.index_cast %parallel_loop3A_682 : i32 to index
        %parallel_loop3A_695 = arith.constant 16 : index
        %parallel_loop3A_696 = tpu.vector_load %arg10[%parallel_loop3A_694, %parallel_loop3A_695] {strides = array<i32>} : memref<128x128xf32, #tpu.memory_space<vmem>>, vector<16xf32>,
        tpu.vector_store %arg10[%parallel_loop3A_694, %parallel_loop3A_695], %parallel_loop3A_693 {strides = array<i32>} : memref<128x128xf32, #tpu.memory_space<vmem>>, vector<16xf32>,
        %parallel_loop3A_697 = arith.index_cast %parallel_loop3A_682 : i32 to index
        %parallel_loop3A_698 = arith.constant 32 : index
        %parallel_loop3A_699 = tpu.vector_load %arg10[%parallel_loop3A_697, %parallel_loop3A_698] {strides = array<i32>} : memref<128x128xf32, #tpu.memory_space<vmem>>, vector<16xf32>,
        %parallel_loop3A_700 = arith.mulf %parallel_loop3A_699, %parallel_loop3A_678 : vector<16xf32>
        %parallel_loop3A_701 = arith.index_cast %parallel_loop3A_682 : i32 to index
        %parallel_loop3A_702 = arith.constant 32 : index
        %parallel_loop3A_703 = tpu.vector_load %arg10[%parallel_loop3A_701, %parallel_loop3A_702] {strides = array<i32>} : memref<128x128xf32, #tpu.memory_space<vmem>>, vector<16xf32>,
        tpu.vector_store %arg10[%parallel_loop3A_701, %parallel_loop3A_702], %parallel_loop3A_700 {strides = array<i32>} : memref<128x128xf32, #tpu.memory_space<vmem>>, vector<16xf32>,
        %parallel_loop3A_704 = arith.index_cast %parallel_loop3A_682 : i32 to index
        %parallel_loop3A_705 = arith.constant 48 : index
        %parallel_loop3A_706 = tpu.vector_load %arg10[%parallel_loop3A_704, %parallel_loop3A_705] {strides = array<i32>} : memref<128x128xf32, #tpu.memory_space<vmem>>, vector<16xf32>,
        %parallel_loop3A_707 = arith.mulf %parallel_loop3A_706, %parallel_loop3A_678 : vector<16xf32>
        %parallel_loop3A_708 = arith.index_cast %parallel_loop3A_682 : i32 to index
        %parallel_loop3A_709 = arith.constant 48 : index
        %parallel_loop3A_710 = tpu.vector_load %arg10[%parallel_loop3A_708, %parallel_loop3A_709] {strides = array<i32>} : memref<128x128xf32, #tpu.memory_space<vmem>>, vector<16xf32>,
        tpu.vector_store %arg10[%parallel_loop3A_708, %parallel_loop3A_709], %parallel_loop3A_707 {strides = array<i32>} : memref<128x128xf32, #tpu.memory_space<vmem>>, vector<16xf32>,
        %parallel_loop3A_711 = arith.index_cast %parallel_loop3A_682 : i32 to index
        %parallel_loop3A_712 = arith.constant 64 : index
        %parallel_loop3A_713 = tpu.vector_load %arg10[%parallel_loop3A_711, %parallel_loop3A_712] {strides = array<i32>} : memref<128x128xf32, #tpu.memory_space<vmem>>, vector<16xf32>,
        %parallel_loop3A_714 = arith.mulf %parallel_loop3A_713, %parallel_loop3A_678 : vector<16xf32>
        %parallel_loop3A_715 = arith.index_cast %parallel_loop3A_682 : i32 to index
        %parallel_loop3A_716 = arith.constant 64 : index
        %parallel_loop3A_717 = tpu.vector_load %arg10[%parallel_loop3A_715, %parallel_loop3A_716] {strides = array<i32>} : memref<128x128xf32, #tpu.memory_space<vmem>>, vector<16xf32>,
        tpu.vector_store %arg10[%parallel_loop3A_715, %parallel_loop3A_716], %parallel_loop3A_714 {strides = array<i32>} : memref<128x128xf32, #tpu.memory_space<vmem>>, vector<16xf32>,
        %parallel_loop3A_718 = arith.index_cast %parallel_loop3A_682 : i32 to index
        %parallel_loop3A_719 = arith.constant 80 : index
        %parallel_loop3A_720 = tpu.vector_load %arg10[%parallel_loop3A_718, %parallel_loop3A_719] {strides = array<i32>} : memref<128x128xf32, #tpu.memory_space<vmem>>, vector<16xf32>,
        %parallel_loop3A_721 = arith.mulf %parallel_loop3A_720, %parallel_loop3A_678 : vector<16xf32>
        %parallel_loop3A_722 = arith.index_cast %parallel_loop3A_682 : i32 to index
        %parallel_loop3A_723 = arith.constant 80 : index
        %parallel_loop3A_724 = tpu.vector_load %arg10[%parallel_loop3A_722, %parallel_loop3A_723] {strides = array<i32>} : memref<128x128xf32, #tpu.memory_space<vmem>>, vector<16xf32>,
        tpu.vector_store %arg10[%parallel_loop3A_722, %parallel_loop3A_723], %parallel_loop3A_721 {strides = array<i32>} : memref<128x128xf32, #tpu.memory_space<vmem>>, vector<16xf32>,
        %parallel_loop3A_725 = arith.index_cast %parallel_loop3A_682 : i32 to index
        %parallel_loop3A_726 = arith.constant 96 : index
        %parallel_loop3A_727 = tpu.vector_load %arg10[%parallel_loop3A_725, %parallel_loop3A_726] {strides = array<i32>} : memref<128x128xf32, #tpu.memory_space<vmem>>, vector<16xf32>,
        %parallel_loop3A_728 = arith.mulf %parallel_loop3A_727, %parallel_loop3A_678 : vector<16xf32>
        %parallel_loop3A_729 = arith.index_cast %parallel_loop3A_682 : i32 to index
        %parallel_loop3A_730 = arith.constant 96 : index
        %parallel_loop3A_731 = tpu.vector_load %arg10[%parallel_loop3A_729, %parallel_loop3A_730] {strides = array<i32>} : memref<128x128xf32, #tpu.memory_space<vmem>>, vector<16xf32>,
        tpu.vector_store %arg10[%parallel_loop3A_729, %parallel_loop3A_730], %parallel_loop3A_728 {strides = array<i32>} : memref<128x128xf32, #tpu.memory_space<vmem>>, vector<16xf32>,
        %parallel_loop3A_732 = arith.index_cast %parallel_loop3A_682 : i32 to index
        %parallel_loop3A_733 = arith.constant 112 : index
        %parallel_loop3A_734 = tpu.vector_load %arg10[%parallel_loop3A_732, %parallel_loop3A_733] {strides = array<i32>} : memref<128x128xf32, #tpu.memory_space<vmem>>, vector<16xf32>,
        %parallel_loop3A_735 = arith.mulf %parallel_loop3A_734, %parallel_loop3A_678 : vector<16xf32>
        %parallel_loop3A_736 = arith.index_cast %parallel_loop3A_682 : i32 to index
        %parallel_loop3A_737 = arith.constant 112 : index
        %parallel_loop3A_738 = tpu.vector_load %arg10[%parallel_loop3A_736, %parallel_loop3A_737] {strides = array<i32>} : memref<128x128xf32, #tpu.memory_space<vmem>>, vector<16xf32>,
        tpu.vector_store %arg10[%parallel_loop3A_736, %parallel_loop3A_737], %parallel_loop3A_735 {strides = array<i32>} : memref<128x128xf32, #tpu.memory_space<vmem>>, vector<16xf32>,
        %parallel_loop3A_739 = arith.constant 6 : i32
        %parallel_loop3A_740 = vector.broadcast %parallel_loop3A_739 : i32 to vector<16xi32>
        %parallel_loop3A_741 = arith.constant 0 : i32
        %parallel_loop3A_742 = vector.broadcast %parallel_loop3A_741 : i32 to vector<16xi32>
        %parallel_loop3A_743 = arith.cmpi slt, %parallel_loop3A_740, %parallel_loop3A_742 : vector<16xi32>
        %parallel_loop3A_744 = arith.constant 16 : i32
        %parallel_loop3A_745 = vector.broadcast %parallel_loop3A_744 : i32 to vector<16xi32>
        %parallel_loop3A_746 = arith.addi %parallel_loop3A_740, %parallel_loop3A_745 : vector<16xi32>
        %parallel_loop3A_747 = arith.select %parallel_loop3A_743, %parallel_loop3A_746, %parallel_loop3A_740 : vector<16xi1>, vector<16xi32>
        %parallel_loop3A_748 = vector.shape_cast %parallel_loop3A_747 : vector<16xi32> to vector<16x1xi32>
        %parallel_loop3A_749 = vector.shape_cast %parallel_loop3A_748 : vector<16x1xi32> to vector<16xi32>
        %parallel_loop3A_750 = tpu.dynamic_gather %parallel_loop3A_306[%parallel_loop3A_749] in [0] : vector<16xf32>, vector<16xi32> -> vector<16xf32>
        %parallel_loop3A_751 = arith.constant 16 : i32
        %parallel_loop3A_752 = arith.muli %parallel_loop3A_297, %parallel_loop3A_751 : i32
        %parallel_loop3A_753 = arith.constant 6 : i32
        %parallel_loop3A_754 = arith.addi %parallel_loop3A_752, %parallel_loop3A_753 : i32
        %parallel_loop3A_755 = arith.index_cast %parallel_loop3A_754 : i32 to index
        %parallel_loop3A_756 = arith.constant 0 : index
        %parallel_loop3A_757 = tpu.vector_load %arg10[%parallel_loop3A_755, %parallel_loop3A_756] {strides = array<i32>} : memref<128x128xf32, #tpu.memory_space<vmem>>, vector<16xf32>,
        %parallel_loop3A_758 = arith.mulf %parallel_loop3A_757, %parallel_loop3A_750 : vector<16xf32>
        %parallel_loop3A_759 = arith.index_cast %parallel_loop3A_754 : i32 to index
        %parallel_loop3A_760 = arith.constant 0 : index
        %parallel_loop3A_761 = tpu.vector_load %arg10[%parallel_loop3A_759, %parallel_loop3A_760] {strides = array<i32>} : memref<128x128xf32, #tpu.memory_space<vmem>>, vector<16xf32>,
        tpu.vector_store %arg10[%parallel_loop3A_759, %parallel_loop3A_760], %parallel_loop3A_758 {strides = array<i32>} : memref<128x128xf32, #tpu.memory_space<vmem>>, vector<16xf32>,
        %parallel_loop3A_762 = arith.index_cast %parallel_loop3A_754 : i32 to index
        %parallel_loop3A_763 = arith.constant 16 : index
        %parallel_loop3A_764 = tpu.vector_load %arg10[%parallel_loop3A_762, %parallel_loop3A_763] {strides = array<i32>} : memref<128x128xf32, #tpu.memory_space<vmem>>, vector<16xf32>,
        %parallel_loop3A_765 = arith.mulf %parallel_loop3A_764, %parallel_loop3A_750 : vector<16xf32>
        %parallel_loop3A_766 = arith.index_cast %parallel_loop3A_754 : i32 to index
        %parallel_loop3A_767 = arith.constant 16 : index
        %parallel_loop3A_768 = tpu.vector_load %arg10[%parallel_loop3A_766, %parallel_loop3A_767] {strides = array<i32>} : memref<128x128xf32, #tpu.memory_space<vmem>>, vector<16xf32>,
        tpu.vector_store %arg10[%parallel_loop3A_766, %parallel_loop3A_767], %parallel_loop3A_765 {strides = array<i32>} : memref<128x128xf32, #tpu.memory_space<vmem>>, vector<16xf32>,
        %parallel_loop3A_769 = arith.index_cast %parallel_loop3A_754 : i32 to index
        %parallel_loop3A_770 = arith.constant 32 : index
        %parallel_loop3A_771 = tpu.vector_load %arg10[%parallel_loop3A_769, %parallel_loop3A_770] {strides = array<i32>} : memref<128x128xf32, #tpu.memory_space<vmem>>, vector<16xf32>,
        %parallel_loop3A_772 = arith.mulf %parallel_loop3A_771, %parallel_loop3A_750 : vector<16xf32>
        %parallel_loop3A_773 = arith.index_cast %parallel_loop3A_754 : i32 to index
        %parallel_loop3A_774 = arith.constant 32 : index
        %parallel_loop3A_775 = tpu.vector_load %arg10[%parallel_loop3A_773, %parallel_loop3A_774] {strides = array<i32>} : memref<128x128xf32, #tpu.memory_space<vmem>>, vector<16xf32>,
        tpu.vector_store %arg10[%parallel_loop3A_773, %parallel_loop3A_774], %parallel_loop3A_772 {strides = array<i32>} : memref<128x128xf32, #tpu.memory_space<vmem>>, vector<16xf32>,
        %parallel_loop3A_776 = arith.index_cast %parallel_loop3A_754 : i32 to index
        %parallel_loop3A_777 = arith.constant 48 : index
        %parallel_loop3A_778 = tpu.vector_load %arg10[%parallel_loop3A_776, %parallel_loop3A_777] {strides = array<i32>} : memref<128x128xf32, #tpu.memory_space<vmem>>, vector<16xf32>,
        %parallel_loop3A_779 = arith.mulf %parallel_loop3A_778, %parallel_loop3A_750 : vector<16xf32>
        %parallel_loop3A_780 = arith.index_cast %parallel_loop3A_754 : i32 to index
        %parallel_loop3A_781 = arith.constant 48 : index
        %parallel_loop3A_782 = tpu.vector_load %arg10[%parallel_loop3A_780, %parallel_loop3A_781] {strides = array<i32>} : memref<128x128xf32, #tpu.memory_space<vmem>>, vector<16xf32>,
        tpu.vector_store %arg10[%parallel_loop3A_780, %parallel_loop3A_781], %parallel_loop3A_779 {strides = array<i32>} : memref<128x128xf32, #tpu.memory_space<vmem>>, vector<16xf32>,
        %parallel_loop3A_783 = arith.index_cast %parallel_loop3A_754 : i32 to index
        %parallel_loop3A_784 = arith.constant 64 : index
        %parallel_loop3A_785 = tpu.vector_load %arg10[%parallel_loop3A_783, %parallel_loop3A_784] {strides = array<i32>} : memref<128x128xf32, #tpu.memory_space<vmem>>, vector<16xf32>,
        %parallel_loop3A_786 = arith.mulf %parallel_loop3A_785, %parallel_loop3A_750 : vector<16xf32>
        %parallel_loop3A_787 = arith.index_cast %parallel_loop3A_754 : i32 to index
        %parallel_loop3A_788 = arith.constant 64 : index
        %parallel_loop3A_789 = tpu.vector_load %arg10[%parallel_loop3A_787, %parallel_loop3A_788] {strides = array<i32>} : memref<128x128xf32, #tpu.memory_space<vmem>>, vector<16xf32>,
        tpu.vector_store %arg10[%parallel_loop3A_787, %parallel_loop3A_788], %parallel_loop3A_786 {strides = array<i32>} : memref<128x128xf32, #tpu.memory_space<vmem>>, vector<16xf32>,
        %parallel_loop3A_790 = arith.index_cast %parallel_loop3A_754 : i32 to index
        %parallel_loop3A_791 = arith.constant 80 : index
        %parallel_loop3A_792 = tpu.vector_load %arg10[%parallel_loop3A_790, %parallel_loop3A_791] {strides = array<i32>} : memref<128x128xf32, #tpu.memory_space<vmem>>, vector<16xf32>,
        %parallel_loop3A_793 = arith.mulf %parallel_loop3A_792, %parallel_loop3A_750 : vector<16xf32>
        %parallel_loop3A_794 = arith.index_cast %parallel_loop3A_754 : i32 to index
        %parallel_loop3A_795 = arith.constant 80 : index
        %parallel_loop3A_796 = tpu.vector_load %arg10[%parallel_loop3A_794, %parallel_loop3A_795] {strides = array<i32>} : memref<128x128xf32, #tpu.memory_space<vmem>>, vector<16xf32>,
        tpu.vector_store %arg10[%parallel_loop3A_794, %parallel_loop3A_795], %parallel_loop3A_793 {strides = array<i32>} : memref<128x128xf32, #tpu.memory_space<vmem>>, vector<16xf32>,
        %parallel_loop3A_797 = arith.index_cast %parallel_loop3A_754 : i32 to index
        %parallel_loop3A_798 = arith.constant 96 : index
        %parallel_loop3A_799 = tpu.vector_load %arg10[%parallel_loop3A_797, %parallel_loop3A_798] {strides = array<i32>} : memref<128x128xf32, #tpu.memory_space<vmem>>, vector<16xf32>,
        %parallel_loop3A_800 = arith.mulf %parallel_loop3A_799, %parallel_loop3A_750 : vector<16xf32>
        %parallel_loop3A_801 = arith.index_cast %parallel_loop3A_754 : i32 to index
        %parallel_loop3A_802 = arith.constant 96 : index
        %parallel_loop3A_803 = tpu.vector_load %arg10[%parallel_loop3A_801, %parallel_loop3A_802] {strides = array<i32>} : memref<128x128xf32, #tpu.memory_space<vmem>>, vector<16xf32>,
        tpu.vector_store %arg10[%parallel_loop3A_801, %parallel_loop3A_802], %parallel_loop3A_800 {strides = array<i32>} : memref<128x128xf32, #tpu.memory_space<vmem>>, vector<16xf32>,
        %parallel_loop3A_804 = arith.index_cast %parallel_loop3A_754 : i32 to index
        %parallel_loop3A_805 = arith.constant 112 : index
        %parallel_loop3A_806 = tpu.vector_load %arg10[%parallel_loop3A_804, %parallel_loop3A_805] {strides = array<i32>} : memref<128x128xf32, #tpu.memory_space<vmem>>, vector<16xf32>,
        %parallel_loop3A_807 = arith.mulf %parallel_loop3A_806, %parallel_loop3A_750 : vector<16xf32>
        %parallel_loop3A_808 = arith.index_cast %parallel_loop3A_754 : i32 to index
        %parallel_loop3A_809 = arith.constant 112 : index
        %parallel_loop3A_810 = tpu.vector_load %arg10[%parallel_loop3A_808, %parallel_loop3A_809] {strides = array<i32>} : memref<128x128xf32, #tpu.memory_space<vmem>>, vector<16xf32>,
        tpu.vector_store %arg10[%parallel_loop3A_808, %parallel_loop3A_809], %parallel_loop3A_807 {strides = array<i32>} : memref<128x128xf32, #tpu.memory_space<vmem>>, vector<16xf32>,
        %parallel_loop3A_811 = arith.constant 7 : i32
        %parallel_loop3A_812 = vector.broadcast %parallel_loop3A_811 : i32 to vector<16xi32>
        %parallel_loop3A_813 = arith.constant 0 : i32
        %parallel_loop3A_814 = vector.broadcast %parallel_loop3A_813 : i32 to vector<16xi32>
        %parallel_loop3A_815 = arith.cmpi slt, %parallel_loop3A_812, %parallel_loop3A_814 : vector<16xi32>
        %parallel_loop3A_816 = arith.constant 16 : i32
        %parallel_loop3A_817 = vector.broadcast %parallel_loop3A_816 : i32 to vector<16xi32>
        %parallel_loop3A_818 = arith.addi %parallel_loop3A_812, %parallel_loop3A_817 : vector<16xi32>
        %parallel_loop3A_819 = arith.select %parallel_loop3A_815, %parallel_loop3A_818, %parallel_loop3A_812 : vector<16xi1>, vector<16xi32>
        %parallel_loop3A_820 = vector.shape_cast %parallel_loop3A_819 : vector<16xi32> to vector<16x1xi32>
        %parallel_loop3A_821 = vector.shape_cast %parallel_loop3A_820 : vector<16x1xi32> to vector<16xi32>
        %parallel_loop3A_822 = tpu.dynamic_gather %parallel_loop3A_306[%parallel_loop3A_821] in [0] : vector<16xf32>, vector<16xi32> -> vector<16xf32>
        %parallel_loop3A_823 = arith.constant 16 : i32
        %parallel_loop3A_824 = arith.muli %parallel_loop3A_297, %parallel_loop3A_823 : i32
        %parallel_loop3A_825 = arith.constant 7 : i32
        %parallel_loop3A_826 = arith.addi %parallel_loop3A_824, %parallel_loop3A_825 : i32
        %parallel_loop3A_827 = arith.index_cast %parallel_loop3A_826 : i32 to index
        %parallel_loop3A_828 = arith.constant 0 : index
        %parallel_loop3A_829 = tpu.vector_load %arg10[%parallel_loop3A_827, %parallel_loop3A_828] {strides = array<i32>} : memref<128x128xf32, #tpu.memory_space<vmem>>, vector<16xf32>,
        %parallel_loop3A_830 = arith.mulf %parallel_loop3A_829, %parallel_loop3A_822 : vector<16xf32>
        %parallel_loop3A_831 = arith.index_cast %parallel_loop3A_826 : i32 to index
        %parallel_loop3A_832 = arith.constant 0 : index
        %parallel_loop3A_833 = tpu.vector_load %arg10[%parallel_loop3A_831, %parallel_loop3A_832] {strides = array<i32>} : memref<128x128xf32, #tpu.memory_space<vmem>>, vector<16xf32>,
        tpu.vector_store %arg10[%parallel_loop3A_831, %parallel_loop3A_832], %parallel_loop3A_830 {strides = array<i32>} : memref<128x128xf32, #tpu.memory_space<vmem>>, vector<16xf32>,
        %parallel_loop3A_834 = arith.index_cast %parallel_loop3A_826 : i32 to index
        %parallel_loop3A_835 = arith.constant 16 : index
        %parallel_loop3A_836 = tpu.vector_load %arg10[%parallel_loop3A_834, %parallel_loop3A_835] {strides = array<i32>} : memref<128x128xf32, #tpu.memory_space<vmem>>, vector<16xf32>,
        %parallel_loop3A_837 = arith.mulf %parallel_loop3A_836, %parallel_loop3A_822 : vector<16xf32>
        %parallel_loop3A_838 = arith.index_cast %parallel_loop3A_826 : i32 to index
        %parallel_loop3A_839 = arith.constant 16 : index
        %parallel_loop3A_840 = tpu.vector_load %arg10[%parallel_loop3A_838, %parallel_loop3A_839] {strides = array<i32>} : memref<128x128xf32, #tpu.memory_space<vmem>>, vector<16xf32>,
        tpu.vector_store %arg10[%parallel_loop3A_838, %parallel_loop3A_839], %parallel_loop3A_837 {strides = array<i32>} : memref<128x128xf32, #tpu.memory_space<vmem>>, vector<16xf32>,
        %parallel_loop3A_841 = arith.index_cast %parallel_loop3A_826 : i32 to index
        %parallel_loop3A_842 = arith.constant 32 : index
        %parallel_loop3A_843 = tpu.vector_load %arg10[%parallel_loop3A_841, %parallel_loop3A_842] {strides = array<i32>} : memref<128x128xf32, #tpu.memory_space<vmem>>, vector<16xf32>,
        %parallel_loop3A_844 = arith.mulf %parallel_loop3A_843, %parallel_loop3A_822 : vector<16xf32>
        %parallel_loop3A_845 = arith.index_cast %parallel_loop3A_826 : i32 to index
        %parallel_loop3A_846 = arith.constant 32 : index
        %parallel_loop3A_847 = tpu.vector_load %arg10[%parallel_loop3A_845, %parallel_loop3A_846] {strides = array<i32>} : memref<128x128xf32, #tpu.memory_space<vmem>>, vector<16xf32>,
        tpu.vector_store %arg10[%parallel_loop3A_845, %parallel_loop3A_846], %parallel_loop3A_844 {strides = array<i32>} : memref<128x128xf32, #tpu.memory_space<vmem>>, vector<16xf32>,
        %parallel_loop3A_848 = arith.index_cast %parallel_loop3A_826 : i32 to index
        %parallel_loop3A_849 = arith.constant 48 : index
        %parallel_loop3A_850 = tpu.vector_load %arg10[%parallel_loop3A_848, %parallel_loop3A_849] {strides = array<i32>} : memref<128x128xf32, #tpu.memory_space<vmem>>, vector<16xf32>,
        %parallel_loop3A_851 = arith.mulf %parallel_loop3A_850, %parallel_loop3A_822 : vector<16xf32>
        %parallel_loop3A_852 = arith.index_cast %parallel_loop3A_826 : i32 to index
        %parallel_loop3A_853 = arith.constant 48 : index
        %parallel_loop3A_854 = tpu.vector_load %arg10[%parallel_loop3A_852, %parallel_loop3A_853] {strides = array<i32>} : memref<128x128xf32, #tpu.memory_space<vmem>>, vector<16xf32>,
        tpu.vector_store %arg10[%parallel_loop3A_852, %parallel_loop3A_853], %parallel_loop3A_851 {strides = array<i32>} : memref<128x128xf32, #tpu.memory_space<vmem>>, vector<16xf32>,
        %parallel_loop3A_855 = arith.index_cast %parallel_loop3A_826 : i32 to index
        %parallel_loop3A_856 = arith.constant 64 : index
        %parallel_loop3A_857 = tpu.vector_load %arg10[%parallel_loop3A_855, %parallel_loop3A_856] {strides = array<i32>} : memref<128x128xf32, #tpu.memory_space<vmem>>, vector<16xf32>,
        %parallel_loop3A_858 = arith.mulf %parallel_loop3A_857, %parallel_loop3A_822 : vector<16xf32>
        %parallel_loop3A_859 = arith.index_cast %parallel_loop3A_826 : i32 to index
        %parallel_loop3A_860 = arith.constant 64 : index
        %parallel_loop3A_861 = tpu.vector_load %arg10[%parallel_loop3A_859, %parallel_loop3A_860] {strides = array<i32>} : memref<128x128xf32, #tpu.memory_space<vmem>>, vector<16xf32>,
        tpu.vector_store %arg10[%parallel_loop3A_859, %parallel_loop3A_860], %parallel_loop3A_858 {strides = array<i32>} : memref<128x128xf32, #tpu.memory_space<vmem>>, vector<16xf32>,
        %parallel_loop3A_862 = arith.index_cast %parallel_loop3A_826 : i32 to index
        %parallel_loop3A_863 = arith.constant 80 : index
        %parallel_loop3A_864 = tpu.vector_load %arg10[%parallel_loop3A_862, %parallel_loop3A_863] {strides = array<i32>} : memref<128x128xf32, #tpu.memory_space<vmem>>, vector<16xf32>,
        %parallel_loop3A_865 = arith.mulf %parallel_loop3A_864, %parallel_loop3A_822 : vector<16xf32>
        %parallel_loop3A_866 = arith.index_cast %parallel_loop3A_826 : i32 to index
        %parallel_loop3A_867 = arith.constant 80 : index
        %parallel_loop3A_868 = tpu.vector_load %arg10[%parallel_loop3A_866, %parallel_loop3A_867] {strides = array<i32>} : memref<128x128xf32, #tpu.memory_space<vmem>>, vector<16xf32>,
        tpu.vector_store %arg10[%parallel_loop3A_866, %parallel_loop3A_867], %parallel_loop3A_865 {strides = array<i32>} : memref<128x128xf32, #tpu.memory_space<vmem>>, vector<16xf32>,
        %parallel_loop3A_869 = arith.index_cast %parallel_loop3A_826 : i32 to index
        %parallel_loop3A_870 = arith.constant 96 : index
        %parallel_loop3A_871 = tpu.vector_load %arg10[%parallel_loop3A_869, %parallel_loop3A_870] {strides = array<i32>} : memref<128x128xf32, #tpu.memory_space<vmem>>, vector<16xf32>,
        %parallel_loop3A_872 = arith.mulf %parallel_loop3A_871, %parallel_loop3A_822 : vector<16xf32>
        %parallel_loop3A_873 = arith.index_cast %parallel_loop3A_826 : i32 to index
        %parallel_loop3A_874 = arith.constant 96 : index
        %parallel_loop3A_875 = tpu.vector_load %arg10[%parallel_loop3A_873, %parallel_loop3A_874] {strides = array<i32>} : memref<128x128xf32, #tpu.memory_space<vmem>>, vector<16xf32>,
        tpu.vector_store %arg10[%parallel_loop3A_873, %parallel_loop3A_874], %parallel_loop3A_872 {strides = array<i32>} : memref<128x128xf32, #tpu.memory_space<vmem>>, vector<16xf32>,
        %parallel_loop3A_876 = arith.index_cast %parallel_loop3A_826 : i32 to index
        %parallel_loop3A_877 = arith.constant 112 : index
        %parallel_loop3A_878 = tpu.vector_load %arg10[%parallel_loop3A_876, %parallel_loop3A_877] {strides = array<i32>} : memref<128x128xf32, #tpu.memory_space<vmem>>, vector<16xf32>,
        %parallel_loop3A_879 = arith.mulf %parallel_loop3A_878, %parallel_loop3A_822 : vector<16xf32>
        %parallel_loop3A_880 = arith.index_cast %parallel_loop3A_826 : i32 to index
        %parallel_loop3A_881 = arith.constant 112 : index
        %parallel_loop3A_882 = tpu.vector_load %arg10[%parallel_loop3A_880, %parallel_loop3A_881] {strides = array<i32>} : memref<128x128xf32, #tpu.memory_space<vmem>>, vector<16xf32>,
        tpu.vector_store %arg10[%parallel_loop3A_880, %parallel_loop3A_881], %parallel_loop3A_879 {strides = array<i32>} : memref<128x128xf32, #tpu.memory_space<vmem>>, vector<16xf32>,
        %parallel_loop3A_883 = arith.constant 8 : i32
        %parallel_loop3A_884 = vector.broadcast %parallel_loop3A_883 : i32 to vector<16xi32>
        %parallel_loop3A_885 = arith.constant 0 : i32
        %parallel_loop3A_886 = vector.broadcast %parallel_loop3A_885 : i32 to vector<16xi32>
        %parallel_loop3A_887 = arith.cmpi slt, %parallel_loop3A_884, %parallel_loop3A_886 : vector<16xi32>
        %parallel_loop3A_888 = arith.constant 16 : i32
        %parallel_loop3A_889 = vector.broadcast %parallel_loop3A_888 : i32 to vector<16xi32>
        %parallel_loop3A_890 = arith.addi %parallel_loop3A_884, %parallel_loop3A_889 : vector<16xi32>
        %parallel_loop3A_891 = arith.select %parallel_loop3A_887, %parallel_loop3A_890, %parallel_loop3A_884 : vector<16xi1>, vector<16xi32>
        %parallel_loop3A_892 = vector.shape_cast %parallel_loop3A_891 : vector<16xi32> to vector<16x1xi32>
        %parallel_loop3A_893 = vector.shape_cast %parallel_loop3A_892 : vector<16x1xi32> to vector<16xi32>
        %parallel_loop3A_894 = tpu.dynamic_gather %parallel_loop3A_306[%parallel_loop3A_893] in [0] : vector<16xf32>, vector<16xi32> -> vector<16xf32>
        %parallel_loop3A_895 = arith.constant 16 : i32
        %parallel_loop3A_896 = arith.muli %parallel_loop3A_297, %parallel_loop3A_895 : i32
        %parallel_loop3A_897 = arith.constant 8 : i32
        %parallel_loop3A_898 = arith.addi %parallel_loop3A_896, %parallel_loop3A_897 : i32
        %parallel_loop3A_899 = arith.index_cast %parallel_loop3A_898 : i32 to index
        %parallel_loop3A_900 = arith.constant 0 : index
        %parallel_loop3A_901 = tpu.vector_load %arg10[%parallel_loop3A_899, %parallel_loop3A_900] {strides = array<i32>} : memref<128x128xf32, #tpu.memory_space<vmem>>, vector<16xf32>,
        %parallel_loop3A_902 = arith.mulf %parallel_loop3A_901, %parallel_loop3A_894 : vector<16xf32>
        %parallel_loop3A_903 = arith.index_cast %parallel_loop3A_898 : i32 to index
        %parallel_loop3A_904 = arith.constant 0 : index
        %parallel_loop3A_905 = tpu.vector_load %arg10[%parallel_loop3A_903, %parallel_loop3A_904] {strides = array<i32>} : memref<128x128xf32, #tpu.memory_space<vmem>>, vector<16xf32>,
        tpu.vector_store %arg10[%parallel_loop3A_903, %parallel_loop3A_904], %parallel_loop3A_902 {strides = array<i32>} : memref<128x128xf32, #tpu.memory_space<vmem>>, vector<16xf32>,
        %parallel_loop3A_906 = arith.index_cast %parallel_loop3A_898 : i32 to index
        %parallel_loop3A_907 = arith.constant 16 : index
        %parallel_loop3A_908 = tpu.vector_load %arg10[%parallel_loop3A_906, %parallel_loop3A_907] {strides = array<i32>} : memref<128x128xf32, #tpu.memory_space<vmem>>, vector<16xf32>,
        %parallel_loop3A_909 = arith.mulf %parallel_loop3A_908, %parallel_loop3A_894 : vector<16xf32>
        %parallel_loop3A_910 = arith.index_cast %parallel_loop3A_898 : i32 to index
        %parallel_loop3A_911 = arith.constant 16 : index
        %parallel_loop3A_912 = tpu.vector_load %arg10[%parallel_loop3A_910, %parallel_loop3A_911] {strides = array<i32>} : memref<128x128xf32, #tpu.memory_space<vmem>>, vector<16xf32>,
        tpu.vector_store %arg10[%parallel_loop3A_910, %parallel_loop3A_911], %parallel_loop3A_909 {strides = array<i32>} : memref<128x128xf32, #tpu.memory_space<vmem>>, vector<16xf32>,
        %parallel_loop3A_913 = arith.index_cast %parallel_loop3A_898 : i32 to index
        %parallel_loop3A_914 = arith.constant 32 : index
        %parallel_loop3A_915 = tpu.vector_load %arg10[%parallel_loop3A_913, %parallel_loop3A_914] {strides = array<i32>} : memref<128x128xf32, #tpu.memory_space<vmem>>, vector<16xf32>,
        %parallel_loop3A_916 = arith.mulf %parallel_loop3A_915, %parallel_loop3A_894 : vector<16xf32>
        %parallel_loop3A_917 = arith.index_cast %parallel_loop3A_898 : i32 to index
        %parallel_loop3A_918 = arith.constant 32 : index
        %parallel_loop3A_919 = tpu.vector_load %arg10[%parallel_loop3A_917, %parallel_loop3A_918] {strides = array<i32>} : memref<128x128xf32, #tpu.memory_space<vmem>>, vector<16xf32>,
        tpu.vector_store %arg10[%parallel_loop3A_917, %parallel_loop3A_918], %parallel_loop3A_916 {strides = array<i32>} : memref<128x128xf32, #tpu.memory_space<vmem>>, vector<16xf32>,
        %parallel_loop3A_920 = arith.index_cast %parallel_loop3A_898 : i32 to index
        %parallel_loop3A_921 = arith.constant 48 : index
        %parallel_loop3A_922 = tpu.vector_load %arg10[%parallel_loop3A_920, %parallel_loop3A_921] {strides = array<i32>} : memref<128x128xf32, #tpu.memory_space<vmem>>, vector<16xf32>,
        %parallel_loop3A_923 = arith.mulf %parallel_loop3A_922, %parallel_loop3A_894 : vector<16xf32>
        %parallel_loop3A_924 = arith.index_cast %parallel_loop3A_898 : i32 to index
        %parallel_loop3A_925 = arith.constant 48 : index
        %parallel_loop3A_926 = tpu.vector_load %arg10[%parallel_loop3A_924, %parallel_loop3A_925] {strides = array<i32>} : memref<128x128xf32, #tpu.memory_space<vmem>>, vector<16xf32>,
        tpu.vector_store %arg10[%parallel_loop3A_924, %parallel_loop3A_925], %parallel_loop3A_923 {strides = array<i32>} : memref<128x128xf32, #tpu.memory_space<vmem>>, vector<16xf32>,
        %parallel_loop3A_927 = arith.index_cast %parallel_loop3A_898 : i32 to index
        %parallel_loop3A_928 = arith.constant 64 : index
        %parallel_loop3A_929 = tpu.vector_load %arg10[%parallel_loop3A_927, %parallel_loop3A_928] {strides = array<i32>} : memref<128x128xf32, #tpu.memory_space<vmem>>, vector<16xf32>,
        %parallel_loop3A_930 = arith.mulf %parallel_loop3A_929, %parallel_loop3A_894 : vector<16xf32>
        %parallel_loop3A_931 = arith.index_cast %parallel_loop3A_898 : i32 to index
        %parallel_loop3A_932 = arith.constant 64 : index
        %parallel_loop3A_933 = tpu.vector_load %arg10[%parallel_loop3A_931, %parallel_loop3A_932] {strides = array<i32>} : memref<128x128xf32, #tpu.memory_space<vmem>>, vector<16xf32>,
        tpu.vector_store %arg10[%parallel_loop3A_931, %parallel_loop3A_932], %parallel_loop3A_930 {strides = array<i32>} : memref<128x128xf32, #tpu.memory_space<vmem>>, vector<16xf32>,
        %parallel_loop3A_934 = arith.index_cast %parallel_loop3A_898 : i32 to index
        %parallel_loop3A_935 = arith.constant 80 : index
        %parallel_loop3A_936 = tpu.vector_load %arg10[%parallel_loop3A_934, %parallel_loop3A_935] {strides = array<i32>} : memref<128x128xf32, #tpu.memory_space<vmem>>, vector<16xf32>,
        %parallel_loop3A_937 = arith.mulf %parallel_loop3A_936, %parallel_loop3A_894 : vector<16xf32>
        %parallel_loop3A_938 = arith.index_cast %parallel_loop3A_898 : i32 to index
        %parallel_loop3A_939 = arith.constant 80 : index
        %parallel_loop3A_940 = tpu.vector_load %arg10[%parallel_loop3A_938, %parallel_loop3A_939] {strides = array<i32>} : memref<128x128xf32, #tpu.memory_space<vmem>>, vector<16xf32>,
        tpu.vector_store %arg10[%parallel_loop3A_938, %parallel_loop3A_939], %parallel_loop3A_937 {strides = array<i32>} : memref<128x128xf32, #tpu.memory_space<vmem>>, vector<16xf32>,
        %parallel_loop3A_941 = arith.index_cast %parallel_loop3A_898 : i32 to index
        %parallel_loop3A_942 = arith.constant 96 : index
        %parallel_loop3A_943 = tpu.vector_load %arg10[%parallel_loop3A_941, %parallel_loop3A_942] {strides = array<i32>} : memref<128x128xf32, #tpu.memory_space<vmem>>, vector<16xf32>,
        %parallel_loop3A_944 = arith.mulf %parallel_loop3A_943, %parallel_loop3A_894 : vector<16xf32>
        %parallel_loop3A_945 = arith.index_cast %parallel_loop3A_898 : i32 to index
        %parallel_loop3A_946 = arith.constant 96 : index
        %parallel_loop3A_947 = tpu.vector_load %arg10[%parallel_loop3A_945, %parallel_loop3A_946] {strides = array<i32>} : memref<128x128xf32, #tpu.memory_space<vmem>>, vector<16xf32>,
        tpu.vector_store %arg10[%parallel_loop3A_945, %parallel_loop3A_946], %parallel_loop3A_944 {strides = array<i32>} : memref<128x128xf32, #tpu.memory_space<vmem>>, vector<16xf32>,
        %parallel_loop3A_948 = arith.index_cast %parallel_loop3A_898 : i32 to index
        %parallel_loop3A_949 = arith.constant 112 : index
        %parallel_loop3A_950 = tpu.vector_load %arg10[%parallel_loop3A_948, %parallel_loop3A_949] {strides = array<i32>} : memref<128x128xf32, #tpu.memory_space<vmem>>, vector<16xf32>,
        %parallel_loop3A_951 = arith.mulf %parallel_loop3A_950, %parallel_loop3A_894 : vector<16xf32>
        %parallel_loop3A_952 = arith.index_cast %parallel_loop3A_898 : i32 to index
        %parallel_loop3A_953 = arith.constant 112 : index
        %parallel_loop3A_954 = tpu.vector_load %arg10[%parallel_loop3A_952, %parallel_loop3A_953] {strides = array<i32>} : memref<128x128xf32, #tpu.memory_space<vmem>>, vector<16xf32>,
        tpu.vector_store %arg10[%parallel_loop3A_952, %parallel_loop3A_953], %parallel_loop3A_951 {strides = array<i32>} : memref<128x128xf32, #tpu.memory_space<vmem>>, vector<16xf32>,
        %parallel_loop3A_955 = arith.constant 9 : i32
        %parallel_loop3A_956 = vector.broadcast %parallel_loop3A_955 : i32 to vector<16xi32>
        %parallel_loop3A_957 = arith.constant 0 : i32
        %parallel_loop3A_958 = vector.broadcast %parallel_loop3A_957 : i32 to vector<16xi32>
        %parallel_loop3A_959 = arith.cmpi slt, %parallel_loop3A_956, %parallel_loop3A_958 : vector<16xi32>
        %parallel_loop3A_960 = arith.constant 16 : i32
        %parallel_loop3A_961 = vector.broadcast %parallel_loop3A_960 : i32 to vector<16xi32>
        %parallel_loop3A_962 = arith.addi %parallel_loop3A_956, %parallel_loop3A_961 : vector<16xi32>
        %parallel_loop3A_963 = arith.select %parallel_loop3A_959, %parallel_loop3A_962, %parallel_loop3A_956 : vector<16xi1>, vector<16xi32>
        %parallel_loop3A_964 = vector.shape_cast %parallel_loop3A_963 : vector<16xi32> to vector<16x1xi32>
        %parallel_loop3A_965 = vector.shape_cast %parallel_loop3A_964 : vector<16x1xi32> to vector<16xi32>
        %parallel_loop3A_966 = tpu.dynamic_gather %parallel_loop3A_306[%parallel_loop3A_965] in [0] : vector<16xf32>, vector<16xi32> -> vector<16xf32>
        %parallel_loop3A_967 = arith.constant 16 : i32
        %parallel_loop3A_968 = arith.muli %parallel_loop3A_297, %parallel_loop3A_967 : i32
        %parallel_loop3A_969 = arith.constant 9 : i32
        %parallel_loop3A_970 = arith.addi %parallel_loop3A_968, %parallel_loop3A_969 : i32
        %parallel_loop3A_971 = arith.index_cast %parallel_loop3A_970 : i32 to index
        %parallel_loop3A_972 = arith.constant 0 : index
        %parallel_loop3A_973 = tpu.vector_load %arg10[%parallel_loop3A_971, %parallel_loop3A_972] {strides = array<i32>} : memref<128x128xf32, #tpu.memory_space<vmem>>, vector<16xf32>,
        %parallel_loop3A_974 = arith.mulf %parallel_loop3A_973, %parallel_loop3A_966 : vector<16xf32>
        %parallel_loop3A_975 = arith.index_cast %parallel_loop3A_970 : i32 to index
        %parallel_loop3A_976 = arith.constant 0 : index
        %parallel_loop3A_977 = tpu.vector_load %arg10[%parallel_loop3A_975, %parallel_loop3A_976] {strides = array<i32>} : memref<128x128xf32, #tpu.memory_space<vmem>>, vector<16xf32>,
        tpu.vector_store %arg10[%parallel_loop3A_975, %parallel_loop3A_976], %parallel_loop3A_974 {strides = array<i32>} : memref<128x128xf32, #tpu.memory_space<vmem>>, vector<16xf32>,
        %parallel_loop3A_978 = arith.index_cast %parallel_loop3A_970 : i32 to index
        %parallel_loop3A_979 = arith.constant 16 : index
        %parallel_loop3A_980 = tpu.vector_load %arg10[%parallel_loop3A_978, %parallel_loop3A_979] {strides = array<i32>} : memref<128x128xf32, #tpu.memory_space<vmem>>, vector<16xf32>,
        %parallel_loop3A_981 = arith.mulf %parallel_loop3A_980, %parallel_loop3A_966 : vector<16xf32>
        %parallel_loop3A_982 = arith.index_cast %parallel_loop3A_970 : i32 to index
        %parallel_loop3A_983 = arith.constant 16 : index
        %parallel_loop3A_984 = tpu.vector_load %arg10[%parallel_loop3A_982, %parallel_loop3A_983] {strides = array<i32>} : memref<128x128xf32, #tpu.memory_space<vmem>>, vector<16xf32>,
        tpu.vector_store %arg10[%parallel_loop3A_982, %parallel_loop3A_983], %parallel_loop3A_981 {strides = array<i32>} : memref<128x128xf32, #tpu.memory_space<vmem>>, vector<16xf32>,
        %parallel_loop3A_985 = arith.index_cast %parallel_loop3A_970 : i32 to index
        %parallel_loop3A_986 = arith.constant 32 : index
        %parallel_loop3A_987 = tpu.vector_load %arg10[%parallel_loop3A_985, %parallel_loop3A_986] {strides = array<i32>} : memref<128x128xf32, #tpu.memory_space<vmem>>, vector<16xf32>,
        %parallel_loop3A_988 = arith.mulf %parallel_loop3A_987, %parallel_loop3A_966 : vector<16xf32>
        %parallel_loop3A_989 = arith.index_cast %parallel_loop3A_970 : i32 to index
        %parallel_loop3A_990 = arith.constant 32 : index
        %parallel_loop3A_991 = tpu.vector_load %arg10[%parallel_loop3A_989, %parallel_loop3A_990] {strides = array<i32>} : memref<128x128xf32, #tpu.memory_space<vmem>>, vector<16xf32>,
        tpu.vector_store %arg10[%parallel_loop3A_989, %parallel_loop3A_990], %parallel_loop3A_988 {strides = array<i32>} : memref<128x128xf32, #tpu.memory_space<vmem>>, vector<16xf32>,
        %parallel_loop3A_992 = arith.index_cast %parallel_loop3A_970 : i32 to index
        %parallel_loop3A_993 = arith.constant 48 : index
        %parallel_loop3A_994 = tpu.vector_load %arg10[%parallel_loop3A_992, %parallel_loop3A_993] {strides = array<i32>} : memref<128x128xf32, #tpu.memory_space<vmem>>, vector<16xf32>,
        %parallel_loop3A_995 = arith.mulf %parallel_loop3A_994, %parallel_loop3A_966 : vector<16xf32>
        %parallel_loop3A_996 = arith.index_cast %parallel_loop3A_970 : i32 to index
        %parallel_loop3A_997 = arith.constant 48 : index
        %parallel_loop3A_998 = tpu.vector_load %arg10[%parallel_loop3A_996, %parallel_loop3A_997] {strides = array<i32>} : memref<128x128xf32, #tpu.memory_space<vmem>>, vector<16xf32>,
        tpu.vector_store %arg10[%parallel_loop3A_996, %parallel_loop3A_997], %parallel_loop3A_995 {strides = array<i32>} : memref<128x128xf32, #tpu.memory_space<vmem>>, vector<16xf32>,
        %parallel_loop3A_999 = arith.index_cast %parallel_loop3A_970 : i32 to index
        %parallel_loop3A_1000 = arith.constant 64 : index
        %parallel_loop3A_1001 = tpu.vector_load %arg10[%parallel_loop3A_999, %parallel_loop3A_1000] {strides = array<i32>} : memref<128x128xf32, #tpu.memory_space<vmem>>, vector<16xf32>,
        %parallel_loop3A_1002 = arith.mulf %parallel_loop3A_1001, %parallel_loop3A_966 : vector<16xf32>
        %parallel_loop3A_1003 = arith.index_cast %parallel_loop3A_970 : i32 to index
        %parallel_loop3A_1004 = arith.constant 64 : index
        %parallel_loop3A_1005 = tpu.vector_load %arg10[%parallel_loop3A_1003, %parallel_loop3A_1004] {strides = array<i32>} : memref<128x128xf32, #tpu.memory_space<vmem>>, vector<16xf32>,
        tpu.vector_store %arg10[%parallel_loop3A_1003, %parallel_loop3A_1004], %parallel_loop3A_1002 {strides = array<i32>} : memref<128x128xf32, #tpu.memory_space<vmem>>, vector<16xf32>,
        %parallel_loop3A_1006 = arith.index_cast %parallel_loop3A_970 : i32 to index
        %parallel_loop3A_1007 = arith.constant 80 : index
        %parallel_loop3A_1008 = tpu.vector_load %arg10[%parallel_loop3A_1006, %parallel_loop3A_1007] {strides = array<i32>} : memref<128x128xf32, #tpu.memory_space<vmem>>, vector<16xf32>,
        %parallel_loop3A_1009 = arith.mulf %parallel_loop3A_1008, %parallel_loop3A_966 : vector<16xf32>
        %parallel_loop3A_1010 = arith.index_cast %parallel_loop3A_970 : i32 to index
        %parallel_loop3A_1011 = arith.constant 80 : index
        %parallel_loop3A_1012 = tpu.vector_load %arg10[%parallel_loop3A_1010, %parallel_loop3A_1011] {strides = array<i32>} : memref<128x128xf32, #tpu.memory_space<vmem>>, vector<16xf32>,
        tpu.vector_store %arg10[%parallel_loop3A_1010, %parallel_loop3A_1011], %parallel_loop3A_1009 {strides = array<i32>} : memref<128x128xf32, #tpu.memory_space<vmem>>, vector<16xf32>,
        %parallel_loop3A_1013 = arith.index_cast %parallel_loop3A_970 : i32 to index
        %parallel_loop3A_1014 = arith.constant 96 : index
        %parallel_loop3A_1015 = tpu.vector_load %arg10[%parallel_loop3A_1013, %parallel_loop3A_1014] {strides = array<i32>} : memref<128x128xf32, #tpu.memory_space<vmem>>, vector<16xf32>,
        %parallel_loop3A_1016 = arith.mulf %parallel_loop3A_1015, %parallel_loop3A_966 : vector<16xf32>
        %parallel_loop3A_1017 = arith.index_cast %parallel_loop3A_970 : i32 to index
        %parallel_loop3A_1018 = arith.constant 96 : index
        %parallel_loop3A_1019 = tpu.vector_load %arg10[%parallel_loop3A_1017, %parallel_loop3A_1018] {strides = array<i32>} : memref<128x128xf32, #tpu.memory_space<vmem>>, vector<16xf32>,
        tpu.vector_store %arg10[%parallel_loop3A_1017, %parallel_loop3A_1018], %parallel_loop3A_1016 {strides = array<i32>} : memref<128x128xf32, #tpu.memory_space<vmem>>, vector<16xf32>,
        %parallel_loop3A_1020 = arith.index_cast %parallel_loop3A_970 : i32 to index
        %parallel_loop3A_1021 = arith.constant 112 : index
        %parallel_loop3A_1022 = tpu.vector_load %arg10[%parallel_loop3A_1020, %parallel_loop3A_1021] {strides = array<i32>} : memref<128x128xf32, #tpu.memory_space<vmem>>, vector<16xf32>,
        %parallel_loop3A_1023 = arith.mulf %parallel_loop3A_1022, %parallel_loop3A_966 : vector<16xf32>
        %parallel_loop3A_1024 = arith.index_cast %parallel_loop3A_970 : i32 to index
        %parallel_loop3A_1025 = arith.constant 112 : index
        %parallel_loop3A_1026 = tpu.vector_load %arg10[%parallel_loop3A_1024, %parallel_loop3A_1025] {strides = array<i32>} : memref<128x128xf32, #tpu.memory_space<vmem>>, vector<16xf32>,
        tpu.vector_store %arg10[%parallel_loop3A_1024, %parallel_loop3A_1025], %parallel_loop3A_1023 {strides = array<i32>} : memref<128x128xf32, #tpu.memory_space<vmem>>, vector<16xf32>,
        %parallel_loop3A_1027 = arith.constant 10 : i32
        %parallel_loop3A_1028 = vector.broadcast %parallel_loop3A_1027 : i32 to vector<16xi32>
        %parallel_loop3A_1029 = arith.constant 0 : i32
        %parallel_loop3A_1030 = vector.broadcast %parallel_loop3A_1029 : i32 to vector<16xi32>
        %parallel_loop3A_1031 = arith.cmpi slt, %parallel_loop3A_1028, %parallel_loop3A_1030 : vector<16xi32>
        %parallel_loop3A_1032 = arith.constant 16 : i32
        %parallel_loop3A_1033 = vector.broadcast %parallel_loop3A_1032 : i32 to vector<16xi32>
        %parallel_loop3A_1034 = arith.addi %parallel_loop3A_1028, %parallel_loop3A_1033 : vector<16xi32>
        %parallel_loop3A_1035 = arith.select %parallel_loop3A_1031, %parallel_loop3A_1034, %parallel_loop3A_1028 : vector<16xi1>, vector<16xi32>
        %parallel_loop3A_1036 = vector.shape_cast %parallel_loop3A_1035 : vector<16xi32> to vector<16x1xi32>
        %parallel_loop3A_1037 = vector.shape_cast %parallel_loop3A_1036 : vector<16x1xi32> to vector<16xi32>
        %parallel_loop3A_1038 = tpu.dynamic_gather %parallel_loop3A_306[%parallel_loop3A_1037] in [0] : vector<16xf32>, vector<16xi32> -> vector<16xf32>
        %parallel_loop3A_1039 = arith.constant 16 : i32
        %parallel_loop3A_1040 = arith.muli %parallel_loop3A_297, %parallel_loop3A_1039 : i32
        %parallel_loop3A_1041 = arith.constant 10 : i32
        %parallel_loop3A_1042 = arith.addi %parallel_loop3A_1040, %parallel_loop3A_1041 : i32
        %parallel_loop3A_1043 = arith.index_cast %parallel_loop3A_1042 : i32 to index
        %parallel_loop3A_1044 = arith.constant 0 : index
        %parallel_loop3A_1045 = tpu.vector_load %arg10[%parallel_loop3A_1043, %parallel_loop3A_1044] {strides = array<i32>} : memref<128x128xf32, #tpu.memory_space<vmem>>, vector<16xf32>,
        %parallel_loop3A_1046 = arith.mulf %parallel_loop3A_1045, %parallel_loop3A_1038 : vector<16xf32>
        %parallel_loop3A_1047 = arith.index_cast %parallel_loop3A_1042 : i32 to index
        %parallel_loop3A_1048 = arith.constant 0 : index
        %parallel_loop3A_1049 = tpu.vector_load %arg10[%parallel_loop3A_1047, %parallel_loop3A_1048] {strides = array<i32>} : memref<128x128xf32, #tpu.memory_space<vmem>>, vector<16xf32>,
        tpu.vector_store %arg10[%parallel_loop3A_1047, %parallel_loop3A_1048], %parallel_loop3A_1046 {strides = array<i32>} : memref<128x128xf32, #tpu.memory_space<vmem>>, vector<16xf32>,
        %parallel_loop3A_1050 = arith.index_cast %parallel_loop3A_1042 : i32 to index
        %parallel_loop3A_1051 = arith.constant 16 : index
        %parallel_loop3A_1052 = tpu.vector_load %arg10[%parallel_loop3A_1050, %parallel_loop3A_1051] {strides = array<i32>} : memref<128x128xf32, #tpu.memory_space<vmem>>, vector<16xf32>,
        %parallel_loop3A_1053 = arith.mulf %parallel_loop3A_1052, %parallel_loop3A_1038 : vector<16xf32>
        %parallel_loop3A_1054 = arith.index_cast %parallel_loop3A_1042 : i32 to index
        %parallel_loop3A_1055 = arith.constant 16 : index
        %parallel_loop3A_1056 = tpu.vector_load %arg10[%parallel_loop3A_1054, %parallel_loop3A_1055] {strides = array<i32>} : memref<128x128xf32, #tpu.memory_space<vmem>>, vector<16xf32>,
        tpu.vector_store %arg10[%parallel_loop3A_1054, %parallel_loop3A_1055], %parallel_loop3A_1053 {strides = array<i32>} : memref<128x128xf32, #tpu.memory_space<vmem>>, vector<16xf32>,
        %parallel_loop3A_1057 = arith.index_cast %parallel_loop3A_1042 : i32 to index
        %parallel_loop3A_1058 = arith.constant 32 : index
        %parallel_loop3A_1059 = tpu.vector_load %arg10[%parallel_loop3A_1057, %parallel_loop3A_1058] {strides = array<i32>} : memref<128x128xf32, #tpu.memory_space<vmem>>, vector<16xf32>,
        %parallel_loop3A_1060 = arith.mulf %parallel_loop3A_1059, %parallel_loop3A_1038 : vector<16xf32>
        %parallel_loop3A_1061 = arith.index_cast %parallel_loop3A_1042 : i32 to index
        %parallel_loop3A_1062 = arith.constant 32 : index
        %parallel_loop3A_1063 = tpu.vector_load %arg10[%parallel_loop3A_1061, %parallel_loop3A_1062] {strides = array<i32>} : memref<128x128xf32, #tpu.memory_space<vmem>>, vector<16xf32>,
        tpu.vector_store %arg10[%parallel_loop3A_1061, %parallel_loop3A_1062], %parallel_loop3A_1060 {strides = array<i32>} : memref<128x128xf32, #tpu.memory_space<vmem>>, vector<16xf32>,
        %parallel_loop3A_1064 = arith.index_cast %parallel_loop3A_1042 : i32 to index
        %parallel_loop3A_1065 = arith.constant 48 : index
        %parallel_loop3A_1066 = tpu.vector_load %arg10[%parallel_loop3A_1064, %parallel_loop3A_1065] {strides = array<i32>} : memref<128x128xf32, #tpu.memory_space<vmem>>, vector<16xf32>,
        %parallel_loop3A_1067 = arith.mulf %parallel_loop3A_1066, %parallel_loop3A_1038 : vector<16xf32>
        %parallel_loop3A_1068 = arith.index_cast %parallel_loop3A_1042 : i32 to index
        %parallel_loop3A_1069 = arith.constant 48 : index
        %parallel_loop3A_1070 = tpu.vector_load %arg10[%parallel_loop3A_1068, %parallel_loop3A_1069] {strides = array<i32>} : memref<128x128xf32, #tpu.memory_space<vmem>>, vector<16xf32>,
        tpu.vector_store %arg10[%parallel_loop3A_1068, %parallel_loop3A_1069], %parallel_loop3A_1067 {strides = array<i32>} : memref<128x128xf32, #tpu.memory_space<vmem>>, vector<16xf32>,
        %parallel_loop3A_1071 = arith.index_cast %parallel_loop3A_1042 : i32 to index
        %parallel_loop3A_1072 = arith.constant 64 : index
        %parallel_loop3A_1073 = tpu.vector_load %arg10[%parallel_loop3A_1071, %parallel_loop3A_1072] {strides = array<i32>} : memref<128x128xf32, #tpu.memory_space<vmem>>, vector<16xf32>,
        %parallel_loop3A_1074 = arith.mulf %parallel_loop3A_1073, %parallel_loop3A_1038 : vector<16xf32>
        %parallel_loop3A_1075 = arith.index_cast %parallel_loop3A_1042 : i32 to index
        %parallel_loop3A_1076 = arith.constant 64 : index
        %parallel_loop3A_1077 = tpu.vector_load %arg10[%parallel_loop3A_1075, %parallel_loop3A_1076] {strides = array<i32>} : memref<128x128xf32, #tpu.memory_space<vmem>>, vector<16xf32>,
        tpu.vector_store %arg10[%parallel_loop3A_1075, %parallel_loop3A_1076], %parallel_loop3A_1074 {strides = array<i32>} : memref<128x128xf32, #tpu.memory_space<vmem>>, vector<16xf32>,
        %parallel_loop3A_1078 = arith.index_cast %parallel_loop3A_1042 : i32 to index
        %parallel_loop3A_1079 = arith.constant 80 : index
        %parallel_loop3A_1080 = tpu.vector_load %arg10[%parallel_loop3A_1078, %parallel_loop3A_1079] {strides = array<i32>} : memref<128x128xf32, #tpu.memory_space<vmem>>, vector<16xf32>,
        %parallel_loop3A_1081 = arith.mulf %parallel_loop3A_1080, %parallel_loop3A_1038 : vector<16xf32>
        %parallel_loop3A_1082 = arith.index_cast %parallel_loop3A_1042 : i32 to index
        %parallel_loop3A_1083 = arith.constant 80 : index
        %parallel_loop3A_1084 = tpu.vector_load %arg10[%parallel_loop3A_1082, %parallel_loop3A_1083] {strides = array<i32>} : memref<128x128xf32, #tpu.memory_space<vmem>>, vector<16xf32>,
        tpu.vector_store %arg10[%parallel_loop3A_1082, %parallel_loop3A_1083], %parallel_loop3A_1081 {strides = array<i32>} : memref<128x128xf32, #tpu.memory_space<vmem>>, vector<16xf32>,
        %parallel_loop3A_1085 = arith.index_cast %parallel_loop3A_1042 : i32 to index
        %parallel_loop3A_1086 = arith.constant 96 : index
        %parallel_loop3A_1087 = tpu.vector_load %arg10[%parallel_loop3A_1085, %parallel_loop3A_1086] {strides = array<i32>} : memref<128x128xf32, #tpu.memory_space<vmem>>, vector<16xf32>,
        %parallel_loop3A_1088 = arith.mulf %parallel_loop3A_1087, %parallel_loop3A_1038 : vector<16xf32>
        %parallel_loop3A_1089 = arith.index_cast %parallel_loop3A_1042 : i32 to index
        %parallel_loop3A_1090 = arith.constant 96 : index
        %parallel_loop3A_1091 = tpu.vector_load %arg10[%parallel_loop3A_1089, %parallel_loop3A_1090] {strides = array<i32>} : memref<128x128xf32, #tpu.memory_space<vmem>>, vector<16xf32>,
        tpu.vector_store %arg10[%parallel_loop3A_1089, %parallel_loop3A_1090], %parallel_loop3A_1088 {strides = array<i32>} : memref<128x128xf32, #tpu.memory_space<vmem>>, vector<16xf32>,
        %parallel_loop3A_1092 = arith.index_cast %parallel_loop3A_1042 : i32 to index
        %parallel_loop3A_1093 = arith.constant 112 : index
        %parallel_loop3A_1094 = tpu.vector_load %arg10[%parallel_loop3A_1092, %parallel_loop3A_1093] {strides = array<i32>} : memref<128x128xf32, #tpu.memory_space<vmem>>, vector<16xf32>,
        %parallel_loop3A_1095 = arith.mulf %parallel_loop3A_1094, %parallel_loop3A_1038 : vector<16xf32>
        %parallel_loop3A_1096 = arith.index_cast %parallel_loop3A_1042 : i32 to index
        %parallel_loop3A_1097 = arith.constant 112 : index
        %parallel_loop3A_1098 = tpu.vector_load %arg10[%parallel_loop3A_1096, %parallel_loop3A_1097] {strides = array<i32>} : memref<128x128xf32, #tpu.memory_space<vmem>>, vector<16xf32>,
        tpu.vector_store %arg10[%parallel_loop3A_1096, %parallel_loop3A_1097], %parallel_loop3A_1095 {strides = array<i32>} : memref<128x128xf32, #tpu.memory_space<vmem>>, vector<16xf32>,
        %parallel_loop3A_1099 = arith.constant 11 : i32
        %parallel_loop3A_1100 = vector.broadcast %parallel_loop3A_1099 : i32 to vector<16xi32>
        %parallel_loop3A_1101 = arith.constant 0 : i32
        %parallel_loop3A_1102 = vector.broadcast %parallel_loop3A_1101 : i32 to vector<16xi32>
        %parallel_loop3A_1103 = arith.cmpi slt, %parallel_loop3A_1100, %parallel_loop3A_1102 : vector<16xi32>
        %parallel_loop3A_1104 = arith.constant 16 : i32
        %parallel_loop3A_1105 = vector.broadcast %parallel_loop3A_1104 : i32 to vector<16xi32>
        %parallel_loop3A_1106 = arith.addi %parallel_loop3A_1100, %parallel_loop3A_1105 : vector<16xi32>
        %parallel_loop3A_1107 = arith.select %parallel_loop3A_1103, %parallel_loop3A_1106, %parallel_loop3A_1100 : vector<16xi1>, vector<16xi32>
        %parallel_loop3A_1108 = vector.shape_cast %parallel_loop3A_1107 : vector<16xi32> to vector<16x1xi32>
        %parallel_loop3A_1109 = vector.shape_cast %parallel_loop3A_1108 : vector<16x1xi32> to vector<16xi32>
        %parallel_loop3A_1110 = tpu.dynamic_gather %parallel_loop3A_306[%parallel_loop3A_1109] in [0] : vector<16xf32>, vector<16xi32> -> vector<16xf32>
        %parallel_loop3A_1111 = arith.constant 16 : i32
        %parallel_loop3A_1112 = arith.muli %parallel_loop3A_297, %parallel_loop3A_1111 : i32
        %parallel_loop3A_1113 = arith.constant 11 : i32
        %parallel_loop3A_1114 = arith.addi %parallel_loop3A_1112, %parallel_loop3A_1113 : i32
        %parallel_loop3A_1115 = arith.index_cast %parallel_loop3A_1114 : i32 to index
        %parallel_loop3A_1116 = arith.constant 0 : index
        %parallel_loop3A_1117 = tpu.vector_load %arg10[%parallel_loop3A_1115, %parallel_loop3A_1116] {strides = array<i32>} : memref<128x128xf32, #tpu.memory_space<vmem>>, vector<16xf32>,
        %parallel_loop3A_1118 = arith.mulf %parallel_loop3A_1117, %parallel_loop3A_1110 : vector<16xf32>
        %parallel_loop3A_1119 = arith.index_cast %parallel_loop3A_1114 : i32 to index
        %parallel_loop3A_1120 = arith.constant 0 : index
        %parallel_loop3A_1121 = tpu.vector_load %arg10[%parallel_loop3A_1119, %parallel_loop3A_1120] {strides = array<i32>} : memref<128x128xf32, #tpu.memory_space<vmem>>, vector<16xf32>,
        tpu.vector_store %arg10[%parallel_loop3A_1119, %parallel_loop3A_1120], %parallel_loop3A_1118 {strides = array<i32>} : memref<128x128xf32, #tpu.memory_space<vmem>>, vector<16xf32>,
        %parallel_loop3A_1122 = arith.index_cast %parallel_loop3A_1114 : i32 to index
        %parallel_loop3A_1123 = arith.constant 16 : index
        %parallel_loop3A_1124 = tpu.vector_load %arg10[%parallel_loop3A_1122, %parallel_loop3A_1123] {strides = array<i32>} : memref<128x128xf32, #tpu.memory_space<vmem>>, vector<16xf32>,
        %parallel_loop3A_1125 = arith.mulf %parallel_loop3A_1124, %parallel_loop3A_1110 : vector<16xf32>
        %parallel_loop3A_1126 = arith.index_cast %parallel_loop3A_1114 : i32 to index
        %parallel_loop3A_1127 = arith.constant 16 : index
        %parallel_loop3A_1128 = tpu.vector_load %arg10[%parallel_loop3A_1126, %parallel_loop3A_1127] {strides = array<i32>} : memref<128x128xf32, #tpu.memory_space<vmem>>, vector<16xf32>,
        tpu.vector_store %arg10[%parallel_loop3A_1126, %parallel_loop3A_1127], %parallel_loop3A_1125 {strides = array<i32>} : memref<128x128xf32, #tpu.memory_space<vmem>>, vector<16xf32>,
        %parallel_loop3A_1129 = arith.index_cast %parallel_loop3A_1114 : i32 to index
        %parallel_loop3A_1130 = arith.constant 32 : index
        %parallel_loop3A_1131 = tpu.vector_load %arg10[%parallel_loop3A_1129, %parallel_loop3A_1130] {strides = array<i32>} : memref<128x128xf32, #tpu.memory_space<vmem>>, vector<16xf32>,
        %parallel_loop3A_1132 = arith.mulf %parallel_loop3A_1131, %parallel_loop3A_1110 : vector<16xf32>
        %parallel_loop3A_1133 = arith.index_cast %parallel_loop3A_1114 : i32 to index
        %parallel_loop3A_1134 = arith.constant 32 : index
        %parallel_loop3A_1135 = tpu.vector_load %arg10[%parallel_loop3A_1133, %parallel_loop3A_1134] {strides = array<i32>} : memref<128x128xf32, #tpu.memory_space<vmem>>, vector<16xf32>,
        tpu.vector_store %arg10[%parallel_loop3A_1133, %parallel_loop3A_1134], %parallel_loop3A_1132 {strides = array<i32>} : memref<128x128xf32, #tpu.memory_space<vmem>>, vector<16xf32>,
        %parallel_loop3A_1136 = arith.index_cast %parallel_loop3A_1114 : i32 to index
        %parallel_loop3A_1137 = arith.constant 48 : index
        %parallel_loop3A_1138 = tpu.vector_load %arg10[%parallel_loop3A_1136, %parallel_loop3A_1137] {strides = array<i32>} : memref<128x128xf32, #tpu.memory_space<vmem>>, vector<16xf32>,
        %parallel_loop3A_1139 = arith.mulf %parallel_loop3A_1138, %parallel_loop3A_1110 : vector<16xf32>
        %parallel_loop3A_1140 = arith.index_cast %parallel_loop3A_1114 : i32 to index
        %parallel_loop3A_1141 = arith.constant 48 : index
        %parallel_loop3A_1142 = tpu.vector_load %arg10[%parallel_loop3A_1140, %parallel_loop3A_1141] {strides = array<i32>} : memref<128x128xf32, #tpu.memory_space<vmem>>, vector<16xf32>,
        tpu.vector_store %arg10[%parallel_loop3A_1140, %parallel_loop3A_1141], %parallel_loop3A_1139 {strides = array<i32>} : memref<128x128xf32, #tpu.memory_space<vmem>>, vector<16xf32>,
        %parallel_loop3A_1143 = arith.index_cast %parallel_loop3A_1114 : i32 to index
        %parallel_loop3A_1144 = arith.constant 64 : index
        %parallel_loop3A_1145 = tpu.vector_load %arg10[%parallel_loop3A_1143, %parallel_loop3A_1144] {strides = array<i32>} : memref<128x128xf32, #tpu.memory_space<vmem>>, vector<16xf32>,
        %parallel_loop3A_1146 = arith.mulf %parallel_loop3A_1145, %parallel_loop3A_1110 : vector<16xf32>
        %parallel_loop3A_1147 = arith.index_cast %parallel_loop3A_1114 : i32 to index
        %parallel_loop3A_1148 = arith.constant 64 : index
        %parallel_loop3A_1149 = tpu.vector_load %arg10[%parallel_loop3A_1147, %parallel_loop3A_1148] {strides = array<i32>} : memref<128x128xf32, #tpu.memory_space<vmem>>, vector<16xf32>,
        tpu.vector_store %arg10[%parallel_loop3A_1147, %parallel_loop3A_1148], %parallel_loop3A_1146 {strides = array<i32>} : memref<128x128xf32, #tpu.memory_space<vmem>>, vector<16xf32>,
        %parallel_loop3A_1150 = arith.index_cast %parallel_loop3A_1114 : i32 to index
        %parallel_loop3A_1151 = arith.constant 80 : index
        %parallel_loop3A_1152 = tpu.vector_load %arg10[%parallel_loop3A_1150, %parallel_loop3A_1151] {strides = array<i32>} : memref<128x128xf32, #tpu.memory_space<vmem>>, vector<16xf32>,
        %parallel_loop3A_1153 = arith.mulf %parallel_loop3A_1152, %parallel_loop3A_1110 : vector<16xf32>
        %parallel_loop3A_1154 = arith.index_cast %parallel_loop3A_1114 : i32 to index
        %parallel_loop3A_1155 = arith.constant 80 : index
        %parallel_loop3A_1156 = tpu.vector_load %arg10[%parallel_loop3A_1154, %parallel_loop3A_1155] {strides = array<i32>} : memref<128x128xf32, #tpu.memory_space<vmem>>, vector<16xf32>,
        tpu.vector_store %arg10[%parallel_loop3A_1154, %parallel_loop3A_1155], %parallel_loop3A_1153 {strides = array<i32>} : memref<128x128xf32, #tpu.memory_space<vmem>>, vector<16xf32>,
        %parallel_loop3A_1157 = arith.index_cast %parallel_loop3A_1114 : i32 to index
        %parallel_loop3A_1158 = arith.constant 96 : index
        %parallel_loop3A_1159 = tpu.vector_load %arg10[%parallel_loop3A_1157, %parallel_loop3A_1158] {strides = array<i32>} : memref<128x128xf32, #tpu.memory_space<vmem>>, vector<16xf32>,
        %parallel_loop3A_1160 = arith.mulf %parallel_loop3A_1159, %parallel_loop3A_1110 : vector<16xf32>
        %parallel_loop3A_1161 = arith.index_cast %parallel_loop3A_1114 : i32 to index
        %parallel_loop3A_1162 = arith.constant 96 : index
        %parallel_loop3A_1163 = tpu.vector_load %arg10[%parallel_loop3A_1161, %parallel_loop3A_1162] {strides = array<i32>} : memref<128x128xf32, #tpu.memory_space<vmem>>, vector<16xf32>,
        tpu.vector_store %arg10[%parallel_loop3A_1161, %parallel_loop3A_1162], %parallel_loop3A_1160 {strides = array<i32>} : memref<128x128xf32, #tpu.memory_space<vmem>>, vector<16xf32>,
        %parallel_loop3A_1164 = arith.index_cast %parallel_loop3A_1114 : i32 to index
        %parallel_loop3A_1165 = arith.constant 112 : index
        %parallel_loop3A_1166 = tpu.vector_load %arg10[%parallel_loop3A_1164, %parallel_loop3A_1165] {strides = array<i32>} : memref<128x128xf32, #tpu.memory_space<vmem>>, vector<16xf32>,
        %parallel_loop3A_1167 = arith.mulf %parallel_loop3A_1166, %parallel_loop3A_1110 : vector<16xf32>
        %parallel_loop3A_1168 = arith.index_cast %parallel_loop3A_1114 : i32 to index
        %parallel_loop3A_1169 = arith.constant 112 : index
        %parallel_loop3A_1170 = tpu.vector_load %arg10[%parallel_loop3A_1168, %parallel_loop3A_1169] {strides = array<i32>} : memref<128x128xf32, #tpu.memory_space<vmem>>, vector<16xf32>,
        tpu.vector_store %arg10[%parallel_loop3A_1168, %parallel_loop3A_1169], %parallel_loop3A_1167 {strides = array<i32>} : memref<128x128xf32, #tpu.memory_space<vmem>>, vector<16xf32>,
        %parallel_loop3A_1171 = arith.constant 12 : i32
        %parallel_loop3A_1172 = vector.broadcast %parallel_loop3A_1171 : i32 to vector<16xi32>
        %parallel_loop3A_1173 = arith.constant 0 : i32
        %parallel_loop3A_1174 = vector.broadcast %parallel_loop3A_1173 : i32 to vector<16xi32>
        %parallel_loop3A_1175 = arith.cmpi slt, %parallel_loop3A_1172, %parallel_loop3A_1174 : vector<16xi32>
        %parallel_loop3A_1176 = arith.constant 16 : i32
        %parallel_loop3A_1177 = vector.broadcast %parallel_loop3A_1176 : i32 to vector<16xi32>
        %parallel_loop3A_1178 = arith.addi %parallel_loop3A_1172, %parallel_loop3A_1177 : vector<16xi32>
        %parallel_loop3A_1179 = arith.select %parallel_loop3A_1175, %parallel_loop3A_1178, %parallel_loop3A_1172 : vector<16xi1>, vector<16xi32>
        %parallel_loop3A_1180 = vector.shape_cast %parallel_loop3A_1179 : vector<16xi32> to vector<16x1xi32>
        %parallel_loop3A_1181 = vector.shape_cast %parallel_loop3A_1180 : vector<16x1xi32> to vector<16xi32>
        %parallel_loop3A_1182 = tpu.dynamic_gather %parallel_loop3A_306[%parallel_loop3A_1181] in [0] : vector<16xf32>, vector<16xi32> -> vector<16xf32>
        %parallel_loop3A_1183 = arith.constant 16 : i32
        %parallel_loop3A_1184 = arith.muli %parallel_loop3A_297, %parallel_loop3A_1183 : i32
        %parallel_loop3A_1185 = arith.constant 12 : i32
        %parallel_loop3A_1186 = arith.addi %parallel_loop3A_1184, %parallel_loop3A_1185 : i32
        %parallel_loop3A_1187 = arith.index_cast %parallel_loop3A_1186 : i32 to index
        %parallel_loop3A_1188 = arith.constant 0 : index
        %parallel_loop3A_1189 = tpu.vector_load %arg10[%parallel_loop3A_1187, %parallel_loop3A_1188] {strides = array<i32>} : memref<128x128xf32, #tpu.memory_space<vmem>>, vector<16xf32>,
        %parallel_loop3A_1190 = arith.mulf %parallel_loop3A_1189, %parallel_loop3A_1182 : vector<16xf32>
        %parallel_loop3A_1191 = arith.index_cast %parallel_loop3A_1186 : i32 to index
        %parallel_loop3A_1192 = arith.constant 0 : index
        %parallel_loop3A_1193 = tpu.vector_load %arg10[%parallel_loop3A_1191, %parallel_loop3A_1192] {strides = array<i32>} : memref<128x128xf32, #tpu.memory_space<vmem>>, vector<16xf32>,
        tpu.vector_store %arg10[%parallel_loop3A_1191, %parallel_loop3A_1192], %parallel_loop3A_1190 {strides = array<i32>} : memref<128x128xf32, #tpu.memory_space<vmem>>, vector<16xf32>,
        %parallel_loop3A_1194 = arith.index_cast %parallel_loop3A_1186 : i32 to index
        %parallel_loop3A_1195 = arith.constant 16 : index
        %parallel_loop3A_1196 = tpu.vector_load %arg10[%parallel_loop3A_1194, %parallel_loop3A_1195] {strides = array<i32>} : memref<128x128xf32, #tpu.memory_space<vmem>>, vector<16xf32>,
        %parallel_loop3A_1197 = arith.mulf %parallel_loop3A_1196, %parallel_loop3A_1182 : vector<16xf32>
        %parallel_loop3A_1198 = arith.index_cast %parallel_loop3A_1186 : i32 to index
        %parallel_loop3A_1199 = arith.constant 16 : index
        %parallel_loop3A_1200 = tpu.vector_load %arg10[%parallel_loop3A_1198, %parallel_loop3A_1199] {strides = array<i32>} : memref<128x128xf32, #tpu.memory_space<vmem>>, vector<16xf32>,
        tpu.vector_store %arg10[%parallel_loop3A_1198, %parallel_loop3A_1199], %parallel_loop3A_1197 {strides = array<i32>} : memref<128x128xf32, #tpu.memory_space<vmem>>, vector<16xf32>,
        %parallel_loop3A_1201 = arith.index_cast %parallel_loop3A_1186 : i32 to index
        %parallel_loop3A_1202 = arith.constant 32 : index
        %parallel_loop3A_1203 = tpu.vector_load %arg10[%parallel_loop3A_1201, %parallel_loop3A_1202] {strides = array<i32>} : memref<128x128xf32, #tpu.memory_space<vmem>>, vector<16xf32>,
        %parallel_loop3A_1204 = arith.mulf %parallel_loop3A_1203, %parallel_loop3A_1182 : vector<16xf32>
        %parallel_loop3A_1205 = arith.index_cast %parallel_loop3A_1186 : i32 to index
        %parallel_loop3A_1206 = arith.constant 32 : index
        %parallel_loop3A_1207 = tpu.vector_load %arg10[%parallel_loop3A_1205, %parallel_loop3A_1206] {strides = array<i32>} : memref<128x128xf32, #tpu.memory_space<vmem>>, vector<16xf32>,
        tpu.vector_store %arg10[%parallel_loop3A_1205, %parallel_loop3A_1206], %parallel_loop3A_1204 {strides = array<i32>} : memref<128x128xf32, #tpu.memory_space<vmem>>, vector<16xf32>,
        %parallel_loop3A_1208 = arith.index_cast %parallel_loop3A_1186 : i32 to index
        %parallel_loop3A_1209 = arith.constant 48 : index
        %parallel_loop3A_1210 = tpu.vector_load %arg10[%parallel_loop3A_1208, %parallel_loop3A_1209] {strides = array<i32>} : memref<128x128xf32, #tpu.memory_space<vmem>>, vector<16xf32>,
        %parallel_loop3A_1211 = arith.mulf %parallel_loop3A_1210, %parallel_loop3A_1182 : vector<16xf32>
        %parallel_loop3A_1212 = arith.index_cast %parallel_loop3A_1186 : i32 to index
        %parallel_loop3A_1213 = arith.constant 48 : index
        %parallel_loop3A_1214 = tpu.vector_load %arg10[%parallel_loop3A_1212, %parallel_loop3A_1213] {strides = array<i32>} : memref<128x128xf32, #tpu.memory_space<vmem>>, vector<16xf32>,
        tpu.vector_store %arg10[%parallel_loop3A_1212, %parallel_loop3A_1213], %parallel_loop3A_1211 {strides = array<i32>} : memref<128x128xf32, #tpu.memory_space<vmem>>, vector<16xf32>,
        %parallel_loop3A_1215 = arith.index_cast %parallel_loop3A_1186 : i32 to index
        %parallel_loop3A_1216 = arith.constant 64 : index
        %parallel_loop3A_1217 = tpu.vector_load %arg10[%parallel_loop3A_1215, %parallel_loop3A_1216] {strides = array<i32>} : memref<128x128xf32, #tpu.memory_space<vmem>>, vector<16xf32>,
        %parallel_loop3A_1218 = arith.mulf %parallel_loop3A_1217, %parallel_loop3A_1182 : vector<16xf32>
        %parallel_loop3A_1219 = arith.index_cast %parallel_loop3A_1186 : i32 to index
        %parallel_loop3A_1220 = arith.constant 64 : index
        %parallel_loop3A_1221 = tpu.vector_load %arg10[%parallel_loop3A_1219, %parallel_loop3A_1220] {strides = array<i32>} : memref<128x128xf32, #tpu.memory_space<vmem>>, vector<16xf32>,
        tpu.vector_store %arg10[%parallel_loop3A_1219, %parallel_loop3A_1220], %parallel_loop3A_1218 {strides = array<i32>} : memref<128x128xf32, #tpu.memory_space<vmem>>, vector<16xf32>,
        %parallel_loop3A_1222 = arith.index_cast %parallel_loop3A_1186 : i32 to index
        %parallel_loop3A_1223 = arith.constant 80 : index
        %parallel_loop3A_1224 = tpu.vector_load %arg10[%parallel_loop3A_1222, %parallel_loop3A_1223] {strides = array<i32>} : memref<128x128xf32, #tpu.memory_space<vmem>>, vector<16xf32>,
        %parallel_loop3A_1225 = arith.mulf %parallel_loop3A_1224, %parallel_loop3A_1182 : vector<16xf32>
        %parallel_loop3A_1226 = arith.index_cast %parallel_loop3A_1186 : i32 to index
        %parallel_loop3A_1227 = arith.constant 80 : index
        %parallel_loop3A_1228 = tpu.vector_load %arg10[%parallel_loop3A_1226, %parallel_loop3A_1227] {strides = array<i32>} : memref<128x128xf32, #tpu.memory_space<vmem>>, vector<16xf32>,
        tpu.vector_store %arg10[%parallel_loop3A_1226, %parallel_loop3A_1227], %parallel_loop3A_1225 {strides = array<i32>} : memref<128x128xf32, #tpu.memory_space<vmem>>, vector<16xf32>,
        %parallel_loop3A_1229 = arith.index_cast %parallel_loop3A_1186 : i32 to index
        %parallel_loop3A_1230 = arith.constant 96 : index
        %parallel_loop3A_1231 = tpu.vector_load %arg10[%parallel_loop3A_1229, %parallel_loop3A_1230] {strides = array<i32>} : memref<128x128xf32, #tpu.memory_space<vmem>>, vector<16xf32>,
        %parallel_loop3A_1232 = arith.mulf %parallel_loop3A_1231, %parallel_loop3A_1182 : vector<16xf32>
        %parallel_loop3A_1233 = arith.index_cast %parallel_loop3A_1186 : i32 to index
        %parallel_loop3A_1234 = arith.constant 96 : index
        %parallel_loop3A_1235 = tpu.vector_load %arg10[%parallel_loop3A_1233, %parallel_loop3A_1234] {strides = array<i32>} : memref<128x128xf32, #tpu.memory_space<vmem>>, vector<16xf32>,
        tpu.vector_store %arg10[%parallel_loop3A_1233, %parallel_loop3A_1234], %parallel_loop3A_1232 {strides = array<i32>} : memref<128x128xf32, #tpu.memory_space<vmem>>, vector<16xf32>,
        %parallel_loop3A_1236 = arith.index_cast %parallel_loop3A_1186 : i32 to index
        %parallel_loop3A_1237 = arith.constant 112 : index
        %parallel_loop3A_1238 = tpu.vector_load %arg10[%parallel_loop3A_1236, %parallel_loop3A_1237] {strides = array<i32>} : memref<128x128xf32, #tpu.memory_space<vmem>>, vector<16xf32>,
        %parallel_loop3A_1239 = arith.mulf %parallel_loop3A_1238, %parallel_loop3A_1182 : vector<16xf32>
        %parallel_loop3A_1240 = arith.index_cast %parallel_loop3A_1186 : i32 to index
        %parallel_loop3A_1241 = arith.constant 112 : index
        %parallel_loop3A_1242 = tpu.vector_load %arg10[%parallel_loop3A_1240, %parallel_loop3A_1241] {strides = array<i32>} : memref<128x128xf32, #tpu.memory_space<vmem>>, vector<16xf32>,
        tpu.vector_store %arg10[%parallel_loop3A_1240, %parallel_loop3A_1241], %parallel_loop3A_1239 {strides = array<i32>} : memref<128x128xf32, #tpu.memory_space<vmem>>, vector<16xf32>,
        %parallel_loop3A_1243 = arith.constant 13 : i32
        %parallel_loop3A_1244 = vector.broadcast %parallel_loop3A_1243 : i32 to vector<16xi32>
        %parallel_loop3A_1245 = arith.constant 0 : i32
        %parallel_loop3A_1246 = vector.broadcast %parallel_loop3A_1245 : i32 to vector<16xi32>
        %parallel_loop3A_1247 = arith.cmpi slt, %parallel_loop3A_1244, %parallel_loop3A_1246 : vector<16xi32>
        %parallel_loop3A_1248 = arith.constant 16 : i32
        %parallel_loop3A_1249 = vector.broadcast %parallel_loop3A_1248 : i32 to vector<16xi32>
        %parallel_loop3A_1250 = arith.addi %parallel_loop3A_1244, %parallel_loop3A_1249 : vector<16xi32>
        %parallel_loop3A_1251 = arith.select %parallel_loop3A_1247, %parallel_loop3A_1250, %parallel_loop3A_1244 : vector<16xi1>, vector<16xi32>
        %parallel_loop3A_1252 = vector.shape_cast %parallel_loop3A_1251 : vector<16xi32> to vector<16x1xi32>
        %parallel_loop3A_1253 = vector.shape_cast %parallel_loop3A_1252 : vector<16x1xi32> to vector<16xi32>
        %parallel_loop3A_1254 = tpu.dynamic_gather %parallel_loop3A_306[%parallel_loop3A_1253] in [0] : vector<16xf32>, vector<16xi32> -> vector<16xf32>
        %parallel_loop3A_1255 = arith.constant 16 : i32
        %parallel_loop3A_1256 = arith.muli %parallel_loop3A_297, %parallel_loop3A_1255 : i32
        %parallel_loop3A_1257 = arith.constant 13 : i32
        %parallel_loop3A_1258 = arith.addi %parallel_loop3A_1256, %parallel_loop3A_1257 : i32
        %parallel_loop3A_1259 = arith.index_cast %parallel_loop3A_1258 : i32 to index
        %parallel_loop3A_1260 = arith.constant 0 : index
        %parallel_loop3A_1261 = tpu.vector_load %arg10[%parallel_loop3A_1259, %parallel_loop3A_1260] {strides = array<i32>} : memref<128x128xf32, #tpu.memory_space<vmem>>, vector<16xf32>,
        %parallel_loop3A_1262 = arith.mulf %parallel_loop3A_1261, %parallel_loop3A_1254 : vector<16xf32>
        %parallel_loop3A_1263 = arith.index_cast %parallel_loop3A_1258 : i32 to index
        %parallel_loop3A_1264 = arith.constant 0 : index
        %parallel_loop3A_1265 = tpu.vector_load %arg10[%parallel_loop3A_1263, %parallel_loop3A_1264] {strides = array<i32>} : memref<128x128xf32, #tpu.memory_space<vmem>>, vector<16xf32>,
        tpu.vector_store %arg10[%parallel_loop3A_1263, %parallel_loop3A_1264], %parallel_loop3A_1262 {strides = array<i32>} : memref<128x128xf32, #tpu.memory_space<vmem>>, vector<16xf32>,
        %parallel_loop3A_1266 = arith.index_cast %parallel_loop3A_1258 : i32 to index
        %parallel_loop3A_1267 = arith.constant 16 : index
        %parallel_loop3A_1268 = tpu.vector_load %arg10[%parallel_loop3A_1266, %parallel_loop3A_1267] {strides = array<i32>} : memref<128x128xf32, #tpu.memory_space<vmem>>, vector<16xf32>,
        %parallel_loop3A_1269 = arith.mulf %parallel_loop3A_1268, %parallel_loop3A_1254 : vector<16xf32>
        %parallel_loop3A_1270 = arith.index_cast %parallel_loop3A_1258 : i32 to index
        %parallel_loop3A_1271 = arith.constant 16 : index
        %parallel_loop3A_1272 = tpu.vector_load %arg10[%parallel_loop3A_1270, %parallel_loop3A_1271] {strides = array<i32>} : memref<128x128xf32, #tpu.memory_space<vmem>>, vector<16xf32>,
        tpu.vector_store %arg10[%parallel_loop3A_1270, %parallel_loop3A_1271], %parallel_loop3A_1269 {strides = array<i32>} : memref<128x128xf32, #tpu.memory_space<vmem>>, vector<16xf32>,
        %parallel_loop3A_1273 = arith.index_cast %parallel_loop3A_1258 : i32 to index
        %parallel_loop3A_1274 = arith.constant 32 : index
        %parallel_loop3A_1275 = tpu.vector_load %arg10[%parallel_loop3A_1273, %parallel_loop3A_1274] {strides = array<i32>} : memref<128x128xf32, #tpu.memory_space<vmem>>, vector<16xf32>,
        %parallel_loop3A_1276 = arith.mulf %parallel_loop3A_1275, %parallel_loop3A_1254 : vector<16xf32>
        %parallel_loop3A_1277 = arith.index_cast %parallel_loop3A_1258 : i32 to index
        %parallel_loop3A_1278 = arith.constant 32 : index
        %parallel_loop3A_1279 = tpu.vector_load %arg10[%parallel_loop3A_1277, %parallel_loop3A_1278] {strides = array<i32>} : memref<128x128xf32, #tpu.memory_space<vmem>>, vector<16xf32>,
        tpu.vector_store %arg10[%parallel_loop3A_1277, %parallel_loop3A_1278], %parallel_loop3A_1276 {strides = array<i32>} : memref<128x128xf32, #tpu.memory_space<vmem>>, vector<16xf32>,
        %parallel_loop3A_1280 = arith.index_cast %parallel_loop3A_1258 : i32 to index
        %parallel_loop3A_1281 = arith.constant 48 : index
        %parallel_loop3A_1282 = tpu.vector_load %arg10[%parallel_loop3A_1280, %parallel_loop3A_1281] {strides = array<i32>} : memref<128x128xf32, #tpu.memory_space<vmem>>, vector<16xf32>,
        %parallel_loop3A_1283 = arith.mulf %parallel_loop3A_1282, %parallel_loop3A_1254 : vector<16xf32>
        %parallel_loop3A_1284 = arith.index_cast %parallel_loop3A_1258 : i32 to index
        %parallel_loop3A_1285 = arith.constant 48 : index
        %parallel_loop3A_1286 = tpu.vector_load %arg10[%parallel_loop3A_1284, %parallel_loop3A_1285] {strides = array<i32>} : memref<128x128xf32, #tpu.memory_space<vmem>>, vector<16xf32>,
        tpu.vector_store %arg10[%parallel_loop3A_1284, %parallel_loop3A_1285], %parallel_loop3A_1283 {strides = array<i32>} : memref<128x128xf32, #tpu.memory_space<vmem>>, vector<16xf32>,
        %parallel_loop3A_1287 = arith.index_cast %parallel_loop3A_1258 : i32 to index
        %parallel_loop3A_1288 = arith.constant 64 : index
        %parallel_loop3A_1289 = tpu.vector_load %arg10[%parallel_loop3A_1287, %parallel_loop3A_1288] {strides = array<i32>} : memref<128x128xf32, #tpu.memory_space<vmem>>, vector<16xf32>,
        %parallel_loop3A_1290 = arith.mulf %parallel_loop3A_1289, %parallel_loop3A_1254 : vector<16xf32>
        %parallel_loop3A_1291 = arith.index_cast %parallel_loop3A_1258 : i32 to index
        %parallel_loop3A_1292 = arith.constant 64 : index
        %parallel_loop3A_1293 = tpu.vector_load %arg10[%parallel_loop3A_1291, %parallel_loop3A_1292] {strides = array<i32>} : memref<128x128xf32, #tpu.memory_space<vmem>>, vector<16xf32>,
        tpu.vector_store %arg10[%parallel_loop3A_1291, %parallel_loop3A_1292], %parallel_loop3A_1290 {strides = array<i32>} : memref<128x128xf32, #tpu.memory_space<vmem>>, vector<16xf32>,
        %parallel_loop3A_1294 = arith.index_cast %parallel_loop3A_1258 : i32 to index
        %parallel_loop3A_1295 = arith.constant 80 : index
        %parallel_loop3A_1296 = tpu.vector_load %arg10[%parallel_loop3A_1294, %parallel_loop3A_1295] {strides = array<i32>} : memref<128x128xf32, #tpu.memory_space<vmem>>, vector<16xf32>,
        %parallel_loop3A_1297 = arith.mulf %parallel_loop3A_1296, %parallel_loop3A_1254 : vector<16xf32>
        %parallel_loop3A_1298 = arith.index_cast %parallel_loop3A_1258 : i32 to index
        %parallel_loop3A_1299 = arith.constant 80 : index
        %parallel_loop3A_1300 = tpu.vector_load %arg10[%parallel_loop3A_1298, %parallel_loop3A_1299] {strides = array<i32>} : memref<128x128xf32, #tpu.memory_space<vmem>>, vector<16xf32>,
        tpu.vector_store %arg10[%parallel_loop3A_1298, %parallel_loop3A_1299], %parallel_loop3A_1297 {strides = array<i32>} : memref<128x128xf32, #tpu.memory_space<vmem>>, vector<16xf32>,
        %parallel_loop3A_1301 = arith.index_cast %parallel_loop3A_1258 : i32 to index
        %parallel_loop3A_1302 = arith.constant 96 : index
        %parallel_loop3A_1303 = tpu.vector_load %arg10[%parallel_loop3A_1301, %parallel_loop3A_1302] {strides = array<i32>} : memref<128x128xf32, #tpu.memory_space<vmem>>, vector<16xf32>,
        %parallel_loop3A_1304 = arith.mulf %parallel_loop3A_1303, %parallel_loop3A_1254 : vector<16xf32>
        %parallel_loop3A_1305 = arith.index_cast %parallel_loop3A_1258 : i32 to index
        %parallel_loop3A_1306 = arith.constant 96 : index
        %parallel_loop3A_1307 = tpu.vector_load %arg10[%parallel_loop3A_1305, %parallel_loop3A_1306] {strides = array<i32>} : memref<128x128xf32, #tpu.memory_space<vmem>>, vector<16xf32>,
        tpu.vector_store %arg10[%parallel_loop3A_1305, %parallel_loop3A_1306], %parallel_loop3A_1304 {strides = array<i32>} : memref<128x128xf32, #tpu.memory_space<vmem>>, vector<16xf32>,
        %parallel_loop3A_1308 = arith.index_cast %parallel_loop3A_1258 : i32 to index
        %parallel_loop3A_1309 = arith.constant 112 : index
        %parallel_loop3A_1310 = tpu.vector_load %arg10[%parallel_loop3A_1308, %parallel_loop3A_1309] {strides = array<i32>} : memref<128x128xf32, #tpu.memory_space<vmem>>, vector<16xf32>,
        %parallel_loop3A_1311 = arith.mulf %parallel_loop3A_1310, %parallel_loop3A_1254 : vector<16xf32>
        %parallel_loop3A_1312 = arith.index_cast %parallel_loop3A_1258 : i32 to index
        %parallel_loop3A_1313 = arith.constant 112 : index
        %parallel_loop3A_1314 = tpu.vector_load %arg10[%parallel_loop3A_1312, %parallel_loop3A_1313] {strides = array<i32>} : memref<128x128xf32, #tpu.memory_space<vmem>>, vector<16xf32>,
        tpu.vector_store %arg10[%parallel_loop3A_1312, %parallel_loop3A_1313], %parallel_loop3A_1311 {strides = array<i32>} : memref<128x128xf32, #tpu.memory_space<vmem>>, vector<16xf32>,
        %parallel_loop3A_1315 = arith.constant 14 : i32
        %parallel_loop3A_1316 = vector.broadcast %parallel_loop3A_1315 : i32 to vector<16xi32>
        %parallel_loop3A_1317 = arith.constant 0 : i32
        %parallel_loop3A_1318 = vector.broadcast %parallel_loop3A_1317 : i32 to vector<16xi32>
        %parallel_loop3A_1319 = arith.cmpi slt, %parallel_loop3A_1316, %parallel_loop3A_1318 : vector<16xi32>
        %parallel_loop3A_1320 = arith.constant 16 : i32
        %parallel_loop3A_1321 = vector.broadcast %parallel_loop3A_1320 : i32 to vector<16xi32>
        %parallel_loop3A_1322 = arith.addi %parallel_loop3A_1316, %parallel_loop3A_1321 : vector<16xi32>
        %parallel_loop3A_1323 = arith.select %parallel_loop3A_1319, %parallel_loop3A_1322, %parallel_loop3A_1316 : vector<16xi1>, vector<16xi32>
        %parallel_loop3A_1324 = vector.shape_cast %parallel_loop3A_1323 : vector<16xi32> to vector<16x1xi32>
        %parallel_loop3A_1325 = vector.shape_cast %parallel_loop3A_1324 : vector<16x1xi32> to vector<16xi32>
        %parallel_loop3A_1326 = tpu.dynamic_gather %parallel_loop3A_306[%parallel_loop3A_1325] in [0] : vector<16xf32>, vector<16xi32> -> vector<16xf32>
        %parallel_loop3A_1327 = arith.constant 16 : i32
        %parallel_loop3A_1328 = arith.muli %parallel_loop3A_297, %parallel_loop3A_1327 : i32
        %parallel_loop3A_1329 = arith.constant 14 : i32
        %parallel_loop3A_1330 = arith.addi %parallel_loop3A_1328, %parallel_loop3A_1329 : i32
        %parallel_loop3A_1331 = arith.index_cast %parallel_loop3A_1330 : i32 to index
        %parallel_loop3A_1332 = arith.constant 0 : index
        %parallel_loop3A_1333 = tpu.vector_load %arg10[%parallel_loop3A_1331, %parallel_loop3A_1332] {strides = array<i32>} : memref<128x128xf32, #tpu.memory_space<vmem>>, vector<16xf32>,
        %parallel_loop3A_1334 = arith.mulf %parallel_loop3A_1333, %parallel_loop3A_1326 : vector<16xf32>
        %parallel_loop3A_1335 = arith.index_cast %parallel_loop3A_1330 : i32 to index
        %parallel_loop3A_1336 = arith.constant 0 : index
        %parallel_loop3A_1337 = tpu.vector_load %arg10[%parallel_loop3A_1335, %parallel_loop3A_1336] {strides = array<i32>} : memref<128x128xf32, #tpu.memory_space<vmem>>, vector<16xf32>,
        tpu.vector_store %arg10[%parallel_loop3A_1335, %parallel_loop3A_1336], %parallel_loop3A_1334 {strides = array<i32>} : memref<128x128xf32, #tpu.memory_space<vmem>>, vector<16xf32>,
        %parallel_loop3A_1338 = arith.index_cast %parallel_loop3A_1330 : i32 to index
        %parallel_loop3A_1339 = arith.constant 16 : index
        %parallel_loop3A_1340 = tpu.vector_load %arg10[%parallel_loop3A_1338, %parallel_loop3A_1339] {strides = array<i32>} : memref<128x128xf32, #tpu.memory_space<vmem>>, vector<16xf32>,
        %parallel_loop3A_1341 = arith.mulf %parallel_loop3A_1340, %parallel_loop3A_1326 : vector<16xf32>
        %parallel_loop3A_1342 = arith.index_cast %parallel_loop3A_1330 : i32 to index
        %parallel_loop3A_1343 = arith.constant 16 : index
        %parallel_loop3A_1344 = tpu.vector_load %arg10[%parallel_loop3A_1342, %parallel_loop3A_1343] {strides = array<i32>} : memref<128x128xf32, #tpu.memory_space<vmem>>, vector<16xf32>,
        tpu.vector_store %arg10[%parallel_loop3A_1342, %parallel_loop3A_1343], %parallel_loop3A_1341 {strides = array<i32>} : memref<128x128xf32, #tpu.memory_space<vmem>>, vector<16xf32>,
        %parallel_loop3A_1345 = arith.index_cast %parallel_loop3A_1330 : i32 to index
        %parallel_loop3A_1346 = arith.constant 32 : index
        %parallel_loop3A_1347 = tpu.vector_load %arg10[%parallel_loop3A_1345, %parallel_loop3A_1346] {strides = array<i32>} : memref<128x128xf32, #tpu.memory_space<vmem>>, vector<16xf32>,
        %parallel_loop3A_1348 = arith.mulf %parallel_loop3A_1347, %parallel_loop3A_1326 : vector<16xf32>
        %parallel_loop3A_1349 = arith.index_cast %parallel_loop3A_1330 : i32 to index
        %parallel_loop3A_1350 = arith.constant 32 : index
        %parallel_loop3A_1351 = tpu.vector_load %arg10[%parallel_loop3A_1349, %parallel_loop3A_1350] {strides = array<i32>} : memref<128x128xf32, #tpu.memory_space<vmem>>, vector<16xf32>,
        tpu.vector_store %arg10[%parallel_loop3A_1349, %parallel_loop3A_1350], %parallel_loop3A_1348 {strides = array<i32>} : memref<128x128xf32, #tpu.memory_space<vmem>>, vector<16xf32>,
        %parallel_loop3A_1352 = arith.index_cast %parallel_loop3A_1330 : i32 to index
        %parallel_loop3A_1353 = arith.constant 48 : index
        %parallel_loop3A_1354 = tpu.vector_load %arg10[%parallel_loop3A_1352, %parallel_loop3A_1353] {strides = array<i32>} : memref<128x128xf32, #tpu.memory_space<vmem>>, vector<16xf32>,
        %parallel_loop3A_1355 = arith.mulf %parallel_loop3A_1354, %parallel_loop3A_1326 : vector<16xf32>
        %parallel_loop3A_1356 = arith.index_cast %parallel_loop3A_1330 : i32 to index
        %parallel_loop3A_1357 = arith.constant 48 : index
        %parallel_loop3A_1358 = tpu.vector_load %arg10[%parallel_loop3A_1356, %parallel_loop3A_1357] {strides = array<i32>} : memref<128x128xf32, #tpu.memory_space<vmem>>, vector<16xf32>,
        tpu.vector_store %arg10[%parallel_loop3A_1356, %parallel_loop3A_1357], %parallel_loop3A_1355 {strides = array<i32>} : memref<128x128xf32, #tpu.memory_space<vmem>>, vector<16xf32>,
        %parallel_loop3A_1359 = arith.index_cast %parallel_loop3A_1330 : i32 to index
        %parallel_loop3A_1360 = arith.constant 64 : index
        %parallel_loop3A_1361 = tpu.vector_load %arg10[%parallel_loop3A_1359, %parallel_loop3A_1360] {strides = array<i32>} : memref<128x128xf32, #tpu.memory_space<vmem>>, vector<16xf32>,
        %parallel_loop3A_1362 = arith.mulf %parallel_loop3A_1361, %parallel_loop3A_1326 : vector<16xf32>
        %parallel_loop3A_1363 = arith.index_cast %parallel_loop3A_1330 : i32 to index
        %parallel_loop3A_1364 = arith.constant 64 : index
        %parallel_loop3A_1365 = tpu.vector_load %arg10[%parallel_loop3A_1363, %parallel_loop3A_1364] {strides = array<i32>} : memref<128x128xf32, #tpu.memory_space<vmem>>, vector<16xf32>,
        tpu.vector_store %arg10[%parallel_loop3A_1363, %parallel_loop3A_1364], %parallel_loop3A_1362 {strides = array<i32>} : memref<128x128xf32, #tpu.memory_space<vmem>>, vector<16xf32>,
        %parallel_loop3A_1366 = arith.index_cast %parallel_loop3A_1330 : i32 to index
        %parallel_loop3A_1367 = arith.constant 80 : index
        %parallel_loop3A_1368 = tpu.vector_load %arg10[%parallel_loop3A_1366, %parallel_loop3A_1367] {strides = array<i32>} : memref<128x128xf32, #tpu.memory_space<vmem>>, vector<16xf32>,
        %parallel_loop3A_1369 = arith.mulf %parallel_loop3A_1368, %parallel_loop3A_1326 : vector<16xf32>
        %parallel_loop3A_1370 = arith.index_cast %parallel_loop3A_1330 : i32 to index
        %parallel_loop3A_1371 = arith.constant 80 : index
        %parallel_loop3A_1372 = tpu.vector_load %arg10[%parallel_loop3A_1370, %parallel_loop3A_1371] {strides = array<i32>} : memref<128x128xf32, #tpu.memory_space<vmem>>, vector<16xf32>,
        tpu.vector_store %arg10[%parallel_loop3A_1370, %parallel_loop3A_1371], %parallel_loop3A_1369 {strides = array<i32>} : memref<128x128xf32, #tpu.memory_space<vmem>>, vector<16xf32>,
        %parallel_loop3A_1373 = arith.index_cast %parallel_loop3A_1330 : i32 to index
        %parallel_loop3A_1374 = arith.constant 96 : index
        %parallel_loop3A_1375 = tpu.vector_load %arg10[%parallel_loop3A_1373, %parallel_loop3A_1374] {strides = array<i32>} : memref<128x128xf32, #tpu.memory_space<vmem>>, vector<16xf32>,
        %parallel_loop3A_1376 = arith.mulf %parallel_loop3A_1375, %parallel_loop3A_1326 : vector<16xf32>
        %parallel_loop3A_1377 = arith.index_cast %parallel_loop3A_1330 : i32 to index
        %parallel_loop3A_1378 = arith.constant 96 : index
        %parallel_loop3A_1379 = tpu.vector_load %arg10[%parallel_loop3A_1377, %parallel_loop3A_1378] {strides = array<i32>} : memref<128x128xf32, #tpu.memory_space<vmem>>, vector<16xf32>,
        tpu.vector_store %arg10[%parallel_loop3A_1377, %parallel_loop3A_1378], %parallel_loop3A_1376 {strides = array<i32>} : memref<128x128xf32, #tpu.memory_space<vmem>>, vector<16xf32>,
        %parallel_loop3A_1380 = arith.index_cast %parallel_loop3A_1330 : i32 to index
        %parallel_loop3A_1381 = arith.constant 112 : index
        %parallel_loop3A_1382 = tpu.vector_load %arg10[%parallel_loop3A_1380, %parallel_loop3A_1381] {strides = array<i32>} : memref<128x128xf32, #tpu.memory_space<vmem>>, vector<16xf32>,
        %parallel_loop3A_1383 = arith.mulf %parallel_loop3A_1382, %parallel_loop3A_1326 : vector<16xf32>
        %parallel_loop3A_1384 = arith.index_cast %parallel_loop3A_1330 : i32 to index
        %parallel_loop3A_1385 = arith.constant 112 : index
        %parallel_loop3A_1386 = tpu.vector_load %arg10[%parallel_loop3A_1384, %parallel_loop3A_1385] {strides = array<i32>} : memref<128x128xf32, #tpu.memory_space<vmem>>, vector<16xf32>,
        tpu.vector_store %arg10[%parallel_loop3A_1384, %parallel_loop3A_1385], %parallel_loop3A_1383 {strides = array<i32>} : memref<128x128xf32, #tpu.memory_space<vmem>>, vector<16xf32>,
        %parallel_loop3A_1387 = arith.constant 15 : i32
        %parallel_loop3A_1388 = vector.broadcast %parallel_loop3A_1387 : i32 to vector<16xi32>
        %parallel_loop3A_1389 = arith.constant 0 : i32
        %parallel_loop3A_1390 = vector.broadcast %parallel_loop3A_1389 : i32 to vector<16xi32>
        %parallel_loop3A_1391 = arith.cmpi slt, %parallel_loop3A_1388, %parallel_loop3A_1390 : vector<16xi32>
        %parallel_loop3A_1392 = arith.constant 16 : i32
        %parallel_loop3A_1393 = vector.broadcast %parallel_loop3A_1392 : i32 to vector<16xi32>
        %parallel_loop3A_1394 = arith.addi %parallel_loop3A_1388, %parallel_loop3A_1393 : vector<16xi32>
        %parallel_loop3A_1395 = arith.select %parallel_loop3A_1391, %parallel_loop3A_1394, %parallel_loop3A_1388 : vector<16xi1>, vector<16xi32>
        %parallel_loop3A_1396 = vector.shape_cast %parallel_loop3A_1395 : vector<16xi32> to vector<16x1xi32>
        %parallel_loop3A_1397 = vector.shape_cast %parallel_loop3A_1396 : vector<16x1xi32> to vector<16xi32>
        %parallel_loop3A_1398 = tpu.dynamic_gather %parallel_loop3A_306[%parallel_loop3A_1397] in [0] : vector<16xf32>, vector<16xi32> -> vector<16xf32>
        %parallel_loop3A_1399 = arith.constant 16 : i32
        %parallel_loop3A_1400 = arith.muli %parallel_loop3A_297, %parallel_loop3A_1399 : i32
        %parallel_loop3A_1401 = arith.constant 15 : i32
        %parallel_loop3A_1402 = arith.addi %parallel_loop3A_1400, %parallel_loop3A_1401 : i32
        %parallel_loop3A_1403 = arith.index_cast %parallel_loop3A_1402 : i32 to index
        %parallel_loop3A_1404 = arith.constant 0 : index
        %parallel_loop3A_1405 = tpu.vector_load %arg10[%parallel_loop3A_1403, %parallel_loop3A_1404] {strides = array<i32>} : memref<128x128xf32, #tpu.memory_space<vmem>>, vector<16xf32>,
        %parallel_loop3A_1406 = arith.mulf %parallel_loop3A_1405, %parallel_loop3A_1398 : vector<16xf32>
        %parallel_loop3A_1407 = arith.index_cast %parallel_loop3A_1402 : i32 to index
        %parallel_loop3A_1408 = arith.constant 0 : index
        %parallel_loop3A_1409 = tpu.vector_load %arg10[%parallel_loop3A_1407, %parallel_loop3A_1408] {strides = array<i32>} : memref<128x128xf32, #tpu.memory_space<vmem>>, vector<16xf32>,
        tpu.vector_store %arg10[%parallel_loop3A_1407, %parallel_loop3A_1408], %parallel_loop3A_1406 {strides = array<i32>} : memref<128x128xf32, #tpu.memory_space<vmem>>, vector<16xf32>,
        %parallel_loop3A_1410 = arith.index_cast %parallel_loop3A_1402 : i32 to index
        %parallel_loop3A_1411 = arith.constant 16 : index
        %parallel_loop3A_1412 = tpu.vector_load %arg10[%parallel_loop3A_1410, %parallel_loop3A_1411] {strides = array<i32>} : memref<128x128xf32, #tpu.memory_space<vmem>>, vector<16xf32>,
        %parallel_loop3A_1413 = arith.mulf %parallel_loop3A_1412, %parallel_loop3A_1398 : vector<16xf32>
        %parallel_loop3A_1414 = arith.index_cast %parallel_loop3A_1402 : i32 to index
        %parallel_loop3A_1415 = arith.constant 16 : index
        %parallel_loop3A_1416 = tpu.vector_load %arg10[%parallel_loop3A_1414, %parallel_loop3A_1415] {strides = array<i32>} : memref<128x128xf32, #tpu.memory_space<vmem>>, vector<16xf32>,
        tpu.vector_store %arg10[%parallel_loop3A_1414, %parallel_loop3A_1415], %parallel_loop3A_1413 {strides = array<i32>} : memref<128x128xf32, #tpu.memory_space<vmem>>, vector<16xf32>,
        %parallel_loop3A_1417 = arith.index_cast %parallel_loop3A_1402 : i32 to index
        %parallel_loop3A_1418 = arith.constant 32 : index
        %parallel_loop3A_1419 = tpu.vector_load %arg10[%parallel_loop3A_1417, %parallel_loop3A_1418] {strides = array<i32>} : memref<128x128xf32, #tpu.memory_space<vmem>>, vector<16xf32>,
        %parallel_loop3A_1420 = arith.mulf %parallel_loop3A_1419, %parallel_loop3A_1398 : vector<16xf32>
        %parallel_loop3A_1421 = arith.index_cast %parallel_loop3A_1402 : i32 to index
        %parallel_loop3A_1422 = arith.constant 32 : index
        %parallel_loop3A_1423 = tpu.vector_load %arg10[%parallel_loop3A_1421, %parallel_loop3A_1422] {strides = array<i32>} : memref<128x128xf32, #tpu.memory_space<vmem>>, vector<16xf32>,
        tpu.vector_store %arg10[%parallel_loop3A_1421, %parallel_loop3A_1422], %parallel_loop3A_1420 {strides = array<i32>} : memref<128x128xf32, #tpu.memory_space<vmem>>, vector<16xf32>,
        %parallel_loop3A_1424 = arith.index_cast %parallel_loop3A_1402 : i32 to index
        %parallel_loop3A_1425 = arith.constant 48 : index
        %parallel_loop3A_1426 = tpu.vector_load %arg10[%parallel_loop3A_1424, %parallel_loop3A_1425] {strides = array<i32>} : memref<128x128xf32, #tpu.memory_space<vmem>>, vector<16xf32>,
        %parallel_loop3A_1427 = arith.mulf %parallel_loop3A_1426, %parallel_loop3A_1398 : vector<16xf32>
        %parallel_loop3A_1428 = arith.index_cast %parallel_loop3A_1402 : i32 to index
        %parallel_loop3A_1429 = arith.constant 48 : index
        %parallel_loop3A_1430 = tpu.vector_load %arg10[%parallel_loop3A_1428, %parallel_loop3A_1429] {strides = array<i32>} : memref<128x128xf32, #tpu.memory_space<vmem>>, vector<16xf32>,
        tpu.vector_store %arg10[%parallel_loop3A_1428, %parallel_loop3A_1429], %parallel_loop3A_1427 {strides = array<i32>} : memref<128x128xf32, #tpu.memory_space<vmem>>, vector<16xf32>,
        %parallel_loop3A_1431 = arith.index_cast %parallel_loop3A_1402 : i32 to index
        %parallel_loop3A_1432 = arith.constant 64 : index
        %parallel_loop3A_1433 = tpu.vector_load %arg10[%parallel_loop3A_1431, %parallel_loop3A_1432] {strides = array<i32>} : memref<128x128xf32, #tpu.memory_space<vmem>>, vector<16xf32>,
        %parallel_loop3A_1434 = arith.mulf %parallel_loop3A_1433, %parallel_loop3A_1398 : vector<16xf32>
        %parallel_loop3A_1435 = arith.index_cast %parallel_loop3A_1402 : i32 to index
        %parallel_loop3A_1436 = arith.constant 64 : index
        %parallel_loop3A_1437 = tpu.vector_load %arg10[%parallel_loop3A_1435, %parallel_loop3A_1436] {strides = array<i32>} : memref<128x128xf32, #tpu.memory_space<vmem>>, vector<16xf32>,
        tpu.vector_store %arg10[%parallel_loop3A_1435, %parallel_loop3A_1436], %parallel_loop3A_1434 {strides = array<i32>} : memref<128x128xf32, #tpu.memory_space<vmem>>, vector<16xf32>,
        %parallel_loop3A_1438 = arith.index_cast %parallel_loop3A_1402 : i32 to index
        %parallel_loop3A_1439 = arith.constant 80 : index
        %parallel_loop3A_1440 = tpu.vector_load %arg10[%parallel_loop3A_1438, %parallel_loop3A_1439] {strides = array<i32>} : memref<128x128xf32, #tpu.memory_space<vmem>>, vector<16xf32>,
        %parallel_loop3A_1441 = arith.mulf %parallel_loop3A_1440, %parallel_loop3A_1398 : vector<16xf32>
        %parallel_loop3A_1442 = arith.index_cast %parallel_loop3A_1402 : i32 to index
        %parallel_loop3A_1443 = arith.constant 80 : index
        %parallel_loop3A_1444 = tpu.vector_load %arg10[%parallel_loop3A_1442, %parallel_loop3A_1443] {strides = array<i32>} : memref<128x128xf32, #tpu.memory_space<vmem>>, vector<16xf32>,
        tpu.vector_store %arg10[%parallel_loop3A_1442, %parallel_loop3A_1443], %parallel_loop3A_1441 {strides = array<i32>} : memref<128x128xf32, #tpu.memory_space<vmem>>, vector<16xf32>,
        %parallel_loop3A_1445 = arith.index_cast %parallel_loop3A_1402 : i32 to index
        %parallel_loop3A_1446 = arith.constant 96 : index
        %parallel_loop3A_1447 = tpu.vector_load %arg10[%parallel_loop3A_1445, %parallel_loop3A_1446] {strides = array<i32>} : memref<128x128xf32, #tpu.memory_space<vmem>>, vector<16xf32>,
        %parallel_loop3A_1448 = arith.mulf %parallel_loop3A_1447, %parallel_loop3A_1398 : vector<16xf32>
        %parallel_loop3A_1449 = arith.index_cast %parallel_loop3A_1402 : i32 to index
        %parallel_loop3A_1450 = arith.constant 96 : index
        %parallel_loop3A_1451 = tpu.vector_load %arg10[%parallel_loop3A_1449, %parallel_loop3A_1450] {strides = array<i32>} : memref<128x128xf32, #tpu.memory_space<vmem>>, vector<16xf32>,
        tpu.vector_store %arg10[%parallel_loop3A_1449, %parallel_loop3A_1450], %parallel_loop3A_1448 {strides = array<i32>} : memref<128x128xf32, #tpu.memory_space<vmem>>, vector<16xf32>,
        %parallel_loop3A_1452 = arith.index_cast %parallel_loop3A_1402 : i32 to index
        %parallel_loop3A_1453 = arith.constant 112 : index
        %parallel_loop3A_1454 = tpu.vector_load %arg10[%parallel_loop3A_1452, %parallel_loop3A_1453] {strides = array<i32>} : memref<128x128xf32, #tpu.memory_space<vmem>>, vector<16xf32>,
        %parallel_loop3A_1455 = arith.mulf %parallel_loop3A_1454, %parallel_loop3A_1398 : vector<16xf32>
        %parallel_loop3A_1456 = arith.index_cast %parallel_loop3A_1402 : i32 to index
        %parallel_loop3A_1457 = arith.constant 112 : index
        %parallel_loop3A_1458 = tpu.vector_load %arg10[%parallel_loop3A_1456, %parallel_loop3A_1457] {strides = array<i32>} : memref<128x128xf32, #tpu.memory_space<vmem>>, vector<16xf32>,
        tpu.vector_store %arg10[%parallel_loop3A_1456, %parallel_loop3A_1457], %parallel_loop3A_1455 {strides = array<i32>} : memref<128x128xf32, #tpu.memory_space<vmem>>, vector<16xf32>,
      } {sc.loop_unroll_factor = 2 : i64, sc.parallel_access}
      %get3A = arith.constant 0 : i32
      %get3A_89 = arith.constant 0 : i32
      %get3A_90 = arith.index_cast %get3A : i32 to index
      %get3A_91 = arith.index_cast %get3A_89 : i32 to index
      %get3A_92 = arith.constant 0 : index
      %get3A_93 = tpu.vector_load %arg6[%get3A_90, %get3A_91, %get3A_92] {strides = array<i32>} : memref<1x3x128xi32, #tpu.memory_space<vmem>>, vector<16xi32>,
      %swap3A = arith.constant 0 : i32
      %swap3A_94 = arith.index_cast %swap3A : i32 to index
      %swap3A_95 = arith.constant 0 : index
      %swap3A_96 = tpu.vector_load %arg8[%swap3A_94, %swap3A_95] {strides = array<i32>} : memref<1x128xi32, #tpu.memory_space<vmem>>, vector<16xi32>,
      tpu.vector_store %arg8[%swap3A_94, %swap3A_95], %get3A_93 {strides = array<i32>} : memref<1x128xi32, #tpu.memory_space<vmem>>, vector<16xi32>,
      %get3A_97 = arith.constant 0 : i32
      %get3A_98 = arith.constant 0 : i32
      %get3A_99 = arith.index_cast %get3A_97 : i32 to index
      %get3A_100 = arith.index_cast %get3A_98 : i32 to index
      %get3A_101 = arith.constant 16 : index
      %get3A_102 = tpu.vector_load %arg6[%get3A_99, %get3A_100, %get3A_101] {strides = array<i32>} : memref<1x3x128xi32, #tpu.memory_space<vmem>>, vector<16xi32>,
      %swap3A_103 = arith.constant 0 : i32
      %swap3A_104 = arith.index_cast %swap3A_103 : i32 to index
      %swap3A_105 = arith.constant 16 : index
      %swap3A_106 = tpu.vector_load %arg8[%swap3A_104, %swap3A_105] {strides = array<i32>} : memref<1x128xi32, #tpu.memory_space<vmem>>, vector<16xi32>,
      tpu.vector_store %arg8[%swap3A_104, %swap3A_105], %get3A_102 {strides = array<i32>} : memref<1x128xi32, #tpu.memory_space<vmem>>, vector<16xi32>,
      %get3A_107 = arith.constant 0 : i32
      %get3A_108 = arith.constant 0 : i32
      %get3A_109 = arith.index_cast %get3A_107 : i32 to index
      %get3A_110 = arith.index_cast %get3A_108 : i32 to index
      %get3A_111 = arith.constant 32 : index
      %get3A_112 = tpu.vector_load %arg6[%get3A_109, %get3A_110, %get3A_111] {strides = array<i32>} : memref<1x3x128xi32, #tpu.memory_space<vmem>>, vector<16xi32>,
      %swap3A_113 = arith.constant 0 : i32
      %swap3A_114 = arith.index_cast %swap3A_113 : i32 to index
      %swap3A_115 = arith.constant 32 : index
      %swap3A_116 = tpu.vector_load %arg8[%swap3A_114, %swap3A_115] {strides = array<i32>} : memref<1x128xi32, #tpu.memory_space<vmem>>, vector<16xi32>,
      tpu.vector_store %arg8[%swap3A_114, %swap3A_115], %get3A_112 {strides = array<i32>} : memref<1x128xi32, #tpu.memory_space<vmem>>, vector<16xi32>,
      %get3A_117 = arith.constant 0 : i32
      %get3A_118 = arith.constant 0 : i32
      %get3A_119 = arith.index_cast %get3A_117 : i32 to index
      %get3A_120 = arith.index_cast %get3A_118 : i32 to index
      %get3A_121 = arith.constant 48 : index
      %get3A_122 = tpu.vector_load %arg6[%get3A_119, %get3A_120, %get3A_121] {strides = array<i32>} : memref<1x3x128xi32, #tpu.memory_space<vmem>>, vector<16xi32>,
      %swap3A_123 = arith.constant 0 : i32
      %swap3A_124 = arith.index_cast %swap3A_123 : i32 to index
      %swap3A_125 = arith.constant 48 : index
      %swap3A_126 = tpu.vector_load %arg8[%swap3A_124, %swap3A_125] {strides = array<i32>} : memref<1x128xi32, #tpu.memory_space<vmem>>, vector<16xi32>,
      tpu.vector_store %arg8[%swap3A_124, %swap3A_125], %get3A_122 {strides = array<i32>} : memref<1x128xi32, #tpu.memory_space<vmem>>, vector<16xi32>,
      %get3A_127 = arith.constant 0 : i32
      %get3A_128 = arith.constant 0 : i32
      %get3A_129 = arith.index_cast %get3A_127 : i32 to index
      %get3A_130 = arith.index_cast %get3A_128 : i32 to index
      %get3A_131 = arith.constant 64 : index
      %get3A_132 = tpu.vector_load %arg6[%get3A_129, %get3A_130, %get3A_131] {strides = array<i32>} : memref<1x3x128xi32, #tpu.memory_space<vmem>>, vector<16xi32>,
      %swap3A_133 = arith.constant 0 : i32
      %swap3A_134 = arith.index_cast %swap3A_133 : i32 to index
      %swap3A_135 = arith.constant 64 : index
      %swap3A_136 = tpu.vector_load %arg8[%swap3A_134, %swap3A_135] {strides = array<i32>} : memref<1x128xi32, #tpu.memory_space<vmem>>, vector<16xi32>,
      tpu.vector_store %arg8[%swap3A_134, %swap3A_135], %get3A_132 {strides = array<i32>} : memref<1x128xi32, #tpu.memory_space<vmem>>, vector<16xi32>,
      %get3A_137 = arith.constant 0 : i32
      %get3A_138 = arith.constant 0 : i32
      %get3A_139 = arith.index_cast %get3A_137 : i32 to index
      %get3A_140 = arith.index_cast %get3A_138 : i32 to index
      %get3A_141 = arith.constant 80 : index
      %get3A_142 = tpu.vector_load %arg6[%get3A_139, %get3A_140, %get3A_141] {strides = array<i32>} : memref<1x3x128xi32, #tpu.memory_space<vmem>>, vector<16xi32>,
      %swap3A_143 = arith.constant 0 : i32
      %swap3A_144 = arith.index_cast %swap3A_143 : i32 to index
      %swap3A_145 = arith.constant 80 : index
      %swap3A_146 = tpu.vector_load %arg8[%swap3A_144, %swap3A_145] {strides = array<i32>} : memref<1x128xi32, #tpu.memory_space<vmem>>, vector<16xi32>,
      tpu.vector_store %arg8[%swap3A_144, %swap3A_145], %get3A_142 {strides = array<i32>} : memref<1x128xi32, #tpu.memory_space<vmem>>, vector<16xi32>,
      %get3A_147 = arith.constant 0 : i32
      %get3A_148 = arith.constant 0 : i32
      %get3A_149 = arith.index_cast %get3A_147 : i32 to index
      %get3A_150 = arith.index_cast %get3A_148 : i32 to index
      %get3A_151 = arith.constant 96 : index
      %get3A_152 = tpu.vector_load %arg6[%get3A_149, %get3A_150, %get3A_151] {strides = array<i32>} : memref<1x3x128xi32, #tpu.memory_space<vmem>>, vector<16xi32>,
      %swap3A_153 = arith.constant 0 : i32
      %swap3A_154 = arith.index_cast %swap3A_153 : i32 to index
      %swap3A_155 = arith.constant 96 : index
      %swap3A_156 = tpu.vector_load %arg8[%swap3A_154, %swap3A_155] {strides = array<i32>} : memref<1x128xi32, #tpu.memory_space<vmem>>, vector<16xi32>,
      tpu.vector_store %arg8[%swap3A_154, %swap3A_155], %get3A_152 {strides = array<i32>} : memref<1x128xi32, #tpu.memory_space<vmem>>, vector<16xi32>,
      %get3A_157 = arith.constant 0 : i32
      %get3A_158 = arith.constant 0 : i32
      %get3A_159 = arith.index_cast %get3A_157 : i32 to index
      %get3A_160 = arith.index_cast %get3A_158 : i32 to index
      %get3A_161 = arith.constant 112 : index
      %get3A_162 = tpu.vector_load %arg6[%get3A_159, %get3A_160, %get3A_161] {strides = array<i32>} : memref<1x3x128xi32, #tpu.memory_space<vmem>>, vector<16xi32>,
      %swap3A_163 = arith.constant 0 : i32
      %swap3A_164 = arith.index_cast %swap3A_163 : i32 to index
      %swap3A_165 = arith.constant 112 : index
      %swap3A_166 = tpu.vector_load %arg8[%swap3A_164, %swap3A_165] {strides = array<i32>} : memref<1x128xi32, #tpu.memory_space<vmem>>, vector<16xi32>,
      tpu.vector_store %arg8[%swap3A_164, %swap3A_165], %get3A_162 {strides = array<i32>} : memref<1x128xi32, #tpu.memory_space<vmem>>, vector<16xi32>,
      %dma_start3A_167 = arith.constant 0 : i32
      %dma_start3A_168 = arith.constant 0 : i32
      %dma_start3A_169 = tpu.memref_slice %arg8[%dma_start3A_167, %dma_start3A_168] : memref<1x128xi32, #tpu.memory_space<vmem>> -> memref<1x128xi32, #tpu.memory_space<vmem>>
      %dma_start3A_170 = tpu.memref_squeeze %dma_start3A_169 : memref<1x128xi32, #tpu.memory_space<vmem>> -> memref<128xi32, #tpu.memory_space<vmem>>
      %dma_start3A_171 = arith.constant 0 : i32
      %dma_start3A_172 = arith.constant 0 : i32
      %dma_start3A_173 = tpu.memref_slice %arg12[%dma_start3A_171, %dma_start3A_172] : memref<10240x128xf32, #tpu.memory_space<vmem_shared>> -> memref<10240x128xf32, #tpu.memory_space<vmem_shared>>
      tpu.enqueue_indirect_dma source(%arg10 : memref<128x128xf32, #tpu.memory_space<vmem>>) target(%dma_start3A_173 : memref<10240x128xf32, #tpu.memory_space<vmem_shared>>) offsets(%dma_start3A_170 : memref<128xi32, #tpu.memory_space<vmem>>) semaphore(%arg17 : memref<!tpu.dma_semaphore, #tpu.memory_space<semaphore_mem>>) {add = true}
      %add3A_174 = arith.constant 2 : i32
      %add3A_175 = arith.addi %add3A_74, %add3A_174 : i32
      %lt3A_176 = arith.constant 80 : i32
      %lt3A_177 = arith.cmpi slt, %add3A_175, %lt3A_176 : i32
      %convert_element_type3A_178 = arith.extui %lt3A_177 : i1 to i32
      %cond3A_179 = arith.constant 0 : i32
      %cond3A_180 = arith.cmpi ne, %convert_element_type3A_178, %cond3A_179 : i32
      scf.if %cond3A_180 {
        %add3A_297 = arith.constant 2 : i32
        %add3A_298 = arith.addi %add3A_74, %add3A_297 : i32
        %add3A_299 = arith.addi %mul3A_2, %add3A_298 : i32
        %dma_start3A_300 = arith.constant 0 : i32
        %dma_start3A_301 = arith.constant 0 : i32
        %dma_start3A_302 = tpu.memref_slice %arg2[%add3A_299, %dma_start3A_300, %dma_start3A_301] : memref<2560x3x128xi32, #tpu.memory_space<hbm>> -> memref<1x3x128xi32, #tpu.memory_space<hbm>>
        %dma_start3A_303 = arith.constant 0 : i32
        %dma_start3A_304 = arith.constant 0 : i32
        %dma_start3A_305 = tpu.memref_slice %arg2[%add3A_299, %dma_start3A_303, %dma_start3A_304] : memref<2560x3x128xi32, #tpu.memory_space<hbm>> -> memref<1x3x128xi32, #tpu.memory_space<hbm>>
        tpu.enqueue_dma source(%dma_start3A_305 : memref<1x3x128xi32, #tpu.memory_space<hbm>>) target(%arg6 : memref<1x3x128xi32, #tpu.memory_space<vmem>>) target_semaphore(%arg13 : memref<!tpu.dma_semaphore, #tpu.memory_space<semaphore_mem>>)
      } else {
      }
      %mul3A_181 = arith.constant 2 : i32
      %mul3A_182 = arith.muli %add3A_70, %mul3A_181 : i32
      %add3A_183 = arith.constant 1 : i32
      %add3A_184 = arith.addi %mul3A_182, %add3A_183 : i32
      %add3A_185 = arith.constant 1 : i32
      %add3A_186 = arith.addi %add3A_184, %add3A_185 : i32
      %lt3A_187 = arith.constant 80 : i32
      %lt3A_188 = arith.cmpi slt, %add3A_186, %lt3A_187 : i32
      %convert_element_type3A_189 = arith.extui %lt3A_188 : i1 to i32
      %cond3A_190 = arith.constant 0 : i32
      %cond3A_191 = arith.cmpi ne, %convert_element_type3A_189, %cond3A_190 : i32
      scf.if %cond3A_191 {
        %add3A_297 = arith.constant 1 : i32
        %add3A_298 = arith.addi %add3A_184, %add3A_297 : i32
        %add3A_299 = arith.addi %mul3A_2, %add3A_298 : i32
        %dma_wait3A_300 = arith.constant 0 : i32
        %dma_wait3A_301 = arith.constant 0 : i32
        %dma_wait3A_302 = tpu.memref_slice %arg2[%add3A_299, %dma_wait3A_300, %dma_wait3A_301] : memref<2560x3x128xi32, #tpu.memory_space<hbm>> -> memref<1x3x128xi32, #tpu.memory_space<hbm>>
        %dma_wait3A_303 = arith.constant 0 : i32
        %dma_wait3A_304 = arith.constant 0 : i32
        %dma_wait3A_305 = tpu.memref_slice %arg2[%add3A_299, %dma_wait3A_303, %dma_wait3A_304] : memref<2560x3x128xi32, #tpu.memory_space<hbm>> -> memref<1x3x128xi32, #tpu.memory_space<hbm>>
        tpu.wait_dma2 semaphore(%arg13 : memref<!tpu.dma_semaphore, #tpu.memory_space<semaphore_mem>>) src(%dma_wait3A_305 : memref<1x3x128xi32, #tpu.memory_space<hbm>>) dst(%arg6 : memref<1x3x128xi32, #tpu.memory_space<vmem>>)
        %ge3A = arith.constant 1 : i32
        %ge3A_306 = arith.cmpi sge, %add3A_184, %ge3A : i32
        %convert_element_type3A_307 = arith.extui %ge3A_306 : i1 to i32
        %cond3A_308 = arith.constant 0 : i32
        %cond3A_309 = arith.cmpi ne, %convert_element_type3A_307, %cond3A_308 : i32
        scf.if %cond3A_309 {
          %dma_wait3A_318 = arith.constant 0 : i32
          %dma_wait3A_319 = arith.constant 0 : i32
          %dma_wait3A_320 = tpu.memref_slice %arg8[%dma_wait3A_318, %dma_wait3A_319] : memref<1x128xi32, #tpu.memory_space<vmem>> -> memref<1x128xi32, #tpu.memory_space<vmem>>
          %dma_wait3A_321 = tpu.memref_squeeze %dma_wait3A_320 : memref<1x128xi32, #tpu.memory_space<vmem>> -> memref<128xi32, #tpu.memory_space<vmem>>
          %dma_wait3A_322 = arith.constant 0 : i32
          %dma_wait3A_323 = arith.constant 0 : i32
          %dma_wait3A_324 = tpu.memref_slice %arg12[%dma_wait3A_322, %dma_wait3A_323] : memref<10240x128xf32, #tpu.memory_space<vmem_shared>> -> memref<10240x128xf32, #tpu.memory_space<vmem_shared>>
          tpu.wait_indirect_dma semaphore(%arg17 : memref<!tpu.dma_semaphore, #tpu.memory_space<semaphore_mem>>) src(%arg10 : memref<128x128xf32, #tpu.memory_space<vmem>>) dst(%dma_wait3A_324 : memref<10240x128xf32, #tpu.memory_space<vmem_shared>>)
        } else {
        }
        %dma_start3A_310 = arith.constant 0 : i32
        %dma_start3A_311 = arith.constant 1 : i32
        %dma_start3A_312 = arith.constant 0 : i32
        %dma_start3A_313 = tpu.memref_slice %arg6[%dma_start3A_310, %dma_start3A_311, %dma_start3A_312] : memref<1x3x128xi32, #tpu.memory_space<vmem>> -> memref<1x1x128xi32, #tpu.memory_space<vmem>>
        %dma_start3A_314 = tpu.memref_squeeze %dma_start3A_313 : memref<1x1x128xi32, #tpu.memory_space<vmem>> -> memref<128xi32, #tpu.memory_space<vmem>>
        %dma_start3A_315 = arith.constant 0 : i32
        %dma_start3A_316 = arith.constant 0 : i32
        %dma_start3A_317 = tpu.memref_slice %arg4[%dma_start3A_315, %dma_start3A_316] : memref<10000x128xf32, #tpu.memory_space<hbm>> -> memref<10000x128xf32, #tpu.memory_space<hbm>>
        tpu.enqueue_indirect_dma source(%dma_start3A_317 : memref<10000x128xf32, #tpu.memory_space<hbm>>) target(%arg10 : memref<128x128xf32, #tpu.memory_space<vmem>>) offsets(%dma_start3A_314 : memref<128xi32, #tpu.memory_space<vmem>>) semaphore(%arg15 : memref<!tpu.dma_semaphore, #tpu.memory_space<semaphore_mem>>)
      } else {
      }
      %dma_wait3A_192 = arith.constant 0 : i32
      %dma_wait3A_193 = arith.constant 1 : i32
      %dma_wait3A_194 = arith.constant 0 : i32
      %dma_wait3A_195 = tpu.memref_slice %arg7[%dma_wait3A_192, %dma_wait3A_193, %dma_wait3A_194] : memref<1x3x128xi32, #tpu.memory_space<vmem>> -> memref<1x1x128xi32, #tpu.memory_space<vmem>>
      %dma_wait3A_196 = tpu.memref_squeeze %dma_wait3A_195 : memref<1x1x128xi32, #tpu.memory_space<vmem>> -> memref<128xi32, #tpu.memory_space<vmem>>
      %dma_wait3A_197 = arith.constant 0 : i32
      %dma_wait3A_198 = arith.constant 0 : i32
      %dma_wait3A_199 = tpu.memref_slice %arg4[%dma_wait3A_197, %dma_wait3A_198] : memref<10000x128xf32, #tpu.memory_space<hbm>> -> memref<10000x128xf32, #tpu.memory_space<hbm>>
      tpu.wait_indirect_dma semaphore(%arg16 : memref<!tpu.dma_semaphore, #tpu.memory_space<semaphore_mem>>) src(%dma_wait3A_199 : memref<10000x128xf32, #tpu.memory_space<hbm>>) dst(%arg11 : memref<128x128xf32, #tpu.memory_space<vmem>>)
      %parallel_loop3A_200 = arith.constant 0 : i32
      %parallel_loop3A_201 = arith.constant 8 : i32
      %parallel_loop3A_202 = arith.constant 1 : i32
      scf.for %parallel_loop3A_297 = %parallel_loop3A_200 to %parallel_loop3A_201 step %parallel_loop3A_202  : i32 {
        %parallel_loop3A_298 = arith.constant 16 : i32
        %parallel_loop3A_299 = arith.muli %parallel_loop3A_297, %parallel_loop3A_298 : i32
        %parallel_loop3A_300 = arith.constant 0 : i32
        %parallel_loop3A_301 = arith.constant 2 : i32
        %parallel_loop3A_302 = arith.index_cast %parallel_loop3A_300 : i32 to index
        %parallel_loop3A_303 = arith.index_cast %parallel_loop3A_301 : i32 to index
        %parallel_loop3A_304 = arith.index_cast %parallel_loop3A_299 : i32 to index
        %parallel_loop3A_305 = tpu.vector_load %arg7[%parallel_loop3A_302, %parallel_loop3A_303, %parallel_loop3A_304] {strides = array<i32>} : memref<1x3x128xi32, #tpu.memory_space<vmem>>, vector<16xi32>,
        %parallel_loop3A_306 = vector.bitcast %parallel_loop3A_305 : vector<16xi32> to vector<16xf32>
        %parallel_loop3A_307 = arith.constant 0 : i32
        %parallel_loop3A_308 = vector.broadcast %parallel_loop3A_307 : i32 to vector<16xi32>
        %parallel_loop3A_309 = arith.constant 0 : i32
        %parallel_loop3A_310 = vector.broadcast %parallel_loop3A_309 : i32 to vector<16xi32>
        %parallel_loop3A_311 = arith.cmpi slt, %parallel_loop3A_308, %parallel_loop3A_310 : vector<16xi32>
        %parallel_loop3A_312 = arith.constant 16 : i32
        %parallel_loop3A_313 = vector.broadcast %parallel_loop3A_312 : i32 to vector<16xi32>
        %parallel_loop3A_314 = arith.addi %parallel_loop3A_308, %parallel_loop3A_313 : vector<16xi32>
        %parallel_loop3A_315 = arith.select %parallel_loop3A_311, %parallel_loop3A_314, %parallel_loop3A_308 : vector<16xi1>, vector<16xi32>
        %parallel_loop3A_316 = vector.shape_cast %parallel_loop3A_315 : vector<16xi32> to vector<16x1xi32>
        %parallel_loop3A_317 = vector.shape_cast %parallel_loop3A_316 : vector<16x1xi32> to vector<16xi32>
        %parallel_loop3A_318 = tpu.dynamic_gather %parallel_loop3A_306[%parallel_loop3A_317] in [0] : vector<16xf32>, vector<16xi32> -> vector<16xf32>
        %parallel_loop3A_319 = arith.constant 16 : i32
        %parallel_loop3A_320 = arith.muli %parallel_loop3A_297, %parallel_loop3A_319 : i32
        %parallel_loop3A_321 = arith.constant 0 : i32
        %parallel_loop3A_322 = arith.addi %parallel_loop3A_320, %parallel_loop3A_321 : i32
        %parallel_loop3A_323 = arith.index_cast %parallel_loop3A_322 : i32 to index
        %parallel_loop3A_324 = arith.constant 0 : index
        %parallel_loop3A_325 = tpu.vector_load %arg11[%parallel_loop3A_323, %parallel_loop3A_324] {strides = array<i32>} : memref<128x128xf32, #tpu.memory_space<vmem>>, vector<16xf32>,
        %parallel_loop3A_326 = arith.mulf %parallel_loop3A_325, %parallel_loop3A_318 : vector<16xf32>
        %parallel_loop3A_327 = arith.index_cast %parallel_loop3A_322 : i32 to index
        %parallel_loop3A_328 = arith.constant 0 : index
        %parallel_loop3A_329 = tpu.vector_load %arg11[%parallel_loop3A_327, %parallel_loop3A_328] {strides = array<i32>} : memref<128x128xf32, #tpu.memory_space<vmem>>, vector<16xf32>,
        tpu.vector_store %arg11[%parallel_loop3A_327, %parallel_loop3A_328], %parallel_loop3A_326 {strides = array<i32>} : memref<128x128xf32, #tpu.memory_space<vmem>>, vector<16xf32>,
        %parallel_loop3A_330 = arith.index_cast %parallel_loop3A_322 : i32 to index
        %parallel_loop3A_331 = arith.constant 16 : index
        %parallel_loop3A_332 = tpu.vector_load %arg11[%parallel_loop3A_330, %parallel_loop3A_331] {strides = array<i32>} : memref<128x128xf32, #tpu.memory_space<vmem>>, vector<16xf32>,
        %parallel_loop3A_333 = arith.mulf %parallel_loop3A_332, %parallel_loop3A_318 : vector<16xf32>
        %parallel_loop3A_334 = arith.index_cast %parallel_loop3A_322 : i32 to index
        %parallel_loop3A_335 = arith.constant 16 : index
        %parallel_loop3A_336 = tpu.vector_load %arg11[%parallel_loop3A_334, %parallel_loop3A_335] {strides = array<i32>} : memref<128x128xf32, #tpu.memory_space<vmem>>, vector<16xf32>,
        tpu.vector_store %arg11[%parallel_loop3A_334, %parallel_loop3A_335], %parallel_loop3A_333 {strides = array<i32>} : memref<128x128xf32, #tpu.memory_space<vmem>>, vector<16xf32>,
        %parallel_loop3A_337 = arith.index_cast %parallel_loop3A_322 : i32 to index
        %parallel_loop3A_338 = arith.constant 32 : index
        %parallel_loop3A_339 = tpu.vector_load %arg11[%parallel_loop3A_337, %parallel_loop3A_338] {strides = array<i32>} : memref<128x128xf32, #tpu.memory_space<vmem>>, vector<16xf32>,
        %parallel_loop3A_340 = arith.mulf %parallel_loop3A_339, %parallel_loop3A_318 : vector<16xf32>
        %parallel_loop3A_341 = arith.index_cast %parallel_loop3A_322 : i32 to index
        %parallel_loop3A_342 = arith.constant 32 : index
        %parallel_loop3A_343 = tpu.vector_load %arg11[%parallel_loop3A_341, %parallel_loop3A_342] {strides = array<i32>} : memref<128x128xf32, #tpu.memory_space<vmem>>, vector<16xf32>,
        tpu.vector_store %arg11[%parallel_loop3A_341, %parallel_loop3A_342], %parallel_loop3A_340 {strides = array<i32>} : memref<128x128xf32, #tpu.memory_space<vmem>>, vector<16xf32>,
        %parallel_loop3A_344 = arith.index_cast %parallel_loop3A_322 : i32 to index
        %parallel_loop3A_345 = arith.constant 48 : index
        %parallel_loop3A_346 = tpu.vector_load %arg11[%parallel_loop3A_344, %parallel_loop3A_345] {strides = array<i32>} : memref<128x128xf32, #tpu.memory_space<vmem>>, vector<16xf32>,
        %parallel_loop3A_347 = arith.mulf %parallel_loop3A_346, %parallel_loop3A_318 : vector<16xf32>
        %parallel_loop3A_348 = arith.index_cast %parallel_loop3A_322 : i32 to index
        %parallel_loop3A_349 = arith.constant 48 : index
        %parallel_loop3A_350 = tpu.vector_load %arg11[%parallel_loop3A_348, %parallel_loop3A_349] {strides = array<i32>} : memref<128x128xf32, #tpu.memory_space<vmem>>, vector<16xf32>,
        tpu.vector_store %arg11[%parallel_loop3A_348, %parallel_loop3A_349], %parallel_loop3A_347 {strides = array<i32>} : memref<128x128xf32, #tpu.memory_space<vmem>>, vector<16xf32>,
        %parallel_loop3A_351 = arith.index_cast %parallel_loop3A_322 : i32 to index
        %parallel_loop3A_352 = arith.constant 64 : index
        %parallel_loop3A_353 = tpu.vector_load %arg11[%parallel_loop3A_351, %parallel_loop3A_352] {strides = array<i32>} : memref<128x128xf32, #tpu.memory_space<vmem>>, vector<16xf32>,
        %parallel_loop3A_354 = arith.mulf %parallel_loop3A_353, %parallel_loop3A_318 : vector<16xf32>
        %parallel_loop3A_355 = arith.index_cast %parallel_loop3A_322 : i32 to index
        %parallel_loop3A_356 = arith.constant 64 : index
        %parallel_loop3A_357 = tpu.vector_load %arg11[%parallel_loop3A_355, %parallel_loop3A_356] {strides = array<i32>} : memref<128x128xf32, #tpu.memory_space<vmem>>, vector<16xf32>,
        tpu.vector_store %arg11[%parallel_loop3A_355, %parallel_loop3A_356], %parallel_loop3A_354 {strides = array<i32>} : memref<128x128xf32, #tpu.memory_space<vmem>>, vector<16xf32>,
        %parallel_loop3A_358 = arith.index_cast %parallel_loop3A_322 : i32 to index
        %parallel_loop3A_359 = arith.constant 80 : index
        %parallel_loop3A_360 = tpu.vector_load %arg11[%parallel_loop3A_358, %parallel_loop3A_359] {strides = array<i32>} : memref<128x128xf32, #tpu.memory_space<vmem>>, vector<16xf32>,
        %parallel_loop3A_361 = arith.mulf %parallel_loop3A_360, %parallel_loop3A_318 : vector<16xf32>
        %parallel_loop3A_362 = arith.index_cast %parallel_loop3A_322 : i32 to index
        %parallel_loop3A_363 = arith.constant 80 : index
        %parallel_loop3A_364 = tpu.vector_load %arg11[%parallel_loop3A_362, %parallel_loop3A_363] {strides = array<i32>} : memref<128x128xf32, #tpu.memory_space<vmem>>, vector<16xf32>,
        tpu.vector_store %arg11[%parallel_loop3A_362, %parallel_loop3A_363], %parallel_loop3A_361 {strides = array<i32>} : memref<128x128xf32, #tpu.memory_space<vmem>>, vector<16xf32>,
        %parallel_loop3A_365 = arith.index_cast %parallel_loop3A_322 : i32 to index
        %parallel_loop3A_366 = arith.constant 96 : index
        %parallel_loop3A_367 = tpu.vector_load %arg11[%parallel_loop3A_365, %parallel_loop3A_366] {strides = array<i32>} : memref<128x128xf32, #tpu.memory_space<vmem>>, vector<16xf32>,
        %parallel_loop3A_368 = arith.mulf %parallel_loop3A_367, %parallel_loop3A_318 : vector<16xf32>
        %parallel_loop3A_369 = arith.index_cast %parallel_loop3A_322 : i32 to index
        %parallel_loop3A_370 = arith.constant 96 : index
        %parallel_loop3A_371 = tpu.vector_load %arg11[%parallel_loop3A_369, %parallel_loop3A_370] {strides = array<i32>} : memref<128x128xf32, #tpu.memory_space<vmem>>, vector<16xf32>,
        tpu.vector_store %arg11[%parallel_loop3A_369, %parallel_loop3A_370], %parallel_loop3A_368 {strides = array<i32>} : memref<128x128xf32, #tpu.memory_space<vmem>>, vector<16xf32>,
        %parallel_loop3A_372 = arith.index_cast %parallel_loop3A_322 : i32 to index
        %parallel_loop3A_373 = arith.constant 112 : index
        %parallel_loop3A_374 = tpu.vector_load %arg11[%parallel_loop3A_372, %parallel_loop3A_373] {strides = array<i32>} : memref<128x128xf32, #tpu.memory_space<vmem>>, vector<16xf32>,
        %parallel_loop3A_375 = arith.mulf %parallel_loop3A_374, %parallel_loop3A_318 : vector<16xf32>
        %parallel_loop3A_376 = arith.index_cast %parallel_loop3A_322 : i32 to index
        %parallel_loop3A_377 = arith.constant 112 : index
        %parallel_loop3A_378 = tpu.vector_load %arg11[%parallel_loop3A_376, %parallel_loop3A_377] {strides = array<i32>} : memref<128x128xf32, #tpu.memory_space<vmem>>, vector<16xf32>,
        tpu.vector_store %arg11[%parallel_loop3A_376, %parallel_loop3A_377], %parallel_loop3A_375 {strides = array<i32>} : memref<128x128xf32, #tpu.memory_space<vmem>>, vector<16xf32>,
        %parallel_loop3A_379 = arith.constant 1 : i32
        %parallel_loop3A_380 = vector.broadcast %parallel_loop3A_379 : i32 to vector<16xi32>
        %parallel_loop3A_381 = arith.constant 0 : i32
        %parallel_loop3A_382 = vector.broadcast %parallel_loop3A_381 : i32 to vector<16xi32>
        %parallel_loop3A_383 = arith.cmpi slt, %parallel_loop3A_380, %parallel_loop3A_382 : vector<16xi32>
        %parallel_loop3A_384 = arith.constant 16 : i32
        %parallel_loop3A_385 = vector.broadcast %parallel_loop3A_384 : i32 to vector<16xi32>
        %parallel_loop3A_386 = arith.addi %parallel_loop3A_380, %parallel_loop3A_385 : vector<16xi32>
        %parallel_loop3A_387 = arith.select %parallel_loop3A_383, %parallel_loop3A_386, %parallel_loop3A_380 : vector<16xi1>, vector<16xi32>
        %parallel_loop3A_388 = vector.shape_cast %parallel_loop3A_387 : vector<16xi32> to vector<16x1xi32>
        %parallel_loop3A_389 = vector.shape_cast %parallel_loop3A_388 : vector<16x1xi32> to vector<16xi32>
        %parallel_loop3A_390 = tpu.dynamic_gather %parallel_loop3A_306[%parallel_loop3A_389] in [0] : vector<16xf32>, vector<16xi32> -> vector<16xf32>
        %parallel_loop3A_391 = arith.constant 16 : i32
        %parallel_loop3A_392 = arith.muli %parallel_loop3A_297, %parallel_loop3A_391 : i32
        %parallel_loop3A_393 = arith.constant 1 : i32
        %parallel_loop3A_394 = arith.addi %parallel_loop3A_392, %parallel_loop3A_393 : i32
        %parallel_loop3A_395 = arith.index_cast %parallel_loop3A_394 : i32 to index
        %parallel_loop3A_396 = arith.constant 0 : index
        %parallel_loop3A_397 = tpu.vector_load %arg11[%parallel_loop3A_395, %parallel_loop3A_396] {strides = array<i32>} : memref<128x128xf32, #tpu.memory_space<vmem>>, vector<16xf32>,
        %parallel_loop3A_398 = arith.mulf %parallel_loop3A_397, %parallel_loop3A_390 : vector<16xf32>
        %parallel_loop3A_399 = arith.index_cast %parallel_loop3A_394 : i32 to index
        %parallel_loop3A_400 = arith.constant 0 : index
        %parallel_loop3A_401 = tpu.vector_load %arg11[%parallel_loop3A_399, %parallel_loop3A_400] {strides = array<i32>} : memref<128x128xf32, #tpu.memory_space<vmem>>, vector<16xf32>,
        tpu.vector_store %arg11[%parallel_loop3A_399, %parallel_loop3A_400], %parallel_loop3A_398 {strides = array<i32>} : memref<128x128xf32, #tpu.memory_space<vmem>>, vector<16xf32>,
        %parallel_loop3A_402 = arith.index_cast %parallel_loop3A_394 : i32 to index
        %parallel_loop3A_403 = arith.constant 16 : index
        %parallel_loop3A_404 = tpu.vector_load %arg11[%parallel_loop3A_402, %parallel_loop3A_403] {strides = array<i32>} : memref<128x128xf32, #tpu.memory_space<vmem>>, vector<16xf32>,
        %parallel_loop3A_405 = arith.mulf %parallel_loop3A_404, %parallel_loop3A_390 : vector<16xf32>
        %parallel_loop3A_406 = arith.index_cast %parallel_loop3A_394 : i32 to index
        %parallel_loop3A_407 = arith.constant 16 : index
        %parallel_loop3A_408 = tpu.vector_load %arg11[%parallel_loop3A_406, %parallel_loop3A_407] {strides = array<i32>} : memref<128x128xf32, #tpu.memory_space<vmem>>, vector<16xf32>,
        tpu.vector_store %arg11[%parallel_loop3A_406, %parallel_loop3A_407], %parallel_loop3A_405 {strides = array<i32>} : memref<128x128xf32, #tpu.memory_space<vmem>>, vector<16xf32>,
        %parallel_loop3A_409 = arith.index_cast %parallel_loop3A_394 : i32 to index
        %parallel_loop3A_410 = arith.constant 32 : index
        %parallel_loop3A_411 = tpu.vector_load %arg11[%parallel_loop3A_409, %parallel_loop3A_410] {strides = array<i32>} : memref<128x128xf32, #tpu.memory_space<vmem>>, vector<16xf32>,
        %parallel_loop3A_412 = arith.mulf %parallel_loop3A_411, %parallel_loop3A_390 : vector<16xf32>
        %parallel_loop3A_413 = arith.index_cast %parallel_loop3A_394 : i32 to index
        %parallel_loop3A_414 = arith.constant 32 : index
        %parallel_loop3A_415 = tpu.vector_load %arg11[%parallel_loop3A_413, %parallel_loop3A_414] {strides = array<i32>} : memref<128x128xf32, #tpu.memory_space<vmem>>, vector<16xf32>,
        tpu.vector_store %arg11[%parallel_loop3A_413, %parallel_loop3A_414], %parallel_loop3A_412 {strides = array<i32>} : memref<128x128xf32, #tpu.memory_space<vmem>>, vector<16xf32>,
        %parallel_loop3A_416 = arith.index_cast %parallel_loop3A_394 : i32 to index
        %parallel_loop3A_417 = arith.constant 48 : index
        %parallel_loop3A_418 = tpu.vector_load %arg11[%parallel_loop3A_416, %parallel_loop3A_417] {strides = array<i32>} : memref<128x128xf32, #tpu.memory_space<vmem>>, vector<16xf32>,
        %parallel_loop3A_419 = arith.mulf %parallel_loop3A_418, %parallel_loop3A_390 : vector<16xf32>
        %parallel_loop3A_420 = arith.index_cast %parallel_loop3A_394 : i32 to index
        %parallel_loop3A_421 = arith.constant 48 : index
        %parallel_loop3A_422 = tpu.vector_load %arg11[%parallel_loop3A_420, %parallel_loop3A_421] {strides = array<i32>} : memref<128x128xf32, #tpu.memory_space<vmem>>, vector<16xf32>,
        tpu.vector_store %arg11[%parallel_loop3A_420, %parallel_loop3A_421], %parallel_loop3A_419 {strides = array<i32>} : memref<128x128xf32, #tpu.memory_space<vmem>>, vector<16xf32>,
        %parallel_loop3A_423 = arith.index_cast %parallel_loop3A_394 : i32 to index
        %parallel_loop3A_424 = arith.constant 64 : index
        %parallel_loop3A_425 = tpu.vector_load %arg11[%parallel_loop3A_423, %parallel_loop3A_424] {strides = array<i32>} : memref<128x128xf32, #tpu.memory_space<vmem>>, vector<16xf32>,
        %parallel_loop3A_426 = arith.mulf %parallel_loop3A_425, %parallel_loop3A_390 : vector<16xf32>
        %parallel_loop3A_427 = arith.index_cast %parallel_loop3A_394 : i32 to index
        %parallel_loop3A_428 = arith.constant 64 : index
        %parallel_loop3A_429 = tpu.vector_load %arg11[%parallel_loop3A_427, %parallel_loop3A_428] {strides = array<i32>} : memref<128x128xf32, #tpu.memory_space<vmem>>, vector<16xf32>,
        tpu.vector_store %arg11[%parallel_loop3A_427, %parallel_loop3A_428], %parallel_loop3A_426 {strides = array<i32>} : memref<128x128xf32, #tpu.memory_space<vmem>>, vector<16xf32>,
        %parallel_loop3A_430 = arith.index_cast %parallel_loop3A_394 : i32 to index
        %parallel_loop3A_431 = arith.constant 80 : index
        %parallel_loop3A_432 = tpu.vector_load %arg11[%parallel_loop3A_430, %parallel_loop3A_431] {strides = array<i32>} : memref<128x128xf32, #tpu.memory_space<vmem>>, vector<16xf32>,
        %parallel_loop3A_433 = arith.mulf %parallel_loop3A_432, %parallel_loop3A_390 : vector<16xf32>
        %parallel_loop3A_434 = arith.index_cast %parallel_loop3A_394 : i32 to index
        %parallel_loop3A_435 = arith.constant 80 : index
        %parallel_loop3A_436 = tpu.vector_load %arg11[%parallel_loop3A_434, %parallel_loop3A_435] {strides = array<i32>} : memref<128x128xf32, #tpu.memory_space<vmem>>, vector<16xf32>,
        tpu.vector_store %arg11[%parallel_loop3A_434, %parallel_loop3A_435], %parallel_loop3A_433 {strides = array<i32>} : memref<128x128xf32, #tpu.memory_space<vmem>>, vector<16xf32>,
        %parallel_loop3A_437 = arith.index_cast %parallel_loop3A_394 : i32 to index
        %parallel_loop3A_438 = arith.constant 96 : index
        %parallel_loop3A_439 = tpu.vector_load %arg11[%parallel_loop3A_437, %parallel_loop3A_438] {strides = array<i32>} : memref<128x128xf32, #tpu.memory_space<vmem>>, vector<16xf32>,
        %parallel_loop3A_440 = arith.mulf %parallel_loop3A_439, %parallel_loop3A_390 : vector<16xf32>
        %parallel_loop3A_441 = arith.index_cast %parallel_loop3A_394 : i32 to index
        %parallel_loop3A_442 = arith.constant 96 : index
        %parallel_loop3A_443 = tpu.vector_load %arg11[%parallel_loop3A_441, %parallel_loop3A_442] {strides = array<i32>} : memref<128x128xf32, #tpu.memory_space<vmem>>, vector<16xf32>,
        tpu.vector_store %arg11[%parallel_loop3A_441, %parallel_loop3A_442], %parallel_loop3A_440 {strides = array<i32>} : memref<128x128xf32, #tpu.memory_space<vmem>>, vector<16xf32>,
        %parallel_loop3A_444 = arith.index_cast %parallel_loop3A_394 : i32 to index
        %parallel_loop3A_445 = arith.constant 112 : index
        %parallel_loop3A_446 = tpu.vector_load %arg11[%parallel_loop3A_444, %parallel_loop3A_445] {strides = array<i32>} : memref<128x128xf32, #tpu.memory_space<vmem>>, vector<16xf32>,
        %parallel_loop3A_447 = arith.mulf %parallel_loop3A_446, %parallel_loop3A_390 : vector<16xf32>
        %parallel_loop3A_448 = arith.index_cast %parallel_loop3A_394 : i32 to index
        %parallel_loop3A_449 = arith.constant 112 : index
        %parallel_loop3A_450 = tpu.vector_load %arg11[%parallel_loop3A_448, %parallel_loop3A_449] {strides = array<i32>} : memref<128x128xf32, #tpu.memory_space<vmem>>, vector<16xf32>,
        tpu.vector_store %arg11[%parallel_loop3A_448, %parallel_loop3A_449], %parallel_loop3A_447 {strides = array<i32>} : memref<128x128xf32, #tpu.memory_space<vmem>>, vector<16xf32>,
        %parallel_loop3A_451 = arith.constant 2 : i32
        %parallel_loop3A_452 = vector.broadcast %parallel_loop3A_451 : i32 to vector<16xi32>
        %parallel_loop3A_453 = arith.constant 0 : i32
        %parallel_loop3A_454 = vector.broadcast %parallel_loop3A_453 : i32 to vector<16xi32>
        %parallel_loop3A_455 = arith.cmpi slt, %parallel_loop3A_452, %parallel_loop3A_454 : vector<16xi32>
        %parallel_loop3A_456 = arith.constant 16 : i32
        %parallel_loop3A_457 = vector.broadcast %parallel_loop3A_456 : i32 to vector<16xi32>
        %parallel_loop3A_458 = arith.addi %parallel_loop3A_452, %parallel_loop3A_457 : vector<16xi32>
        %parallel_loop3A_459 = arith.select %parallel_loop3A_455, %parallel_loop3A_458, %parallel_loop3A_452 : vector<16xi1>, vector<16xi32>
        %parallel_loop3A_460 = vector.shape_cast %parallel_loop3A_459 : vector<16xi32> to vector<16x1xi32>
        %parallel_loop3A_461 = vector.shape_cast %parallel_loop3A_460 : vector<16x1xi32> to vector<16xi32>
        %parallel_loop3A_462 = tpu.dynamic_gather %parallel_loop3A_306[%parallel_loop3A_461] in [0] : vector<16xf32>, vector<16xi32> -> vector<16xf32>
        %parallel_loop3A_463 = arith.constant 16 : i32
        %parallel_loop3A_464 = arith.muli %parallel_loop3A_297, %parallel_loop3A_463 : i32
        %parallel_loop3A_465 = arith.constant 2 : i32
        %parallel_loop3A_466 = arith.addi %parallel_loop3A_464, %parallel_loop3A_465 : i32
        %parallel_loop3A_467 = arith.index_cast %parallel_loop3A_466 : i32 to index
        %parallel_loop3A_468 = arith.constant 0 : index
        %parallel_loop3A_469 = tpu.vector_load %arg11[%parallel_loop3A_467, %parallel_loop3A_468] {strides = array<i32>} : memref<128x128xf32, #tpu.memory_space<vmem>>, vector<16xf32>,
        %parallel_loop3A_470 = arith.mulf %parallel_loop3A_469, %parallel_loop3A_462 : vector<16xf32>
        %parallel_loop3A_471 = arith.index_cast %parallel_loop3A_466 : i32 to index
        %parallel_loop3A_472 = arith.constant 0 : index
        %parallel_loop3A_473 = tpu.vector_load %arg11[%parallel_loop3A_471, %parallel_loop3A_472] {strides = array<i32>} : memref<128x128xf32, #tpu.memory_space<vmem>>, vector<16xf32>,
        tpu.vector_store %arg11[%parallel_loop3A_471, %parallel_loop3A_472], %parallel_loop3A_470 {strides = array<i32>} : memref<128x128xf32, #tpu.memory_space<vmem>>, vector<16xf32>,
        %parallel_loop3A_474 = arith.index_cast %parallel_loop3A_466 : i32 to index
        %parallel_loop3A_475 = arith.constant 16 : index
        %parallel_loop3A_476 = tpu.vector_load %arg11[%parallel_loop3A_474, %parallel_loop3A_475] {strides = array<i32>} : memref<128x128xf32, #tpu.memory_space<vmem>>, vector<16xf32>,
        %parallel_loop3A_477 = arith.mulf %parallel_loop3A_476, %parallel_loop3A_462 : vector<16xf32>
        %parallel_loop3A_478 = arith.index_cast %parallel_loop3A_466 : i32 to index
        %parallel_loop3A_479 = arith.constant 16 : index
        %parallel_loop3A_480 = tpu.vector_load %arg11[%parallel_loop3A_478, %parallel_loop3A_479] {strides = array<i32>} : memref<128x128xf32, #tpu.memory_space<vmem>>, vector<16xf32>,
        tpu.vector_store %arg11[%parallel_loop3A_478, %parallel_loop3A_479], %parallel_loop3A_477 {strides = array<i32>} : memref<128x128xf32, #tpu.memory_space<vmem>>, vector<16xf32>,
        %parallel_loop3A_481 = arith.index_cast %parallel_loop3A_466 : i32 to index
        %parallel_loop3A_482 = arith.constant 32 : index
        %parallel_loop3A_483 = tpu.vector_load %arg11[%parallel_loop3A_481, %parallel_loop3A_482] {strides = array<i32>} : memref<128x128xf32, #tpu.memory_space<vmem>>, vector<16xf32>,
        %parallel_loop3A_484 = arith.mulf %parallel_loop3A_483, %parallel_loop3A_462 : vector<16xf32>
        %parallel_loop3A_485 = arith.index_cast %parallel_loop3A_466 : i32 to index
        %parallel_loop3A_486 = arith.constant 32 : index
        %parallel_loop3A_487 = tpu.vector_load %arg11[%parallel_loop3A_485, %parallel_loop3A_486] {strides = array<i32>} : memref<128x128xf32, #tpu.memory_space<vmem>>, vector<16xf32>,
        tpu.vector_store %arg11[%parallel_loop3A_485, %parallel_loop3A_486], %parallel_loop3A_484 {strides = array<i32>} : memref<128x128xf32, #tpu.memory_space<vmem>>, vector<16xf32>,
        %parallel_loop3A_488 = arith.index_cast %parallel_loop3A_466 : i32 to index
        %parallel_loop3A_489 = arith.constant 48 : index
        %parallel_loop3A_490 = tpu.vector_load %arg11[%parallel_loop3A_488, %parallel_loop3A_489] {strides = array<i32>} : memref<128x128xf32, #tpu.memory_space<vmem>>, vector<16xf32>,
        %parallel_loop3A_491 = arith.mulf %parallel_loop3A_490, %parallel_loop3A_462 : vector<16xf32>
        %parallel_loop3A_492 = arith.index_cast %parallel_loop3A_466 : i32 to index
        %parallel_loop3A_493 = arith.constant 48 : index
        %parallel_loop3A_494 = tpu.vector_load %arg11[%parallel_loop3A_492, %parallel_loop3A_493] {strides = array<i32>} : memref<128x128xf32, #tpu.memory_space<vmem>>, vector<16xf32>,
        tpu.vector_store %arg11[%parallel_loop3A_492, %parallel_loop3A_493], %parallel_loop3A_491 {strides = array<i32>} : memref<128x128xf32, #tpu.memory_space<vmem>>, vector<16xf32>,
        %parallel_loop3A_495 = arith.index_cast %parallel_loop3A_466 : i32 to index
        %parallel_loop3A_496 = arith.constant 64 : index
        %parallel_loop3A_497 = tpu.vector_load %arg11[%parallel_loop3A_495, %parallel_loop3A_496] {strides = array<i32>} : memref<128x128xf32, #tpu.memory_space<vmem>>, vector<16xf32>,
        %parallel_loop3A_498 = arith.mulf %parallel_loop3A_497, %parallel_loop3A_462 : vector<16xf32>
        %parallel_loop3A_499 = arith.index_cast %parallel_loop3A_466 : i32 to index
        %parallel_loop3A_500 = arith.constant 64 : index
        %parallel_loop3A_501 = tpu.vector_load %arg11[%parallel_loop3A_499, %parallel_loop3A_500] {strides = array<i32>} : memref<128x128xf32, #tpu.memory_space<vmem>>, vector<16xf32>,
        tpu.vector_store %arg11[%parallel_loop3A_499, %parallel_loop3A_500], %parallel_loop3A_498 {strides = array<i32>} : memref<128x128xf32, #tpu.memory_space<vmem>>, vector<16xf32>,
        %parallel_loop3A_502 = arith.index_cast %parallel_loop3A_466 : i32 to index
        %parallel_loop3A_503 = arith.constant 80 : index
        %parallel_loop3A_504 = tpu.vector_load %arg11[%parallel_loop3A_502, %parallel_loop3A_503] {strides = array<i32>} : memref<128x128xf32, #tpu.memory_space<vmem>>, vector<16xf32>,
        %parallel_loop3A_505 = arith.mulf %parallel_loop3A_504, %parallel_loop3A_462 : vector<16xf32>
        %parallel_loop3A_506 = arith.index_cast %parallel_loop3A_466 : i32 to index
        %parallel_loop3A_507 = arith.constant 80 : index
        %parallel_loop3A_508 = tpu.vector_load %arg11[%parallel_loop3A_506, %parallel_loop3A_507] {strides = array<i32>} : memref<128x128xf32, #tpu.memory_space<vmem>>, vector<16xf32>,
        tpu.vector_store %arg11[%parallel_loop3A_506, %parallel_loop3A_507], %parallel_loop3A_505 {strides = array<i32>} : memref<128x128xf32, #tpu.memory_space<vmem>>, vector<16xf32>,
        %parallel_loop3A_509 = arith.index_cast %parallel_loop3A_466 : i32 to index
        %parallel_loop3A_510 = arith.constant 96 : index
        %parallel_loop3A_511 = tpu.vector_load %arg11[%parallel_loop3A_509, %parallel_loop3A_510] {strides = array<i32>} : memref<128x128xf32, #tpu.memory_space<vmem>>, vector<16xf32>,
        %parallel_loop3A_512 = arith.mulf %parallel_loop3A_511, %parallel_loop3A_462 : vector<16xf32>
        %parallel_loop3A_513 = arith.index_cast %parallel_loop3A_466 : i32 to index
        %parallel_loop3A_514 = arith.constant 96 : index
        %parallel_loop3A_515 = tpu.vector_load %arg11[%parallel_loop3A_513, %parallel_loop3A_514] {strides = array<i32>} : memref<128x128xf32, #tpu.memory_space<vmem>>, vector<16xf32>,
        tpu.vector_store %arg11[%parallel_loop3A_513, %parallel_loop3A_514], %parallel_loop3A_512 {strides = array<i32>} : memref<128x128xf32, #tpu.memory_space<vmem>>, vector<16xf32>,
        %parallel_loop3A_516 = arith.index_cast %parallel_loop3A_466 : i32 to index
        %parallel_loop3A_517 = arith.constant 112 : index
        %parallel_loop3A_518 = tpu.vector_load %arg11[%parallel_loop3A_516, %parallel_loop3A_517] {strides = array<i32>} : memref<128x128xf32, #tpu.memory_space<vmem>>, vector<16xf32>,
        %parallel_loop3A_519 = arith.mulf %parallel_loop3A_518, %parallel_loop3A_462 : vector<16xf32>
        %parallel_loop3A_520 = arith.index_cast %parallel_loop3A_466 : i32 to index
        %parallel_loop3A_521 = arith.constant 112 : index
        %parallel_loop3A_522 = tpu.vector_load %arg11[%parallel_loop3A_520, %parallel_loop3A_521] {strides = array<i32>} : memref<128x128xf32, #tpu.memory_space<vmem>>, vector<16xf32>,
        tpu.vector_store %arg11[%parallel_loop3A_520, %parallel_loop3A_521], %parallel_loop3A_519 {strides = array<i32>} : memref<128x128xf32, #tpu.memory_space<vmem>>, vector<16xf32>,
        %parallel_loop3A_523 = arith.constant 3 : i32
        %parallel_loop3A_524 = vector.broadcast %parallel_loop3A_523 : i32 to vector<16xi32>
        %parallel_loop3A_525 = arith.constant 0 : i32
        %parallel_loop3A_526 = vector.broadcast %parallel_loop3A_525 : i32 to vector<16xi32>
        %parallel_loop3A_527 = arith.cmpi slt, %parallel_loop3A_524, %parallel_loop3A_526 : vector<16xi32>
        %parallel_loop3A_528 = arith.constant 16 : i32
        %parallel_loop3A_529 = vector.broadcast %parallel_loop3A_528 : i32 to vector<16xi32>
        %parallel_loop3A_530 = arith.addi %parallel_loop3A_524, %parallel_loop3A_529 : vector<16xi32>
        %parallel_loop3A_531 = arith.select %parallel_loop3A_527, %parallel_loop3A_530, %parallel_loop3A_524 : vector<16xi1>, vector<16xi32>
        %parallel_loop3A_532 = vector.shape_cast %parallel_loop3A_531 : vector<16xi32> to vector<16x1xi32>
        %parallel_loop3A_533 = vector.shape_cast %parallel_loop3A_532 : vector<16x1xi32> to vector<16xi32>
        %parallel_loop3A_534 = tpu.dynamic_gather %parallel_loop3A_306[%parallel_loop3A_533] in [0] : vector<16xf32>, vector<16xi32> -> vector<16xf32>
        %parallel_loop3A_535 = arith.constant 16 : i32
        %parallel_loop3A_536 = arith.muli %parallel_loop3A_297, %parallel_loop3A_535 : i32
        %parallel_loop3A_537 = arith.constant 3 : i32
        %parallel_loop3A_538 = arith.addi %parallel_loop3A_536, %parallel_loop3A_537 : i32
        %parallel_loop3A_539 = arith.index_cast %parallel_loop3A_538 : i32 to index
        %parallel_loop3A_540 = arith.constant 0 : index
        %parallel_loop3A_541 = tpu.vector_load %arg11[%parallel_loop3A_539, %parallel_loop3A_540] {strides = array<i32>} : memref<128x128xf32, #tpu.memory_space<vmem>>, vector<16xf32>,
        %parallel_loop3A_542 = arith.mulf %parallel_loop3A_541, %parallel_loop3A_534 : vector<16xf32>
        %parallel_loop3A_543 = arith.index_cast %parallel_loop3A_538 : i32 to index
        %parallel_loop3A_544 = arith.constant 0 : index
        %parallel_loop3A_545 = tpu.vector_load %arg11[%parallel_loop3A_543, %parallel_loop3A_544] {strides = array<i32>} : memref<128x128xf32, #tpu.memory_space<vmem>>, vector<16xf32>,
        tpu.vector_store %arg11[%parallel_loop3A_543, %parallel_loop3A_544], %parallel_loop3A_542 {strides = array<i32>} : memref<128x128xf32, #tpu.memory_space<vmem>>, vector<16xf32>,
        %parallel_loop3A_546 = arith.index_cast %parallel_loop3A_538 : i32 to index
        %parallel_loop3A_547 = arith.constant 16 : index
        %parallel_loop3A_548 = tpu.vector_load %arg11[%parallel_loop3A_546, %parallel_loop3A_547] {strides = array<i32>} : memref<128x128xf32, #tpu.memory_space<vmem>>, vector<16xf32>,
        %parallel_loop3A_549 = arith.mulf %parallel_loop3A_548, %parallel_loop3A_534 : vector<16xf32>
        %parallel_loop3A_550 = arith.index_cast %parallel_loop3A_538 : i32 to index
        %parallel_loop3A_551 = arith.constant 16 : index
        %parallel_loop3A_552 = tpu.vector_load %arg11[%parallel_loop3A_550, %parallel_loop3A_551] {strides = array<i32>} : memref<128x128xf32, #tpu.memory_space<vmem>>, vector<16xf32>,
        tpu.vector_store %arg11[%parallel_loop3A_550, %parallel_loop3A_551], %parallel_loop3A_549 {strides = array<i32>} : memref<128x128xf32, #tpu.memory_space<vmem>>, vector<16xf32>,
        %parallel_loop3A_553 = arith.index_cast %parallel_loop3A_538 : i32 to index
        %parallel_loop3A_554 = arith.constant 32 : index
        %parallel_loop3A_555 = tpu.vector_load %arg11[%parallel_loop3A_553, %parallel_loop3A_554] {strides = array<i32>} : memref<128x128xf32, #tpu.memory_space<vmem>>, vector<16xf32>,
        %parallel_loop3A_556 = arith.mulf %parallel_loop3A_555, %parallel_loop3A_534 : vector<16xf32>
        %parallel_loop3A_557 = arith.index_cast %parallel_loop3A_538 : i32 to index
        %parallel_loop3A_558 = arith.constant 32 : index
        %parallel_loop3A_559 = tpu.vector_load %arg11[%parallel_loop3A_557, %parallel_loop3A_558] {strides = array<i32>} : memref<128x128xf32, #tpu.memory_space<vmem>>, vector<16xf32>,
        tpu.vector_store %arg11[%parallel_loop3A_557, %parallel_loop3A_558], %parallel_loop3A_556 {strides = array<i32>} : memref<128x128xf32, #tpu.memory_space<vmem>>, vector<16xf32>,
        %parallel_loop3A_560 = arith.index_cast %parallel_loop3A_538 : i32 to index
        %parallel_loop3A_561 = arith.constant 48 : index
        %parallel_loop3A_562 = tpu.vector_load %arg11[%parallel_loop3A_560, %parallel_loop3A_561] {strides = array<i32>} : memref<128x128xf32, #tpu.memory_space<vmem>>, vector<16xf32>,
        %parallel_loop3A_563 = arith.mulf %parallel_loop3A_562, %parallel_loop3A_534 : vector<16xf32>
        %parallel_loop3A_564 = arith.index_cast %parallel_loop3A_538 : i32 to index
        %parallel_loop3A_565 = arith.constant 48 : index
        %parallel_loop3A_566 = tpu.vector_load %arg11[%parallel_loop3A_564, %parallel_loop3A_565] {strides = array<i32>} : memref<128x128xf32, #tpu.memory_space<vmem>>, vector<16xf32>,
        tpu.vector_store %arg11[%parallel_loop3A_564, %parallel_loop3A_565], %parallel_loop3A_563 {strides = array<i32>} : memref<128x128xf32, #tpu.memory_space<vmem>>, vector<16xf32>,
        %parallel_loop3A_567 = arith.index_cast %parallel_loop3A_538 : i32 to index
        %parallel_loop3A_568 = arith.constant 64 : index
        %parallel_loop3A_569 = tpu.vector_load %arg11[%parallel_loop3A_567, %parallel_loop3A_568] {strides = array<i32>} : memref<128x128xf32, #tpu.memory_space<vmem>>, vector<16xf32>,
        %parallel_loop3A_570 = arith.mulf %parallel_loop3A_569, %parallel_loop3A_534 : vector<16xf32>
        %parallel_loop3A_571 = arith.index_cast %parallel_loop3A_538 : i32 to index
        %parallel_loop3A_572 = arith.constant 64 : index
        %parallel_loop3A_573 = tpu.vector_load %arg11[%parallel_loop3A_571, %parallel_loop3A_572] {strides = array<i32>} : memref<128x128xf32, #tpu.memory_space<vmem>>, vector<16xf32>,
        tpu.vector_store %arg11[%parallel_loop3A_571, %parallel_loop3A_572], %parallel_loop3A_570 {strides = array<i32>} : memref<128x128xf32, #tpu.memory_space<vmem>>, vector<16xf32>,
        %parallel_loop3A_574 = arith.index_cast %parallel_loop3A_538 : i32 to index
        %parallel_loop3A_575 = arith.constant 80 : index
        %parallel_loop3A_576 = tpu.vector_load %arg11[%parallel_loop3A_574, %parallel_loop3A_575] {strides = array<i32>} : memref<128x128xf32, #tpu.memory_space<vmem>>, vector<16xf32>,
        %parallel_loop3A_577 = arith.mulf %parallel_loop3A_576, %parallel_loop3A_534 : vector<16xf32>
        %parallel_loop3A_578 = arith.index_cast %parallel_loop3A_538 : i32 to index
        %parallel_loop3A_579 = arith.constant 80 : index
        %parallel_loop3A_580 = tpu.vector_load %arg11[%parallel_loop3A_578, %parallel_loop3A_579] {strides = array<i32>} : memref<128x128xf32, #tpu.memory_space<vmem>>, vector<16xf32>,
        tpu.vector_store %arg11[%parallel_loop3A_578, %parallel_loop3A_579], %parallel_loop3A_577 {strides = array<i32>} : memref<128x128xf32, #tpu.memory_space<vmem>>, vector<16xf32>,
        %parallel_loop3A_581 = arith.index_cast %parallel_loop3A_538 : i32 to index
        %parallel_loop3A_582 = arith.constant 96 : index
        %parallel_loop3A_583 = tpu.vector_load %arg11[%parallel_loop3A_581, %parallel_loop3A_582] {strides = array<i32>} : memref<128x128xf32, #tpu.memory_space<vmem>>, vector<16xf32>,
        %parallel_loop3A_584 = arith.mulf %parallel_loop3A_583, %parallel_loop3A_534 : vector<16xf32>
        %parallel_loop3A_585 = arith.index_cast %parallel_loop3A_538 : i32 to index
        %parallel_loop3A_586 = arith.constant 96 : index
        %parallel_loop3A_587 = tpu.vector_load %arg11[%parallel_loop3A_585, %parallel_loop3A_586] {strides = array<i32>} : memref<128x128xf32, #tpu.memory_space<vmem>>, vector<16xf32>,
        tpu.vector_store %arg11[%parallel_loop3A_585, %parallel_loop3A_586], %parallel_loop3A_584 {strides = array<i32>} : memref<128x128xf32, #tpu.memory_space<vmem>>, vector<16xf32>,
        %parallel_loop3A_588 = arith.index_cast %parallel_loop3A_538 : i32 to index
        %parallel_loop3A_589 = arith.constant 112 : index
        %parallel_loop3A_590 = tpu.vector_load %arg11[%parallel_loop3A_588, %parallel_loop3A_589] {strides = array<i32>} : memref<128x128xf32, #tpu.memory_space<vmem>>, vector<16xf32>,
        %parallel_loop3A_591 = arith.mulf %parallel_loop3A_590, %parallel_loop3A_534 : vector<16xf32>
        %parallel_loop3A_592 = arith.index_cast %parallel_loop3A_538 : i32 to index
        %parallel_loop3A_593 = arith.constant 112 : index
        %parallel_loop3A_594 = tpu.vector_load %arg11[%parallel_loop3A_592, %parallel_loop3A_593] {strides = array<i32>} : memref<128x128xf32, #tpu.memory_space<vmem>>, vector<16xf32>,
        tpu.vector_store %arg11[%parallel_loop3A_592, %parallel_loop3A_593], %parallel_loop3A_591 {strides = array<i32>} : memref<128x128xf32, #tpu.memory_space<vmem>>, vector<16xf32>,
        %parallel_loop3A_595 = arith.constant 4 : i32
        %parallel_loop3A_596 = vector.broadcast %parallel_loop3A_595 : i32 to vector<16xi32>
        %parallel_loop3A_597 = arith.constant 0 : i32
        %parallel_loop3A_598 = vector.broadcast %parallel_loop3A_597 : i32 to vector<16xi32>
        %parallel_loop3A_599 = arith.cmpi slt, %parallel_loop3A_596, %parallel_loop3A_598 : vector<16xi32>
        %parallel_loop3A_600 = arith.constant 16 : i32
        %parallel_loop3A_601 = vector.broadcast %parallel_loop3A_600 : i32 to vector<16xi32>
        %parallel_loop3A_602 = arith.addi %parallel_loop3A_596, %parallel_loop3A_601 : vector<16xi32>
        %parallel_loop3A_603 = arith.select %parallel_loop3A_599, %parallel_loop3A_602, %parallel_loop3A_596 : vector<16xi1>, vector<16xi32>
        %parallel_loop3A_604 = vector.shape_cast %parallel_loop3A_603 : vector<16xi32> to vector<16x1xi32>
        %parallel_loop3A_605 = vector.shape_cast %parallel_loop3A_604 : vector<16x1xi32> to vector<16xi32>
        %parallel_loop3A_606 = tpu.dynamic_gather %parallel_loop3A_306[%parallel_loop3A_605] in [0] : vector<16xf32>, vector<16xi32> -> vector<16xf32>
        %parallel_loop3A_607 = arith.constant 16 : i32
        %parallel_loop3A_608 = arith.muli %parallel_loop3A_297, %parallel_loop3A_607 : i32
        %parallel_loop3A_609 = arith.constant 4 : i32
        %parallel_loop3A_610 = arith.addi %parallel_loop3A_608, %parallel_loop3A_609 : i32
        %parallel_loop3A_611 = arith.index_cast %parallel_loop3A_610 : i32 to index
        %parallel_loop3A_612 = arith.constant 0 : index
        %parallel_loop3A_613 = tpu.vector_load %arg11[%parallel_loop3A_611, %parallel_loop3A_612] {strides = array<i32>} : memref<128x128xf32, #tpu.memory_space<vmem>>, vector<16xf32>,
        %parallel_loop3A_614 = arith.mulf %parallel_loop3A_613, %parallel_loop3A_606 : vector<16xf32>
        %parallel_loop3A_615 = arith.index_cast %parallel_loop3A_610 : i32 to index
        %parallel_loop3A_616 = arith.constant 0 : index
        %parallel_loop3A_617 = tpu.vector_load %arg11[%parallel_loop3A_615, %parallel_loop3A_616] {strides = array<i32>} : memref<128x128xf32, #tpu.memory_space<vmem>>, vector<16xf32>,
        tpu.vector_store %arg11[%parallel_loop3A_615, %parallel_loop3A_616], %parallel_loop3A_614 {strides = array<i32>} : memref<128x128xf32, #tpu.memory_space<vmem>>, vector<16xf32>,
        %parallel_loop3A_618 = arith.index_cast %parallel_loop3A_610 : i32 to index
        %parallel_loop3A_619 = arith.constant 16 : index
        %parallel_loop3A_620 = tpu.vector_load %arg11[%parallel_loop3A_618, %parallel_loop3A_619] {strides = array<i32>} : memref<128x128xf32, #tpu.memory_space<vmem>>, vector<16xf32>,
        %parallel_loop3A_621 = arith.mulf %parallel_loop3A_620, %parallel_loop3A_606 : vector<16xf32>
        %parallel_loop3A_622 = arith.index_cast %parallel_loop3A_610 : i32 to index
        %parallel_loop3A_623 = arith.constant 16 : index
        %parallel_loop3A_624 = tpu.vector_load %arg11[%parallel_loop3A_622, %parallel_loop3A_623] {strides = array<i32>} : memref<128x128xf32, #tpu.memory_space<vmem>>, vector<16xf32>,
        tpu.vector_store %arg11[%parallel_loop3A_622, %parallel_loop3A_623], %parallel_loop3A_621 {strides = array<i32>} : memref<128x128xf32, #tpu.memory_space<vmem>>, vector<16xf32>,
        %parallel_loop3A_625 = arith.index_cast %parallel_loop3A_610 : i32 to index
        %parallel_loop3A_626 = arith.constant 32 : index
        %parallel_loop3A_627 = tpu.vector_load %arg11[%parallel_loop3A_625, %parallel_loop3A_626] {strides = array<i32>} : memref<128x128xf32, #tpu.memory_space<vmem>>, vector<16xf32>,
        %parallel_loop3A_628 = arith.mulf %parallel_loop3A_627, %parallel_loop3A_606 : vector<16xf32>
        %parallel_loop3A_629 = arith.index_cast %parallel_loop3A_610 : i32 to index
        %parallel_loop3A_630 = arith.constant 32 : index
        %parallel_loop3A_631 = tpu.vector_load %arg11[%parallel_loop3A_629, %parallel_loop3A_630] {strides = array<i32>} : memref<128x128xf32, #tpu.memory_space<vmem>>, vector<16xf32>,
        tpu.vector_store %arg11[%parallel_loop3A_629, %parallel_loop3A_630], %parallel_loop3A_628 {strides = array<i32>} : memref<128x128xf32, #tpu.memory_space<vmem>>, vector<16xf32>,
        %parallel_loop3A_632 = arith.index_cast %parallel_loop3A_610 : i32 to index
        %parallel_loop3A_633 = arith.constant 48 : index
        %parallel_loop3A_634 = tpu.vector_load %arg11[%parallel_loop3A_632, %parallel_loop3A_633] {strides = array<i32>} : memref<128x128xf32, #tpu.memory_space<vmem>>, vector<16xf32>,
        %parallel_loop3A_635 = arith.mulf %parallel_loop3A_634, %parallel_loop3A_606 : vector<16xf32>
        %parallel_loop3A_636 = arith.index_cast %parallel_loop3A_610 : i32 to index
        %parallel_loop3A_637 = arith.constant 48 : index
        %parallel_loop3A_638 = tpu.vector_load %arg11[%parallel_loop3A_636, %parallel_loop3A_637] {strides = array<i32>} : memref<128x128xf32, #tpu.memory_space<vmem>>, vector<16xf32>,
        tpu.vector_store %arg11[%parallel_loop3A_636, %parallel_loop3A_637], %parallel_loop3A_635 {strides = array<i32>} : memref<128x128xf32, #tpu.memory_space<vmem>>, vector<16xf32>,
        %parallel_loop3A_639 = arith.index_cast %parallel_loop3A_610 : i32 to index
        %parallel_loop3A_640 = arith.constant 64 : index
        %parallel_loop3A_641 = tpu.vector_load %arg11[%parallel_loop3A_639, %parallel_loop3A_640] {strides = array<i32>} : memref<128x128xf32, #tpu.memory_space<vmem>>, vector<16xf32>,
        %parallel_loop3A_642 = arith.mulf %parallel_loop3A_641, %parallel_loop3A_606 : vector<16xf32>
        %parallel_loop3A_643 = arith.index_cast %parallel_loop3A_610 : i32 to index
        %parallel_loop3A_644 = arith.constant 64 : index
        %parallel_loop3A_645 = tpu.vector_load %arg11[%parallel_loop3A_643, %parallel_loop3A_644] {strides = array<i32>} : memref<128x128xf32, #tpu.memory_space<vmem>>, vector<16xf32>,
        tpu.vector_store %arg11[%parallel_loop3A_643, %parallel_loop3A_644], %parallel_loop3A_642 {strides = array<i32>} : memref<128x128xf32, #tpu.memory_space<vmem>>, vector<16xf32>,
        %parallel_loop3A_646 = arith.index_cast %parallel_loop3A_610 : i32 to index
        %parallel_loop3A_647 = arith.constant 80 : index
        %parallel_loop3A_648 = tpu.vector_load %arg11[%parallel_loop3A_646, %parallel_loop3A_647] {strides = array<i32>} : memref<128x128xf32, #tpu.memory_space<vmem>>, vector<16xf32>,
        %parallel_loop3A_649 = arith.mulf %parallel_loop3A_648, %parallel_loop3A_606 : vector<16xf32>
        %parallel_loop3A_650 = arith.index_cast %parallel_loop3A_610 : i32 to index
        %parallel_loop3A_651 = arith.constant 80 : index
        %parallel_loop3A_652 = tpu.vector_load %arg11[%parallel_loop3A_650, %parallel_loop3A_651] {strides = array<i32>} : memref<128x128xf32, #tpu.memory_space<vmem>>, vector<16xf32>,
        tpu.vector_store %arg11[%parallel_loop3A_650, %parallel_loop3A_651], %parallel_loop3A_649 {strides = array<i32>} : memref<128x128xf32, #tpu.memory_space<vmem>>, vector<16xf32>,
        %parallel_loop3A_653 = arith.index_cast %parallel_loop3A_610 : i32 to index
        %parallel_loop3A_654 = arith.constant 96 : index
        %parallel_loop3A_655 = tpu.vector_load %arg11[%parallel_loop3A_653, %parallel_loop3A_654] {strides = array<i32>} : memref<128x128xf32, #tpu.memory_space<vmem>>, vector<16xf32>,
        %parallel_loop3A_656 = arith.mulf %parallel_loop3A_655, %parallel_loop3A_606 : vector<16xf32>
        %parallel_loop3A_657 = arith.index_cast %parallel_loop3A_610 : i32 to index
        %parallel_loop3A_658 = arith.constant 96 : index
        %parallel_loop3A_659 = tpu.vector_load %arg11[%parallel_loop3A_657, %parallel_loop3A_658] {strides = array<i32>} : memref<128x128xf32, #tpu.memory_space<vmem>>, vector<16xf32>,
        tpu.vector_store %arg11[%parallel_loop3A_657, %parallel_loop3A_658], %parallel_loop3A_656 {strides = array<i32>} : memref<128x128xf32, #tpu.memory_space<vmem>>, vector<16xf32>,
        %parallel_loop3A_660 = arith.index_cast %parallel_loop3A_610 : i32 to index
        %parallel_loop3A_661 = arith.constant 112 : index
        %parallel_loop3A_662 = tpu.vector_load %arg11[%parallel_loop3A_660, %parallel_loop3A_661] {strides = array<i32>} : memref<128x128xf32, #tpu.memory_space<vmem>>, vector<16xf32>,
        %parallel_loop3A_663 = arith.mulf %parallel_loop3A_662, %parallel_loop3A_606 : vector<16xf32>
        %parallel_loop3A_664 = arith.index_cast %parallel_loop3A_610 : i32 to index
        %parallel_loop3A_665 = arith.constant 112 : index
        %parallel_loop3A_666 = tpu.vector_load %arg11[%parallel_loop3A_664, %parallel_loop3A_665] {strides = array<i32>} : memref<128x128xf32, #tpu.memory_space<vmem>>, vector<16xf32>,
        tpu.vector_store %arg11[%parallel_loop3A_664, %parallel_loop3A_665], %parallel_loop3A_663 {strides = array<i32>} : memref<128x128xf32, #tpu.memory_space<vmem>>, vector<16xf32>,
        %parallel_loop3A_667 = arith.constant 5 : i32
        %parallel_loop3A_668 = vector.broadcast %parallel_loop3A_667 : i32 to vector<16xi32>
        %parallel_loop3A_669 = arith.constant 0 : i32
        %parallel_loop3A_670 = vector.broadcast %parallel_loop3A_669 : i32 to vector<16xi32>
        %parallel_loop3A_671 = arith.cmpi slt, %parallel_loop3A_668, %parallel_loop3A_670 : vector<16xi32>
        %parallel_loop3A_672 = arith.constant 16 : i32
        %parallel_loop3A_673 = vector.broadcast %parallel_loop3A_672 : i32 to vector<16xi32>
        %parallel_loop3A_674 = arith.addi %parallel_loop3A_668, %parallel_loop3A_673 : vector<16xi32>
        %parallel_loop3A_675 = arith.select %parallel_loop3A_671, %parallel_loop3A_674, %parallel_loop3A_668 : vector<16xi1>, vector<16xi32>
        %parallel_loop3A_676 = vector.shape_cast %parallel_loop3A_675 : vector<16xi32> to vector<16x1xi32>
        %parallel_loop3A_677 = vector.shape_cast %parallel_loop3A_676 : vector<16x1xi32> to vector<16xi32>
        %parallel_loop3A_678 = tpu.dynamic_gather %parallel_loop3A_306[%parallel_loop3A_677] in [0] : vector<16xf32>, vector<16xi32> -> vector<16xf32>
        %parallel_loop3A_679 = arith.constant 16 : i32
        %parallel_loop3A_680 = arith.muli %parallel_loop3A_297, %parallel_loop3A_679 : i32
        %parallel_loop3A_681 = arith.constant 5 : i32
        %parallel_loop3A_682 = arith.addi %parallel_loop3A_680, %parallel_loop3A_681 : i32
        %parallel_loop3A_683 = arith.index_cast %parallel_loop3A_682 : i32 to index
        %parallel_loop3A_684 = arith.constant 0 : index
        %parallel_loop3A_685 = tpu.vector_load %arg11[%parallel_loop3A_683, %parallel_loop3A_684] {strides = array<i32>} : memref<128x128xf32, #tpu.memory_space<vmem>>, vector<16xf32>,
        %parallel_loop3A_686 = arith.mulf %parallel_loop3A_685, %parallel_loop3A_678 : vector<16xf32>
        %parallel_loop3A_687 = arith.index_cast %parallel_loop3A_682 : i32 to index
        %parallel_loop3A_688 = arith.constant 0 : index
        %parallel_loop3A_689 = tpu.vector_load %arg11[%parallel_loop3A_687, %parallel_loop3A_688] {strides = array<i32>} : memref<128x128xf32, #tpu.memory_space<vmem>>, vector<16xf32>,
        tpu.vector_store %arg11[%parallel_loop3A_687, %parallel_loop3A_688], %parallel_loop3A_686 {strides = array<i32>} : memref<128x128xf32, #tpu.memory_space<vmem>>, vector<16xf32>,
        %parallel_loop3A_690 = arith.index_cast %parallel_loop3A_682 : i32 to index
        %parallel_loop3A_691 = arith.constant 16 : index
        %parallel_loop3A_692 = tpu.vector_load %arg11[%parallel_loop3A_690, %parallel_loop3A_691] {strides = array<i32>} : memref<128x128xf32, #tpu.memory_space<vmem>>, vector<16xf32>,
        %parallel_loop3A_693 = arith.mulf %parallel_loop3A_692, %parallel_loop3A_678 : vector<16xf32>
        %parallel_loop3A_694 = arith.index_cast %parallel_loop3A_682 : i32 to index
        %parallel_loop3A_695 = arith.constant 16 : index
        %parallel_loop3A_696 = tpu.vector_load %arg11[%parallel_loop3A_694, %parallel_loop3A_695] {strides = array<i32>} : memref<128x128xf32, #tpu.memory_space<vmem>>, vector<16xf32>,
        tpu.vector_store %arg11[%parallel_loop3A_694, %parallel_loop3A_695], %parallel_loop3A_693 {strides = array<i32>} : memref<128x128xf32, #tpu.memory_space<vmem>>, vector<16xf32>,
        %parallel_loop3A_697 = arith.index_cast %parallel_loop3A_682 : i32 to index
        %parallel_loop3A_698 = arith.constant 32 : index
        %parallel_loop3A_699 = tpu.vector_load %arg11[%parallel_loop3A_697, %parallel_loop3A_698] {strides = array<i32>} : memref<128x128xf32, #tpu.memory_space<vmem>>, vector<16xf32>,
        %parallel_loop3A_700 = arith.mulf %parallel_loop3A_699, %parallel_loop3A_678 : vector<16xf32>
        %parallel_loop3A_701 = arith.index_cast %parallel_loop3A_682 : i32 to index
        %parallel_loop3A_702 = arith.constant 32 : index
        %parallel_loop3A_703 = tpu.vector_load %arg11[%parallel_loop3A_701, %parallel_loop3A_702] {strides = array<i32>} : memref<128x128xf32, #tpu.memory_space<vmem>>, vector<16xf32>,
        tpu.vector_store %arg11[%parallel_loop3A_701, %parallel_loop3A_702], %parallel_loop3A_700 {strides = array<i32>} : memref<128x128xf32, #tpu.memory_space<vmem>>, vector<16xf32>,
        %parallel_loop3A_704 = arith.index_cast %parallel_loop3A_682 : i32 to index
        %parallel_loop3A_705 = arith.constant 48 : index
        %parallel_loop3A_706 = tpu.vector_load %arg11[%parallel_loop3A_704, %parallel_loop3A_705] {strides = array<i32>} : memref<128x128xf32, #tpu.memory_space<vmem>>, vector<16xf32>,
        %parallel_loop3A_707 = arith.mulf %parallel_loop3A_706, %parallel_loop3A_678 : vector<16xf32>
        %parallel_loop3A_708 = arith.index_cast %parallel_loop3A_682 : i32 to index
        %parallel_loop3A_709 = arith.constant 48 : index
        %parallel_loop3A_710 = tpu.vector_load %arg11[%parallel_loop3A_708, %parallel_loop3A_709] {strides = array<i32>} : memref<128x128xf32, #tpu.memory_space<vmem>>, vector<16xf32>,
        tpu.vector_store %arg11[%parallel_loop3A_708, %parallel_loop3A_709], %parallel_loop3A_707 {strides = array<i32>} : memref<128x128xf32, #tpu.memory_space<vmem>>, vector<16xf32>,
        %parallel_loop3A_711 = arith.index_cast %parallel_loop3A_682 : i32 to index
        %parallel_loop3A_712 = arith.constant 64 : index
        %parallel_loop3A_713 = tpu.vector_load %arg11[%parallel_loop3A_711, %parallel_loop3A_712] {strides = array<i32>} : memref<128x128xf32, #tpu.memory_space<vmem>>, vector<16xf32>,
        %parallel_loop3A_714 = arith.mulf %parallel_loop3A_713, %parallel_loop3A_678 : vector<16xf32>
        %parallel_loop3A_715 = arith.index_cast %parallel_loop3A_682 : i32 to index
        %parallel_loop3A_716 = arith.constant 64 : index
        %parallel_loop3A_717 = tpu.vector_load %arg11[%parallel_loop3A_715, %parallel_loop3A_716] {strides = array<i32>} : memref<128x128xf32, #tpu.memory_space<vmem>>, vector<16xf32>,
        tpu.vector_store %arg11[%parallel_loop3A_715, %parallel_loop3A_716], %parallel_loop3A_714 {strides = array<i32>} : memref<128x128xf32, #tpu.memory_space<vmem>>, vector<16xf32>,
        %parallel_loop3A_718 = arith.index_cast %parallel_loop3A_682 : i32 to index
        %parallel_loop3A_719 = arith.constant 80 : index
        %parallel_loop3A_720 = tpu.vector_load %arg11[%parallel_loop3A_718, %parallel_loop3A_719] {strides = array<i32>} : memref<128x128xf32, #tpu.memory_space<vmem>>, vector<16xf32>,
        %parallel_loop3A_721 = arith.mulf %parallel_loop3A_720, %parallel_loop3A_678 : vector<16xf32>
        %parallel_loop3A_722 = arith.index_cast %parallel_loop3A_682 : i32 to index
        %parallel_loop3A_723 = arith.constant 80 : index
        %parallel_loop3A_724 = tpu.vector_load %arg11[%parallel_loop3A_722, %parallel_loop3A_723] {strides = array<i32>} : memref<128x128xf32, #tpu.memory_space<vmem>>, vector<16xf32>,
        tpu.vector_store %arg11[%parallel_loop3A_722, %parallel_loop3A_723], %parallel_loop3A_721 {strides = array<i32>} : memref<128x128xf32, #tpu.memory_space<vmem>>, vector<16xf32>,
        %parallel_loop3A_725 = arith.index_cast %parallel_loop3A_682 : i32 to index
        %parallel_loop3A_726 = arith.constant 96 : index
        %parallel_loop3A_727 = tpu.vector_load %arg11[%parallel_loop3A_725, %parallel_loop3A_726] {strides = array<i32>} : memref<128x128xf32, #tpu.memory_space<vmem>>, vector<16xf32>,
        %parallel_loop3A_728 = arith.mulf %parallel_loop3A_727, %parallel_loop3A_678 : vector<16xf32>
        %parallel_loop3A_729 = arith.index_cast %parallel_loop3A_682 : i32 to index
        %parallel_loop3A_730 = arith.constant 96 : index
        %parallel_loop3A_731 = tpu.vector_load %arg11[%parallel_loop3A_729, %parallel_loop3A_730] {strides = array<i32>} : memref<128x128xf32, #tpu.memory_space<vmem>>, vector<16xf32>,
        tpu.vector_store %arg11[%parallel_loop3A_729, %parallel_loop3A_730], %parallel_loop3A_728 {strides = array<i32>} : memref<128x128xf32, #tpu.memory_space<vmem>>, vector<16xf32>,
        %parallel_loop3A_732 = arith.index_cast %parallel_loop3A_682 : i32 to index
        %parallel_loop3A_733 = arith.constant 112 : index
        %parallel_loop3A_734 = tpu.vector_load %arg11[%parallel_loop3A_732, %parallel_loop3A_733] {strides = array<i32>} : memref<128x128xf32, #tpu.memory_space<vmem>>, vector<16xf32>,
        %parallel_loop3A_735 = arith.mulf %parallel_loop3A_734, %parallel_loop3A_678 : vector<16xf32>
        %parallel_loop3A_736 = arith.index_cast %parallel_loop3A_682 : i32 to index
        %parallel_loop3A_737 = arith.constant 112 : index
        %parallel_loop3A_738 = tpu.vector_load %arg11[%parallel_loop3A_736, %parallel_loop3A_737] {strides = array<i32>} : memref<128x128xf32, #tpu.memory_space<vmem>>, vector<16xf32>,
        tpu.vector_store %arg11[%parallel_loop3A_736, %parallel_loop3A_737], %parallel_loop3A_735 {strides = array<i32>} : memref<128x128xf32, #tpu.memory_space<vmem>>, vector<16xf32>,
        %parallel_loop3A_739 = arith.constant 6 : i32
        %parallel_loop3A_740 = vector.broadcast %parallel_loop3A_739 : i32 to vector<16xi32>
        %parallel_loop3A_741 = arith.constant 0 : i32
        %parallel_loop3A_742 = vector.broadcast %parallel_loop3A_741 : i32 to vector<16xi32>
        %parallel_loop3A_743 = arith.cmpi slt, %parallel_loop3A_740, %parallel_loop3A_742 : vector<16xi32>
        %parallel_loop3A_744 = arith.constant 16 : i32
        %parallel_loop3A_745 = vector.broadcast %parallel_loop3A_744 : i32 to vector<16xi32>
        %parallel_loop3A_746 = arith.addi %parallel_loop3A_740, %parallel_loop3A_745 : vector<16xi32>
        %parallel_loop3A_747 = arith.select %parallel_loop3A_743, %parallel_loop3A_746, %parallel_loop3A_740 : vector<16xi1>, vector<16xi32>
        %parallel_loop3A_748 = vector.shape_cast %parallel_loop3A_747 : vector<16xi32> to vector<16x1xi32>
        %parallel_loop3A_749 = vector.shape_cast %parallel_loop3A_748 : vector<16x1xi32> to vector<16xi32>
        %parallel_loop3A_750 = tpu.dynamic_gather %parallel_loop3A_306[%parallel_loop3A_749] in [0] : vector<16xf32>, vector<16xi32> -> vector<16xf32>
        %parallel_loop3A_751 = arith.constant 16 : i32
        %parallel_loop3A_752 = arith.muli %parallel_loop3A_297, %parallel_loop3A_751 : i32
        %parallel_loop3A_753 = arith.constant 6 : i32
        %parallel_loop3A_754 = arith.addi %parallel_loop3A_752, %parallel_loop3A_753 : i32
        %parallel_loop3A_755 = arith.index_cast %parallel_loop3A_754 : i32 to index
        %parallel_loop3A_756 = arith.constant 0 : index
        %parallel_loop3A_757 = tpu.vector_load %arg11[%parallel_loop3A_755, %parallel_loop3A_756] {strides = array<i32>} : memref<128x128xf32, #tpu.memory_space<vmem>>, vector<16xf32>,
        %parallel_loop3A_758 = arith.mulf %parallel_loop3A_757, %parallel_loop3A_750 : vector<16xf32>
        %parallel_loop3A_759 = arith.index_cast %parallel_loop3A_754 : i32 to index
        %parallel_loop3A_760 = arith.constant 0 : index
        %parallel_loop3A_761 = tpu.vector_load %arg11[%parallel_loop3A_759, %parallel_loop3A_760] {strides = array<i32>} : memref<128x128xf32, #tpu.memory_space<vmem>>, vector<16xf32>,
        tpu.vector_store %arg11[%parallel_loop3A_759, %parallel_loop3A_760], %parallel_loop3A_758 {strides = array<i32>} : memref<128x128xf32, #tpu.memory_space<vmem>>, vector<16xf32>,
        %parallel_loop3A_762 = arith.index_cast %parallel_loop3A_754 : i32 to index
        %parallel_loop3A_763 = arith.constant 16 : index
        %parallel_loop3A_764 = tpu.vector_load %arg11[%parallel_loop3A_762, %parallel_loop3A_763] {strides = array<i32>} : memref<128x128xf32, #tpu.memory_space<vmem>>, vector<16xf32>,
        %parallel_loop3A_765 = arith.mulf %parallel_loop3A_764, %parallel_loop3A_750 : vector<16xf32>
        %parallel_loop3A_766 = arith.index_cast %parallel_loop3A_754 : i32 to index
        %parallel_loop3A_767 = arith.constant 16 : index
        %parallel_loop3A_768 = tpu.vector_load %arg11[%parallel_loop3A_766, %parallel_loop3A_767] {strides = array<i32>} : memref<128x128xf32, #tpu.memory_space<vmem>>, vector<16xf32>,
        tpu.vector_store %arg11[%parallel_loop3A_766, %parallel_loop3A_767], %parallel_loop3A_765 {strides = array<i32>} : memref<128x128xf32, #tpu.memory_space<vmem>>, vector<16xf32>,
        %parallel_loop3A_769 = arith.index_cast %parallel_loop3A_754 : i32 to index
        %parallel_loop3A_770 = arith.constant 32 : index
        %parallel_loop3A_771 = tpu.vector_load %arg11[%parallel_loop3A_769, %parallel_loop3A_770] {strides = array<i32>} : memref<128x128xf32, #tpu.memory_space<vmem>>, vector<16xf32>,
        %parallel_loop3A_772 = arith.mulf %parallel_loop3A_771, %parallel_loop3A_750 : vector<16xf32>
        %parallel_loop3A_773 = arith.index_cast %parallel_loop3A_754 : i32 to index
        %parallel_loop3A_774 = arith.constant 32 : index
        %parallel_loop3A_775 = tpu.vector_load %arg11[%parallel_loop3A_773, %parallel_loop3A_774] {strides = array<i32>} : memref<128x128xf32, #tpu.memory_space<vmem>>, vector<16xf32>,
        tpu.vector_store %arg11[%parallel_loop3A_773, %parallel_loop3A_774], %parallel_loop3A_772 {strides = array<i32>} : memref<128x128xf32, #tpu.memory_space<vmem>>, vector<16xf32>,
        %parallel_loop3A_776 = arith.index_cast %parallel_loop3A_754 : i32 to index
        %parallel_loop3A_777 = arith.constant 48 : index
        %parallel_loop3A_778 = tpu.vector_load %arg11[%parallel_loop3A_776, %parallel_loop3A_777] {strides = array<i32>} : memref<128x128xf32, #tpu.memory_space<vmem>>, vector<16xf32>,
        %parallel_loop3A_779 = arith.mulf %parallel_loop3A_778, %parallel_loop3A_750 : vector<16xf32>
        %parallel_loop3A_780 = arith.index_cast %parallel_loop3A_754 : i32 to index
        %parallel_loop3A_781 = arith.constant 48 : index
        %parallel_loop3A_782 = tpu.vector_load %arg11[%parallel_loop3A_780, %parallel_loop3A_781] {strides = array<i32>} : memref<128x128xf32, #tpu.memory_space<vmem>>, vector<16xf32>,
        tpu.vector_store %arg11[%parallel_loop3A_780, %parallel_loop3A_781], %parallel_loop3A_779 {strides = array<i32>} : memref<128x128xf32, #tpu.memory_space<vmem>>, vector<16xf32>,
        %parallel_loop3A_783 = arith.index_cast %parallel_loop3A_754 : i32 to index
        %parallel_loop3A_784 = arith.constant 64 : index
        %parallel_loop3A_785 = tpu.vector_load %arg11[%parallel_loop3A_783, %parallel_loop3A_784] {strides = array<i32>} : memref<128x128xf32, #tpu.memory_space<vmem>>, vector<16xf32>,
        %parallel_loop3A_786 = arith.mulf %parallel_loop3A_785, %parallel_loop3A_750 : vector<16xf32>
        %parallel_loop3A_787 = arith.index_cast %parallel_loop3A_754 : i32 to index
        %parallel_loop3A_788 = arith.constant 64 : index
        %parallel_loop3A_789 = tpu.vector_load %arg11[%parallel_loop3A_787, %parallel_loop3A_788] {strides = array<i32>} : memref<128x128xf32, #tpu.memory_space<vmem>>, vector<16xf32>,
        tpu.vector_store %arg11[%parallel_loop3A_787, %parallel_loop3A_788], %parallel_loop3A_786 {strides = array<i32>} : memref<128x128xf32, #tpu.memory_space<vmem>>, vector<16xf32>,
        %parallel_loop3A_790 = arith.index_cast %parallel_loop3A_754 : i32 to index
        %parallel_loop3A_791 = arith.constant 80 : index
        %parallel_loop3A_792 = tpu.vector_load %arg11[%parallel_loop3A_790, %parallel_loop3A_791] {strides = array<i32>} : memref<128x128xf32, #tpu.memory_space<vmem>>, vector<16xf32>,
        %parallel_loop3A_793 = arith.mulf %parallel_loop3A_792, %parallel_loop3A_750 : vector<16xf32>
        %parallel_loop3A_794 = arith.index_cast %parallel_loop3A_754 : i32 to index
        %parallel_loop3A_795 = arith.constant 80 : index
        %parallel_loop3A_796 = tpu.vector_load %arg11[%parallel_loop3A_794, %parallel_loop3A_795] {strides = array<i32>} : memref<128x128xf32, #tpu.memory_space<vmem>>, vector<16xf32>,
        tpu.vector_store %arg11[%parallel_loop3A_794, %parallel_loop3A_795], %parallel_loop3A_793 {strides = array<i32>} : memref<128x128xf32, #tpu.memory_space<vmem>>, vector<16xf32>,
        %parallel_loop3A_797 = arith.index_cast %parallel_loop3A_754 : i32 to index
        %parallel_loop3A_798 = arith.constant 96 : index
        %parallel_loop3A_799 = tpu.vector_load %arg11[%parallel_loop3A_797, %parallel_loop3A_798] {strides = array<i32>} : memref<128x128xf32, #tpu.memory_space<vmem>>, vector<16xf32>,
        %parallel_loop3A_800 = arith.mulf %parallel_loop3A_799, %parallel_loop3A_750 : vector<16xf32>
        %parallel_loop3A_801 = arith.index_cast %parallel_loop3A_754 : i32 to index
        %parallel_loop3A_802 = arith.constant 96 : index
        %parallel_loop3A_803 = tpu.vector_load %arg11[%parallel_loop3A_801, %parallel_loop3A_802] {strides = array<i32>} : memref<128x128xf32, #tpu.memory_space<vmem>>, vector<16xf32>,
        tpu.vector_store %arg11[%parallel_loop3A_801, %parallel_loop3A_802], %parallel_loop3A_800 {strides = array<i32>} : memref<128x128xf32, #tpu.memory_space<vmem>>, vector<16xf32>,
        %parallel_loop3A_804 = arith.index_cast %parallel_loop3A_754 : i32 to index
        %parallel_loop3A_805 = arith.constant 112 : index
        %parallel_loop3A_806 = tpu.vector_load %arg11[%parallel_loop3A_804, %parallel_loop3A_805] {strides = array<i32>} : memref<128x128xf32, #tpu.memory_space<vmem>>, vector<16xf32>,
        %parallel_loop3A_807 = arith.mulf %parallel_loop3A_806, %parallel_loop3A_750 : vector<16xf32>
        %parallel_loop3A_808 = arith.index_cast %parallel_loop3A_754 : i32 to index
        %parallel_loop3A_809 = arith.constant 112 : index
        %parallel_loop3A_810 = tpu.vector_load %arg11[%parallel_loop3A_808, %parallel_loop3A_809] {strides = array<i32>} : memref<128x128xf32, #tpu.memory_space<vmem>>, vector<16xf32>,
        tpu.vector_store %arg11[%parallel_loop3A_808, %parallel_loop3A_809], %parallel_loop3A_807 {strides = array<i32>} : memref<128x128xf32, #tpu.memory_space<vmem>>, vector<16xf32>,
        %parallel_loop3A_811 = arith.constant 7 : i32
        %parallel_loop3A_812 = vector.broadcast %parallel_loop3A_811 : i32 to vector<16xi32>
        %parallel_loop3A_813 = arith.constant 0 : i32
        %parallel_loop3A_814 = vector.broadcast %parallel_loop3A_813 : i32 to vector<16xi32>
        %parallel_loop3A_815 = arith.cmpi slt, %parallel_loop3A_812, %parallel_loop3A_814 : vector<16xi32>
        %parallel_loop3A_816 = arith.constant 16 : i32
        %parallel_loop3A_817 = vector.broadcast %parallel_loop3A_816 : i32 to vector<16xi32>
        %parallel_loop3A_818 = arith.addi %parallel_loop3A_812, %parallel_loop3A_817 : vector<16xi32>
        %parallel_loop3A_819 = arith.select %parallel_loop3A_815, %parallel_loop3A_818, %parallel_loop3A_812 : vector<16xi1>, vector<16xi32>
        %parallel_loop3A_820 = vector.shape_cast %parallel_loop3A_819 : vector<16xi32> to vector<16x1xi32>
        %parallel_loop3A_821 = vector.shape_cast %parallel_loop3A_820 : vector<16x1xi32> to vector<16xi32>
        %parallel_loop3A_822 = tpu.dynamic_gather %parallel_loop3A_306[%parallel_loop3A_821] in [0] : vector<16xf32>, vector<16xi32> -> vector<16xf32>
        %parallel_loop3A_823 = arith.constant 16 : i32
        %parallel_loop3A_824 = arith.muli %parallel_loop3A_297, %parallel_loop3A_823 : i32
        %parallel_loop3A_825 = arith.constant 7 : i32
        %parallel_loop3A_826 = arith.addi %parallel_loop3A_824, %parallel_loop3A_825 : i32
        %parallel_loop3A_827 = arith.index_cast %parallel_loop3A_826 : i32 to index
        %parallel_loop3A_828 = arith.constant 0 : index
        %parallel_loop3A_829 = tpu.vector_load %arg11[%parallel_loop3A_827, %parallel_loop3A_828] {strides = array<i32>} : memref<128x128xf32, #tpu.memory_space<vmem>>, vector<16xf32>,
        %parallel_loop3A_830 = arith.mulf %parallel_loop3A_829, %parallel_loop3A_822 : vector<16xf32>
        %parallel_loop3A_831 = arith.index_cast %parallel_loop3A_826 : i32 to index
        %parallel_loop3A_832 = arith.constant 0 : index
        %parallel_loop3A_833 = tpu.vector_load %arg11[%parallel_loop3A_831, %parallel_loop3A_832] {strides = array<i32>} : memref<128x128xf32, #tpu.memory_space<vmem>>, vector<16xf32>,
        tpu.vector_store %arg11[%parallel_loop3A_831, %parallel_loop3A_832], %parallel_loop3A_830 {strides = array<i32>} : memref<128x128xf32, #tpu.memory_space<vmem>>, vector<16xf32>,
        %parallel_loop3A_834 = arith.index_cast %parallel_loop3A_826 : i32 to index
        %parallel_loop3A_835 = arith.constant 16 : index
        %parallel_loop3A_836 = tpu.vector_load %arg11[%parallel_loop3A_834, %parallel_loop3A_835] {strides = array<i32>} : memref<128x128xf32, #tpu.memory_space<vmem>>, vector<16xf32>,
        %parallel_loop3A_837 = arith.mulf %parallel_loop3A_836, %parallel_loop3A_822 : vector<16xf32>
        %parallel_loop3A_838 = arith.index_cast %parallel_loop3A_826 : i32 to index
        %parallel_loop3A_839 = arith.constant 16 : index
        %parallel_loop3A_840 = tpu.vector_load %arg11[%parallel_loop3A_838, %parallel_loop3A_839] {strides = array<i32>} : memref<128x128xf32, #tpu.memory_space<vmem>>, vector<16xf32>,
        tpu.vector_store %arg11[%parallel_loop3A_838, %parallel_loop3A_839], %parallel_loop3A_837 {strides = array<i32>} : memref<128x128xf32, #tpu.memory_space<vmem>>, vector<16xf32>,
        %parallel_loop3A_841 = arith.index_cast %parallel_loop3A_826 : i32 to index
        %parallel_loop3A_842 = arith.constant 32 : index
        %parallel_loop3A_843 = tpu.vector_load %arg11[%parallel_loop3A_841, %parallel_loop3A_842] {strides = array<i32>} : memref<128x128xf32, #tpu.memory_space<vmem>>, vector<16xf32>,
        %parallel_loop3A_844 = arith.mulf %parallel_loop3A_843, %parallel_loop3A_822 : vector<16xf32>
        %parallel_loop3A_845 = arith.index_cast %parallel_loop3A_826 : i32 to index
        %parallel_loop3A_846 = arith.constant 32 : index
        %parallel_loop3A_847 = tpu.vector_load %arg11[%parallel_loop3A_845, %parallel_loop3A_846] {strides = array<i32>} : memref<128x128xf32, #tpu.memory_space<vmem>>, vector<16xf32>,
        tpu.vector_store %arg11[%parallel_loop3A_845, %parallel_loop3A_846], %parallel_loop3A_844 {strides = array<i32>} : memref<128x128xf32, #tpu.memory_space<vmem>>, vector<16xf32>,
        %parallel_loop3A_848 = arith.index_cast %parallel_loop3A_826 : i32 to index
        %parallel_loop3A_849 = arith.constant 48 : index
        %parallel_loop3A_850 = tpu.vector_load %arg11[%parallel_loop3A_848, %parallel_loop3A_849] {strides = array<i32>} : memref<128x128xf32, #tpu.memory_space<vmem>>, vector<16xf32>,
        %parallel_loop3A_851 = arith.mulf %parallel_loop3A_850, %parallel_loop3A_822 : vector<16xf32>
        %parallel_loop3A_852 = arith.index_cast %parallel_loop3A_826 : i32 to index
        %parallel_loop3A_853 = arith.constant 48 : index
        %parallel_loop3A_854 = tpu.vector_load %arg11[%parallel_loop3A_852, %parallel_loop3A_853] {strides = array<i32>} : memref<128x128xf32, #tpu.memory_space<vmem>>, vector<16xf32>,
        tpu.vector_store %arg11[%parallel_loop3A_852, %parallel_loop3A_853], %parallel_loop3A_851 {strides = array<i32>} : memref<128x128xf32, #tpu.memory_space<vmem>>, vector<16xf32>,
        %parallel_loop3A_855 = arith.index_cast %parallel_loop3A_826 : i32 to index
        %parallel_loop3A_856 = arith.constant 64 : index
        %parallel_loop3A_857 = tpu.vector_load %arg11[%parallel_loop3A_855, %parallel_loop3A_856] {strides = array<i32>} : memref<128x128xf32, #tpu.memory_space<vmem>>, vector<16xf32>,
        %parallel_loop3A_858 = arith.mulf %parallel_loop3A_857, %parallel_loop3A_822 : vector<16xf32>
        %parallel_loop3A_859 = arith.index_cast %parallel_loop3A_826 : i32 to index
        %parallel_loop3A_860 = arith.constant 64 : index
        %parallel_loop3A_861 = tpu.vector_load %arg11[%parallel_loop3A_859, %parallel_loop3A_860] {strides = array<i32>} : memref<128x128xf32, #tpu.memory_space<vmem>>, vector<16xf32>,
        tpu.vector_store %arg11[%parallel_loop3A_859, %parallel_loop3A_860], %parallel_loop3A_858 {strides = array<i32>} : memref<128x128xf32, #tpu.memory_space<vmem>>, vector<16xf32>,
        %parallel_loop3A_862 = arith.index_cast %parallel_loop3A_826 : i32 to index
        %parallel_loop3A_863 = arith.constant 80 : index
        %parallel_loop3A_864 = tpu.vector_load %arg11[%parallel_loop3A_862, %parallel_loop3A_863] {strides = array<i32>} : memref<128x128xf32, #tpu.memory_space<vmem>>, vector<16xf32>,
        %parallel_loop3A_865 = arith.mulf %parallel_loop3A_864, %parallel_loop3A_822 : vector<16xf32>
        %parallel_loop3A_866 = arith.index_cast %parallel_loop3A_826 : i32 to index
        %parallel_loop3A_867 = arith.constant 80 : index
        %parallel_loop3A_868 = tpu.vector_load %arg11[%parallel_loop3A_866, %parallel_loop3A_867] {strides = array<i32>} : memref<128x128xf32, #tpu.memory_space<vmem>>, vector<16xf32>,
        tpu.vector_store %arg11[%parallel_loop3A_866, %parallel_loop3A_867], %parallel_loop3A_865 {strides = array<i32>} : memref<128x128xf32, #tpu.memory_space<vmem>>, vector<16xf32>,
        %parallel_loop3A_869 = arith.index_cast %parallel_loop3A_826 : i32 to index
        %parallel_loop3A_870 = arith.constant 96 : index
        %parallel_loop3A_871 = tpu.vector_load %arg11[%parallel_loop3A_869, %parallel_loop3A_870] {strides = array<i32>} : memref<128x128xf32, #tpu.memory_space<vmem>>, vector<16xf32>,
        %parallel_loop3A_872 = arith.mulf %parallel_loop3A_871, %parallel_loop3A_822 : vector<16xf32>
        %parallel_loop3A_873 = arith.index_cast %parallel_loop3A_826 : i32 to index
        %parallel_loop3A_874 = arith.constant 96 : index
        %parallel_loop3A_875 = tpu.vector_load %arg11[%parallel_loop3A_873, %parallel_loop3A_874] {strides = array<i32>} : memref<128x128xf32, #tpu.memory_space<vmem>>, vector<16xf32>,
        tpu.vector_store %arg11[%parallel_loop3A_873, %parallel_loop3A_874], %parallel_loop3A_872 {strides = array<i32>} : memref<128x128xf32, #tpu.memory_space<vmem>>, vector<16xf32>,
        %parallel_loop3A_876 = arith.index_cast %parallel_loop3A_826 : i32 to index
        %parallel_loop3A_877 = arith.constant 112 : index
        %parallel_loop3A_878 = tpu.vector_load %arg11[%parallel_loop3A_876, %parallel_loop3A_877] {strides = array<i32>} : memref<128x128xf32, #tpu.memory_space<vmem>>, vector<16xf32>,
        %parallel_loop3A_879 = arith.mulf %parallel_loop3A_878, %parallel_loop3A_822 : vector<16xf32>
        %parallel_loop3A_880 = arith.index_cast %parallel_loop3A_826 : i32 to index
        %parallel_loop3A_881 = arith.constant 112 : index
        %parallel_loop3A_882 = tpu.vector_load %arg11[%parallel_loop3A_880, %parallel_loop3A_881] {strides = array<i32>} : memref<128x128xf32, #tpu.memory_space<vmem>>, vector<16xf32>,
        tpu.vector_store %arg11[%parallel_loop3A_880, %parallel_loop3A_881], %parallel_loop3A_879 {strides = array<i32>} : memref<128x128xf32, #tpu.memory_space<vmem>>, vector<16xf32>,
        %parallel_loop3A_883 = arith.constant 8 : i32
        %parallel_loop3A_884 = vector.broadcast %parallel_loop3A_883 : i32 to vector<16xi32>
        %parallel_loop3A_885 = arith.constant 0 : i32
        %parallel_loop3A_886 = vector.broadcast %parallel_loop3A_885 : i32 to vector<16xi32>
        %parallel_loop3A_887 = arith.cmpi slt, %parallel_loop3A_884, %parallel_loop3A_886 : vector<16xi32>
        %parallel_loop3A_888 = arith.constant 16 : i32
        %parallel_loop3A_889 = vector.broadcast %parallel_loop3A_888 : i32 to vector<16xi32>
        %parallel_loop3A_890 = arith.addi %parallel_loop3A_884, %parallel_loop3A_889 : vector<16xi32>
        %parallel_loop3A_891 = arith.select %parallel_loop3A_887, %parallel_loop3A_890, %parallel_loop3A_884 : vector<16xi1>, vector<16xi32>
        %parallel_loop3A_892 = vector.shape_cast %parallel_loop3A_891 : vector<16xi32> to vector<16x1xi32>
        %parallel_loop3A_893 = vector.shape_cast %parallel_loop3A_892 : vector<16x1xi32> to vector<16xi32>
        %parallel_loop3A_894 = tpu.dynamic_gather %parallel_loop3A_306[%parallel_loop3A_893] in [0] : vector<16xf32>, vector<16xi32> -> vector<16xf32>
        %parallel_loop3A_895 = arith.constant 16 : i32
        %parallel_loop3A_896 = arith.muli %parallel_loop3A_297, %parallel_loop3A_895 : i32
        %parallel_loop3A_897 = arith.constant 8 : i32
        %parallel_loop3A_898 = arith.addi %parallel_loop3A_896, %parallel_loop3A_897 : i32
        %parallel_loop3A_899 = arith.index_cast %parallel_loop3A_898 : i32 to index
        %parallel_loop3A_900 = arith.constant 0 : index
        %parallel_loop3A_901 = tpu.vector_load %arg11[%parallel_loop3A_899, %parallel_loop3A_900] {strides = array<i32>} : memref<128x128xf32, #tpu.memory_space<vmem>>, vector<16xf32>,
        %parallel_loop3A_902 = arith.mulf %parallel_loop3A_901, %parallel_loop3A_894 : vector<16xf32>
        %parallel_loop3A_903 = arith.index_cast %parallel_loop3A_898 : i32 to index
        %parallel_loop3A_904 = arith.constant 0 : index
        %parallel_loop3A_905 = tpu.vector_load %arg11[%parallel_loop3A_903, %parallel_loop3A_904] {strides = array<i32>} : memref<128x128xf32, #tpu.memory_space<vmem>>, vector<16xf32>,
        tpu.vector_store %arg11[%parallel_loop3A_903, %parallel_loop3A_904], %parallel_loop3A_902 {strides = array<i32>} : memref<128x128xf32, #tpu.memory_space<vmem>>, vector<16xf32>,
        %parallel_loop3A_906 = arith.index_cast %parallel_loop3A_898 : i32 to index
        %parallel_loop3A_907 = arith.constant 16 : index
        %parallel_loop3A_908 = tpu.vector_load %arg11[%parallel_loop3A_906, %parallel_loop3A_907] {strides = array<i32>} : memref<128x128xf32, #tpu.memory_space<vmem>>, vector<16xf32>,
        %parallel_loop3A_909 = arith.mulf %parallel_loop3A_908, %parallel_loop3A_894 : vector<16xf32>
        %parallel_loop3A_910 = arith.index_cast %parallel_loop3A_898 : i32 to index
        %parallel_loop3A_911 = arith.constant 16 : index
        %parallel_loop3A_912 = tpu.vector_load %arg11[%parallel_loop3A_910, %parallel_loop3A_911] {strides = array<i32>} : memref<128x128xf32, #tpu.memory_space<vmem>>, vector<16xf32>,
        tpu.vector_store %arg11[%parallel_loop3A_910, %parallel_loop3A_911], %parallel_loop3A_909 {strides = array<i32>} : memref<128x128xf32, #tpu.memory_space<vmem>>, vector<16xf32>,
        %parallel_loop3A_913 = arith.index_cast %parallel_loop3A_898 : i32 to index
        %parallel_loop3A_914 = arith.constant 32 : index
        %parallel_loop3A_915 = tpu.vector_load %arg11[%parallel_loop3A_913, %parallel_loop3A_914] {strides = array<i32>} : memref<128x128xf32, #tpu.memory_space<vmem>>, vector<16xf32>,
        %parallel_loop3A_916 = arith.mulf %parallel_loop3A_915, %parallel_loop3A_894 : vector<16xf32>
        %parallel_loop3A_917 = arith.index_cast %parallel_loop3A_898 : i32 to index
        %parallel_loop3A_918 = arith.constant 32 : index
        %parallel_loop3A_919 = tpu.vector_load %arg11[%parallel_loop3A_917, %parallel_loop3A_918] {strides = array<i32>} : memref<128x128xf32, #tpu.memory_space<vmem>>, vector<16xf32>,
        tpu.vector_store %arg11[%parallel_loop3A_917, %parallel_loop3A_918], %parallel_loop3A_916 {strides = array<i32>} : memref<128x128xf32, #tpu.memory_space<vmem>>, vector<16xf32>,
        %parallel_loop3A_920 = arith.index_cast %parallel_loop3A_898 : i32 to index
        %parallel_loop3A_921 = arith.constant 48 : index
        %parallel_loop3A_922 = tpu.vector_load %arg11[%parallel_loop3A_920, %parallel_loop3A_921] {strides = array<i32>} : memref<128x128xf32, #tpu.memory_space<vmem>>, vector<16xf32>,
        %parallel_loop3A_923 = arith.mulf %parallel_loop3A_922, %parallel_loop3A_894 : vector<16xf32>
        %parallel_loop3A_924 = arith.index_cast %parallel_loop3A_898 : i32 to index
        %parallel_loop3A_925 = arith.constant 48 : index
        %parallel_loop3A_926 = tpu.vector_load %arg11[%parallel_loop3A_924, %parallel_loop3A_925] {strides = array<i32>} : memref<128x128xf32, #tpu.memory_space<vmem>>, vector<16xf32>,
        tpu.vector_store %arg11[%parallel_loop3A_924, %parallel_loop3A_925], %parallel_loop3A_923 {strides = array<i32>} : memref<128x128xf32, #tpu.memory_space<vmem>>, vector<16xf32>,
        %parallel_loop3A_927 = arith.index_cast %parallel_loop3A_898 : i32 to index
        %parallel_loop3A_928 = arith.constant 64 : index
        %parallel_loop3A_929 = tpu.vector_load %arg11[%parallel_loop3A_927, %parallel_loop3A_928] {strides = array<i32>} : memref<128x128xf32, #tpu.memory_space<vmem>>, vector<16xf32>,
        %parallel_loop3A_930 = arith.mulf %parallel_loop3A_929, %parallel_loop3A_894 : vector<16xf32>
        %parallel_loop3A_931 = arith.index_cast %parallel_loop3A_898 : i32 to index
        %parallel_loop3A_932 = arith.constant 64 : index
        %parallel_loop3A_933 = tpu.vector_load %arg11[%parallel_loop3A_931, %parallel_loop3A_932] {strides = array<i32>} : memref<128x128xf32, #tpu.memory_space<vmem>>, vector<16xf32>,
        tpu.vector_store %arg11[%parallel_loop3A_931, %parallel_loop3A_932], %parallel_loop3A_930 {strides = array<i32>} : memref<128x128xf32, #tpu.memory_space<vmem>>, vector<16xf32>,
        %parallel_loop3A_934 = arith.index_cast %parallel_loop3A_898 : i32 to index
        %parallel_loop3A_935 = arith.constant 80 : index
        %parallel_loop3A_936 = tpu.vector_load %arg11[%parallel_loop3A_934, %parallel_loop3A_935] {strides = array<i32>} : memref<128x128xf32, #tpu.memory_space<vmem>>, vector<16xf32>,
        %parallel_loop3A_937 = arith.mulf %parallel_loop3A_936, %parallel_loop3A_894 : vector<16xf32>
        %parallel_loop3A_938 = arith.index_cast %parallel_loop3A_898 : i32 to index
        %parallel_loop3A_939 = arith.constant 80 : index
        %parallel_loop3A_940 = tpu.vector_load %arg11[%parallel_loop3A_938, %parallel_loop3A_939] {strides = array<i32>} : memref<128x128xf32, #tpu.memory_space<vmem>>, vector<16xf32>,
        tpu.vector_store %arg11[%parallel_loop3A_938, %parallel_loop3A_939], %parallel_loop3A_937 {strides = array<i32>} : memref<128x128xf32, #tpu.memory_space<vmem>>, vector<16xf32>,
        %parallel_loop3A_941 = arith.index_cast %parallel_loop3A_898 : i32 to index
        %parallel_loop3A_942 = arith.constant 96 : index
        %parallel_loop3A_943 = tpu.vector_load %arg11[%parallel_loop3A_941, %parallel_loop3A_942] {strides = array<i32>} : memref<128x128xf32, #tpu.memory_space<vmem>>, vector<16xf32>,
        %parallel_loop3A_944 = arith.mulf %parallel_loop3A_943, %parallel_loop3A_894 : vector<16xf32>
        %parallel_loop3A_945 = arith.index_cast %parallel_loop3A_898 : i32 to index
        %parallel_loop3A_946 = arith.constant 96 : index
        %parallel_loop3A_947 = tpu.vector_load %arg11[%parallel_loop3A_945, %parallel_loop3A_946] {strides = array<i32>} : memref<128x128xf32, #tpu.memory_space<vmem>>, vector<16xf32>,
        tpu.vector_store %arg11[%parallel_loop3A_945, %parallel_loop3A_946], %parallel_loop3A_944 {strides = array<i32>} : memref<128x128xf32, #tpu.memory_space<vmem>>, vector<16xf32>,
        %parallel_loop3A_948 = arith.index_cast %parallel_loop3A_898 : i32 to index
        %parallel_loop3A_949 = arith.constant 112 : index
        %parallel_loop3A_950 = tpu.vector_load %arg11[%parallel_loop3A_948, %parallel_loop3A_949] {strides = array<i32>} : memref<128x128xf32, #tpu.memory_space<vmem>>, vector<16xf32>,
        %parallel_loop3A_951 = arith.mulf %parallel_loop3A_950, %parallel_loop3A_894 : vector<16xf32>
        %parallel_loop3A_952 = arith.index_cast %parallel_loop3A_898 : i32 to index
        %parallel_loop3A_953 = arith.constant 112 : index
        %parallel_loop3A_954 = tpu.vector_load %arg11[%parallel_loop3A_952, %parallel_loop3A_953] {strides = array<i32>} : memref<128x128xf32, #tpu.memory_space<vmem>>, vector<16xf32>,
        tpu.vector_store %arg11[%parallel_loop3A_952, %parallel_loop3A_953], %parallel_loop3A_951 {strides = array<i32>} : memref<128x128xf32, #tpu.memory_space<vmem>>, vector<16xf32>,
        %parallel_loop3A_955 = arith.constant 9 : i32
        %parallel_loop3A_956 = vector.broadcast %parallel_loop3A_955 : i32 to vector<16xi32>
        %parallel_loop3A_957 = arith.constant 0 : i32
        %parallel_loop3A_958 = vector.broadcast %parallel_loop3A_957 : i32 to vector<16xi32>
        %parallel_loop3A_959 = arith.cmpi slt, %parallel_loop3A_956, %parallel_loop3A_958 : vector<16xi32>
        %parallel_loop3A_960 = arith.constant 16 : i32
        %parallel_loop3A_961 = vector.broadcast %parallel_loop3A_960 : i32 to vector<16xi32>
        %parallel_loop3A_962 = arith.addi %parallel_loop3A_956, %parallel_loop3A_961 : vector<16xi32>
        %parallel_loop3A_963 = arith.select %parallel_loop3A_959, %parallel_loop3A_962, %parallel_loop3A_956 : vector<16xi1>, vector<16xi32>
        %parallel_loop3A_964 = vector.shape_cast %parallel_loop3A_963 : vector<16xi32> to vector<16x1xi32>
        %parallel_loop3A_965 = vector.shape_cast %parallel_loop3A_964 : vector<16x1xi32> to vector<16xi32>
        %parallel_loop3A_966 = tpu.dynamic_gather %parallel_loop3A_306[%parallel_loop3A_965] in [0] : vector<16xf32>, vector<16xi32> -> vector<16xf32>
        %parallel_loop3A_967 = arith.constant 16 : i32
        %parallel_loop3A_968 = arith.muli %parallel_loop3A_297, %parallel_loop3A_967 : i32
        %parallel_loop3A_969 = arith.constant 9 : i32
        %parallel_loop3A_970 = arith.addi %parallel_loop3A_968, %parallel_loop3A_969 : i32
        %parallel_loop3A_971 = arith.index_cast %parallel_loop3A_970 : i32 to index
        %parallel_loop3A_972 = arith.constant 0 : index
        %parallel_loop3A_973 = tpu.vector_load %arg11[%parallel_loop3A_971, %parallel_loop3A_972] {strides = array<i32>} : memref<128x128xf32, #tpu.memory_space<vmem>>, vector<16xf32>,
        %parallel_loop3A_974 = arith.mulf %parallel_loop3A_973, %parallel_loop3A_966 : vector<16xf32>
        %parallel_loop3A_975 = arith.index_cast %parallel_loop3A_970 : i32 to index
        %parallel_loop3A_976 = arith.constant 0 : index
        %parallel_loop3A_977 = tpu.vector_load %arg11[%parallel_loop3A_975, %parallel_loop3A_976] {strides = array<i32>} : memref<128x128xf32, #tpu.memory_space<vmem>>, vector<16xf32>,
        tpu.vector_store %arg11[%parallel_loop3A_975, %parallel_loop3A_976], %parallel_loop3A_974 {strides = array<i32>} : memref<128x128xf32, #tpu.memory_space<vmem>>, vector<16xf32>,
        %parallel_loop3A_978 = arith.index_cast %parallel_loop3A_970 : i32 to index
        %parallel_loop3A_979 = arith.constant 16 : index
        %parallel_loop3A_980 = tpu.vector_load %arg11[%parallel_loop3A_978, %parallel_loop3A_979] {strides = array<i32>} : memref<128x128xf32, #tpu.memory_space<vmem>>, vector<16xf32>,
        %parallel_loop3A_981 = arith.mulf %parallel_loop3A_980, %parallel_loop3A_966 : vector<16xf32>
        %parallel_loop3A_982 = arith.index_cast %parallel_loop3A_970 : i32 to index
        %parallel_loop3A_983 = arith.constant 16 : index
        %parallel_loop3A_984 = tpu.vector_load %arg11[%parallel_loop3A_982, %parallel_loop3A_983] {strides = array<i32>} : memref<128x128xf32, #tpu.memory_space<vmem>>, vector<16xf32>,
        tpu.vector_store %arg11[%parallel_loop3A_982, %parallel_loop3A_983], %parallel_loop3A_981 {strides = array<i32>} : memref<128x128xf32, #tpu.memory_space<vmem>>, vector<16xf32>,
        %parallel_loop3A_985 = arith.index_cast %parallel_loop3A_970 : i32 to index
        %parallel_loop3A_986 = arith.constant 32 : index
        %parallel_loop3A_987 = tpu.vector_load %arg11[%parallel_loop3A_985, %parallel_loop3A_986] {strides = array<i32>} : memref<128x128xf32, #tpu.memory_space<vmem>>, vector<16xf32>,
        %parallel_loop3A_988 = arith.mulf %parallel_loop3A_987, %parallel_loop3A_966 : vector<16xf32>
        %parallel_loop3A_989 = arith.index_cast %parallel_loop3A_970 : i32 to index
        %parallel_loop3A_990 = arith.constant 32 : index
        %parallel_loop3A_991 = tpu.vector_load %arg11[%parallel_loop3A_989, %parallel_loop3A_990] {strides = array<i32>} : memref<128x128xf32, #tpu.memory_space<vmem>>, vector<16xf32>,
        tpu.vector_store %arg11[%parallel_loop3A_989, %parallel_loop3A_990], %parallel_loop3A_988 {strides = array<i32>} : memref<128x128xf32, #tpu.memory_space<vmem>>, vector<16xf32>,
        %parallel_loop3A_992 = arith.index_cast %parallel_loop3A_970 : i32 to index
        %parallel_loop3A_993 = arith.constant 48 : index
        %parallel_loop3A_994 = tpu.vector_load %arg11[%parallel_loop3A_992, %parallel_loop3A_993] {strides = array<i32>} : memref<128x128xf32, #tpu.memory_space<vmem>>, vector<16xf32>,
        %parallel_loop3A_995 = arith.mulf %parallel_loop3A_994, %parallel_loop3A_966 : vector<16xf32>
        %parallel_loop3A_996 = arith.index_cast %parallel_loop3A_970 : i32 to index
        %parallel_loop3A_997 = arith.constant 48 : index
        %parallel_loop3A_998 = tpu.vector_load %arg11[%parallel_loop3A_996, %parallel_loop3A_997] {strides = array<i32>} : memref<128x128xf32, #tpu.memory_space<vmem>>, vector<16xf32>,
        tpu.vector_store %arg11[%parallel_loop3A_996, %parallel_loop3A_997], %parallel_loop3A_995 {strides = array<i32>} : memref<128x128xf32, #tpu.memory_space<vmem>>, vector<16xf32>,
        %parallel_loop3A_999 = arith.index_cast %parallel_loop3A_970 : i32 to index
        %parallel_loop3A_1000 = arith.constant 64 : index
        %parallel_loop3A_1001 = tpu.vector_load %arg11[%parallel_loop3A_999, %parallel_loop3A_1000] {strides = array<i32>} : memref<128x128xf32, #tpu.memory_space<vmem>>, vector<16xf32>,
        %parallel_loop3A_1002 = arith.mulf %parallel_loop3A_1001, %parallel_loop3A_966 : vector<16xf32>
        %parallel_loop3A_1003 = arith.index_cast %parallel_loop3A_970 : i32 to index
        %parallel_loop3A_1004 = arith.constant 64 : index
        %parallel_loop3A_1005 = tpu.vector_load %arg11[%parallel_loop3A_1003, %parallel_loop3A_1004] {strides = array<i32>} : memref<128x128xf32, #tpu.memory_space<vmem>>, vector<16xf32>,
        tpu.vector_store %arg11[%parallel_loop3A_1003, %parallel_loop3A_1004], %parallel_loop3A_1002 {strides = array<i32>} : memref<128x128xf32, #tpu.memory_space<vmem>>, vector<16xf32>,
        %parallel_loop3A_1006 = arith.index_cast %parallel_loop3A_970 : i32 to index
        %parallel_loop3A_1007 = arith.constant 80 : index
        %parallel_loop3A_1008 = tpu.vector_load %arg11[%parallel_loop3A_1006, %parallel_loop3A_1007] {strides = array<i32>} : memref<128x128xf32, #tpu.memory_space<vmem>>, vector<16xf32>,
        %parallel_loop3A_1009 = arith.mulf %parallel_loop3A_1008, %parallel_loop3A_966 : vector<16xf32>
        %parallel_loop3A_1010 = arith.index_cast %parallel_loop3A_970 : i32 to index
        %parallel_loop3A_1011 = arith.constant 80 : index
        %parallel_loop3A_1012 = tpu.vector_load %arg11[%parallel_loop3A_1010, %parallel_loop3A_1011] {strides = array<i32>} : memref<128x128xf32, #tpu.memory_space<vmem>>, vector<16xf32>,
        tpu.vector_store %arg11[%parallel_loop3A_1010, %parallel_loop3A_1011], %parallel_loop3A_1009 {strides = array<i32>} : memref<128x128xf32, #tpu.memory_space<vmem>>, vector<16xf32>,
        %parallel_loop3A_1013 = arith.index_cast %parallel_loop3A_970 : i32 to index
        %parallel_loop3A_1014 = arith.constant 96 : index
        %parallel_loop3A_1015 = tpu.vector_load %arg11[%parallel_loop3A_1013, %parallel_loop3A_1014] {strides = array<i32>} : memref<128x128xf32, #tpu.memory_space<vmem>>, vector<16xf32>,
        %parallel_loop3A_1016 = arith.mulf %parallel_loop3A_1015, %parallel_loop3A_966 : vector<16xf32>
        %parallel_loop3A_1017 = arith.index_cast %parallel_loop3A_970 : i32 to index
        %parallel_loop3A_1018 = arith.constant 96 : index
        %parallel_loop3A_1019 = tpu.vector_load %arg11[%parallel_loop3A_1017, %parallel_loop3A_1018] {strides = array<i32>} : memref<128x128xf32, #tpu.memory_space<vmem>>, vector<16xf32>,
        tpu.vector_store %arg11[%parallel_loop3A_1017, %parallel_loop3A_1018], %parallel_loop3A_1016 {strides = array<i32>} : memref<128x128xf32, #tpu.memory_space<vmem>>, vector<16xf32>,
        %parallel_loop3A_1020 = arith.index_cast %parallel_loop3A_970 : i32 to index
        %parallel_loop3A_1021 = arith.constant 112 : index
        %parallel_loop3A_1022 = tpu.vector_load %arg11[%parallel_loop3A_1020, %parallel_loop3A_1021] {strides = array<i32>} : memref<128x128xf32, #tpu.memory_space<vmem>>, vector<16xf32>,
        %parallel_loop3A_1023 = arith.mulf %parallel_loop3A_1022, %parallel_loop3A_966 : vector<16xf32>
        %parallel_loop3A_1024 = arith.index_cast %parallel_loop3A_970 : i32 to index
        %parallel_loop3A_1025 = arith.constant 112 : index
        %parallel_loop3A_1026 = tpu.vector_load %arg11[%parallel_loop3A_1024, %parallel_loop3A_1025] {strides = array<i32>} : memref<128x128xf32, #tpu.memory_space<vmem>>, vector<16xf32>,
        tpu.vector_store %arg11[%parallel_loop3A_1024, %parallel_loop3A_1025], %parallel_loop3A_1023 {strides = array<i32>} : memref<128x128xf32, #tpu.memory_space<vmem>>, vector<16xf32>,
        %parallel_loop3A_1027 = arith.constant 10 : i32
        %parallel_loop3A_1028 = vector.broadcast %parallel_loop3A_1027 : i32 to vector<16xi32>
        %parallel_loop3A_1029 = arith.constant 0 : i32
        %parallel_loop3A_1030 = vector.broadcast %parallel_loop3A_1029 : i32 to vector<16xi32>
        %parallel_loop3A_1031 = arith.cmpi slt, %parallel_loop3A_1028, %parallel_loop3A_1030 : vector<16xi32>
        %parallel_loop3A_1032 = arith.constant 16 : i32
        %parallel_loop3A_1033 = vector.broadcast %parallel_loop3A_1032 : i32 to vector<16xi32>
        %parallel_loop3A_1034 = arith.addi %parallel_loop3A_1028, %parallel_loop3A_1033 : vector<16xi32>
        %parallel_loop3A_1035 = arith.select %parallel_loop3A_1031, %parallel_loop3A_1034, %parallel_loop3A_1028 : vector<16xi1>, vector<16xi32>
        %parallel_loop3A_1036 = vector.shape_cast %parallel_loop3A_1035 : vector<16xi32> to vector<16x1xi32>
        %parallel_loop3A_1037 = vector.shape_cast %parallel_loop3A_1036 : vector<16x1xi32> to vector<16xi32>
        %parallel_loop3A_1038 = tpu.dynamic_gather %parallel_loop3A_306[%parallel_loop3A_1037] in [0] : vector<16xf32>, vector<16xi32> -> vector<16xf32>
        %parallel_loop3A_1039 = arith.constant 16 : i32
        %parallel_loop3A_1040 = arith.muli %parallel_loop3A_297, %parallel_loop3A_1039 : i32
        %parallel_loop3A_1041 = arith.constant 10 : i32
        %parallel_loop3A_1042 = arith.addi %parallel_loop3A_1040, %parallel_loop3A_1041 : i32
        %parallel_loop3A_1043 = arith.index_cast %parallel_loop3A_1042 : i32 to index
        %parallel_loop3A_1044 = arith.constant 0 : index
        %parallel_loop3A_1045 = tpu.vector_load %arg11[%parallel_loop3A_1043, %parallel_loop3A_1044] {strides = array<i32>} : memref<128x128xf32, #tpu.memory_space<vmem>>, vector<16xf32>,
        %parallel_loop3A_1046 = arith.mulf %parallel_loop3A_1045, %parallel_loop3A_1038 : vector<16xf32>
        %parallel_loop3A_1047 = arith.index_cast %parallel_loop3A_1042 : i32 to index
        %parallel_loop3A_1048 = arith.constant 0 : index
        %parallel_loop3A_1049 = tpu.vector_load %arg11[%parallel_loop3A_1047, %parallel_loop3A_1048] {strides = array<i32>} : memref<128x128xf32, #tpu.memory_space<vmem>>, vector<16xf32>,
        tpu.vector_store %arg11[%parallel_loop3A_1047, %parallel_loop3A_1048], %parallel_loop3A_1046 {strides = array<i32>} : memref<128x128xf32, #tpu.memory_space<vmem>>, vector<16xf32>,
        %parallel_loop3A_1050 = arith.index_cast %parallel_loop3A_1042 : i32 to index
        %parallel_loop3A_1051 = arith.constant 16 : index
        %parallel_loop3A_1052 = tpu.vector_load %arg11[%parallel_loop3A_1050, %parallel_loop3A_1051] {strides = array<i32>} : memref<128x128xf32, #tpu.memory_space<vmem>>, vector<16xf32>,
        %parallel_loop3A_1053 = arith.mulf %parallel_loop3A_1052, %parallel_loop3A_1038 : vector<16xf32>
        %parallel_loop3A_1054 = arith.index_cast %parallel_loop3A_1042 : i32 to index
        %parallel_loop3A_1055 = arith.constant 16 : index
        %parallel_loop3A_1056 = tpu.vector_load %arg11[%parallel_loop3A_1054, %parallel_loop3A_1055] {strides = array<i32>} : memref<128x128xf32, #tpu.memory_space<vmem>>, vector<16xf32>,
        tpu.vector_store %arg11[%parallel_loop3A_1054, %parallel_loop3A_1055], %parallel_loop3A_1053 {strides = array<i32>} : memref<128x128xf32, #tpu.memory_space<vmem>>, vector<16xf32>,
        %parallel_loop3A_1057 = arith.index_cast %parallel_loop3A_1042 : i32 to index
        %parallel_loop3A_1058 = arith.constant 32 : index
        %parallel_loop3A_1059 = tpu.vector_load %arg11[%parallel_loop3A_1057, %parallel_loop3A_1058] {strides = array<i32>} : memref<128x128xf32, #tpu.memory_space<vmem>>, vector<16xf32>,
        %parallel_loop3A_1060 = arith.mulf %parallel_loop3A_1059, %parallel_loop3A_1038 : vector<16xf32>
        %parallel_loop3A_1061 = arith.index_cast %parallel_loop3A_1042 : i32 to index
        %parallel_loop3A_1062 = arith.constant 32 : index
        %parallel_loop3A_1063 = tpu.vector_load %arg11[%parallel_loop3A_1061, %parallel_loop3A_1062] {strides = array<i32>} : memref<128x128xf32, #tpu.memory_space<vmem>>, vector<16xf32>,
        tpu.vector_store %arg11[%parallel_loop3A_1061, %parallel_loop3A_1062], %parallel_loop3A_1060 {strides = array<i32>} : memref<128x128xf32, #tpu.memory_space<vmem>>, vector<16xf32>,
        %parallel_loop3A_1064 = arith.index_cast %parallel_loop3A_1042 : i32 to index
        %parallel_loop3A_1065 = arith.constant 48 : index
        %parallel_loop3A_1066 = tpu.vector_load %arg11[%parallel_loop3A_1064, %parallel_loop3A_1065] {strides = array<i32>} : memref<128x128xf32, #tpu.memory_space<vmem>>, vector<16xf32>,
        %parallel_loop3A_1067 = arith.mulf %parallel_loop3A_1066, %parallel_loop3A_1038 : vector<16xf32>
        %parallel_loop3A_1068 = arith.index_cast %parallel_loop3A_1042 : i32 to index
        %parallel_loop3A_1069 = arith.constant 48 : index
        %parallel_loop3A_1070 = tpu.vector_load %arg11[%parallel_loop3A_1068, %parallel_loop3A_1069] {strides = array<i32>} : memref<128x128xf32, #tpu.memory_space<vmem>>, vector<16xf32>,
        tpu.vector_store %arg11[%parallel_loop3A_1068, %parallel_loop3A_1069], %parallel_loop3A_1067 {strides = array<i32>} : memref<128x128xf32, #tpu.memory_space<vmem>>, vector<16xf32>,
        %parallel_loop3A_1071 = arith.index_cast %parallel_loop3A_1042 : i32 to index
        %parallel_loop3A_1072 = arith.constant 64 : index
        %parallel_loop3A_1073 = tpu.vector_load %arg11[%parallel_loop3A_1071, %parallel_loop3A_1072] {strides = array<i32>} : memref<128x128xf32, #tpu.memory_space<vmem>>, vector<16xf32>,
        %parallel_loop3A_1074 = arith.mulf %parallel_loop3A_1073, %parallel_loop3A_1038 : vector<16xf32>
        %parallel_loop3A_1075 = arith.index_cast %parallel_loop3A_1042 : i32 to index
        %parallel_loop3A_1076 = arith.constant 64 : index
        %parallel_loop3A_1077 = tpu.vector_load %arg11[%parallel_loop3A_1075, %parallel_loop3A_1076] {strides = array<i32>} : memref<128x128xf32, #tpu.memory_space<vmem>>, vector<16xf32>,
        tpu.vector_store %arg11[%parallel_loop3A_1075, %parallel_loop3A_1076], %parallel_loop3A_1074 {strides = array<i32>} : memref<128x128xf32, #tpu.memory_space<vmem>>, vector<16xf32>,
        %parallel_loop3A_1078 = arith.index_cast %parallel_loop3A_1042 : i32 to index
        %parallel_loop3A_1079 = arith.constant 80 : index
        %parallel_loop3A_1080 = tpu.vector_load %arg11[%parallel_loop3A_1078, %parallel_loop3A_1079] {strides = array<i32>} : memref<128x128xf32, #tpu.memory_space<vmem>>, vector<16xf32>,
        %parallel_loop3A_1081 = arith.mulf %parallel_loop3A_1080, %parallel_loop3A_1038 : vector<16xf32>
        %parallel_loop3A_1082 = arith.index_cast %parallel_loop3A_1042 : i32 to index
        %parallel_loop3A_1083 = arith.constant 80 : index
        %parallel_loop3A_1084 = tpu.vector_load %arg11[%parallel_loop3A_1082, %parallel_loop3A_1083] {strides = array<i32>} : memref<128x128xf32, #tpu.memory_space<vmem>>, vector<16xf32>,
        tpu.vector_store %arg11[%parallel_loop3A_1082, %parallel_loop3A_1083], %parallel_loop3A_1081 {strides = array<i32>} : memref<128x128xf32, #tpu.memory_space<vmem>>, vector<16xf32>,
        %parallel_loop3A_1085 = arith.index_cast %parallel_loop3A_1042 : i32 to index
        %parallel_loop3A_1086 = arith.constant 96 : index
        %parallel_loop3A_1087 = tpu.vector_load %arg11[%parallel_loop3A_1085, %parallel_loop3A_1086] {strides = array<i32>} : memref<128x128xf32, #tpu.memory_space<vmem>>, vector<16xf32>,
        %parallel_loop3A_1088 = arith.mulf %parallel_loop3A_1087, %parallel_loop3A_1038 : vector<16xf32>
        %parallel_loop3A_1089 = arith.index_cast %parallel_loop3A_1042 : i32 to index
        %parallel_loop3A_1090 = arith.constant 96 : index
        %parallel_loop3A_1091 = tpu.vector_load %arg11[%parallel_loop3A_1089, %parallel_loop3A_1090] {strides = array<i32>} : memref<128x128xf32, #tpu.memory_space<vmem>>, vector<16xf32>,
        tpu.vector_store %arg11[%parallel_loop3A_1089, %parallel_loop3A_1090], %parallel_loop3A_1088 {strides = array<i32>} : memref<128x128xf32, #tpu.memory_space<vmem>>, vector<16xf32>,
        %parallel_loop3A_1092 = arith.index_cast %parallel_loop3A_1042 : i32 to index
        %parallel_loop3A_1093 = arith.constant 112 : index
        %parallel_loop3A_1094 = tpu.vector_load %arg11[%parallel_loop3A_1092, %parallel_loop3A_1093] {strides = array<i32>} : memref<128x128xf32, #tpu.memory_space<vmem>>, vector<16xf32>,
        %parallel_loop3A_1095 = arith.mulf %parallel_loop3A_1094, %parallel_loop3A_1038 : vector<16xf32>
        %parallel_loop3A_1096 = arith.index_cast %parallel_loop3A_1042 : i32 to index
        %parallel_loop3A_1097 = arith.constant 112 : index
        %parallel_loop3A_1098 = tpu.vector_load %arg11[%parallel_loop3A_1096, %parallel_loop3A_1097] {strides = array<i32>} : memref<128x128xf32, #tpu.memory_space<vmem>>, vector<16xf32>,
        tpu.vector_store %arg11[%parallel_loop3A_1096, %parallel_loop3A_1097], %parallel_loop3A_1095 {strides = array<i32>} : memref<128x128xf32, #tpu.memory_space<vmem>>, vector<16xf32>,
        %parallel_loop3A_1099 = arith.constant 11 : i32
        %parallel_loop3A_1100 = vector.broadcast %parallel_loop3A_1099 : i32 to vector<16xi32>
        %parallel_loop3A_1101 = arith.constant 0 : i32
        %parallel_loop3A_1102 = vector.broadcast %parallel_loop3A_1101 : i32 to vector<16xi32>
        %parallel_loop3A_1103 = arith.cmpi slt, %parallel_loop3A_1100, %parallel_loop3A_1102 : vector<16xi32>
        %parallel_loop3A_1104 = arith.constant 16 : i32
        %parallel_loop3A_1105 = vector.broadcast %parallel_loop3A_1104 : i32 to vector<16xi32>
        %parallel_loop3A_1106 = arith.addi %parallel_loop3A_1100, %parallel_loop3A_1105 : vector<16xi32>
        %parallel_loop3A_1107 = arith.select %parallel_loop3A_1103, %parallel_loop3A_1106, %parallel_loop3A_1100 : vector<16xi1>, vector<16xi32>
        %parallel_loop3A_1108 = vector.shape_cast %parallel_loop3A_1107 : vector<16xi32> to vector<16x1xi32>
        %parallel_loop3A_1109 = vector.shape_cast %parallel_loop3A_1108 : vector<16x1xi32> to vector<16xi32>
        %parallel_loop3A_1110 = tpu.dynamic_gather %parallel_loop3A_306[%parallel_loop3A_1109] in [0] : vector<16xf32>, vector<16xi32> -> vector<16xf32>
        %parallel_loop3A_1111 = arith.constant 16 : i32
        %parallel_loop3A_1112 = arith.muli %parallel_loop3A_297, %parallel_loop3A_1111 : i32
        %parallel_loop3A_1113 = arith.constant 11 : i32
        %parallel_loop3A_1114 = arith.addi %parallel_loop3A_1112, %parallel_loop3A_1113 : i32
        %parallel_loop3A_1115 = arith.index_cast %parallel_loop3A_1114 : i32 to index
        %parallel_loop3A_1116 = arith.constant 0 : index
        %parallel_loop3A_1117 = tpu.vector_load %arg11[%parallel_loop3A_1115, %parallel_loop3A_1116] {strides = array<i32>} : memref<128x128xf32, #tpu.memory_space<vmem>>, vector<16xf32>,
        %parallel_loop3A_1118 = arith.mulf %parallel_loop3A_1117, %parallel_loop3A_1110 : vector<16xf32>
        %parallel_loop3A_1119 = arith.index_cast %parallel_loop3A_1114 : i32 to index
        %parallel_loop3A_1120 = arith.constant 0 : index
        %parallel_loop3A_1121 = tpu.vector_load %arg11[%parallel_loop3A_1119, %parallel_loop3A_1120] {strides = array<i32>} : memref<128x128xf32, #tpu.memory_space<vmem>>, vector<16xf32>,
        tpu.vector_store %arg11[%parallel_loop3A_1119, %parallel_loop3A_1120], %parallel_loop3A_1118 {strides = array<i32>} : memref<128x128xf32, #tpu.memory_space<vmem>>, vector<16xf32>,
        %parallel_loop3A_1122 = arith.index_cast %parallel_loop3A_1114 : i32 to index
        %parallel_loop3A_1123 = arith.constant 16 : index
        %parallel_loop3A_1124 = tpu.vector_load %arg11[%parallel_loop3A_1122, %parallel_loop3A_1123] {strides = array<i32>} : memref<128x128xf32, #tpu.memory_space<vmem>>, vector<16xf32>,
        %parallel_loop3A_1125 = arith.mulf %parallel_loop3A_1124, %parallel_loop3A_1110 : vector<16xf32>
        %parallel_loop3A_1126 = arith.index_cast %parallel_loop3A_1114 : i32 to index
        %parallel_loop3A_1127 = arith.constant 16 : index
        %parallel_loop3A_1128 = tpu.vector_load %arg11[%parallel_loop3A_1126, %parallel_loop3A_1127] {strides = array<i32>} : memref<128x128xf32, #tpu.memory_space<vmem>>, vector<16xf32>,
        tpu.vector_store %arg11[%parallel_loop3A_1126, %parallel_loop3A_1127], %parallel_loop3A_1125 {strides = array<i32>} : memref<128x128xf32, #tpu.memory_space<vmem>>, vector<16xf32>,
        %parallel_loop3A_1129 = arith.index_cast %parallel_loop3A_1114 : i32 to index
        %parallel_loop3A_1130 = arith.constant 32 : index
        %parallel_loop3A_1131 = tpu.vector_load %arg11[%parallel_loop3A_1129, %parallel_loop3A_1130] {strides = array<i32>} : memref<128x128xf32, #tpu.memory_space<vmem>>, vector<16xf32>,
        %parallel_loop3A_1132 = arith.mulf %parallel_loop3A_1131, %parallel_loop3A_1110 : vector<16xf32>
        %parallel_loop3A_1133 = arith.index_cast %parallel_loop3A_1114 : i32 to index
        %parallel_loop3A_1134 = arith.constant 32 : index
        %parallel_loop3A_1135 = tpu.vector_load %arg11[%parallel_loop3A_1133, %parallel_loop3A_1134] {strides = array<i32>} : memref<128x128xf32, #tpu.memory_space<vmem>>, vector<16xf32>,
        tpu.vector_store %arg11[%parallel_loop3A_1133, %parallel_loop3A_1134], %parallel_loop3A_1132 {strides = array<i32>} : memref<128x128xf32, #tpu.memory_space<vmem>>, vector<16xf32>,
        %parallel_loop3A_1136 = arith.index_cast %parallel_loop3A_1114 : i32 to index
        %parallel_loop3A_1137 = arith.constant 48 : index
        %parallel_loop3A_1138 = tpu.vector_load %arg11[%parallel_loop3A_1136, %parallel_loop3A_1137] {strides = array<i32>} : memref<128x128xf32, #tpu.memory_space<vmem>>, vector<16xf32>,
        %parallel_loop3A_1139 = arith.mulf %parallel_loop3A_1138, %parallel_loop3A_1110 : vector<16xf32>
        %parallel_loop3A_1140 = arith.index_cast %parallel_loop3A_1114 : i32 to index
        %parallel_loop3A_1141 = arith.constant 48 : index
        %parallel_loop3A_1142 = tpu.vector_load %arg11[%parallel_loop3A_1140, %parallel_loop3A_1141] {strides = array<i32>} : memref<128x128xf32, #tpu.memory_space<vmem>>, vector<16xf32>,
        tpu.vector_store %arg11[%parallel_loop3A_1140, %parallel_loop3A_1141], %parallel_loop3A_1139 {strides = array<i32>} : memref<128x128xf32, #tpu.memory_space<vmem>>, vector<16xf32>,
        %parallel_loop3A_1143 = arith.index_cast %parallel_loop3A_1114 : i32 to index
        %parallel_loop3A_1144 = arith.constant 64 : index
        %parallel_loop3A_1145 = tpu.vector_load %arg11[%parallel_loop3A_1143, %parallel_loop3A_1144] {strides = array<i32>} : memref<128x128xf32, #tpu.memory_space<vmem>>, vector<16xf32>,
        %parallel_loop3A_1146 = arith.mulf %parallel_loop3A_1145, %parallel_loop3A_1110 : vector<16xf32>
        %parallel_loop3A_1147 = arith.index_cast %parallel_loop3A_1114 : i32 to index
        %parallel_loop3A_1148 = arith.constant 64 : index
        %parallel_loop3A_1149 = tpu.vector_load %arg11[%parallel_loop3A_1147, %parallel_loop3A_1148] {strides = array<i32>} : memref<128x128xf32, #tpu.memory_space<vmem>>, vector<16xf32>,
        tpu.vector_store %arg11[%parallel_loop3A_1147, %parallel_loop3A_1148], %parallel_loop3A_1146 {strides = array<i32>} : memref<128x128xf32, #tpu.memory_space<vmem>>, vector<16xf32>,
        %parallel_loop3A_1150 = arith.index_cast %parallel_loop3A_1114 : i32 to index
        %parallel_loop3A_1151 = arith.constant 80 : index
        %parallel_loop3A_1152 = tpu.vector_load %arg11[%parallel_loop3A_1150, %parallel_loop3A_1151] {strides = array<i32>} : memref<128x128xf32, #tpu.memory_space<vmem>>, vector<16xf32>,
        %parallel_loop3A_1153 = arith.mulf %parallel_loop3A_1152, %parallel_loop3A_1110 : vector<16xf32>
        %parallel_loop3A_1154 = arith.index_cast %parallel_loop3A_1114 : i32 to index
        %parallel_loop3A_1155 = arith.constant 80 : index
        %parallel_loop3A_1156 = tpu.vector_load %arg11[%parallel_loop3A_1154, %parallel_loop3A_1155] {strides = array<i32>} : memref<128x128xf32, #tpu.memory_space<vmem>>, vector<16xf32>,
        tpu.vector_store %arg11[%parallel_loop3A_1154, %parallel_loop3A_1155], %parallel_loop3A_1153 {strides = array<i32>} : memref<128x128xf32, #tpu.memory_space<vmem>>, vector<16xf32>,
        %parallel_loop3A_1157 = arith.index_cast %parallel_loop3A_1114 : i32 to index
        %parallel_loop3A_1158 = arith.constant 96 : index
        %parallel_loop3A_1159 = tpu.vector_load %arg11[%parallel_loop3A_1157, %parallel_loop3A_1158] {strides = array<i32>} : memref<128x128xf32, #tpu.memory_space<vmem>>, vector<16xf32>,
        %parallel_loop3A_1160 = arith.mulf %parallel_loop3A_1159, %parallel_loop3A_1110 : vector<16xf32>
        %parallel_loop3A_1161 = arith.index_cast %parallel_loop3A_1114 : i32 to index
        %parallel_loop3A_1162 = arith.constant 96 : index
        %parallel_loop3A_1163 = tpu.vector_load %arg11[%parallel_loop3A_1161, %parallel_loop3A_1162] {strides = array<i32>} : memref<128x128xf32, #tpu.memory_space<vmem>>, vector<16xf32>,
        tpu.vector_store %arg11[%parallel_loop3A_1161, %parallel_loop3A_1162], %parallel_loop3A_1160 {strides = array<i32>} : memref<128x128xf32, #tpu.memory_space<vmem>>, vector<16xf32>,
        %parallel_loop3A_1164 = arith.index_cast %parallel_loop3A_1114 : i32 to index
        %parallel_loop3A_1165 = arith.constant 112 : index
        %parallel_loop3A_1166 = tpu.vector_load %arg11[%parallel_loop3A_1164, %parallel_loop3A_1165] {strides = array<i32>} : memref<128x128xf32, #tpu.memory_space<vmem>>, vector<16xf32>,
        %parallel_loop3A_1167 = arith.mulf %parallel_loop3A_1166, %parallel_loop3A_1110 : vector<16xf32>
        %parallel_loop3A_1168 = arith.index_cast %parallel_loop3A_1114 : i32 to index
        %parallel_loop3A_1169 = arith.constant 112 : index
        %parallel_loop3A_1170 = tpu.vector_load %arg11[%parallel_loop3A_1168, %parallel_loop3A_1169] {strides = array<i32>} : memref<128x128xf32, #tpu.memory_space<vmem>>, vector<16xf32>,
        tpu.vector_store %arg11[%parallel_loop3A_1168, %parallel_loop3A_1169], %parallel_loop3A_1167 {strides = array<i32>} : memref<128x128xf32, #tpu.memory_space<vmem>>, vector<16xf32>,
        %parallel_loop3A_1171 = arith.constant 12 : i32
        %parallel_loop3A_1172 = vector.broadcast %parallel_loop3A_1171 : i32 to vector<16xi32>
        %parallel_loop3A_1173 = arith.constant 0 : i32
        %parallel_loop3A_1174 = vector.broadcast %parallel_loop3A_1173 : i32 to vector<16xi32>
        %parallel_loop3A_1175 = arith.cmpi slt, %parallel_loop3A_1172, %parallel_loop3A_1174 : vector<16xi32>
        %parallel_loop3A_1176 = arith.constant 16 : i32
        %parallel_loop3A_1177 = vector.broadcast %parallel_loop3A_1176 : i32 to vector<16xi32>
        %parallel_loop3A_1178 = arith.addi %parallel_loop3A_1172, %parallel_loop3A_1177 : vector<16xi32>
        %parallel_loop3A_1179 = arith.select %parallel_loop3A_1175, %parallel_loop3A_1178, %parallel_loop3A_1172 : vector<16xi1>, vector<16xi32>
        %parallel_loop3A_1180 = vector.shape_cast %parallel_loop3A_1179 : vector<16xi32> to vector<16x1xi32>
        %parallel_loop3A_1181 = vector.shape_cast %parallel_loop3A_1180 : vector<16x1xi32> to vector<16xi32>
        %parallel_loop3A_1182 = tpu.dynamic_gather %parallel_loop3A_306[%parallel_loop3A_1181] in [0] : vector<16xf32>, vector<16xi32> -> vector<16xf32>
        %parallel_loop3A_1183 = arith.constant 16 : i32
        %parallel_loop3A_1184 = arith.muli %parallel_loop3A_297, %parallel_loop3A_1183 : i32
        %parallel_loop3A_1185 = arith.constant 12 : i32
        %parallel_loop3A_1186 = arith.addi %parallel_loop3A_1184, %parallel_loop3A_1185 : i32
        %parallel_loop3A_1187 = arith.index_cast %parallel_loop3A_1186 : i32 to index
        %parallel_loop3A_1188 = arith.constant 0 : index
        %parallel_loop3A_1189 = tpu.vector_load %arg11[%parallel_loop3A_1187, %parallel_loop3A_1188] {strides = array<i32>} : memref<128x128xf32, #tpu.memory_space<vmem>>, vector<16xf32>,
        %parallel_loop3A_1190 = arith.mulf %parallel_loop3A_1189, %parallel_loop3A_1182 : vector<16xf32>
        %parallel_loop3A_1191 = arith.index_cast %parallel_loop3A_1186 : i32 to index
        %parallel_loop3A_1192 = arith.constant 0 : index
        %parallel_loop3A_1193 = tpu.vector_load %arg11[%parallel_loop3A_1191, %parallel_loop3A_1192] {strides = array<i32>} : memref<128x128xf32, #tpu.memory_space<vmem>>, vector<16xf32>,
        tpu.vector_store %arg11[%parallel_loop3A_1191, %parallel_loop3A_1192], %parallel_loop3A_1190 {strides = array<i32>} : memref<128x128xf32, #tpu.memory_space<vmem>>, vector<16xf32>,
        %parallel_loop3A_1194 = arith.index_cast %parallel_loop3A_1186 : i32 to index
        %parallel_loop3A_1195 = arith.constant 16 : index
        %parallel_loop3A_1196 = tpu.vector_load %arg11[%parallel_loop3A_1194, %parallel_loop3A_1195] {strides = array<i32>} : memref<128x128xf32, #tpu.memory_space<vmem>>, vector<16xf32>,
        %parallel_loop3A_1197 = arith.mulf %parallel_loop3A_1196, %parallel_loop3A_1182 : vector<16xf32>
        %parallel_loop3A_1198 = arith.index_cast %parallel_loop3A_1186 : i32 to index
        %parallel_loop3A_1199 = arith.constant 16 : index
        %parallel_loop3A_1200 = tpu.vector_load %arg11[%parallel_loop3A_1198, %parallel_loop3A_1199] {strides = array<i32>} : memref<128x128xf32, #tpu.memory_space<vmem>>, vector<16xf32>,
        tpu.vector_store %arg11[%parallel_loop3A_1198, %parallel_loop3A_1199], %parallel_loop3A_1197 {strides = array<i32>} : memref<128x128xf32, #tpu.memory_space<vmem>>, vector<16xf32>,
        %parallel_loop3A_1201 = arith.index_cast %parallel_loop3A_1186 : i32 to index
        %parallel_loop3A_1202 = arith.constant 32 : index
        %parallel_loop3A_1203 = tpu.vector_load %arg11[%parallel_loop3A_1201, %parallel_loop3A_1202] {strides = array<i32>} : memref<128x128xf32, #tpu.memory_space<vmem>>, vector<16xf32>,
        %parallel_loop3A_1204 = arith.mulf %parallel_loop3A_1203, %parallel_loop3A_1182 : vector<16xf32>
        %parallel_loop3A_1205 = arith.index_cast %parallel_loop3A_1186 : i32 to index
        %parallel_loop3A_1206 = arith.constant 32 : index
        %parallel_loop3A_1207 = tpu.vector_load %arg11[%parallel_loop3A_1205, %parallel_loop3A_1206] {strides = array<i32>} : memref<128x128xf32, #tpu.memory_space<vmem>>, vector<16xf32>,
        tpu.vector_store %arg11[%parallel_loop3A_1205, %parallel_loop3A_1206], %parallel_loop3A_1204 {strides = array<i32>} : memref<128x128xf32, #tpu.memory_space<vmem>>, vector<16xf32>,
        %parallel_loop3A_1208 = arith.index_cast %parallel_loop3A_1186 : i32 to index
        %parallel_loop3A_1209 = arith.constant 48 : index
        %parallel_loop3A_1210 = tpu.vector_load %arg11[%parallel_loop3A_1208, %parallel_loop3A_1209] {strides = array<i32>} : memref<128x128xf32, #tpu.memory_space<vmem>>, vector<16xf32>,
        %parallel_loop3A_1211 = arith.mulf %parallel_loop3A_1210, %parallel_loop3A_1182 : vector<16xf32>
        %parallel_loop3A_1212 = arith.index_cast %parallel_loop3A_1186 : i32 to index
        %parallel_loop3A_1213 = arith.constant 48 : index
        %parallel_loop3A_1214 = tpu.vector_load %arg11[%parallel_loop3A_1212, %parallel_loop3A_1213] {strides = array<i32>} : memref<128x128xf32, #tpu.memory_space<vmem>>, vector<16xf32>,
        tpu.vector_store %arg11[%parallel_loop3A_1212, %parallel_loop3A_1213], %parallel_loop3A_1211 {strides = array<i32>} : memref<128x128xf32, #tpu.memory_space<vmem>>, vector<16xf32>,
        %parallel_loop3A_1215 = arith.index_cast %parallel_loop3A_1186 : i32 to index
        %parallel_loop3A_1216 = arith.constant 64 : index
        %parallel_loop3A_1217 = tpu.vector_load %arg11[%parallel_loop3A_1215, %parallel_loop3A_1216] {strides = array<i32>} : memref<128x128xf32, #tpu.memory_space<vmem>>, vector<16xf32>,
        %parallel_loop3A_1218 = arith.mulf %parallel_loop3A_1217, %parallel_loop3A_1182 : vector<16xf32>
        %parallel_loop3A_1219 = arith.index_cast %parallel_loop3A_1186 : i32 to index
        %parallel_loop3A_1220 = arith.constant 64 : index
        %parallel_loop3A_1221 = tpu.vector_load %arg11[%parallel_loop3A_1219, %parallel_loop3A_1220] {strides = array<i32>} : memref<128x128xf32, #tpu.memory_space<vmem>>, vector<16xf32>,
        tpu.vector_store %arg11[%parallel_loop3A_1219, %parallel_loop3A_1220], %parallel_loop3A_1218 {strides = array<i32>} : memref<128x128xf32, #tpu.memory_space<vmem>>, vector<16xf32>,
        %parallel_loop3A_1222 = arith.index_cast %parallel_loop3A_1186 : i32 to index
        %parallel_loop3A_1223 = arith.constant 80 : index
        %parallel_loop3A_1224 = tpu.vector_load %arg11[%parallel_loop3A_1222, %parallel_loop3A_1223] {strides = array<i32>} : memref<128x128xf32, #tpu.memory_space<vmem>>, vector<16xf32>,
        %parallel_loop3A_1225 = arith.mulf %parallel_loop3A_1224, %parallel_loop3A_1182 : vector<16xf32>
        %parallel_loop3A_1226 = arith.index_cast %parallel_loop3A_1186 : i32 to index
        %parallel_loop3A_1227 = arith.constant 80 : index
        %parallel_loop3A_1228 = tpu.vector_load %arg11[%parallel_loop3A_1226, %parallel_loop3A_1227] {strides = array<i32>} : memref<128x128xf32, #tpu.memory_space<vmem>>, vector<16xf32>,
        tpu.vector_store %arg11[%parallel_loop3A_1226, %parallel_loop3A_1227], %parallel_loop3A_1225 {strides = array<i32>} : memref<128x128xf32, #tpu.memory_space<vmem>>, vector<16xf32>,
        %parallel_loop3A_1229 = arith.index_cast %parallel_loop3A_1186 : i32 to index
        %parallel_loop3A_1230 = arith.constant 96 : index
        %parallel_loop3A_1231 = tpu.vector_load %arg11[%parallel_loop3A_1229, %parallel_loop3A_1230] {strides = array<i32>} : memref<128x128xf32, #tpu.memory_space<vmem>>, vector<16xf32>,
        %parallel_loop3A_1232 = arith.mulf %parallel_loop3A_1231, %parallel_loop3A_1182 : vector<16xf32>
        %parallel_loop3A_1233 = arith.index_cast %parallel_loop3A_1186 : i32 to index
        %parallel_loop3A_1234 = arith.constant 96 : index
        %parallel_loop3A_1235 = tpu.vector_load %arg11[%parallel_loop3A_1233, %parallel_loop3A_1234] {strides = array<i32>} : memref<128x128xf32, #tpu.memory_space<vmem>>, vector<16xf32>,
        tpu.vector_store %arg11[%parallel_loop3A_1233, %parallel_loop3A_1234], %parallel_loop3A_1232 {strides = array<i32>} : memref<128x128xf32, #tpu.memory_space<vmem>>, vector<16xf32>,
        %parallel_loop3A_1236 = arith.index_cast %parallel_loop3A_1186 : i32 to index
        %parallel_loop3A_1237 = arith.constant 112 : index
        %parallel_loop3A_1238 = tpu.vector_load %arg11[%parallel_loop3A_1236, %parallel_loop3A_1237] {strides = array<i32>} : memref<128x128xf32, #tpu.memory_space<vmem>>, vector<16xf32>,
        %parallel_loop3A_1239 = arith.mulf %parallel_loop3A_1238, %parallel_loop3A_1182 : vector<16xf32>
        %parallel_loop3A_1240 = arith.index_cast %parallel_loop3A_1186 : i32 to index
        %parallel_loop3A_1241 = arith.constant 112 : index
        %parallel_loop3A_1242 = tpu.vector_load %arg11[%parallel_loop3A_1240, %parallel_loop3A_1241] {strides = array<i32>} : memref<128x128xf32, #tpu.memory_space<vmem>>, vector<16xf32>,
        tpu.vector_store %arg11[%parallel_loop3A_1240, %parallel_loop3A_1241], %parallel_loop3A_1239 {strides = array<i32>} : memref<128x128xf32, #tpu.memory_space<vmem>>, vector<16xf32>,
        %parallel_loop3A_1243 = arith.constant 13 : i32
        %parallel_loop3A_1244 = vector.broadcast %parallel_loop3A_1243 : i32 to vector<16xi32>
        %parallel_loop3A_1245 = arith.constant 0 : i32
        %parallel_loop3A_1246 = vector.broadcast %parallel_loop3A_1245 : i32 to vector<16xi32>
        %parallel_loop3A_1247 = arith.cmpi slt, %parallel_loop3A_1244, %parallel_loop3A_1246 : vector<16xi32>
        %parallel_loop3A_1248 = arith.constant 16 : i32
        %parallel_loop3A_1249 = vector.broadcast %parallel_loop3A_1248 : i32 to vector<16xi32>
        %parallel_loop3A_1250 = arith.addi %parallel_loop3A_1244, %parallel_loop3A_1249 : vector<16xi32>
        %parallel_loop3A_1251 = arith.select %parallel_loop3A_1247, %parallel_loop3A_1250, %parallel_loop3A_1244 : vector<16xi1>, vector<16xi32>
        %parallel_loop3A_1252 = vector.shape_cast %parallel_loop3A_1251 : vector<16xi32> to vector<16x1xi32>
        %parallel_loop3A_1253 = vector.shape_cast %parallel_loop3A_1252 : vector<16x1xi32> to vector<16xi32>
        %parallel_loop3A_1254 = tpu.dynamic_gather %parallel_loop3A_306[%parallel_loop3A_1253] in [0] : vector<16xf32>, vector<16xi32> -> vector<16xf32>
        %parallel_loop3A_1255 = arith.constant 16 : i32
        %parallel_loop3A_1256 = arith.muli %parallel_loop3A_297, %parallel_loop3A_1255 : i32
        %parallel_loop3A_1257 = arith.constant 13 : i32
        %parallel_loop3A_1258 = arith.addi %parallel_loop3A_1256, %parallel_loop3A_1257 : i32
        %parallel_loop3A_1259 = arith.index_cast %parallel_loop3A_1258 : i32 to index
        %parallel_loop3A_1260 = arith.constant 0 : index
        %parallel_loop3A_1261 = tpu.vector_load %arg11[%parallel_loop3A_1259, %parallel_loop3A_1260] {strides = array<i32>} : memref<128x128xf32, #tpu.memory_space<vmem>>, vector<16xf32>,
        %parallel_loop3A_1262 = arith.mulf %parallel_loop3A_1261, %parallel_loop3A_1254 : vector<16xf32>
        %parallel_loop3A_1263 = arith.index_cast %parallel_loop3A_1258 : i32 to index
        %parallel_loop3A_1264 = arith.constant 0 : index
        %parallel_loop3A_1265 = tpu.vector_load %arg11[%parallel_loop3A_1263, %parallel_loop3A_1264] {strides = array<i32>} : memref<128x128xf32, #tpu.memory_space<vmem>>, vector<16xf32>,
        tpu.vector_store %arg11[%parallel_loop3A_1263, %parallel_loop3A_1264], %parallel_loop3A_1262 {strides = array<i32>} : memref<128x128xf32, #tpu.memory_space<vmem>>, vector<16xf32>,
        %parallel_loop3A_1266 = arith.index_cast %parallel_loop3A_1258 : i32 to index
        %parallel_loop3A_1267 = arith.constant 16 : index
        %parallel_loop3A_1268 = tpu.vector_load %arg11[%parallel_loop3A_1266, %parallel_loop3A_1267] {strides = array<i32>} : memref<128x128xf32, #tpu.memory_space<vmem>>, vector<16xf32>,
        %parallel_loop3A_1269 = arith.mulf %parallel_loop3A_1268, %parallel_loop3A_1254 : vector<16xf32>
        %parallel_loop3A_1270 = arith.index_cast %parallel_loop3A_1258 : i32 to index
        %parallel_loop3A_1271 = arith.constant 16 : index
        %parallel_loop3A_1272 = tpu.vector_load %arg11[%parallel_loop3A_1270, %parallel_loop3A_1271] {strides = array<i32>} : memref<128x128xf32, #tpu.memory_space<vmem>>, vector<16xf32>,
        tpu.vector_store %arg11[%parallel_loop3A_1270, %parallel_loop3A_1271], %parallel_loop3A_1269 {strides = array<i32>} : memref<128x128xf32, #tpu.memory_space<vmem>>, vector<16xf32>,
        %parallel_loop3A_1273 = arith.index_cast %parallel_loop3A_1258 : i32 to index
        %parallel_loop3A_1274 = arith.constant 32 : index
        %parallel_loop3A_1275 = tpu.vector_load %arg11[%parallel_loop3A_1273, %parallel_loop3A_1274] {strides = array<i32>} : memref<128x128xf32, #tpu.memory_space<vmem>>, vector<16xf32>,
        %parallel_loop3A_1276 = arith.mulf %parallel_loop3A_1275, %parallel_loop3A_1254 : vector<16xf32>
        %parallel_loop3A_1277 = arith.index_cast %parallel_loop3A_1258 : i32 to index
        %parallel_loop3A_1278 = arith.constant 32 : index
        %parallel_loop3A_1279 = tpu.vector_load %arg11[%parallel_loop3A_1277, %parallel_loop3A_1278] {strides = array<i32>} : memref<128x128xf32, #tpu.memory_space<vmem>>, vector<16xf32>,
        tpu.vector_store %arg11[%parallel_loop3A_1277, %parallel_loop3A_1278], %parallel_loop3A_1276 {strides = array<i32>} : memref<128x128xf32, #tpu.memory_space<vmem>>, vector<16xf32>,
        %parallel_loop3A_1280 = arith.index_cast %parallel_loop3A_1258 : i32 to index
        %parallel_loop3A_1281 = arith.constant 48 : index
        %parallel_loop3A_1282 = tpu.vector_load %arg11[%parallel_loop3A_1280, %parallel_loop3A_1281] {strides = array<i32>} : memref<128x128xf32, #tpu.memory_space<vmem>>, vector<16xf32>,
        %parallel_loop3A_1283 = arith.mulf %parallel_loop3A_1282, %parallel_loop3A_1254 : vector<16xf32>
        %parallel_loop3A_1284 = arith.index_cast %parallel_loop3A_1258 : i32 to index
        %parallel_loop3A_1285 = arith.constant 48 : index
        %parallel_loop3A_1286 = tpu.vector_load %arg11[%parallel_loop3A_1284, %parallel_loop3A_1285] {strides = array<i32>} : memref<128x128xf32, #tpu.memory_space<vmem>>, vector<16xf32>,
        tpu.vector_store %arg11[%parallel_loop3A_1284, %parallel_loop3A_1285], %parallel_loop3A_1283 {strides = array<i32>} : memref<128x128xf32, #tpu.memory_space<vmem>>, vector<16xf32>,
        %parallel_loop3A_1287 = arith.index_cast %parallel_loop3A_1258 : i32 to index
        %parallel_loop3A_1288 = arith.constant 64 : index
        %parallel_loop3A_1289 = tpu.vector_load %arg11[%parallel_loop3A_1287, %parallel_loop3A_1288] {strides = array<i32>} : memref<128x128xf32, #tpu.memory_space<vmem>>, vector<16xf32>,
        %parallel_loop3A_1290 = arith.mulf %parallel_loop3A_1289, %parallel_loop3A_1254 : vector<16xf32>
        %parallel_loop3A_1291 = arith.index_cast %parallel_loop3A_1258 : i32 to index
        %parallel_loop3A_1292 = arith.constant 64 : index
        %parallel_loop3A_1293 = tpu.vector_load %arg11[%parallel_loop3A_1291, %parallel_loop3A_1292] {strides = array<i32>} : memref<128x128xf32, #tpu.memory_space<vmem>>, vector<16xf32>,
        tpu.vector_store %arg11[%parallel_loop3A_1291, %parallel_loop3A_1292], %parallel_loop3A_1290 {strides = array<i32>} : memref<128x128xf32, #tpu.memory_space<vmem>>, vector<16xf32>,
        %parallel_loop3A_1294 = arith.index_cast %parallel_loop3A_1258 : i32 to index
        %parallel_loop3A_1295 = arith.constant 80 : index
        %parallel_loop3A_1296 = tpu.vector_load %arg11[%parallel_loop3A_1294, %parallel_loop3A_1295] {strides = array<i32>} : memref<128x128xf32, #tpu.memory_space<vmem>>, vector<16xf32>,
        %parallel_loop3A_1297 = arith.mulf %parallel_loop3A_1296, %parallel_loop3A_1254 : vector<16xf32>
        %parallel_loop3A_1298 = arith.index_cast %parallel_loop3A_1258 : i32 to index
        %parallel_loop3A_1299 = arith.constant 80 : index
        %parallel_loop3A_1300 = tpu.vector_load %arg11[%parallel_loop3A_1298, %parallel_loop3A_1299] {strides = array<i32>} : memref<128x128xf32, #tpu.memory_space<vmem>>, vector<16xf32>,
        tpu.vector_store %arg11[%parallel_loop3A_1298, %parallel_loop3A_1299], %parallel_loop3A_1297 {strides = array<i32>} : memref<128x128xf32, #tpu.memory_space<vmem>>, vector<16xf32>,
        %parallel_loop3A_1301 = arith.index_cast %parallel_loop3A_1258 : i32 to index
        %parallel_loop3A_1302 = arith.constant 96 : index
        %parallel_loop3A_1303 = tpu.vector_load %arg11[%parallel_loop3A_1301, %parallel_loop3A_1302] {strides = array<i32>} : memref<128x128xf32, #tpu.memory_space<vmem>>, vector<16xf32>,
        %parallel_loop3A_1304 = arith.mulf %parallel_loop3A_1303, %parallel_loop3A_1254 : vector<16xf32>
        %parallel_loop3A_1305 = arith.index_cast %parallel_loop3A_1258 : i32 to index
        %parallel_loop3A_1306 = arith.constant 96 : index
        %parallel_loop3A_1307 = tpu.vector_load %arg11[%parallel_loop3A_1305, %parallel_loop3A_1306] {strides = array<i32>} : memref<128x128xf32, #tpu.memory_space<vmem>>, vector<16xf32>,
        tpu.vector_store %arg11[%parallel_loop3A_1305, %parallel_loop3A_1306], %parallel_loop3A_1304 {strides = array<i32>} : memref<128x128xf32, #tpu.memory_space<vmem>>, vector<16xf32>,
        %parallel_loop3A_1308 = arith.index_cast %parallel_loop3A_1258 : i32 to index
        %parallel_loop3A_1309 = arith.constant 112 : index
        %parallel_loop3A_1310 = tpu.vector_load %arg11[%parallel_loop3A_1308, %parallel_loop3A_1309] {strides = array<i32>} : memref<128x128xf32, #tpu.memory_space<vmem>>, vector<16xf32>,
        %parallel_loop3A_1311 = arith.mulf %parallel_loop3A_1310, %parallel_loop3A_1254 : vector<16xf32>
        %parallel_loop3A_1312 = arith.index_cast %parallel_loop3A_1258 : i32 to index
        %parallel_loop3A_1313 = arith.constant 112 : index
        %parallel_loop3A_1314 = tpu.vector_load %arg11[%parallel_loop3A_1312, %parallel_loop3A_1313] {strides = array<i32>} : memref<128x128xf32, #tpu.memory_space<vmem>>, vector<16xf32>,
        tpu.vector_store %arg11[%parallel_loop3A_1312, %parallel_loop3A_1313], %parallel_loop3A_1311 {strides = array<i32>} : memref<128x128xf32, #tpu.memory_space<vmem>>, vector<16xf32>,
        %parallel_loop3A_1315 = arith.constant 14 : i32
        %parallel_loop3A_1316 = vector.broadcast %parallel_loop3A_1315 : i32 to vector<16xi32>
        %parallel_loop3A_1317 = arith.constant 0 : i32
        %parallel_loop3A_1318 = vector.broadcast %parallel_loop3A_1317 : i32 to vector<16xi32>
        %parallel_loop3A_1319 = arith.cmpi slt, %parallel_loop3A_1316, %parallel_loop3A_1318 : vector<16xi32>
        %parallel_loop3A_1320 = arith.constant 16 : i32
        %parallel_loop3A_1321 = vector.broadcast %parallel_loop3A_1320 : i32 to vector<16xi32>
        %parallel_loop3A_1322 = arith.addi %parallel_loop3A_1316, %parallel_loop3A_1321 : vector<16xi32>
        %parallel_loop3A_1323 = arith.select %parallel_loop3A_1319, %parallel_loop3A_1322, %parallel_loop3A_1316 : vector<16xi1>, vector<16xi32>
        %parallel_loop3A_1324 = vector.shape_cast %parallel_loop3A_1323 : vector<16xi32> to vector<16x1xi32>
        %parallel_loop3A_1325 = vector.shape_cast %parallel_loop3A_1324 : vector<16x1xi32> to vector<16xi32>
        %parallel_loop3A_1326 = tpu.dynamic_gather %parallel_loop3A_306[%parallel_loop3A_1325] in [0] : vector<16xf32>, vector<16xi32> -> vector<16xf32>
        %parallel_loop3A_1327 = arith.constant 16 : i32
        %parallel_loop3A_1328 = arith.muli %parallel_loop3A_297, %parallel_loop3A_1327 : i32
        %parallel_loop3A_1329 = arith.constant 14 : i32
        %parallel_loop3A_1330 = arith.addi %parallel_loop3A_1328, %parallel_loop3A_1329 : i32
        %parallel_loop3A_1331 = arith.index_cast %parallel_loop3A_1330 : i32 to index
        %parallel_loop3A_1332 = arith.constant 0 : index
        %parallel_loop3A_1333 = tpu.vector_load %arg11[%parallel_loop3A_1331, %parallel_loop3A_1332] {strides = array<i32>} : memref<128x128xf32, #tpu.memory_space<vmem>>, vector<16xf32>,
        %parallel_loop3A_1334 = arith.mulf %parallel_loop3A_1333, %parallel_loop3A_1326 : vector<16xf32>
        %parallel_loop3A_1335 = arith.index_cast %parallel_loop3A_1330 : i32 to index
        %parallel_loop3A_1336 = arith.constant 0 : index
        %parallel_loop3A_1337 = tpu.vector_load %arg11[%parallel_loop3A_1335, %parallel_loop3A_1336] {strides = array<i32>} : memref<128x128xf32, #tpu.memory_space<vmem>>, vector<16xf32>,
        tpu.vector_store %arg11[%parallel_loop3A_1335, %parallel_loop3A_1336], %parallel_loop3A_1334 {strides = array<i32>} : memref<128x128xf32, #tpu.memory_space<vmem>>, vector<16xf32>,
        %parallel_loop3A_1338 = arith.index_cast %parallel_loop3A_1330 : i32 to index
        %parallel_loop3A_1339 = arith.constant 16 : index
        %parallel_loop3A_1340 = tpu.vector_load %arg11[%parallel_loop3A_1338, %parallel_loop3A_1339] {strides = array<i32>} : memref<128x128xf32, #tpu.memory_space<vmem>>, vector<16xf32>,
        %parallel_loop3A_1341 = arith.mulf %parallel_loop3A_1340, %parallel_loop3A_1326 : vector<16xf32>
        %parallel_loop3A_1342 = arith.index_cast %parallel_loop3A_1330 : i32 to index
        %parallel_loop3A_1343 = arith.constant 16 : index
        %parallel_loop3A_1344 = tpu.vector_load %arg11[%parallel_loop3A_1342, %parallel_loop3A_1343] {strides = array<i32>} : memref<128x128xf32, #tpu.memory_space<vmem>>, vector<16xf32>,
        tpu.vector_store %arg11[%parallel_loop3A_1342, %parallel_loop3A_1343], %parallel_loop3A_1341 {strides = array<i32>} : memref<128x128xf32, #tpu.memory_space<vmem>>, vector<16xf32>,
        %parallel_loop3A_1345 = arith.index_cast %parallel_loop3A_1330 : i32 to index
        %parallel_loop3A_1346 = arith.constant 32 : index
        %parallel_loop3A_1347 = tpu.vector_load %arg11[%parallel_loop3A_1345, %parallel_loop3A_1346] {strides = array<i32>} : memref<128x128xf32, #tpu.memory_space<vmem>>, vector<16xf32>,
        %parallel_loop3A_1348 = arith.mulf %parallel_loop3A_1347, %parallel_loop3A_1326 : vector<16xf32>
        %parallel_loop3A_1349 = arith.index_cast %parallel_loop3A_1330 : i32 to index
        %parallel_loop3A_1350 = arith.constant 32 : index
        %parallel_loop3A_1351 = tpu.vector_load %arg11[%parallel_loop3A_1349, %parallel_loop3A_1350] {strides = array<i32>} : memref<128x128xf32, #tpu.memory_space<vmem>>, vector<16xf32>,
        tpu.vector_store %arg11[%parallel_loop3A_1349, %parallel_loop3A_1350], %parallel_loop3A_1348 {strides = array<i32>} : memref<128x128xf32, #tpu.memory_space<vmem>>, vector<16xf32>,
        %parallel_loop3A_1352 = arith.index_cast %parallel_loop3A_1330 : i32 to index
        %parallel_loop3A_1353 = arith.constant 48 : index
        %parallel_loop3A_1354 = tpu.vector_load %arg11[%parallel_loop3A_1352, %parallel_loop3A_1353] {strides = array<i32>} : memref<128x128xf32, #tpu.memory_space<vmem>>, vector<16xf32>,
        %parallel_loop3A_1355 = arith.mulf %parallel_loop3A_1354, %parallel_loop3A_1326 : vector<16xf32>
        %parallel_loop3A_1356 = arith.index_cast %parallel_loop3A_1330 : i32 to index
        %parallel_loop3A_1357 = arith.constant 48 : index
        %parallel_loop3A_1358 = tpu.vector_load %arg11[%parallel_loop3A_1356, %parallel_loop3A_1357] {strides = array<i32>} : memref<128x128xf32, #tpu.memory_space<vmem>>, vector<16xf32>,
        tpu.vector_store %arg11[%parallel_loop3A_1356, %parallel_loop3A_1357], %parallel_loop3A_1355 {strides = array<i32>} : memref<128x128xf32, #tpu.memory_space<vmem>>, vector<16xf32>,
        %parallel_loop3A_1359 = arith.index_cast %parallel_loop3A_1330 : i32 to index
        %parallel_loop3A_1360 = arith.constant 64 : index
        %parallel_loop3A_1361 = tpu.vector_load %arg11[%parallel_loop3A_1359, %parallel_loop3A_1360] {strides = array<i32>} : memref<128x128xf32, #tpu.memory_space<vmem>>, vector<16xf32>,
        %parallel_loop3A_1362 = arith.mulf %parallel_loop3A_1361, %parallel_loop3A_1326 : vector<16xf32>
        %parallel_loop3A_1363 = arith.index_cast %parallel_loop3A_1330 : i32 to index
        %parallel_loop3A_1364 = arith.constant 64 : index
        %parallel_loop3A_1365 = tpu.vector_load %arg11[%parallel_loop3A_1363, %parallel_loop3A_1364] {strides = array<i32>} : memref<128x128xf32, #tpu.memory_space<vmem>>, vector<16xf32>,
        tpu.vector_store %arg11[%parallel_loop3A_1363, %parallel_loop3A_1364], %parallel_loop3A_1362 {strides = array<i32>} : memref<128x128xf32, #tpu.memory_space<vmem>>, vector<16xf32>,
        %parallel_loop3A_1366 = arith.index_cast %parallel_loop3A_1330 : i32 to index
        %parallel_loop3A_1367 = arith.constant 80 : index
        %parallel_loop3A_1368 = tpu.vector_load %arg11[%parallel_loop3A_1366, %parallel_loop3A_1367] {strides = array<i32>} : memref<128x128xf32, #tpu.memory_space<vmem>>, vector<16xf32>,
        %parallel_loop3A_1369 = arith.mulf %parallel_loop3A_1368, %parallel_loop3A_1326 : vector<16xf32>
        %parallel_loop3A_1370 = arith.index_cast %parallel_loop3A_1330 : i32 to index
        %parallel_loop3A_1371 = arith.constant 80 : index
        %parallel_loop3A_1372 = tpu.vector_load %arg11[%parallel_loop3A_1370, %parallel_loop3A_1371] {strides = array<i32>} : memref<128x128xf32, #tpu.memory_space<vmem>>, vector<16xf32>,
        tpu.vector_store %arg11[%parallel_loop3A_1370, %parallel_loop3A_1371], %parallel_loop3A_1369 {strides = array<i32>} : memref<128x128xf32, #tpu.memory_space<vmem>>, vector<16xf32>,
        %parallel_loop3A_1373 = arith.index_cast %parallel_loop3A_1330 : i32 to index
        %parallel_loop3A_1374 = arith.constant 96 : index
        %parallel_loop3A_1375 = tpu.vector_load %arg11[%parallel_loop3A_1373, %parallel_loop3A_1374] {strides = array<i32>} : memref<128x128xf32, #tpu.memory_space<vmem>>, vector<16xf32>,
        %parallel_loop3A_1376 = arith.mulf %parallel_loop3A_1375, %parallel_loop3A_1326 : vector<16xf32>
        %parallel_loop3A_1377 = arith.index_cast %parallel_loop3A_1330 : i32 to index
        %parallel_loop3A_1378 = arith.constant 96 : index
        %parallel_loop3A_1379 = tpu.vector_load %arg11[%parallel_loop3A_1377, %parallel_loop3A_1378] {strides = array<i32>} : memref<128x128xf32, #tpu.memory_space<vmem>>, vector<16xf32>,
        tpu.vector_store %arg11[%parallel_loop3A_1377, %parallel_loop3A_1378], %parallel_loop3A_1376 {strides = array<i32>} : memref<128x128xf32, #tpu.memory_space<vmem>>, vector<16xf32>,
        %parallel_loop3A_1380 = arith.index_cast %parallel_loop3A_1330 : i32 to index
        %parallel_loop3A_1381 = arith.constant 112 : index
        %parallel_loop3A_1382 = tpu.vector_load %arg11[%parallel_loop3A_1380, %parallel_loop3A_1381] {strides = array<i32>} : memref<128x128xf32, #tpu.memory_space<vmem>>, vector<16xf32>,
        %parallel_loop3A_1383 = arith.mulf %parallel_loop3A_1382, %parallel_loop3A_1326 : vector<16xf32>
        %parallel_loop3A_1384 = arith.index_cast %parallel_loop3A_1330 : i32 to index
        %parallel_loop3A_1385 = arith.constant 112 : index
        %parallel_loop3A_1386 = tpu.vector_load %arg11[%parallel_loop3A_1384, %parallel_loop3A_1385] {strides = array<i32>} : memref<128x128xf32, #tpu.memory_space<vmem>>, vector<16xf32>,
        tpu.vector_store %arg11[%parallel_loop3A_1384, %parallel_loop3A_1385], %parallel_loop3A_1383 {strides = array<i32>} : memref<128x128xf32, #tpu.memory_space<vmem>>, vector<16xf32>,
        %parallel_loop3A_1387 = arith.constant 15 : i32
        %parallel_loop3A_1388 = vector.broadcast %parallel_loop3A_1387 : i32 to vector<16xi32>
        %parallel_loop3A_1389 = arith.constant 0 : i32
        %parallel_loop3A_1390 = vector.broadcast %parallel_loop3A_1389 : i32 to vector<16xi32>
        %parallel_loop3A_1391 = arith.cmpi slt, %parallel_loop3A_1388, %parallel_loop3A_1390 : vector<16xi32>
        %parallel_loop3A_1392 = arith.constant 16 : i32
        %parallel_loop3A_1393 = vector.broadcast %parallel_loop3A_1392 : i32 to vector<16xi32>
        %parallel_loop3A_1394 = arith.addi %parallel_loop3A_1388, %parallel_loop3A_1393 : vector<16xi32>
        %parallel_loop3A_1395 = arith.select %parallel_loop3A_1391, %parallel_loop3A_1394, %parallel_loop3A_1388 : vector<16xi1>, vector<16xi32>
        %parallel_loop3A_1396 = vector.shape_cast %parallel_loop3A_1395 : vector<16xi32> to vector<16x1xi32>
        %parallel_loop3A_1397 = vector.shape_cast %parallel_loop3A_1396 : vector<16x1xi32> to vector<16xi32>
        %parallel_loop3A_1398 = tpu.dynamic_gather %parallel_loop3A_306[%parallel_loop3A_1397] in [0] : vector<16xf32>, vector<16xi32> -> vector<16xf32>
        %parallel_loop3A_1399 = arith.constant 16 : i32
        %parallel_loop3A_1400 = arith.muli %parallel_loop3A_297, %parallel_loop3A_1399 : i32
        %parallel_loop3A_1401 = arith.constant 15 : i32
        %parallel_loop3A_1402 = arith.addi %parallel_loop3A_1400, %parallel_loop3A_1401 : i32
        %parallel_loop3A_1403 = arith.index_cast %parallel_loop3A_1402 : i32 to index
        %parallel_loop3A_1404 = arith.constant 0 : index
        %parallel_loop3A_1405 = tpu.vector_load %arg11[%parallel_loop3A_1403, %parallel_loop3A_1404] {strides = array<i32>} : memref<128x128xf32, #tpu.memory_space<vmem>>, vector<16xf32>,
        %parallel_loop3A_1406 = arith.mulf %parallel_loop3A_1405, %parallel_loop3A_1398 : vector<16xf32>
        %parallel_loop3A_1407 = arith.index_cast %parallel_loop3A_1402 : i32 to index
        %parallel_loop3A_1408 = arith.constant 0 : index
        %parallel_loop3A_1409 = tpu.vector_load %arg11[%parallel_loop3A_1407, %parallel_loop3A_1408] {strides = array<i32>} : memref<128x128xf32, #tpu.memory_space<vmem>>, vector<16xf32>,
        tpu.vector_store %arg11[%parallel_loop3A_1407, %parallel_loop3A_1408], %parallel_loop3A_1406 {strides = array<i32>} : memref<128x128xf32, #tpu.memory_space<vmem>>, vector<16xf32>,
        %parallel_loop3A_1410 = arith.index_cast %parallel_loop3A_1402 : i32 to index
        %parallel_loop3A_1411 = arith.constant 16 : index
        %parallel_loop3A_1412 = tpu.vector_load %arg11[%parallel_loop3A_1410, %parallel_loop3A_1411] {strides = array<i32>} : memref<128x128xf32, #tpu.memory_space<vmem>>, vector<16xf32>,
        %parallel_loop3A_1413 = arith.mulf %parallel_loop3A_1412, %parallel_loop3A_1398 : vector<16xf32>
        %parallel_loop3A_1414 = arith.index_cast %parallel_loop3A_1402 : i32 to index
        %parallel_loop3A_1415 = arith.constant 16 : index
        %parallel_loop3A_1416 = tpu.vector_load %arg11[%parallel_loop3A_1414, %parallel_loop3A_1415] {strides = array<i32>} : memref<128x128xf32, #tpu.memory_space<vmem>>, vector<16xf32>,
        tpu.vector_store %arg11[%parallel_loop3A_1414, %parallel_loop3A_1415], %parallel_loop3A_1413 {strides = array<i32>} : memref<128x128xf32, #tpu.memory_space<vmem>>, vector<16xf32>,
        %parallel_loop3A_1417 = arith.index_cast %parallel_loop3A_1402 : i32 to index
        %parallel_loop3A_1418 = arith.constant 32 : index
        %parallel_loop3A_1419 = tpu.vector_load %arg11[%parallel_loop3A_1417, %parallel_loop3A_1418] {strides = array<i32>} : memref<128x128xf32, #tpu.memory_space<vmem>>, vector<16xf32>,
        %parallel_loop3A_1420 = arith.mulf %parallel_loop3A_1419, %parallel_loop3A_1398 : vector<16xf32>
        %parallel_loop3A_1421 = arith.index_cast %parallel_loop3A_1402 : i32 to index
        %parallel_loop3A_1422 = arith.constant 32 : index
        %parallel_loop3A_1423 = tpu.vector_load %arg11[%parallel_loop3A_1421, %parallel_loop3A_1422] {strides = array<i32>} : memref<128x128xf32, #tpu.memory_space<vmem>>, vector<16xf32>,
        tpu.vector_store %arg11[%parallel_loop3A_1421, %parallel_loop3A_1422], %parallel_loop3A_1420 {strides = array<i32>} : memref<128x128xf32, #tpu.memory_space<vmem>>, vector<16xf32>,
        %parallel_loop3A_1424 = arith.index_cast %parallel_loop3A_1402 : i32 to index
        %parallel_loop3A_1425 = arith.constant 48 : index
        %parallel_loop3A_1426 = tpu.vector_load %arg11[%parallel_loop3A_1424, %parallel_loop3A_1425] {strides = array<i32>} : memref<128x128xf32, #tpu.memory_space<vmem>>, vector<16xf32>,
        %parallel_loop3A_1427 = arith.mulf %parallel_loop3A_1426, %parallel_loop3A_1398 : vector<16xf32>
        %parallel_loop3A_1428 = arith.index_cast %parallel_loop3A_1402 : i32 to index
        %parallel_loop3A_1429 = arith.constant 48 : index
        %parallel_loop3A_1430 = tpu.vector_load %arg11[%parallel_loop3A_1428, %parallel_loop3A_1429] {strides = array<i32>} : memref<128x128xf32, #tpu.memory_space<vmem>>, vector<16xf32>,
        tpu.vector_store %arg11[%parallel_loop3A_1428, %parallel_loop3A_1429], %parallel_loop3A_1427 {strides = array<i32>} : memref<128x128xf32, #tpu.memory_space<vmem>>, vector<16xf32>,
        %parallel_loop3A_1431 = arith.index_cast %parallel_loop3A_1402 : i32 to index
        %parallel_loop3A_1432 = arith.constant 64 : index
        %parallel_loop3A_1433 = tpu.vector_load %arg11[%parallel_loop3A_1431, %parallel_loop3A_1432] {strides = array<i32>} : memref<128x128xf32, #tpu.memory_space<vmem>>, vector<16xf32>,
        %parallel_loop3A_1434 = arith.mulf %parallel_loop3A_1433, %parallel_loop3A_1398 : vector<16xf32>
        %parallel_loop3A_1435 = arith.index_cast %parallel_loop3A_1402 : i32 to index
        %parallel_loop3A_1436 = arith.constant 64 : index
        %parallel_loop3A_1437 = tpu.vector_load %arg11[%parallel_loop3A_1435, %parallel_loop3A_1436] {strides = array<i32>} : memref<128x128xf32, #tpu.memory_space<vmem>>, vector<16xf32>,
        tpu.vector_store %arg11[%parallel_loop3A_1435, %parallel_loop3A_1436], %parallel_loop3A_1434 {strides = array<i32>} : memref<128x128xf32, #tpu.memory_space<vmem>>, vector<16xf32>,
        %parallel_loop3A_1438 = arith.index_cast %parallel_loop3A_1402 : i32 to index
        %parallel_loop3A_1439 = arith.constant 80 : index
        %parallel_loop3A_1440 = tpu.vector_load %arg11[%parallel_loop3A_1438, %parallel_loop3A_1439] {strides = array<i32>} : memref<128x128xf32, #tpu.memory_space<vmem>>, vector<16xf32>,
        %parallel_loop3A_1441 = arith.mulf %parallel_loop3A_1440, %parallel_loop3A_1398 : vector<16xf32>
        %parallel_loop3A_1442 = arith.index_cast %parallel_loop3A_1402 : i32 to index
        %parallel_loop3A_1443 = arith.constant 80 : index
        %parallel_loop3A_1444 = tpu.vector_load %arg11[%parallel_loop3A_1442, %parallel_loop3A_1443] {strides = array<i32>} : memref<128x128xf32, #tpu.memory_space<vmem>>, vector<16xf32>,
        tpu.vector_store %arg11[%parallel_loop3A_1442, %parallel_loop3A_1443], %parallel_loop3A_1441 {strides = array<i32>} : memref<128x128xf32, #tpu.memory_space<vmem>>, vector<16xf32>,
        %parallel_loop3A_1445 = arith.index_cast %parallel_loop3A_1402 : i32 to index
        %parallel_loop3A_1446 = arith.constant 96 : index
        %parallel_loop3A_1447 = tpu.vector_load %arg11[%parallel_loop3A_1445, %parallel_loop3A_1446] {strides = array<i32>} : memref<128x128xf32, #tpu.memory_space<vmem>>, vector<16xf32>,
        %parallel_loop3A_1448 = arith.mulf %parallel_loop3A_1447, %parallel_loop3A_1398 : vector<16xf32>
        %parallel_loop3A_1449 = arith.index_cast %parallel_loop3A_1402 : i32 to index
        %parallel_loop3A_1450 = arith.constant 96 : index
        %parallel_loop3A_1451 = tpu.vector_load %arg11[%parallel_loop3A_1449, %parallel_loop3A_1450] {strides = array<i32>} : memref<128x128xf32, #tpu.memory_space<vmem>>, vector<16xf32>,
        tpu.vector_store %arg11[%parallel_loop3A_1449, %parallel_loop3A_1450], %parallel_loop3A_1448 {strides = array<i32>} : memref<128x128xf32, #tpu.memory_space<vmem>>, vector<16xf32>,
        %parallel_loop3A_1452 = arith.index_cast %parallel_loop3A_1402 : i32 to index
        %parallel_loop3A_1453 = arith.constant 112 : index
        %parallel_loop3A_1454 = tpu.vector_load %arg11[%parallel_loop3A_1452, %parallel_loop3A_1453] {strides = array<i32>} : memref<128x128xf32, #tpu.memory_space<vmem>>, vector<16xf32>,
        %parallel_loop3A_1455 = arith.mulf %parallel_loop3A_1454, %parallel_loop3A_1398 : vector<16xf32>
        %parallel_loop3A_1456 = arith.index_cast %parallel_loop3A_1402 : i32 to index
        %parallel_loop3A_1457 = arith.constant 112 : index
        %parallel_loop3A_1458 = tpu.vector_load %arg11[%parallel_loop3A_1456, %parallel_loop3A_1457] {strides = array<i32>} : memref<128x128xf32, #tpu.memory_space<vmem>>, vector<16xf32>,
        tpu.vector_store %arg11[%parallel_loop3A_1456, %parallel_loop3A_1457], %parallel_loop3A_1455 {strides = array<i32>} : memref<128x128xf32, #tpu.memory_space<vmem>>, vector<16xf32>,
      } {sc.loop_unroll_factor = 2 : i64, sc.parallel_access}
      %get3A_203 = arith.constant 0 : i32
      %get3A_204 = arith.constant 0 : i32
      %get3A_205 = arith.index_cast %get3A_203 : i32 to index
      %get3A_206 = arith.index_cast %get3A_204 : i32 to index
      %get3A_207 = arith.constant 0 : index
      %get3A_208 = tpu.vector_load %arg7[%get3A_205, %get3A_206, %get3A_207] {strides = array<i32>} : memref<1x3x128xi32, #tpu.memory_space<vmem>>, vector<16xi32>,
      %swap3A_209 = arith.constant 0 : i32
      %swap3A_210 = arith.index_cast %swap3A_209 : i32 to index
      %swap3A_211 = arith.constant 0 : index
      %swap3A_212 = tpu.vector_load %arg9[%swap3A_210, %swap3A_211] {strides = array<i32>} : memref<1x128xi32, #tpu.memory_space<vmem>>, vector<16xi32>,
      tpu.vector_store %arg9[%swap3A_210, %swap3A_211], %get3A_208 {strides = array<i32>} : memref<1x128xi32, #tpu.memory_space<vmem>>, vector<16xi32>,
      %get3A_213 = arith.constant 0 : i32
      %get3A_214 = arith.constant 0 : i32
      %get3A_215 = arith.index_cast %get3A_213 : i32 to index
      %get3A_216 = arith.index_cast %get3A_214 : i32 to index
      %get3A_217 = arith.constant 16 : index
      %get3A_218 = tpu.vector_load %arg7[%get3A_215, %get3A_216, %get3A_217] {strides = array<i32>} : memref<1x3x128xi32, #tpu.memory_space<vmem>>, vector<16xi32>,
      %swap3A_219 = arith.constant 0 : i32
      %swap3A_220 = arith.index_cast %swap3A_219 : i32 to index
      %swap3A_221 = arith.constant 16 : index
      %swap3A_222 = tpu.vector_load %arg9[%swap3A_220, %swap3A_221] {strides = array<i32>} : memref<1x128xi32, #tpu.memory_space<vmem>>, vector<16xi32>,
      tpu.vector_store %arg9[%swap3A_220, %swap3A_221], %get3A_218 {strides = array<i32>} : memref<1x128xi32, #tpu.memory_space<vmem>>, vector<16xi32>,
      %get3A_223 = arith.constant 0 : i32
      %get3A_224 = arith.constant 0 : i32
      %get3A_225 = arith.index_cast %get3A_223 : i32 to index
      %get3A_226 = arith.index_cast %get3A_224 : i32 to index
      %get3A_227 = arith.constant 32 : index
      %get3A_228 = tpu.vector_load %arg7[%get3A_225, %get3A_226, %get3A_227] {strides = array<i32>} : memref<1x3x128xi32, #tpu.memory_space<vmem>>, vector<16xi32>,
      %swap3A_229 = arith.constant 0 : i32
      %swap3A_230 = arith.index_cast %swap3A_229 : i32 to index
      %swap3A_231 = arith.constant 32 : index
      %swap3A_232 = tpu.vector_load %arg9[%swap3A_230, %swap3A_231] {strides = array<i32>} : memref<1x128xi32, #tpu.memory_space<vmem>>, vector<16xi32>,
      tpu.vector_store %arg9[%swap3A_230, %swap3A_231], %get3A_228 {strides = array<i32>} : memref<1x128xi32, #tpu.memory_space<vmem>>, vector<16xi32>,
      %get3A_233 = arith.constant 0 : i32
      %get3A_234 = arith.constant 0 : i32
      %get3A_235 = arith.index_cast %get3A_233 : i32 to index
      %get3A_236 = arith.index_cast %get3A_234 : i32 to index
      %get3A_237 = arith.constant 48 : index
      %get3A_238 = tpu.vector_load %arg7[%get3A_235, %get3A_236, %get3A_237] {strides = array<i32>} : memref<1x3x128xi32, #tpu.memory_space<vmem>>, vector<16xi32>,
      %swap3A_239 = arith.constant 0 : i32
      %swap3A_240 = arith.index_cast %swap3A_239 : i32 to index
      %swap3A_241 = arith.constant 48 : index
      %swap3A_242 = tpu.vector_load %arg9[%swap3A_240, %swap3A_241] {strides = array<i32>} : memref<1x128xi32, #tpu.memory_space<vmem>>, vector<16xi32>,
      tpu.vector_store %arg9[%swap3A_240, %swap3A_241], %get3A_238 {strides = array<i32>} : memref<1x128xi32, #tpu.memory_space<vmem>>, vector<16xi32>,
      %get3A_243 = arith.constant 0 : i32
      %get3A_244 = arith.constant 0 : i32
      %get3A_245 = arith.index_cast %get3A_243 : i32 to index
      %get3A_246 = arith.index_cast %get3A_244 : i32 to index
      %get3A_247 = arith.constant 64 : index
      %get3A_248 = tpu.vector_load %arg7[%get3A_245, %get3A_246, %get3A_247] {strides = array<i32>} : memref<1x3x128xi32, #tpu.memory_space<vmem>>, vector<16xi32>,
      %swap3A_249 = arith.constant 0 : i32
      %swap3A_250 = arith.index_cast %swap3A_249 : i32 to index
      %swap3A_251 = arith.constant 64 : index
      %swap3A_252 = tpu.vector_load %arg9[%swap3A_250, %swap3A_251] {strides = array<i32>} : memref<1x128xi32, #tpu.memory_space<vmem>>, vector<16xi32>,
      tpu.vector_store %arg9[%swap3A_250, %swap3A_251], %get3A_248 {strides = array<i32>} : memref<1x128xi32, #tpu.memory_space<vmem>>, vector<16xi32>,
      %get3A_253 = arith.constant 0 : i32
      %get3A_254 = arith.constant 0 : i32
      %get3A_255 = arith.index_cast %get3A_253 : i32 to index
      %get3A_256 = arith.index_cast %get3A_254 : i32 to index
      %get3A_257 = arith.constant 80 : index
      %get3A_258 = tpu.vector_load %arg7[%get3A_255, %get3A_256, %get3A_257] {strides = array<i32>} : memref<1x3x128xi32, #tpu.memory_space<vmem>>, vector<16xi32>,
      %swap3A_259 = arith.constant 0 : i32
      %swap3A_260 = arith.index_cast %swap3A_259 : i32 to index
      %swap3A_261 = arith.constant 80 : index
      %swap3A_262 = tpu.vector_load %arg9[%swap3A_260, %swap3A_261] {strides = array<i32>} : memref<1x128xi32, #tpu.memory_space<vmem>>, vector<16xi32>,
      tpu.vector_store %arg9[%swap3A_260, %swap3A_261], %get3A_258 {strides = array<i32>} : memref<1x128xi32, #tpu.memory_space<vmem>>, vector<16xi32>,
      %get3A_263 = arith.constant 0 : i32
      %get3A_264 = arith.constant 0 : i32
      %get3A_265 = arith.index_cast %get3A_263 : i32 to index
      %get3A_266 = arith.index_cast %get3A_264 : i32 to index
      %get3A_267 = arith.constant 96 : index
      %get3A_268 = tpu.vector_load %arg7[%get3A_265, %get3A_266, %get3A_267] {strides = array<i32>} : memref<1x3x128xi32, #tpu.memory_space<vmem>>, vector<16xi32>,
      %swap3A_269 = arith.constant 0 : i32
      %swap3A_270 = arith.index_cast %swap3A_269 : i32 to index
      %swap3A_271 = arith.constant 96 : index
      %swap3A_272 = tpu.vector_load %arg9[%swap3A_270, %swap3A_271] {strides = array<i32>} : memref<1x128xi32, #tpu.memory_space<vmem>>, vector<16xi32>,
      tpu.vector_store %arg9[%swap3A_270, %swap3A_271], %get3A_268 {strides = array<i32>} : memref<1x128xi32, #tpu.memory_space<vmem>>, vector<16xi32>,
      %get3A_273 = arith.constant 0 : i32
      %get3A_274 = arith.constant 0 : i32
      %get3A_275 = arith.index_cast %get3A_273 : i32 to index
      %get3A_276 = arith.index_cast %get3A_274 : i32 to index
      %get3A_277 = arith.constant 112 : index
      %get3A_278 = tpu.vector_load %arg7[%get3A_275, %get3A_276, %get3A_277] {strides = array<i32>} : memref<1x3x128xi32, #tpu.memory_space<vmem>>, vector<16xi32>,
      %swap3A_279 = arith.constant 0 : i32
      %swap3A_280 = arith.index_cast %swap3A_279 : i32 to index
      %swap3A_281 = arith.constant 112 : index
      %swap3A_282 = tpu.vector_load %arg9[%swap3A_280, %swap3A_281] {strides = array<i32>} : memref<1x128xi32, #tpu.memory_space<vmem>>, vector<16xi32>,
      tpu.vector_store %arg9[%swap3A_280, %swap3A_281], %get3A_278 {strides = array<i32>} : memref<1x128xi32, #tpu.memory_space<vmem>>, vector<16xi32>,
      %dma_start3A_283 = arith.constant 0 : i32
      %dma_start3A_284 = arith.constant 0 : i32
      %dma_start3A_285 = tpu.memref_slice %arg9[%dma_start3A_283, %dma_start3A_284] : memref<1x128xi32, #tpu.memory_space<vmem>> -> memref<1x128xi32, #tpu.memory_space<vmem>>
      %dma_start3A_286 = tpu.memref_squeeze %dma_start3A_285 : memref<1x128xi32, #tpu.memory_space<vmem>> -> memref<128xi32, #tpu.memory_space<vmem>>
      %dma_start3A_287 = arith.constant 0 : i32
      %dma_start3A_288 = arith.constant 0 : i32
      %dma_start3A_289 = tpu.memref_slice %arg12[%dma_start3A_287, %dma_start3A_288] : memref<10240x128xf32, #tpu.memory_space<vmem_shared>> -> memref<10240x128xf32, #tpu.memory_space<vmem_shared>>
      tpu.enqueue_indirect_dma source(%arg11 : memref<128x128xf32, #tpu.memory_space<vmem>>) target(%dma_start3A_289 : memref<10240x128xf32, #tpu.memory_space<vmem_shared>>) offsets(%dma_start3A_286 : memref<128xi32, #tpu.memory_space<vmem>>) semaphore(%arg18 : memref<!tpu.dma_semaphore, #tpu.memory_space<semaphore_mem>>) {add = true}
      %add3A_290 = arith.constant 2 : i32
      %add3A_291 = arith.addi %add3A_184, %add3A_290 : i32
      %lt3A_292 = arith.constant 80 : i32
      %lt3A_293 = arith.cmpi slt, %add3A_291, %lt3A_292 : i32
      %convert_element_type3A_294 = arith.extui %lt3A_293 : i1 to i32
      %cond3A_295 = arith.constant 0 : i32
      %cond3A_296 = arith.cmpi ne, %convert_element_type3A_294, %cond3A_295 : i32
      scf.if %cond3A_296 {
        %add3A_297 = arith.constant 2 : i32
        %add3A_298 = arith.addi %add3A_184, %add3A_297 : i32
        %add3A_299 = arith.addi %mul3A_2, %add3A_298 : i32
        %dma_start3A_300 = arith.constant 0 : i32
        %dma_start3A_301 = arith.constant 0 : i32
        %dma_start3A_302 = tpu.memref_slice %arg2[%add3A_299, %dma_start3A_300, %dma_start3A_301] : memref<2560x3x128xi32, #tpu.memory_space<hbm>> -> memref<1x3x128xi32, #tpu.memory_space<hbm>>
        %dma_start3A_303 = arith.constant 0 : i32
        %dma_start3A_304 = arith.constant 0 : i32
        %dma_start3A_305 = tpu.memref_slice %arg2[%add3A_299, %dma_start3A_303, %dma_start3A_304] : memref<2560x3x128xi32, #tpu.memory_space<hbm>> -> memref<1x3x128xi32, #tpu.memory_space<hbm>>
        tpu.enqueue_dma source(%dma_start3A_305 : memref<1x3x128xi32, #tpu.memory_space<hbm>>) target(%arg7 : memref<1x3x128xi32, #tpu.memory_space<vmem>>) target_semaphore(%arg14 : memref<!tpu.dma_semaphore, #tpu.memory_space<semaphore_mem>>)
      } else {
      }
    }
    %scan3A_46 = arith.constant 40 : i32
    %dma_wait3A_47 = arith.constant 0 : i32
    %dma_wait3A_48 = arith.constant 0 : i32
    %dma_wait3A_49 = tpu.memref_slice %arg8[%dma_wait3A_47, %dma_wait3A_48] : memref<1x128xi32, #tpu.memory_space<vmem>> -> memref<1x128xi32, #tpu.memory_space<vmem>>
    %dma_wait3A_50 = tpu.memref_squeeze %dma_wait3A_49 : memref<1x128xi32, #tpu.memory_space<vmem>> -> memref<128xi32, #tpu.memory_space<vmem>>
    %dma_wait3A_51 = arith.constant 0 : i32
    %dma_wait3A_52 = arith.constant 0 : i32
    %dma_wait3A_53 = tpu.memref_slice %arg12[%dma_wait3A_51, %dma_wait3A_52] : memref<10240x128xf32, #tpu.memory_space<vmem_shared>> -> memref<10240x128xf32, #tpu.memory_space<vmem_shared>>
    tpu.wait_indirect_dma semaphore(%arg17 : memref<!tpu.dma_semaphore, #tpu.memory_space<semaphore_mem>>) src(%arg10 : memref<128x128xf32, #tpu.memory_space<vmem>>) dst(%dma_wait3A_53 : memref<10240x128xf32, #tpu.memory_space<vmem_shared>>)
    %dma_wait3A_54 = arith.constant 0 : i32
    %dma_wait3A_55 = arith.constant 0 : i32
    %dma_wait3A_56 = tpu.memref_slice %arg9[%dma_wait3A_54, %dma_wait3A_55] : memref<1x128xi32, #tpu.memory_space<vmem>> -> memref<1x128xi32, #tpu.memory_space<vmem>>
    %dma_wait3A_57 = tpu.memref_squeeze %dma_wait3A_56 : memref<1x128xi32, #tpu.memory_space<vmem>> -> memref<128xi32, #tpu.memory_space<vmem>>
    %dma_wait3A_58 = arith.constant 0 : i32
    %dma_wait3A_59 = arith.constant 0 : i32
    %dma_wait3A_60 = tpu.memref_slice %arg12[%dma_wait3A_58, %dma_wait3A_59] : memref<10240x128xf32, #tpu.memory_space<vmem_shared>> -> memref<10240x128xf32, #tpu.memory_space<vmem_shared>>
    tpu.wait_indirect_dma semaphore(%arg18 : memref<!tpu.dma_semaphore, #tpu.memory_space<semaphore_mem>>) src(%arg11 : memref<128x128xf32, #tpu.memory_space<vmem>>) dst(%dma_wait3A_60 : memref<10240x128xf32, #tpu.memory_space<vmem_shared>>)
    %barrier3A_61 = arith.constant 0 : index
    tpu.barrier barrier_id(%barrier3A_61)
    %mul3A_62 = arith.constant 640 : i32
    %mul3A_63 = arith.muli %arg1, %mul3A_62 : i32
    %mul3A_64 = arith.constant 640 : i32
    %mul3A_65 = arith.muli %arg1, %mul3A_64 : i32
    "tpu.region"() ({
      %run_scoped3A = tpu.sem_alloc : memref<!tpu.dma_semaphore, #tpu.memory_space<semaphore_mem>>
      %dma_start3A_66 = arith.constant 0 : i32
      %dma_start3A_67 = tpu.memref_slice %arg5[%arg0, %mul3A_65, %dma_start3A_66] : memref<2x10240x128xf32, #tpu.memory_space<hbm>> -> memref<1x640x128xf32, #tpu.memory_space<hbm>>
      %dma_start3A_68 = tpu.memref_squeeze %dma_start3A_67 : memref<1x640x128xf32, #tpu.memory_space<hbm>> -> memref<640x128xf32, #tpu.memory_space<hbm>>
      %dma_start3A_69 = arith.constant 0 : i32
      %dma_start3A_70 = tpu.memref_slice %arg12[%mul3A_63, %dma_start3A_69] : memref<10240x128xf32, #tpu.memory_space<vmem_shared>> -> memref<640x128xf32, #tpu.memory_space<vmem_shared>>
      tpu.enqueue_dma source(%dma_start3A_70 : memref<640x128xf32, #tpu.memory_space<vmem_shared>>) target(%dma_start3A_68 : memref<640x128xf32, #tpu.memory_space<hbm>>) target_semaphore(%run_scoped3A : memref<!tpu.dma_semaphore, #tpu.memory_space<semaphore_mem>>)
      %dma_wait3A_71 = arith.constant 0 : i32
      %dma_wait3A_72 = tpu.memref_slice %arg5[%arg0, %mul3A_65, %dma_wait3A_71] : memref<2x10240x128xf32, #tpu.memory_space<hbm>> -> memref<1x640x128xf32, #tpu.memory_space<hbm>>
      %dma_wait3A_73 = tpu.memref_squeeze %dma_wait3A_72 : memref<1x640x128xf32, #tpu.memory_space<hbm>> -> memref<640x128xf32, #tpu.memory_space<hbm>>
      %dma_wait3A_74 = arith.constant 0 : i32
      %dma_wait3A_75 = tpu.memref_slice %arg12[%mul3A_63, %dma_wait3A_74] : memref<10240x128xf32, #tpu.memory_space<vmem_shared>> -> memref<640x128xf32, #tpu.memory_space<vmem_shared>>
      tpu.wait_dma2 semaphore(%run_scoped3A : memref<!tpu.dma_semaphore, #tpu.memory_space<semaphore_mem>>) src(%dma_wait3A_75 : memref<640x128xf32, #tpu.memory_space<vmem_shared>>) dst(%dma_wait3A_73 : memref<640x128xf32, #tpu.memory_space<hbm>>)
      tpu.yield
    }) : () -> ()
    return
  }
}

module attributes {stable_mosaic.version = 14 : i64} {
  func.func @add_body(%arg0: i32, %arg1: memref<1x1000x128xf32, #tpu.memory_space<vmem>>, %arg2: memref<1x1000x128xf32, #tpu.memory_space<vmem>>, %arg3: memref<1000x128xf32, #tpu.memory_space<vmem>>) attributes {dimension_semantics = [#tpu.dimension_semantics<arbitrary>], iteration_bounds = array<i64: 10>, scalar_prefetch = 0 : i64, scratch_operands = 0 : i64, tpu.core_type = #tpu.core_type<tc>, window_params = [{transform_indices = @transform_0, window_bounds = array<i64: 1, 1000, 128>}, {transform_indices = @transform_1, window_bounds = array<i64: 1, 1000, 128>}, {transform_indices = @transform_2, window_bounds = array<i64: 1000, 128>}]} {
    %get3A = arith.constant 0 : index
    %get3A_0 = arith.constant 0 : index
    %get3A_1 = arith.constant 0 : index
    %get3A_2 = vector.load %arg1[%get3A, %get3A_0, %get3A_1] : memref<1x1000x128xf32, #tpu.memory_space<vmem>>, vector<1x1000x128xf32>
    %get3A_3 = vector.shape_cast %get3A_2 : vector<1x1000x128xf32> to vector<1000x128xf32>
    %get3A_4 = arith.constant 0 : index
    %get3A_5 = arith.constant 0 : index
    %get3A_6 = arith.constant 0 : index
    %get3A_7 = vector.load %arg2[%get3A_4, %get3A_5, %get3A_6] : memref<1x1000x128xf32, #tpu.memory_space<vmem>>, vector<1x1000x128xf32>
    %get3A_8 = vector.shape_cast %get3A_7 : vector<1x1000x128xf32> to vector<1000x128xf32>
    %add3A = arith.addf %get3A_3, %get3A_8 : vector<1000x128xf32>
    %swap3A = arith.constant 0 : index
    %swap3A_9 = arith.constant 0 : index
    %swap3A_10 = vector.load %arg3[%swap3A, %swap3A_9] : memref<1000x128xf32, #tpu.memory_space<vmem>>, vector<1000x128xf32>
    tpu.vector_store %arg3[%swap3A, %swap3A_9], %add3A {strides = array<i32>} : memref<1000x128xf32, #tpu.memory_space<vmem>>, vector<1000x128xf32>,
    return
  }
  func.func @transform_0(%arg0: i32) -> (i32, i32, i32) {
    %c0_i32 = arith.constant 0 : i32
    %c0_i32_0 = arith.constant 0 : i32
    %c0_i32_1 = arith.constant 0 : i32
    return %c0_i32, %arg0, %c0_i32_0 : i32, i32, i32
  }
  func.func @transform_1(%arg0: i32) -> (i32, i32, i32) {
    %c1_i32 = arith.constant 1 : i32
    %c0_i32 = arith.constant 0 : i32
    %c0_i32_0 = arith.constant 0 : i32
    return %c1_i32, %arg0, %c0_i32 : i32, i32, i32
  }
  func.func @transform_2(%arg0: i32) -> (i32, i32) {
    %c0_i32 = arith.constant 0 : i32
    %c0_i32_0 = arith.constant 0 : i32
    return %arg0, %c0_i32 : i32, i32
  }
}

</mosaic_0001>

<sc_bundles>
// kernel: kernel.4.cloned.1.call-start
scs
__scs_entry_jumppad:
0x0: {  	(pc) =	sbr.rel $0x88, $3  }
0x1: {  	(tag) =	ssettag $0x0;
	lr =	simm.s32 $0x1  }
0x2: {  	[smem:$0x3F9E] =	sst lr;
	_ =	strace $0xD0000000  }
0x3: {  	_ = 	snop  }
0x4: {  	_ = 	snop  }
0x5: {  	_ = 	snop  }
0x6: {  	_ = 	snop  }
0x7: {  	_ = 	snop  }
__scs_overlays_trampoline_lowered:
0x8: {  	[smem:$0x3FAD] =	sst s0  }
0x9: {  	[smem:$0x3FAE] =	sst s1  }
0xa: {  	[smem:$0x3FAF] =	sst s2  }
0xb: {  	[smem:$0x3FB0] =	sst s3  }
0xc: {  	[smem:$0x3FB1] =	sst s4  }
0xd: {  	[smem:$0x3FB2] =	sst s5  }
0xe: {  	[smem:$0x3FB3] =	sst s6  }
0xf: {  	[smem:$0x3FB4] =	sst s7  }
0x10: {  	[smem:$0x3FB5] =	sst s8  }
0x11: {  	[smem:$0x3FB6] =	sst s9;
	s0 =	simm.s32 @!p0 $0x0  }
0x12: {  	s1 =	sld [smem:$0x3F9C];
	s0 =	simm.s32 @p0 $0x1  }
0x13: {  	[smem:$0x3FB7] =	sst s0;
	s0 =	simm.s32 @!p1 $0x0  }
0x14: {  	s2 =	sld [smem:$0x3F9B];
	s0 =	simm.s32 @p1 $0x1  }
0x15: {  	[smem:$0x3FB8] =	sst s0;
	s0 =	simm.s32 @!p2 $0x0  }
0x16: {  	s3 =	sld [smem:$0x3FDB];
	s0 =	simm.s32 @p2 $0x1  }
0x17: {  	s4 =	simm.s32 $0x1BF5;
	[smem:$0x3FBA] =	sst s0  }
0x18: {  	s0 =	sld [smem:$0x3F9D];
	_ =	swait.ge [sflag:s4], $0x0  }
0x19: {  	s7 =	sld [smem:$0x3F9E]  }
0x1a: {  	s8 =	sadd.s32 $0xFFFFE003, lr  }
0x1b: {  	s9 =	sadd.s32 $0xFFFFFEF7, lr;
	s5 =	simm.s32 $0xFFFFFFFF;
	p2 =	slt.u32 s8, $0xFFFFF086  }
0x1c: {  	p1 =	slt.u32 s9, $0xF7A;
	s5 =	simm.s32 @!p2 $0x0  }
0x1d: {  	s5 =	simm.s32 @p1 $0x1;
	p0 =	seq.s32 s7, s2  }
0x1e: {  	s7 =	smul.u32 @!p0 $0xF7A, s2;
	p2 =	seq.s32 @!p0 s5, $0x0  }
0x1f: {  	s9 =	smul.u32 $0xF7A, s1;
	s8 =	simm.s32 @!p0 $0x1BF5;
	p2 =	por !p2, p0  }
0x20: {  	[sflag:s8] =	ssyncset.s32 @!p0 $0xFFFFF086;
	s6 =	sadd.s32 @!p0 s3, s7;
	s7 =	simm.s32 @!p0 $0x108  }
0x21: {  	s3 =	sadd.s32 s3, s9;
	s6 =	sadd.s32 @!p0 $0x88, s6;
	s7 =	simm.s32 @p2 $0x1082  }
0x22: {  	[simem:s7], [sflag:s8] =	dma.local @!p0 [hbm:s6], $0xF7A  }
0x23: {  	s9 =	sor.u32 $0xD0000000, s2;
	s6 =	simm.s32 $0x108;
	_ =	swait.ge @!p0 [sflag:s8], $0x0  }
0x24: {  	s3 =	sadd.s32 $0x88, s3;
	s6 =	simm.s32 @!p1 $0x1082;
	[sflag:s4] =	ssyncset.s32 $0xFFFFF086  }
0x25: {  	[simem:s6], [sflag:s4] =	dma.local [hbm:s3], $0xF7A  }
0x26: {  	[smem:$0x3F9E] =	sst s1;
	(tag) =	ssettag s2;
	_ =	strace s9  }
0x27: {  	s1 =	sld [smem:$0x3FAE]  }
0x28: {  	s2 =	sld [smem:$0x3FAF]  }
0x29: {  	s4 =	sld [smem:$0x3FB1]  }
0x2a: {  	p0 =	seq.s32 s5, $0x0;
	s5 =	sld [smem:$0x3FB2]  }
0x2b: {  	s6 =	sld [smem:$0x3FB3]  }
0x2c: {  	s7 =	sld [smem:$0x3FB4]  }
0x2d: {  	s3 =	simm.s32 $0x108;
	s8 =	sld [smem:$0x3FB5]  }
0x2e: {  	s3 =	simm.s32 @!p0 $0x1082;
	s9 =	sld [smem:$0x3FB6]  }
0x2f: {  	lr =	sadd.s32 s0, s3;
	s0 =	sld [smem:$0x3FAD]  }
0x30: {  	s3 =	sld [smem:$0x3FB0]  }
0x31: {  	[smem:$0x3FB9] =	sst s10  }
0x32: {  	s10 =	sld [smem:$0x3FB7];
	_ =	sdelay $0x3  }
0x33: {  	p0 =	seq.s32 s10, $0x1;
	s10 =	sld [smem:$0x3FB9];
	_ =	sdelay $0x3  }
0x34: {  	[smem:$0x3FB9] =	sst s10  }
0x35: {  	s10 =	sld [smem:$0x3FB8];
	_ =	sdelay $0x3  }
0x36: {  	p1 =	seq.s32 s10, $0x1;
	s10 =	sld [smem:$0x3FB9];
	_ =	sdelay $0x3  }
0x37: {  	[smem:$0x3FB9] =	sst s10  }
0x38: {  	s10 =	sld [smem:$0x3FBA]  }
0x39: {  	_ = 	snop;
	(pc) =	sbr.ind lr, $3  }
0x3a: {  	_ = 	snop  }
0x3b: {  	_ = 	snop  }
0x3c: {  	p2 =	seq.s32 s10, $0x1;
	s10 =	sld [smem:$0x3FB9]  }
0x3d: {  	_ =	shalt  }
0x3e: {  	_ =	shalt  }
0x3f: {  	_ =	shalt  }
0x40: {  	_ =	shalt  }
0x41: {  	_ =	shalt  }
0x42: {  	_ =	shalt  }
0x43: {  	_ =	shalt  }
0x44: {  	_ =	shalt  }
0x45: {  	_ =	shalt  }
0x46: {  	_ =	shalt  }
0x47: {  	_ =	shalt  }
0x48: {  	_ =	shalt  }
0x49: {  	_ =	shalt  }
0x4a: {  	_ =	shalt  }
0x4b: {  	_ =	shalt  }
0x4c: {  	_ =	shalt  }
0x4d: {  	_ =	shalt  }
0x4e: {  	_ =	shalt  }
0x4f: {  	_ =	shalt  }
0x50: {  	_ =	shalt  }
0x51: {  	_ =	shalt  }
0x52: {  	_ =	shalt  }
0x53: {  	_ =	shalt  }
0x54: {  	_ =	shalt  }
0x55: {  	_ =	shalt  }
0x56: {  	_ =	shalt  }
0x57: {  	_ =	shalt  }
0x58: {  	_ =	shalt  }
0x59: {  	_ =	shalt  }
0x5a: {  	_ =	shalt  }
0x5b: {  	_ =	shalt  }
0x5c: {  	_ =	shalt  }
0x5d: {  	_ =	shalt  }
0x5e: {  	_ =	shalt  }
0x5f: {  	_ =	shalt  }
0x60: {  	_ =	shalt  }
0x61: {  	_ =	shalt  }
0x62: {  	_ =	shalt  }
0x63: {  	_ =	shalt  }
0x64: {  	_ =	shalt  }
0x65: {  	_ =	shalt  }
0x66: {  	_ =	shalt  }
0x67: {  	_ =	shalt  }
0x68: {  	_ =	shalt  }
0x69: {  	_ =	shalt  }
0x6a: {  	_ =	shalt  }
0x6b: {  	_ =	shalt  }
0x6c: {  	_ =	shalt  }
0x6d: {  	_ =	shalt  }
0x6e: {  	_ =	shalt  }
0x6f: {  	_ =	shalt  }
0x70: {  	_ =	shalt  }
0x71: {  	_ =	shalt  }
0x72: {  	_ =	shalt  }
0x73: {  	_ =	shalt  }
0x74: {  	_ =	shalt  }
0x75: {  	_ =	shalt  }
0x76: {  	_ =	shalt  }
0x77: {  	_ =	shalt  }
0x78: {  	_ =	shalt  }
0x79: {  	_ =	shalt  }
0x7a: {  	_ =	shalt  }
0x7b: {  	_ =	shalt  }
0x7c: {  	_ =	shalt  }
0x7d: {  	_ =	shalt  }
0x7e: {  	_ =	shalt  }
0x7f: {  	_ =	shalt  }
0x80: {  	_ =	shalt  }
0x81: {  	_ =	shalt  }
0x82: {  	_ =	shalt  }
0x83: {  	_ =	shalt  }
0x84: {  	_ =	shalt  }
0x85: {  	_ =	shalt  }
0x86: {  	_ =	shalt  }
0x87: {  	_ =	shalt  }
.Lfunc_end0:
.L_simem_size_0:
called_computation_lowered:
.L_overlay_start_0:
0x88: {  	s2 =	sld [smem:$0x3FD9]  }
0x89: {  	s3 =	sld [smem:$0x3FFE];
	_ =	sdelay $0x1  }
0x8a: {  	s1 =	srdreg.scid  }
0x8b: {  	s0 =	sand.u32 $0x1, s1  }
0x8c: {  	s17 =	sshll.u32 s0, $0xA;
	s2 =	sadd.s32 s3, s2  }
0x8d: {  	s2 =	sadd.s32 s2, s17  }
0x8e: {  	[smem:$0x3FC5] =	sst s2  }
0x8f: {  	_ = 	snop  }
0x90: {  	s2 =	sld [smem:$0x3FC7];
	(tm) =	ssettm $0x1  }
0x91: {  	s18 =	sld [smem:$0x3FFB];
	_ =	sdelay $0x3  }
0x92: {  	_ =	strace s18  }
0x93: {  	s3 =	sld [smem:$0x3FFC];
	_ =	sdelay $0x3  }
0x94: {  	_ =	strace s3  }
0x95: {  	s3 =	sld [smem:$0x3FFD];
	_ =	sdelay $0x3  }
0x96: {  	_ =	strace s3  }
0x97: {  	_ =	strace $0x8FFFFFFF  }
0x98: {  	s19 =	sld [smem:$0x3FDB];
	_ =	sdelay $0x1  }
0x99: {  	s4 =	simm.s32 $_scs_section_size  }
0x9a: {  	s5 =	simm.s32 $_size__tile_overlayer_lowered;
	s6 =	simm.s32 $_tile_overlayer_lowered  }
0x9b: {  	s22 =	simm.s32 $0x1BFF;
	s21 =	sshll.u32 s6, $0x1;
	s3 =	sadd.s32 s4, s19  }
0x9c: {  	s7 =	simm.s32 $0x0;
	s20 =	sshll.u32 s5, $0x1;
	s5 =	sadd.s32 s21, s3  }
0x9d: {  	[timem:s7], [sflag:s22] =	dma.local [hbm:s5], s20  }
0x9e: {  	_ =	swait.ge [sflag:s22], s20  }
0x9f: {  	s4 =	ssub.s32 $0x0, s20;
	[sflag:s22] =	ssyncset.done $0x0  }
0xa0: {  	[sflag:s22] =	ssyncadd.s32 s4;
	_ =	sdelay $0x1  }
0xa1: {  	s23 =	simm.s32 $0x1B8B  }
0xa2: {  	_ =	swait.ge [sflag:s23], $0x1  }
0xa3: {  	[sflag:s23] =	ssyncset.done $0x0  }
0xa4: {  	s25 =	simm.s32 $0x1B8E;
	s24 =	sld [smem:$0x3FFE];
	[sflag:s23] =	ssyncadd.s32 $0xFFFFFFFF  }
0xa5: {  	s26 =	simm.s32 $execute0_lowered;
	[smem:$0x3FD2] =	sst s25  }
0xa6: {  	s5 =	sshll.u32 s26, $0x1;
	_ =	strace $0x80000046;
	[dreg:$0x1] =	wrdreg $0xFFFFFFFF  }
0xa7: {  	s28 =	simm.s32 $_size_execute0_lowered;
	s3 =	sadd.s32 s3, s5;
	[dreg:$0x0] =	wrdreg $0x0  }
0xa8: {  	s5 =	sshll.u32 s28, $0x1;
	[dreg:$0x2] =	wrdreg s3  }
0xa9: {  	[dreg:$0x3] =	wrdreg s5  }
0xaa: {  	[dreg:$0x4] =	wrdreg $0xC0  }
0xab: {  	_ =	task [dreg:s7], $0x5FFFF  }
0xac: {  	[dreg:$0x1] =	wrdreg $0xFFFFFFFF  }
0xad: {  	[dreg:$0x0] =	wrdreg $0x60  }
0xae: {  	[dreg:$0x2] =	wrdreg s24  }
0xaf: {  	[dreg:$0x3] =	wrdreg s2  }
0xb0: {  	[dreg:$0x4] =	wrdreg $0x85000  }
0xb1: {  	[dreg:$0x5] =	wrdreg $0x9  }
0xb2: {  	_ =	task.clear_ibuf [dreg:s7], $0x6FFFF;
	_ =	strace $0x90000046  }
0xb3: {  	s29 =	simm.s32 $0x9;
	_ =	strace $0x80000048  }
0xb4: {  	_ =	swait.ge [sflag:s29], $0x1  }
0xb5: {  	[sflag:s29] =	ssyncadd.s32 $0xFFFFFFFF  }
0xb6: {  	_ =	strace $0x90000048  }
0xb7: {  	_ =	sfence  }
0xb8: {  	s30 =	sld [smem:$0x0];
	_ =	sdelay $0x2  }
0xb9: {  	s31 =	sshll.u32 s1, $0xD;
	s1 =	sshrl.u32 s1, $0x2  }
0xba: {  	s3 =	sand.u32 $0x4000, s31;
	s1 =	sadd.s32 s1, s30  }
0xbb: {  	s0 =	sor.u32 s3, s0;
	s1 =	sshll.u32 s1, $0x11  }
0xbc: {  	s0 =	sor.u32 s1, s0  }
0xbd: {  	s0 =	sadd.s32 $0x8F2B, s0  }
0xbe: {  	[sflag:s0] =	ssyncadd.remote.s32 $0x1  }
0xbf: {  	_ =	sfence.sel $0xFFFF  }
0xc0: {  	[dreg:$0x0] =	wrdreg $0xFFFFFFFF;
	(pc) =	sbr.abs _section_cstart, $3  }
0xc1: {  	[dreg:$0x1] =	wrdreg $0xFFFFFFFF  }
0xc2: {  	_ =	task.clear_ibuf [dreg:s7], $0x2FFFF;
	_ =	strace $0x9FFFFFFF  }
0xc3: {  	(tm) =	ssettm $0x7FFFFFFF  }
tec
execute0_lowered:
.L_overlay_start_1:
0x0: {  	(tag) =	ssettag $0x1  }
0x1: {  	s0 =	rddreg [dreg:$0x0]  }
0x2: {  	s2 =	rddreg [dreg:$0x1]  }
0x3: {  	s3 =	rddreg [dreg:$0x2]  }
0x4: {  	s11 =	stileid.u32;
	s1 =	srdreg.scid  }
0x5: {  	s4 =	simm.s32 $0x0;
	s16 =	simm.s32 $0x200;
	s17 =	simm.s32 $0x1  }
0x6: {  	s18 =	simm.s32 $0x80;
	s19 =	simm.s32 $0x500;
	s20 =	simm.s32 $0x7  }
0x7: {  	s28 =	simm.s32 $0x480;
	s29 =	simm.s32 $0x5;
	s30 =	simm.s32 $0x6  }
0x8: {  	s31 =	simm.s32 $0x8;
	s6 =	smul.u32 $0x14000, s11;
	s1 =	sand.u32 $0x1, s1  }
0x9: {  	[smem:$0x7FF] =	sst s4;
	s5 =	sadd.s32 $0x200, s0;
	s9 =	smul.u32 $0x50000, s11  }
0xa: {  	s7 =	smul.u32 $0x140000, s1;
	s21 =	sshll.u32 s1, $0x4;
	s1 =	ssub.s32 $0x2, s1  }
0xb: {  	_ =	strace $0x80000047;
	s8 =	sshrl.u32 s6, $0x3;
	s22 =	sshrl.u32 s1, $0x1  }
0xc: {  	s23 =	sshrl.u32 s9, $0x2;
	s6 =	sadd.s32 s6, s7;
	s8 =	sadd.s32 s8, s0  }
0xd: {  	s7 =	sor.u32 s11, s21;
	s1 =	ssub.s32 s1, s22;
	s9 =	sadd.s32 s23, s3  }
0xe: {  	s21 =	simm.s32 $0x2;
	s22 =	simm.s32 $0x280;
	s10 =	smul.u32 $0x1400, s7  }
0xf: {  	s23 =	simm.s32 $0x4500;
	s6 =	sshrl.u32 s6, $0x3;
	s12 =	smul.u32 $0x50, s7  }
0x10: {  	s8 =	sadd.s32 $0x28200, s8;
	s26 =	smax.u32 s1, $0x1;
	s15 =	sshrl.u32 s9, $0x3  }
0x11: {  	v0 =	vimm.s32 $0x0;
	s0 =	sadd.s32 s6, s0;
	s6 =	sshll.u32 s11, $0x6;
	[dreg:$0x4] =	wrdreg s8  }
.Ltmp0:
0x12: {  	v1 =	vimm.s32 $0x1;
	v2 =	vimm.s32 $0x2;
	v3 =	vimm.s32 $0x3;
	[dreg:$0x8] =	wrdreg s26;
	s26 =	simm.s32 $0x4;
	(pc) =	sbr.rel .LBB2_1-.Ltmp0, $4  }
0x13: {  	v4 =	vimm.s32 $0x4;
	v5 =	vimm.s32 $0x5;
	v6 =	vimm.s32 $0x6;
	s7 =	sadd.s32 s5, s10;
	s24 =	sor.u32 $0x1C07, s6;
	s11 =	sor.u32 $0x2, s12  }
0x14: {  	v7 =	vimm.s32 $0x7;
	v8 =	vimm.s32 $0x8;
	v9 =	vimm.s32 $0x9;
	s12 =	sor.u32 $0x3, s12;
	s0 =	sadd.s32 $0x50200, s0;
	[dreg:$0x5] =	wrdreg s24  }
0x15: {  	v10 =	vimm.s32 $0xA;
	v11 =	vimm.s32 $0xB;
	v12 =	vimm.s32 $0xC;
	s25 =	sadd.s32 $0x40, s7;
	[dreg:$0x7] =	wrdreg s0;
	s24 =	simm.s32 $0x3  }
0x16: {  	v13 =	vimm.s32 $0xD;
	v14 =	vimm.s32 $0xE;
	v15 =	vimm.s32 $0xF;
	s0 =	simm.s32 $0x0;
	[dreg:$0x6] =	wrdreg s25;
	s25 =	simm.s32 $0x400  }
.LBB2_8:
0x17: {  	_ =	swait.ge [sflag:s29], $0x4000  }
0x18: {  	[sflag:s29] =	ssyncset.done $0x0  }
0x19: {  	[sflag:s29] =	ssyncadd.s32 $0xFFFFC000  }
0x1a: {  	_ =	swait.ge [sflag:s30], $0x4000  }
0x1b: {  	[sflag:s30] =	ssyncset.done $0x0  }
0x1c: {  	[sflag:s30] =	ssyncadd.s32 $0xFFFFC000  }
0x1d: {  	[bflag:$0x0] =	sbarrier.arrive $0xFFFF  }
0x1e: {  	s1 =	sor.u32 $0x1C08, s6;
	s8 =	rddreg [dreg:$0x7]  }
0x1f: {  	[hbm:s8], [sflag:s1] =	dma.local [spmem:s15], $0x2800  }
0x20: {  	_ =	swait.ge [sflag:s31], $0x2800  }
0x21: {  	s0 =	sadd.s32 $0x1, s0;
	s14 =	rddreg [dreg:$0x8]  }
0x22: {  	p0 =	sne.s32 s0, s14  }
.Ltmp1:
0x23: {  	_ = 	snop;
	(pc) =	sbr.rel @!p0 .LBB2_9-.Ltmp1, $3  }
0x24: {  	_ =	sdelay $0x1  }
0x25: {  	[sflag:s31] =	ssyncset.done $0x0  }
0x26: {  	[sflag:s31] =	ssyncadd.s32 $0xFFFFD800  }
.LBB2_1:
0x27: {  	s1 =	rddreg [dreg:$0x4]  }
0x28: {  	s8 =	rddreg [dreg:$0x5]  }
0x29: {  	[spmem:s15], [sflag:s8] =	dma.local [hbm:s1], $0x2800  }
0x2a: {  	[tilespmem:s4], [sflag:$0x1] =	stream.linear.gather [hbm4b:s7+s4], $0x180, $0x38;
	[tilespmem:$0x1C500] =	vst v63  }
0x2b: {  	s1 =	rddreg [dreg:$0x6]  }
0x2c: {  	[tilespmem:s16], [sflag:$0x2] =	stream.linear.gather [hbm4b:s1+s4], $0x180, $0x38;
	[tilespmem:$0x1C500] =	vst v63  }
0x2d: {  	_ =	swait.ge [sflag:s17], $0x180  }
0x2e: {  	[sflag:s17] =	ssyncset.done $0x0  }
0x2f: {  	[sflag:s17] =	ssyncadd.s32 $0xFFFFFE80  }
0x30: {  	[tilespmem:s19], [sflag:$0x3] =	stream.indirect.gather [hbm4b:s2+s18], $0x80, s18, s18, $0xb8;
	[tilespmem:$0x1C500] =	vst v63  }
0x31: {  	_ =	swait.ge [sflag:s20], $0x2800  }
0x32: {  	[sflag:s20] =	ssyncset.done $0x0  }
0x33: {  	[sflag:s20] =	ssyncadd.s32 $0xFFFFD800  }
0x34: {  	s1 =	simm.s32 $0x0;
	[bflag:$0x0] =	sbarrier.arrive $0xFFFF  }
.LBB2_2:
0x35: {  	_ =	swait.ge [sflag:s21], $0x180  }
0x36: {  	p0 =	seq.s32 s1, $0x0;
	[sflag:s21] =	ssyncset.done $0x0  }
0x37: {  	s8 =	simm.s32 @!p0 $0x6;
	[sflag:s21] =	ssyncadd.s32 $0xFFFFFE80  }
0x38: {  	_ =	swait.ge @!p0 [sflag:s8], $0x4000  }
0x39: {  	[sflag:s8] =	ssyncset.done @!p0 $0x0  }
0x3a: {  	[sflag:s8] =	ssyncadd.s32 @!p0 $0xFFFFC000  }
0x3b: {  	[tilespmem:s23], [sflag:$0x4] =	stream.indirect.gather [hbm4b:s2+s18], $0x80, s22, s18, $0xb8;
	[tilespmem:$0x1C500] =	vst v63  }
0x3c: {  	_ =	swait.ge [sflag:s24], $0x4000  }
0x3d: {  	[sflag:s24] =	ssyncset.done $0x0  }
0x3e: {  	s9 =	simm.s32 $0x0;
	s8 =	sshll.u32 s1, $0x1;
	[sflag:s24] =	ssyncadd.s32 $0xFFFFC000  }
.LBB2_3:
0x3f: {  	s13 =	sshll.u32 s9, $0x4  }
0x40: {  	s10 =	sand.u32 $0x3FFFFFF0, s13  }
0x41: {  	s14 =	sshll.u32 s9, $0xB;
	v17 =	vld [tilespmem:s10+$0x100]  }
0x42: {  	s10 =	sand.u32 $0x3FFFF800, s14  }
0x43: {  	v16 =	vld [tilespmem:s10+$0x500]  }
0x44: {  	v18 =	vld [tilespmem:s10+$0x510]  }
0x45: {  	v19 =	vld [tilespmem:s10+$0x520]  }
0x46: {  	v21 =	vld [tilespmem:s10+$0x530];
	v20 =	vperm.xlane v17, v0  }
0x47: {  	v22 =	vld [tilespmem:s10+$0x540]  }
0x48: {  	v23 =	vld [tilespmem:s10+$0x550];
	v16 =	vmul.f32 v16, v20  }
0x49: {  	v24 =	vld [tilespmem:s10+$0x560];
	v18 =	vmul.f32 v18, v20  }
0x4a: {  	[tilespmem:s10+$0x500] =	vst v16;
	v16 =	vmul.f32 v19, v20  }
0x4b: {  	v26 =	vmul.f32 v21, v20;
	[tilespmem:s10+$0x510] =	vst v18  }
0x4c: {  	[tilespmem:s10+$0x520] =	vst v16;
	v16 =	vmul.f32 v22, v20  }
0x4d: {  	v27 =	vmul.f32 v23, v20;
	[tilespmem:s10+$0x530] =	vst v26  }
0x4e: {  	[tilespmem:s10+$0x540] =	vst v16;
	v16 =	vmul.f32 v24, v20  }
0x4f: {  	[tilespmem:s10+$0x550] =	vst v27  }
0x50: {  	[tilespmem:s10+$0x560] =	vst v16  }
0x51: {  	v16 =	vld [tilespmem:s10+$0x570]  }
0x52: {  	v28 =	vld [tilespmem:s10+$0x580]  }
0x53: {  	v29 =	vld [tilespmem:s10+$0x590]  }
0x54: {  	v30 =	vld [tilespmem:s10+$0x5A0]  }
0x55: {  	v31 =	vld [tilespmem:s10+$0x5B0]  }
0x56: {  	v33 =	vld [tilespmem:s10+$0x5C0]  }
0x57: {  	v32 =	vperm.xlane v17, v1;
	v34 =	vld [tilespmem:s10+$0x5D0]  }
0x58: {  	v25 =	vld [tilespmem:s10+$0x5E0];
	v16 =	vmul.f32 v16, v20  }
0x59: {  	v35 =	vld [tilespmem:s10+$0x5F0];
	v18 =	vmul.f32 v28, v32  }
0x5a: {  	v37 =	vld [tilespmem:s10+$0x600];
	[tilespmem:s10+$0x570] =	vst v16;
	v16 =	vmul.f32 v29, v32  }
0x5b: {  	v38 =	vld [tilespmem:s10+$0x610];
	v36 =	vmul.f32 v30, v32;
	[tilespmem:s10+$0x580] =	vst v18  }
0x5c: {  	v40 =	vld [tilespmem:s10+$0x620];
	[tilespmem:s10+$0x590] =	vst v16;
	v16 =	vmul.f32 v31, v32  }
0x5d: {  	v41 =	vld [tilespmem:s10+$0x630];
	v39 =	vmul.f32 v33, v32;
	[tilespmem:s10+$0x5A0] =	vst v36  }
0x5e: {  	v26 =	vld [tilespmem:s10+$0x640];
	[tilespmem:s10+$0x5B0] =	vst v16;
	v16 =	vmul.f32 v34, v32  }
0x5f: {  	v43 =	vperm.xlane v17, v2;
	v44 =	vld [tilespmem:s10+$0x650];
	v42 =	vmul.f32 v25, v32;
	[tilespmem:s10+$0x5C0] =	vst v39  }
0x60: {  	v46 =	vld [tilespmem:s10+$0x660];
	[tilespmem:s10+$0x5D0] =	vst v16;
	v16 =	vmul.f32 v35, v32  }
0x61: {  	v47 =	vld [tilespmem:s10+$0x670];
	v45 =	vmul.f32 v37, v43;
	[tilespmem:s10+$0x5E0] =	vst v42  }
0x62: {  	v49 =	vld [tilespmem:s10+$0x680];
	[tilespmem:s10+$0x5F0] =	vst v16;
	v16 =	vmul.f32 v38, v43  }
0x63: {  	v50 =	vld [tilespmem:s10+$0x690];
	v48 =	vmul.f32 v40, v43;
	[tilespmem:s10+$0x600] =	vst v45  }
0x64: {  	v52 =	vld [tilespmem:s10+$0x6A0];
	[tilespmem:s10+$0x610] =	vst v16;
	v16 =	vmul.f32 v41, v43  }
0x65: {  	v53 =	vld [tilespmem:s10+$0x6B0];
	v51 =	vmul.f32 v26, v43;
	[tilespmem:s10+$0x620] =	vst v48  }
0x66: {  	v56 =	vld [tilespmem:s10+$0x6C0];
	[tilespmem:s10+$0x630] =	vst v16;
	v16 =	vmul.f32 v44, v43  }
0x67: {  	v55 =	vperm.xlane v17, v3;
	v57 =	vld [tilespmem:s10+$0x6D0];
	v54 =	vmul.f32 v46, v43;
	[tilespmem:s10+$0x640] =	vst v51  }
0x68: {  	v59 =	vld [tilespmem:s10+$0x6E0];
	[tilespmem:s10+$0x650] =	vst v16;
	v16 =	vmul.f32 v47, v43  }
0x69: {  	v60 =	vld [tilespmem:s10+$0x6F0];
	v58 =	vmul.f32 v49, v55;
	[tilespmem:s10+$0x660] =	vst v54  }
0x6a: {  	v62 =	vld [tilespmem:s10+$0x700];
	[tilespmem:s10+$0x670] =	vst v16;
	v16 =	vmul.f32 v50, v55  }
0x6b: {  	v63 =	vld [tilespmem:s10+$0x710];
	v61 =	vmul.f32 v52, v55;
	[tilespmem:s10+$0x680] =	vst v58  }
0x6c: {  	v46 =	vld [tilespmem:s10+$0x7C0];
	[tilespmem:s10+$0x690] =	vst v16;
	v16 =	vmul.f32 v53, v55  }
0x6d: {  	v28 =	vmul.f32 v56, v55;
	v30 =	vld [tilespmem:s10+$0x730];
	[tilespmem:s10+$0x6A0] =	vst v61  }
0x6e: {  	v52 =	vld [tilespmem:s10+$0x800];
	[tilespmem:s10+$0x6B0] =	vst v16;
	v16 =	vmul.f32 v57, v55  }
0x6f: {  	v33 =	vld [tilespmem:s10+$0x740];
	[tilespmem:s10+$0x6C0] =	vst v28;
	v45 =	vperm.xlane v17, v5;
	v31 =	vmul.f32 v59, v55  }
0x70: {  	v39 =	vld [tilespmem:s10+$0x780];
	v32 =	vperm.xlane v17, v4;
	[tilespmem:s10+$0x6D0] =	vst v16;
	v16 =	vmul.f32 v60, v55  }
0x71: {  	v58 =	vperm.xlane v17, v6;
	v54 =	vmul.f32 v46, v45;
	v34 =	vld [tilespmem:s10+$0x750];
	[tilespmem:s10+$0x6E0] =	vst v31  }
0x72: {  	v42 =	vld [tilespmem:s10+$0x7A0];
	[tilespmem:s10+$0x6F0] =	vst v16;
	v16 =	vmul.f32 v63, v32  }
0x73: {  	v37 =	vld [tilespmem:s10+$0x770];
	v61 =	vmul.f32 v52, v58;
	[tilespmem:s10+$0x7C0] =	vst v54  }
0x74: {  	v59 =	vld [tilespmem:s10+$0x840];
	[tilespmem:s10+$0x710] =	vst v16;
	v16 =	vmul.f32 v30, v32  }
0x75: {  	v40 =	vld [tilespmem:s10+$0x790];
	v48 =	vmul.f32 v39, v45;
	[tilespmem:s10+$0x800] =	vst v61  }
0x76: {  	v49 =	vld [tilespmem:s10+$0x7E0];
	[tilespmem:s10+$0x730] =	vst v16;
	v16 =	vmul.f32 v34, v32  }
0x77: {  	v51 =	vmul.f32 v42, v45;
	[tilespmem:s10+$0x780] =	vst v48;
	v43 =	vld [tilespmem:s10+$0x7B0]  }
0x78: {  	v29 =	vld [tilespmem:s10+$0x720];
	[tilespmem:s10+$0x750] =	vst v16;
	v16 =	vmul.f32 v37, v32  }
0x79: {  	[tilespmem:s10+$0x7A0] =	vst v51;
	v31 =	vmul.f32 v59, v58;
	v47 =	vld [tilespmem:s10+$0x7D0]  }
0x7a: {  	v36 =	vld [tilespmem:s10+$0x760];
	[tilespmem:s10+$0x770] =	vst v16;
	v16 =	vmul.f32 v40, v45  }
0x7b: {  	v35 =	vmul.f32 v62, v32;
	[tilespmem:s10+$0x840] =	vst v31;
	v50 =	vld [tilespmem:s10+$0x7F0]  }
0x7c: {  	v42 =	vld [tilespmem:s10+$0x900];
	[tilespmem:s10+$0x790] =	vst v16;
	v16 =	vmul.f32 v43, v45  }
0x7d: {  	v38 =	vmul.f32 v29, v32;
	[tilespmem:s10+$0x700] =	vst v35;
	v53 =	vld [tilespmem:s10+$0x810]  }
0x7e: {  	v56 =	vld [tilespmem:s10+$0x830];
	[tilespmem:s10+$0x7B0] =	vst v16;
	v16 =	vmul.f32 v47, v45  }
0x7f: {  	v46 =	vld [tilespmem:s10+$0x930];
	v48 =	vperm.xlane v17, v8;
	[tilespmem:s10+$0x720] =	vst v38;
	v41 =	vmul.f32 v33, v32  }
0x80: {  	v29 =	vld [tilespmem:s10+$0x880];
	[tilespmem:s10+$0x7D0] =	vst v16;
	v16 =	vmul.f32 v50, v45  }
0x81: {  	v51 =	vmul.f32 v42, v48;
	[tilespmem:s10+$0x740] =	vst v41;
	v60 =	vld [tilespmem:s10+$0x850]  }
0x82: {  	v44 =	vmul.f32 v36, v32;
	v36 =	vld [tilespmem:s10+$0x8C0];
	[tilespmem:s10+$0x7F0] =	vst v16;
	v16 =	vmul.f32 v53, v58  }
0x83: {  	v35 =	vperm.xlane v17, v7;
	[tilespmem:s10+$0x900] =	vst v51;
	v63 =	vld [tilespmem:s10+$0x870]  }
0x84: {  	v52 =	vld [tilespmem:s10+$0x960];
	[tilespmem:s10+$0x810] =	vst v16;
	v16 =	vmul.f32 v56, v58  }
0x85: {  	v38 =	vmul.f32 v29, v35;
	[tilespmem:s10+$0x760] =	vst v44;
	v30 =	vld [tilespmem:s10+$0x890]  }
0x86: {  	v55 =	vld [tilespmem:s10+$0x820];
	[tilespmem:s10+$0x830] =	vst v16;
	v16 =	vmul.f32 v60, v58  }
0x87: {  	v33 =	vld [tilespmem:s10+$0x8B0];
	[tilespmem:s10+$0x880] =	vst v38;
	v44 =	vmul.f32 v36, v35  }
0x88: {  	v57 =	vmul.f32 v49, v45;
	v49 =	vld [tilespmem:s10+$0x940];
	[tilespmem:s10+$0x850] =	vst v16;
	v16 =	vmul.f32 v63, v58  }
0x89: {  	[tilespmem:s10+$0x8C0] =	vst v44;
	v37 =	vld [tilespmem:s10+$0x8D0]  }
0x8a: {  	v62 =	vld [tilespmem:s10+$0x860];
	[tilespmem:s10+$0x870] =	vst v16;
	v16 =	vmul.f32 v30, v35  }
0x8b: {  	[tilespmem:s10+$0x7E0] =	vst v57;
	v28 =	vmul.f32 v55, v58;
	v40 =	vld [tilespmem:s10+$0x8F0]  }
0x8c: {  	v55 =	vld [tilespmem:s10+$0x980];
	[tilespmem:s10+$0x890] =	vst v16;
	v16 =	vmul.f32 v33, v35  }
0x8d: {  	v57 =	vmul.f32 v49, v48;
	[tilespmem:s10+$0x820] =	vst v28;
	v43 =	vld [tilespmem:s10+$0x910]  }
0x8e: {  	v28 =	vld [tilespmem:s10+$0x9E0];
	[tilespmem:s10+$0x8B0] =	vst v16;
	v16 =	vmul.f32 v37, v35  }
0x8f: {  	v39 =	vld [tilespmem:s10+$0x8E0];
	v61 =	vperm.xlane v17, v9;
	[tilespmem:s10+$0x940] =	vst v57;
	v34 =	vmul.f32 v62, v58  }
0x90: {  	v32 =	vld [tilespmem:s10+$0x8A0];
	[tilespmem:s10+$0x8D0] =	vst v16;
	v16 =	vmul.f32 v40, v35  }
0x91: {  	[tilespmem:s10+$0x860] =	vst v34;
	v27 =	vmul.f32 v55, v61;
	v50 =	vld [tilespmem:s10+$0x950]  }
0x92: {  	v59 =	vld [tilespmem:s10+$0x9B0];
	[tilespmem:s10+$0x8F0] =	vst v16;
	v16 =	vmul.f32 v43, v48  }
0x93: {  	[tilespmem:s10+$0x980] =	vst v27;
	v36 =	vmul.f32 v28, v61;
	v53 =	vld [tilespmem:s10+$0x970]  }
0x94: {  	v45 =	vld [tilespmem:s10+$0x920];
	[tilespmem:s10+$0x910] =	vst v16;
	v16 =	vmul.f32 v46, v48  }
0x95: {  	v41 =	vmul.f32 v32, v35;
	[tilespmem:s10+$0x9E0] =	vst v36;
	v56 =	vld [tilespmem:s10+$0x990]  }
0x96: {  	v31 =	vld [tilespmem:s10+$0xA00];
	[tilespmem:s10+$0x930] =	vst v16;
	v16 =	vmul.f32 v50, v48  }
0x97: {  	v42 =	vld [tilespmem:s10+$0xA70];
	v47 =	vmul.f32 v39, v35;
	[tilespmem:s10+$0x8A0] =	vst v41  }
0x98: {  	v62 =	vld [tilespmem:s10+$0x9C0];
	[tilespmem:s10+$0x950] =	vst v16;
	v16 =	vmul.f32 v53, v48  }
0x99: {  	[tilespmem:s10+$0x8E0] =	vst v47;
	v54 =	vmul.f32 v45, v48;
	v63 =	vld [tilespmem:s10+$0x9D0]  }
0x9a: {  	v58 =	vld [tilespmem:s10+$0x9A0];
	[tilespmem:s10+$0x970] =	vst v16;
	v16 =	vmul.f32 v56, v61  }
0x9b: {  	v29 =	vld [tilespmem:s10+$0x9F0];
	v60 =	vmul.f32 v52, v48;
	[tilespmem:s10+$0x920] =	vst v54  }
0x9c: {  	v51 =	vld [tilespmem:s10+$0xAC0];
	[tilespmem:s10+$0x990] =	vst v16;
	v16 =	vmul.f32 v59, v61  }
0x9d: {  	v32 =	vld [tilespmem:s10+$0xA10];
	[tilespmem:s10+$0x960] =	vst v60;
	v33 =	vmul.f32 v62, v61  }
0x9e: {  	v41 =	vld [tilespmem:s10+$0xA60];
	[tilespmem:s10+$0x9B0] =	vst v16;
	v16 =	vmul.f32 v63, v61  }
0x9f: {  	v30 =	vmul.f32 v58, v61;
	[tilespmem:s10+$0x9C0] =	vst v33;
	v37 =	vperm.xlane v17, v10;
	v35 =	vld [tilespmem:s10+$0xA30]  }
0xa0: {  	v34 =	vld [tilespmem:s10+$0xA20];
	[tilespmem:s10+$0x9D0] =	vst v16;
	v16 =	vmul.f32 v29, v61  }
0xa1: {  	v39 =	vld [tilespmem:s10+$0xA50];
	[tilespmem:s10+$0x9A0] =	vst v30;
	v40 =	vmul.f32 v31, v37  }
0xa2: {  	v38 =	vld [tilespmem:s10+$0xA40];
	[tilespmem:s10+$0x9F0] =	vst v16;
	v16 =	vmul.f32 v32, v37  }
0xa3: {  	v44 =	vld [tilespmem:s10+$0xA80];
	v49 =	vmul.f32 v41, v37;
	[tilespmem:s10+$0xA00] =	vst v40  }
0xa4: {  	v41 =	vld [tilespmem:s10+$0xBC0];
	[tilespmem:s10+$0xA10] =	vst v16;
	v16 =	vmul.f32 v35, v37  }
0xa5: {  	v45 =	vld [tilespmem:s10+$0xA90];
	v43 =	vmul.f32 v34, v37;
	[tilespmem:s10+$0xA60] =	vst v49  }
0xa6: {  	v34 =	vld [tilespmem:s10+$0xB80];
	[tilespmem:s10+$0xA30] =	vst v16;
	v16 =	vmul.f32 v39, v37  }
0xa7: {  	v40 =	vperm.xlane v17, v13;
	[tilespmem:s10+$0xA20] =	vst v43;
	v46 =	vmul.f32 v38, v37;
	v48 =	vld [tilespmem:s10+$0xAB0]  }
0xa8: {  	v47 =	vld [tilespmem:s10+$0xAA0];
	v50 =	vperm.xlane v17, v11;
	[tilespmem:s10+$0xA50] =	vst v16;
	v16 =	vmul.f32 v42, v37  }
0xa9: {  	v52 =	vld [tilespmem:s10+$0xAD0];
	v49 =	vmul.f32 v41, v40;
	[tilespmem:s10+$0xA40] =	vst v46  }
0xaa: {  	v54 =	vld [tilespmem:s10+$0xAE0];
	[tilespmem:s10+$0xA70] =	vst v16;
	v16 =	vmul.f32 v45, v50  }
0xab: {  	v55 =	vld [tilespmem:s10+$0xAF0];
	v43 =	vmul.f32 v34, v40;
	[tilespmem:s10+$0xBC0] =	vst v49  }
0xac: {  	v57 =	vld [tilespmem:s10+$0xB00];
	[tilespmem:s10+$0xA90] =	vst v16;
	v16 =	vmul.f32 v48, v50  }
0xad: {  	v58 =	vld [tilespmem:s10+$0xB10];
	v53 =	vmul.f32 v44, v50;
	[tilespmem:s10+$0xB80] =	vst v43  }
0xae: {  	v28 =	vld [tilespmem:s10+$0xB40];
	[tilespmem:s10+$0xAB0] =	vst v16;
	v16 =	vmul.f32 v52, v50  }
0xaf: {  	v62 =	vmul.f32 v54, v50;
	[tilespmem:s10+$0xA80] =	vst v53;
	v56 =	vmul.f32 v47, v50;
	v61 =	vld [tilespmem:s10+$0xB30]  }
0xb0: {  	v47 =	vld [tilespmem:s10+$0xC00];
	v63 =	vperm.xlane v17, v12;
	[tilespmem:s10+$0xAD0] =	vst v16;
	v16 =	vmul.f32 v55, v50  }
0xb1: {  	[tilespmem:s10+$0xAE0] =	vst v62;
	v29 =	vld [tilespmem:s10+$0xB50]  }
0xb2: {  	v60 =	vld [tilespmem:s10+$0xB20];
	[tilespmem:s10+$0xAF0] =	vst v16;
	v16 =	vmul.f32 v58, v63  }
0xb3: {  	v53 =	vperm.xlane v17, v14;
	[tilespmem:s10+$0xAA0] =	vst v56;
	v59 =	vmul.f32 v51, v50;
	v32 =	vld [tilespmem:s10+$0xB70]  }
0xb4: {  	v31 =	vld [tilespmem:s10+$0xB60];
	[tilespmem:s10+$0xB10] =	vst v16;
	v16 =	vmul.f32 v61, v63  }
0xb5: {  	[tilespmem:s10+$0xAC0] =	vst v59;
	v56 =	vmul.f32 v47, v53;
	v35 =	vld [tilespmem:s10+$0xB90]  }
0xb6: {  	v38 =	vld [tilespmem:s10+$0xBB0];
	[tilespmem:s10+$0xB30] =	vst v16;
	v16 =	vmul.f32 v29, v63  }
0xb7: {  	v41 =	vld [tilespmem:s10+$0xC90];
	v30 =	vmul.f32 v57, v63;
	[tilespmem:s10+$0xC00] =	vst v56  }
0xb8: {  	v44 =	vld [tilespmem:s10+$0xBE0];
	[tilespmem:s10+$0xB50] =	vst v16;
	v16 =	vmul.f32 v32, v63  }
0xb9: {  	v33 =	vmul.f32 v60, v63;
	[tilespmem:s10+$0xB00] =	vst v30;
	v42 =	vld [tilespmem:s10+$0xBD0]  }
0xba: {  	v51 =	vld [tilespmem:s10+$0xC30];
	[tilespmem:s10+$0xB70] =	vst v16;
	v16 =	vmul.f32 v35, v40  }
0xbb: {  	v17 =	vperm.xlane v17, v15;
	v36 =	vmul.f32 v28, v63;
	[tilespmem:s10+$0xB20] =	vst v33;
	v45 =	vld [tilespmem:s10+$0xBF0]  }
0xbc: {  	v57 =	vld [tilespmem:s10+$0xC60];
	[tilespmem:s10+$0xB90] =	vst v16;
	v16 =	vmul.f32 v38, v40  }
0xbd: {  	v60 =	vld [tilespmem:s10+$0xC80];
	v18 =	vmul.f32 v41, v17;
	[tilespmem:s10+$0xB40] =	vst v36  }
0xbe: {  	v54 =	vld [tilespmem:s10+$0xC40];
	[tilespmem:s10+$0xBB0] =	vst v16;
	v16 =	vmul.f32 v42, v40  }
0xbf: {  	v20 =	vmul.f32 v51, v53;
	[tilespmem:s10+$0xC90] =	vst v18;
	v37 =	vld [tilespmem:s10+$0xBA0]  }
0xc0: {  	v43 =	vld [tilespmem:s10+$0xCB0];
	[tilespmem:s10+$0xBD0] =	vst v16;
	v16 =	vmul.f32 v45, v40  }
0xc1: {  	[tilespmem:s10+$0xC30] =	vst v20;
	v28 =	vmul.f32 v57, v53;
	v48 =	vld [tilespmem:s10+$0xC10]  }
0xc2: {  	s14 =	sor.u32 $0x800, s14;
	v33 =	vmul.f32 v60, v17;
	[tilespmem:s10+$0xBF0] =	vst v16;
	v16 =	vld [tilespmem:s13+$0x110]  }
0xc3: {  	v39 =	vmul.f32 v31, v63;
	[tilespmem:s10+$0xC60] =	vst v28;
	v52 =	vmul.f32 v44, v40;
	v44 =	vld [tilespmem:s10+$0xCC0];
	s13 =	sand.u32 $0x3FFFF800, s14  }
0xc4: {  	[tilespmem:s10+$0xC80] =	vst v33;
	v46 =	vmul.f32 v37, v40;
	v62 =	vld [tilespmem:s13+$0x500]  }
0xc5: {  	[tilespmem:s10+$0xB60] =	vst v39;
	v63 =	vld [tilespmem:s13+$0x510]  }
0xc6: {  	[tilespmem:s10+$0xBA0] =	vst v46;
	v21 =	vmul.f32 v48, v53;
	v29 =	vld [tilespmem:s13+$0x520]  }
0xc7: {  	[tilespmem:s10+$0xBE0] =	vst v52;
	v48 =	vmul.f32 v43, v17;
	v32 =	vld [tilespmem:s13+$0x530];
	v31 =	vperm.xlane v16, v0  }
0xc8: {  	[tilespmem:s10+$0xC10] =	vst v21;
	v49 =	vmul.f32 v44, v17;
	v34 =	vld [tilespmem:s13+$0x540]  }
0xc9: {  	[tilespmem:s10+$0xCB0] =	vst v48;
	v36 =	vld [tilespmem:s13+$0x550];
	v35 =	vmul.f32 v62, v31  }
0xca: {  	[tilespmem:s10+$0xCC0] =	vst v49;
	v38 =	vld [tilespmem:s13+$0x560];
	v37 =	vmul.f32 v63, v31  }
0xcb: {  	v40 =	vld [tilespmem:s13+$0x570];
	v39 =	vmul.f32 v29, v31;
	[tilespmem:s13+$0x500] =	vst v35  }
0xcc: {  	v47 =	vld [tilespmem:s10+$0xCF0];
	v24 =	vmul.f32 v32, v31;
	[tilespmem:s13+$0x510] =	vst v37  }
0xcd: {  	v50 =	vld [tilespmem:s10+$0xC20];
	v21 =	vmul.f32 v34, v31;
	[tilespmem:s13+$0x520] =	vst v39  }
0xce: {  	v55 =	vld [tilespmem:s10+$0xC50];
	v25 =	vmul.f32 v36, v31;
	[tilespmem:s13+$0x530] =	vst v24  }
0xcf: {  	v58 =	vld [tilespmem:s10+$0xC70];
	v20 =	vmul.f32 v38, v31;
	[tilespmem:s13+$0x540] =	vst v21  }
0xd0: {  	v46 =	vld [tilespmem:s10+$0xCE0];
	v22 =	vmul.f32 v40, v31;
	[tilespmem:s13+$0x550] =	vst v25  }
0xd1: {  	v61 =	vmul.f32 v54, v53;
	v42 =	vld [tilespmem:s10+$0xCA0];
	[tilespmem:s13+$0x560] =	vst v20  }
0xd2: {  	v59 =	vmul.f32 v50, v53;
	v45 =	vld [tilespmem:s10+$0xCD0];
	[tilespmem:s13+$0x570] =	vst v22  }
0xd3: {  	v19 =	vmul.f32 v55, v53;
	[tilespmem:s10+$0xC40] =	vst v61;
	v22 =	vld [tilespmem:s10+$0xD80]  }
0xd4: {  	[tilespmem:s10+$0xC20] =	vst v59;
	v30 =	vmul.f32 v58, v53;
	v50 =	vld [tilespmem:s10+$0xD90]  }
0xd5: {  	[tilespmem:s10+$0xC50] =	vst v19;
	v53 =	vmul.f32 v46, v17;
	v52 =	vld [tilespmem:s10+$0xDA0]  }
0xd6: {  	[tilespmem:s10+$0xC70] =	vst v30;
	v19 =	vmul.f32 v42, v17;
	v55 =	vld [tilespmem:s10+$0xDB0]  }
0xd7: {  	[tilespmem:s10+$0xCE0] =	vst v53;
	v51 =	vmul.f32 v45, v17;
	v54 =	vperm.xlane v16, v1;
	v56 =	vld [tilespmem:s10+$0xDC0]  }
0xd8: {  	[tilespmem:s10+$0xCA0] =	vst v19;
	v17 =	vmul.f32 v47, v17;
	v58 =	vld [tilespmem:s10+$0xDD0]  }
0xd9: {  	[tilespmem:s10+$0xCD0] =	vst v51;
	v59 =	vld [tilespmem:s10+$0xDE0];
	v57 =	vmul.f32 v22, v54  }
0xda: {  	[tilespmem:s10+$0xCF0] =	vst v17;
	v61 =	vld [tilespmem:s10+$0xDF0];
	v17 =	vmul.f32 v50, v54  }
0xdb: {  	v62 =	vld [tilespmem:s10+$0xE00];
	v60 =	vmul.f32 v52, v54;
	[tilespmem:s10+$0xD80] =	vst v57  }
0xdc: {  	v63 =	vld [tilespmem:s10+$0xE10];
	v18 =	vmul.f32 v56, v54;
	[tilespmem:s10+$0xD90] =	vst v17  }
0xdd: {  	v28 =	vld [tilespmem:s10+$0xE20];
	v17 =	vmul.f32 v55, v54;
	[tilespmem:s10+$0xDA0] =	vst v60  }
0xde: {  	v30 =	vperm.xlane v16, v2;
	v31 =	vld [tilespmem:s10+$0xE30];
	v29 =	vmul.f32 v59, v54;
	[tilespmem:s10+$0xDC0] =	vst v18  }
0xdf: {  	v32 =	vld [tilespmem:s10+$0xE40];
	[tilespmem:s10+$0xDB0] =	vst v17;
	v17 =	vmul.f32 v58, v54  }
0xe0: {  	v34 =	vld [tilespmem:s10+$0xE50];
	v33 =	vmul.f32 v62, v30;
	[tilespmem:s10+$0xDE0] =	vst v29  }
0xe1: {  	v35 =	vld [tilespmem:s10+$0xE60];
	[tilespmem:s10+$0xDD0] =	vst v17;
	v17 =	vmul.f32 v61, v54  }
0xe2: {  	v37 =	vld [tilespmem:s10+$0xE70];
	v36 =	vmul.f32 v28, v30;
	[tilespmem:s10+$0xE00] =	vst v33  }
0xe3: {  	v38 =	vld [tilespmem:s10+$0xE80];
	[tilespmem:s10+$0xDF0] =	vst v17;
	v17 =	vmul.f32 v63, v30  }
0xe4: {  	v40 =	vld [tilespmem:s10+$0xE90];
	v39 =	vmul.f32 v32, v30;
	[tilespmem:s10+$0xE20] =	vst v36  }
0xe5: {  	v41 =	vld [tilespmem:s10+$0xEA0];
	[tilespmem:s10+$0xE10] =	vst v17;
	v17 =	vmul.f32 v31, v30  }
0xe6: {  	v43 =	vperm.xlane v16, v3;
	v44 =	vld [tilespmem:s10+$0xEB0];
	v42 =	vmul.f32 v35, v30;
	[tilespmem:s10+$0xE40] =	vst v39  }
0xe7: {  	v45 =	vld [tilespmem:s10+$0xEC0];
	[tilespmem:s10+$0xE30] =	vst v17;
	v17 =	vmul.f32 v34, v30  }
0xe8: {  	v47 =	vld [tilespmem:s10+$0xED0];
	v46 =	vmul.f32 v38, v43;
	[tilespmem:s10+$0xE60] =	vst v42  }
0xe9: {  	v48 =	vld [tilespmem:s10+$0xEE0];
	[tilespmem:s10+$0xE50] =	vst v17;
	v17 =	vmul.f32 v37, v30  }
0xea: {  	v51 =	vld [tilespmem:s10+$0xF00];
	v49 =	vmul.f32 v41, v43;
	[tilespmem:s10+$0xE80] =	vst v46  }
0xeb: {  	v53 =	vld [tilespmem:s10+$0xF10];
	[tilespmem:s10+$0xE70] =	vst v17;
	v17 =	vmul.f32 v40, v43  }
0xec: {  	v50 =	vld [tilespmem:s10+$0xEF0];
	v52 =	vmul.f32 v45, v43;
	[tilespmem:s10+$0xEA0] =	vst v49  }
0xed: {  	v28 =	vld [tilespmem:s10+$0xF80];
	[tilespmem:s10+$0xE90] =	vst v17;
	v17 =	vmul.f32 v44, v43  }
0xee: {  	v56 =	vperm.xlane v16, v4;
	v35 =	vld [tilespmem:s10+$0xFC0];
	[tilespmem:s10+$0xEC0] =	vst v52;
	v55 =	vmul.f32 v48, v43  }
0xef: {  	v38 =	vld [tilespmem:s10+$0xFE0];
	[tilespmem:s10+$0xEB0] =	vst v17;
	v17 =	vmul.f32 v47, v43  }
0xf0: {  	v57 =	vld [tilespmem:s10+$0xF30];
	v59 =	vmul.f32 v51, v56;
	v33 =	vperm.xlane v16, v5;
	[tilespmem:s10+$0xEE0] =	vst v55  }
0xf1: {  	v41 =	vld [tilespmem:s10+$0x1000];
	[tilespmem:s10+$0xED0] =	vst v17;
	v17 =	vmul.f32 v50, v43  }
0xf2: {  	v60 =	vld [tilespmem:s10+$0xF50];
	[tilespmem:s10+$0xF00] =	vst v59;
	v36 =	vmul.f32 v28, v33  }
0xf3: {  	v48 =	vld [tilespmem:s10+$0x1040];
	[tilespmem:s10+$0xEF0] =	vst v17;
	v17 =	vmul.f32 v53, v56  }
0xf4: {  	v42 =	vmul.f32 v35, v33;
	[tilespmem:s10+$0xF80] =	vst v36;
	v63 =	vld [tilespmem:s10+$0xF70]  }
0xf5: {  	v51 =	vld [tilespmem:s10+$0x1060];
	[tilespmem:s10+$0xF10] =	vst v17;
	v17 =	vmul.f32 v57, v56  }
0xf6: {  	v46 =	vperm.xlane v16, v6;
	v45 =	vmul.f32 v38, v33;
	[tilespmem:s10+$0xFC0] =	vst v42;
	v30 =	vld [tilespmem:s10+$0xF90]  }
0xf7: {  	v58 =	vld [tilespmem:s10+$0xF40];
	[tilespmem:s10+$0xF30] =	vst v17;
	v17 =	vmul.f32 v60, v56  }
0xf8: {  	v49 =	vmul.f32 v41, v46;
	[tilespmem:s10+$0xFE0] =	vst v45;
	v34 =	vld [tilespmem:s10+$0xFB0]  }
0xf9: {  	v28 =	vld [tilespmem:s10+$0x10E0];
	[tilespmem:s10+$0xF50] =	vst v17;
	v17 =	vmul.f32 v63, v56  }
0xfa: {  	[tilespmem:s10+$0x1000] =	vst v49;
	v55 =	vmul.f32 v48, v46;
	v37 =	vld [tilespmem:s10+$0xFD0]  }
0xfb: {  	v38 =	vld [tilespmem:s10+$0x1140];
	[tilespmem:s10+$0xF70] =	vst v17;
	v17 =	vmul.f32 v30, v33  }
0xfc: {  	v29 =	vmul.f32 v58, v56;
	[tilespmem:s10+$0x1040] =	vst v55;
	v40 =	vld [tilespmem:s10+$0xFF0]  }
0xfd: {  	v41 =	vld [tilespmem:s10+$0x1160];
	[tilespmem:s10+$0xF90] =	vst v17;
	v17 =	vmul.f32 v34, v33  }
0xfe: {  	v59 =	vperm.xlane v16, v7;
	v58 =	vmul.f32 v51, v46;
	[tilespmem:s10+$0xF40] =	vst v29;
	v43 =	vld [tilespmem:s10+$0x1010]  }
0xff: {  	v54 =	vld [tilespmem:s10+$0xF20];
	[tilespmem:s10+$0xFB0] =	vst v17;
	v17 =	vmul.f32 v37, v33  }
0x100: {  	v36 =	vperm.xlane v16, v8;
	v35 =	vmul.f32 v28, v59;
	[tilespmem:s10+$0x1060] =	vst v58;
	v47 =	vld [tilespmem:s10+$0x1030]  }
0x101: {  	v61 =	vld [tilespmem:s10+$0xF60];
	[tilespmem:s10+$0xFD0] =	vst v17;
	v17 =	vmul.f32 v40, v33  }
0x102: {  	v45 =	vmul.f32 v38, v36;
	[tilespmem:s10+$0x10E0] =	vst v35;
	v50 =	vld [tilespmem:s10+$0x1050]  }
0x103: {  	v51 =	vld [tilespmem:s10+$0x11C0];
	[tilespmem:s10+$0xFF0] =	vst v17;
	v17 =	vmul.f32 v43, v46  }
0x104: {  	v48 =	vmul.f32 v41, v36;
	[tilespmem:s10+$0x1140] =	vst v45;
	v53 =	vld [tilespmem:s10+$0x1070]  }
0x105: {  	v31 =	vld [tilespmem:s10+$0xFA0];
	[tilespmem:s10+$0x1010] =	vst v17;
	v17 =	vmul.f32 v47, v46  }
0x106: {  	v62 =	vmul.f32 v54, v56;
	v32 =	vmul.f32 v61, v56;
	[tilespmem:s10+$0x1160] =	vst v48;
	v56 =	vld [tilespmem:s10+$0x1090]  }
0x107: {  	v28 =	vld [tilespmem:s10+$0x1240];
	[tilespmem:s10+$0x1030] =	vst v17;
	v17 =	vmul.f32 v50, v46  }
0x108: {  	v49 =	vperm.xlane v16, v9;
	[tilespmem:s10+$0xF20] =	vst v62;
	v60 =	vld [tilespmem:s10+$0x10B0]  }
0x109: {  	v54 =	vld [tilespmem:s10+$0x1080];
	[tilespmem:s10+$0x1050] =	vst v17;
	v17 =	vmul.f32 v53, v46  }
0x10a: {  	[tilespmem:s10+$0xF60] =	vst v32;
	v58 =	vmul.f32 v51, v49;
	v63 =	vld [tilespmem:s10+$0x10D0]  }
0x10b: {  	v61 =	vld [tilespmem:s10+$0x10C0];
	[tilespmem:s10+$0x1070] =	vst v17;
	v17 =	vmul.f32 v56, v59  }
0x10c: {  	v39 =	vmul.f32 v31, v33;
	[tilespmem:s10+$0x11C0] =	vst v58;
	v30 =	vld [tilespmem:s10+$0x10F0]  }
0x10d: {  	v31 =	vld [tilespmem:s10+$0x1100];
	[tilespmem:s10+$0x1090] =	vst v17;
	v17 =	vmul.f32 v60, v59  }
0x10e: {  	v62 =	vmul.f32 v54, v59;
	[tilespmem:s10+$0xFA0] =	vst v39;
	v33 =	vld [tilespmem:s10+$0x1110]  }
0x10f: {  	v54 =	vld [tilespmem:s10+$0x11E0];
	[tilespmem:s10+$0x10B0] =	vst v17;
	v17 =	vmul.f32 v63, v59  }
0x110: {  	v32 =	vmul.f32 v61, v59;
	[tilespmem:s10+$0x1080] =	vst v62;
	v37 =	vld [tilespmem:s10+$0x1130]  }
0x111: {  	v44 =	vld [tilespmem:s10+$0x1020];
	[tilespmem:s10+$0x10D0] =	vst v17;
	v17 =	vmul.f32 v30, v59  }
0x112: {  	[tilespmem:s10+$0x10C0] =	vst v32;
	v62 =	vperm.xlane v16, v10;
	v39 =	vmul.f32 v31, v36;
	v40 =	vld [tilespmem:s10+$0x1150]  }
0x113: {  	v41 =	vld [tilespmem:s10+$0x12C0];
	[tilespmem:s10+$0x10F0] =	vst v17;
	v17 =	vmul.f32 v33, v36  }
0x114: {  	v35 =	vmul.f32 v28, v62;
	[tilespmem:s10+$0x1100] =	vst v39;
	v43 =	vld [tilespmem:s10+$0x1170]  }
0x115: {  	v31 =	vld [tilespmem:s10+$0x1260];
	[tilespmem:s10+$0x1110] =	vst v17;
	v17 =	vmul.f32 v37, v36  }
0x116: {  	v61 =	vmul.f32 v54, v49;
	[tilespmem:s10+$0x1240] =	vst v35;
	v52 =	vmul.f32 v44, v46;
	v46 =	vld [tilespmem:s10+$0x1190]  }
0x117: {  	v44 =	vld [tilespmem:s10+$0x1180];
	[tilespmem:s10+$0x1130] =	vst v17;
	v17 =	vmul.f32 v40, v36  }
0x118: {  	v39 =	vperm.xlane v16, v11;
	[tilespmem:s10+$0x11E0] =	vst v61;
	v50 =	vld [tilespmem:s10+$0x11B0]  }
0x119: {  	v57 =	vld [tilespmem:s10+$0x10A0];
	[tilespmem:s10+$0x1150] =	vst v17;
	v17 =	vmul.f32 v43, v36  }
0x11a: {  	v48 =	vmul.f32 v41, v39;
	[tilespmem:s10+$0x1020] =	vst v52;
	v53 =	vld [tilespmem:s10+$0x11D0]  }
0x11b: {  	v54 =	vld [tilespmem:s10+$0x1340];
	[tilespmem:s10+$0x1170] =	vst v17;
	v17 =	vmul.f32 v46, v49  }
0x11c: {  	v38 =	vmul.f32 v31, v62;
	[tilespmem:s10+$0x12C0] =	vst v48;
	v56 =	vld [tilespmem:s10+$0x11F0]  }
0x11d: {  	v52 =	vmul.f32 v44, v49;
	v44 =	vld [tilespmem:s10+$0x12E0];
	[tilespmem:s10+$0x1190] =	vst v17;
	v17 =	vmul.f32 v50, v49  }
0x11e: {  	[tilespmem:s10+$0x1260] =	vst v38;
	v29 =	vmul.f32 v57, v59;
	v59 =	vld [tilespmem:s10+$0x1210]  }
0x11f: {  	v57 =	vld [tilespmem:s10+$0x1200];
	[tilespmem:s10+$0x11B0] =	vst v17;
	v17 =	vmul.f32 v53, v49  }
0x120: {  	[tilespmem:s10+$0x1180] =	vst v52;
	v52 =	vperm.xlane v16, v12;
	v63 =	vld [tilespmem:s10+$0x1230]  }
0x121: {  	v34 =	vld [tilespmem:s10+$0x1120];
	[tilespmem:s10+$0x11D0] =	vst v17;
	v17 =	vmul.f32 v56, v49  }
0x122: {  	v61 =	vmul.f32 v54, v52;
	[tilespmem:s10+$0x10A0] =	vst v29;
	v30 =	vld [tilespmem:s10+$0x1250]  }
0x123: {  	v31 =	vld [tilespmem:s10+$0x13C0];
	[tilespmem:s10+$0x11F0] =	vst v17;
	v17 =	vmul.f32 v59, v62  }
0x124: {  	v51 =	vmul.f32 v44, v39;
	[tilespmem:s10+$0x1340] =	vst v61;
	v33 =	vld [tilespmem:s10+$0x1270]  }
0x125: {  	v29 =	vmul.f32 v57, v62;
	v57 =	vld [tilespmem:s10+$0x1360];
	[tilespmem:s10+$0x1210] =	vst v17;
	v17 =	vmul.f32 v63, v62  }
0x126: {  	[tilespmem:s10+$0x12E0] =	vst v51;
	v42 =	vmul.f32 v34, v36;
	v36 =	vld [tilespmem:s10+$0x1290]  }
0x127: {  	v47 =	vld [tilespmem:s10+$0x11A0];
	[tilespmem:s10+$0x1230] =	vst v17;
	v17 =	vmul.f32 v30, v62  }
0x128: {  	[tilespmem:s10+$0x1200] =	vst v29;
	v29 =	vperm.xlane v16, v13;
	v40 =	vld [tilespmem:s10+$0x12B0]  }
0x129: {  	v34 =	vld [tilespmem:s10+$0x1280];
	[tilespmem:s10+$0x1250] =	vst v17;
	v17 =	vmul.f32 v33, v62  }
0x12a: {  	v38 =	vmul.f32 v31, v29;
	[tilespmem:s10+$0x1120] =	vst v42;
	v43 =	vld [tilespmem:s10+$0x12D0]  }
0x12b: {  	v44 =	vld [tilespmem:s10+$0x1440];
	[tilespmem:s10+$0x1270] =	vst v17;
	v17 =	vmul.f32 v36, v39  }
0x12c: {  	v28 =	vmul.f32 v57, v52;
	[tilespmem:s10+$0x13C0] =	vst v38;
	v46 =	vld [tilespmem:s10+$0x12F0]  }
0x12d: {  	v55 =	vmul.f32 v47, v49;
	v47 =	vld [tilespmem:s10+$0x1300];
	[tilespmem:s10+$0x1290] =	vst v17;
	v17 =	vmul.f32 v40, v39  }
0x12e: {  	[tilespmem:s10+$0x1360] =	vst v28;
	v42 =	vmul.f32 v34, v39;
	v49 =	vld [tilespmem:s10+$0x1310]  }
0x12f: {  	v34 =	vld [tilespmem:s10+$0x13E0];
	[tilespmem:s10+$0x12B0] =	vst v17;
	v17 =	vmul.f32 v43, v39  }
0x130: {  	[tilespmem:s10+$0x1280] =	vst v42;
	v42 =	vperm.xlane v16, v14;
	v53 =	vld [tilespmem:s10+$0x1330]  }
0x131: {  	v60 =	vld [tilespmem:s10+$0x1220];
	[tilespmem:s10+$0x12D0] =	vst v17;
	v17 =	vmul.f32 v46, v39  }
0x132: {  	v51 =	vmul.f32 v44, v42;
	[tilespmem:s10+$0x11A0] =	vst v55;
	v56 =	vld [tilespmem:s10+$0x1350]  }
0x133: {  	v55 =	vmul.f32 v47, v52;
	v47 =	vld [tilespmem:s10+$0x1460];
	[tilespmem:s10+$0x12F0] =	vst v17;
	v17 =	vmul.f32 v49, v52  }
0x134: {  	v41 =	vmul.f32 v34, v29;
	[tilespmem:s10+$0x1440] =	vst v51;
	v59 =	vld [tilespmem:s10+$0x1370]  }
0x135: {  	v37 =	vld [tilespmem:s10+$0x12A0];
	[tilespmem:s10+$0x1310] =	vst v17;
	v17 =	vmul.f32 v53, v52  }
0x136: {  	[tilespmem:s10+$0x13E0] =	vst v41;
	v32 =	vmul.f32 v60, v62;
	v62 =	vld [tilespmem:s10+$0x1390]  }
0x137: {  	v60 =	vld [tilespmem:s10+$0x1380];
	[tilespmem:s10+$0x1330] =	vst v17;
	v17 =	vmul.f32 v56, v52  }
0x138: {  	[tilespmem:s10+$0x1300] =	vst v55;
	v30 =	vld [tilespmem:s10+$0x13B0]  }
0x139: {  	v50 =	vld [tilespmem:s10+$0x1320];
	[tilespmem:s10+$0x1350] =	vst v17;
	v17 =	vmul.f32 v59, v52  }
0x13a: {  	[tilespmem:s10+$0x1220] =	vst v32;
	v54 =	vmul.f32 v47, v42;
	v33 =	vld [tilespmem:s10+$0x13D0]  }
0x13b: {  	v45 =	vmul.f32 v37, v39;
	v37 =	vld [tilespmem:s10+$0x1400];
	[tilespmem:s10+$0x1370] =	vst v17;
	v17 =	vmul.f32 v62, v29  }
0x13c: {  	[tilespmem:s10+$0x1460] =	vst v54;
	v32 =	vmul.f32 v60, v29;
	v36 =	vld [tilespmem:s10+$0x13F0]  }
0x13d: {  	[tilespmem:s10+$0x1390] =	vst v17;
	v17 =	vmul.f32 v30, v29  }
0x13e: {  	[tilespmem:s10+$0x1380] =	vst v32;
	v39 =	vld [tilespmem:s10+$0x1410]  }
0x13f: {  	v58 =	vmul.f32 v50, v52;
	v50 =	vld [tilespmem:s10+$0x1480];
	[tilespmem:s10+$0x13B0] =	vst v17;
	v17 =	vmul.f32 v33, v29  }
0x140: {  	[tilespmem:s10+$0x12A0] =	vst v45;
	v45 =	vmul.f32 v37, v42;
	v43 =	vld [tilespmem:s10+$0x1430]  }
0x141: {  	v63 =	vld [tilespmem:s10+$0x13A0];
	[tilespmem:s10+$0x13D0] =	vst v17;
	v17 =	vmul.f32 v36, v29  }
0x142: {  	v16 =	vperm.xlane v16, v15;
	[tilespmem:s10+$0x1400] =	vst v45;
	v46 =	vld [tilespmem:s10+$0x1450]  }
0x143: {  	v40 =	vld [tilespmem:s10+$0x1420];
	[tilespmem:s10+$0x13F0] =	vst v17;
	v17 =	vmul.f32 v39, v42  }
0x144: {  	[tilespmem:s10+$0x1320] =	vst v58;
	v57 =	vmul.f32 v50, v16;
	v49 =	vld [tilespmem:s10+$0x1470]  }
0x145: {  	v53 =	vld [tilespmem:s10+$0x14A0];
	[tilespmem:s10+$0x1410] =	vst v17;
	v17 =	vmul.f32 v43, v42  }
0x146: {  	[tilespmem:s10+$0x1480] =	vst v57;
	v35 =	vmul.f32 v63, v29;
	v52 =	vld [tilespmem:s10+$0x1490]  }
0x147: {  	v56 =	vld [tilespmem:s10+$0x14C0];
	[tilespmem:s10+$0x1430] =	vst v17;
	v17 =	vmul.f32 v46, v42  }
0x148: {  	v55 =	vld [tilespmem:s10+$0x14B0];
	[tilespmem:s10+$0x13A0] =	vst v35;
	v48 =	vmul.f32 v40, v42  }
0x149: {  	v59 =	vld [tilespmem:s10+$0x14E0];
	[tilespmem:s10+$0x1450] =	vst v17;
	v17 =	vmul.f32 v49, v42  }
0x14a: {  	v58 =	vld [tilespmem:s10+$0x14D0];
	[tilespmem:s10+$0x1420] =	vst v48;
	v60 =	vmul.f32 v53, v16  }
0x14b: {  	v61 =	vld [tilespmem:s10+$0x14F0];
	[tilespmem:s10+$0x1470] =	vst v17;
	v17 =	vmul.f32 v52, v16  }
0x14c: {  	[tilespmem:s10+$0x14A0] =	vst v60;
	v62 =	vmul.f32 v56, v16  }
0x14d: {  	p0 =	slt.u32 s9, $0x6;
	[tilespmem:s10+$0x1490] =	vst v17;
	v17 =	vmul.f32 v55, v16  }
.Ltmp2:
0x14e: {  	[tilespmem:s10+$0x14C0] =	vst v62;
	v63 =	vmul.f32 v59, v16;
	(pc) =	sbr.rel @p0 .LBB2_3-.Ltmp2, $4  }
0x14f: {  	[tilespmem:s10+$0x14B0] =	vst v17;
	v17 =	vmul.f32 v58, v16  }
0x150: {  	[tilespmem:s10+$0x14E0] =	vst v63;
	v16 =	vmul.f32 v61, v16  }
0x151: {  	s14 =	sadd.s32 $0x2, s9;
	[tilespmem:s10+$0x14D0] =	vst v17  }
0x152: {  	s9 =	smov.u32 s14;
	[tilespmem:s10+$0x14F0] =	vst v16  }
0x153: {  	v16 =	vld [tilespmem:$0x0]  }
0x154: {  	v17 =	vld [tilespmem:$0x10]  }
0x155: {  	v18 =	vld [tilespmem:$0x20]  }
0x156: {  	v19 =	vld [tilespmem:$0x30]  }
0x157: {  	v20 =	vld [tilespmem:$0x40]  }
0x158: {  	v63 =	vld [tilespmem:$0x70];
	[tilespmem:$0x400] =	vst v16  }
0x159: {  	v16 =	vld [tilespmem:$0x50];
	[tilespmem:$0x410] =	vst v17  }
0x15a: {  	v17 =	vld [tilespmem:$0x60];
	[tilespmem:$0x420] =	vst v18  }
0x15b: {  	[tilespmem:$0x430] =	vst v19  }
0x15c: {  	p0 =	seq.s32 s1, $0x27;
	[tilespmem:$0x440] =	vst v20  }
0x15d: {  	s9 =	sadd.s32 @!p0 s8, s11;
	[tilespmem:$0x470] =	vst v63  }
0x15e: {  	s9 =	sshll.u32 @!p0 s9, $0x6;
	[tilespmem:$0x450] =	vst v16  }
0x15f: {  	s9 =	sand.u32 @!p0 $0x1FFFFF80, s9;
	[tilespmem:$0x460] =	vst v17  }
0x160: {  	[spmem:s3] =	stream.indirect.scatter.add.f32 [tilespmem:s19], [sflag:$0x5], $0x80, s25, s18, $0xb8;
	[tilespmem:$0x1C500] =	vst v63  }
0x161: {  	s10 =	simm.s32 @!p0 $0x0;
	s9 =	sadd.s32 @!p0 s5, s9  }
0x162: {  	[tilespmem:s10], [sflag:$0x1] =	stream.linear.gather @!p0 [hbm4b:s9+s10], $0x180, $0x38;
	[tilespmem:$0x1C500] =	vst v63  }
0x163: {  	s9 =	simm.s32 @!p0 $0x1  }
0x164: {  	_ =	swait.ge @!p0 [sflag:s9], $0x180  }
0x165: {  	[sflag:s9] =	ssyncset.done @!p0 $0x0  }
0x166: {  	[sflag:s9] =	ssyncadd.s32 @!p0 $0xFFFFFE80;
	s9 =	simm.s32 @!p0 $0x5  }
0x167: {  	_ =	swait.ge @!p0 [sflag:s9], $0x4000  }
0x168: {  	[sflag:s9] =	ssyncset.done @!p0 $0x0  }
0x169: {  	s10 =	simm.s32 @!p0 $0x500;
	[sflag:s9] =	ssyncadd.s32 @!p0 $0xFFFFC000;
	s9 =	simm.s32 @!p0 $0x80  }
0x16a: {  	[tilespmem:s10], [sflag:$0x3] =	stream.indirect.gather @!p0 [hbm4b:s2+s9], $0x80, s9, s9, $0xb8;
	[tilespmem:$0x1C500] =	vst v63  }
0x16b: {  	_ =	swait.ge [sflag:s26], $0x4000  }
0x16c: {  	[sflag:s26] =	ssyncset.done $0x0  }
0x16d: {  	s9 =	simm.s32 $0x0;
	[sflag:s26] =	ssyncadd.s32 $0xFFFFC000  }
.LBB2_5:
0x16e: {  	s13 =	sshll.u32 s9, $0x4  }
0x16f: {  	s10 =	sand.u32 $0x3FFFFFF0, s13  }
0x170: {  	s14 =	sshll.u32 s9, $0xB;
	v17 =	vld [tilespmem:s10+$0x300]  }
0x171: {  	s10 =	sand.u32 $0x3FFFF800, s14  }
0x172: {  	v16 =	vld [tilespmem:s10+$0x4500]  }
0x173: {  	v18 =	vld [tilespmem:s10+$0x4510]  }
0x174: {  	v19 =	vld [tilespmem:s10+$0x4520]  }
0x175: {  	v21 =	vld [tilespmem:s10+$0x4530];
	v20 =	vperm.xlane v17, v0  }
0x176: {  	v22 =	vld [tilespmem:s10+$0x4540]  }
0x177: {  	v23 =	vld [tilespmem:s10+$0x4550];
	v16 =	vmul.f32 v16, v20  }
0x178: {  	v24 =	vld [tilespmem:s10+$0x4560];
	v18 =	vmul.f32 v18, v20  }
0x179: {  	[tilespmem:s10+$0x4500] =	vst v16;
	v16 =	vmul.f32 v19, v20  }
0x17a: {  	v26 =	vmul.f32 v21, v20;
	[tilespmem:s10+$0x4510] =	vst v18  }
0x17b: {  	[tilespmem:s10+$0x4520] =	vst v16;
	v16 =	vmul.f32 v22, v20  }
0x17c: {  	v27 =	vmul.f32 v23, v20;
	[tilespmem:s10+$0x4530] =	vst v26  }
0x17d: {  	[tilespmem:s10+$0x4540] =	vst v16;
	v16 =	vmul.f32 v24, v20  }
0x17e: {  	[tilespmem:s10+$0x4550] =	vst v27  }
0x17f: {  	[tilespmem:s10+$0x4560] =	vst v16  }
0x180: {  	v16 =	vld [tilespmem:s10+$0x4570]  }
0x181: {  	v28 =	vld [tilespmem:s10+$0x4580]  }
0x182: {  	v29 =	vld [tilespmem:s10+$0x4590]  }
0x183: {  	v30 =	vld [tilespmem:s10+$0x45A0]  }
0x184: {  	v31 =	vld [tilespmem:s10+$0x45B0]  }
0x185: {  	v33 =	vld [tilespmem:s10+$0x45C0]  }
0x186: {  	v32 =	vperm.xlane v17, v1;
	v34 =	vld [tilespmem:s10+$0x45D0]  }
0x187: {  	v25 =	vld [tilespmem:s10+$0x45E0];
	v16 =	vmul.f32 v16, v20  }
0x188: {  	v35 =	vld [tilespmem:s10+$0x45F0];
	v18 =	vmul.f32 v28, v32  }
0x189: {  	v37 =	vld [tilespmem:s10+$0x4600];
	[tilespmem:s10+$0x4570] =	vst v16;
	v16 =	vmul.f32 v29, v32  }
0x18a: {  	v38 =	vld [tilespmem:s10+$0x4610];
	v36 =	vmul.f32 v30, v32;
	[tilespmem:s10+$0x4580] =	vst v18  }
0x18b: {  	v40 =	vld [tilespmem:s10+$0x4620];
	[tilespmem:s10+$0x4590] =	vst v16;
	v16 =	vmul.f32 v31, v32  }
0x18c: {  	v41 =	vld [tilespmem:s10+$0x4630];
	v39 =	vmul.f32 v33, v32;
	[tilespmem:s10+$0x45A0] =	vst v36  }
0x18d: {  	v26 =	vld [tilespmem:s10+$0x4640];
	[tilespmem:s10+$0x45B0] =	vst v16;
	v16 =	vmul.f32 v34, v32  }
0x18e: {  	v43 =	vperm.xlane v17, v2;
	v44 =	vld [tilespmem:s10+$0x4650];
	v42 =	vmul.f32 v25, v32;
	[tilespmem:s10+$0x45C0] =	vst v39  }
0x18f: {  	v46 =	vld [tilespmem:s10+$0x4660];
	[tilespmem:s10+$0x45D0] =	vst v16;
	v16 =	vmul.f32 v35, v32  }
0x190: {  	v47 =	vld [tilespmem:s10+$0x4670];
	v45 =	vmul.f32 v37, v43;
	[tilespmem:s10+$0x45E0] =	vst v42  }
0x191: {  	v49 =	vld [tilespmem:s10+$0x4680];
	[tilespmem:s10+$0x45F0] =	vst v16;
	v16 =	vmul.f32 v38, v43  }
0x192: {  	v50 =	vld [tilespmem:s10+$0x4690];
	v48 =	vmul.f32 v40, v43;
	[tilespmem:s10+$0x4600] =	vst v45  }
0x193: {  	v52 =	vld [tilespmem:s10+$0x46A0];
	[tilespmem:s10+$0x4610] =	vst v16;
	v16 =	vmul.f32 v41, v43  }
0x194: {  	v53 =	vld [tilespmem:s10+$0x46B0];
	v51 =	vmul.f32 v26, v43;
	[tilespmem:s10+$0x4620] =	vst v48  }
0x195: {  	v56 =	vld [tilespmem:s10+$0x46C0];
	[tilespmem:s10+$0x4630] =	vst v16;
	v16 =	vmul.f32 v44, v43  }
0x196: {  	v55 =	vperm.xlane v17, v3;
	v57 =	vld [tilespmem:s10+$0x46D0];
	v54 =	vmul.f32 v46, v43;
	[tilespmem:s10+$0x4640] =	vst v51  }
0x197: {  	v59 =	vld [tilespmem:s10+$0x46E0];
	[tilespmem:s10+$0x4650] =	vst v16;
	v16 =	vmul.f32 v47, v43  }
0x198: {  	v60 =	vld [tilespmem:s10+$0x46F0];
	v58 =	vmul.f32 v49, v55;
	[tilespmem:s10+$0x4660] =	vst v54  }
0x199: {  	v62 =	vld [tilespmem:s10+$0x4700];
	[tilespmem:s10+$0x4670] =	vst v16;
	v16 =	vmul.f32 v50, v55  }
0x19a: {  	v63 =	vld [tilespmem:s10+$0x4710];
	v61 =	vmul.f32 v52, v55;
	[tilespmem:s10+$0x4680] =	vst v58  }
0x19b: {  	v46 =	vld [tilespmem:s10+$0x47C0];
	[tilespmem:s10+$0x4690] =	vst v16;
	v16 =	vmul.f32 v53, v55  }
0x19c: {  	v28 =	vmul.f32 v56, v55;
	v30 =	vld [tilespmem:s10+$0x4730];
	[tilespmem:s10+$0x46A0] =	vst v61  }
0x19d: {  	v52 =	vld [tilespmem:s10+$0x4800];
	[tilespmem:s10+$0x46B0] =	vst v16;
	v16 =	vmul.f32 v57, v55  }
0x19e: {  	v33 =	vld [tilespmem:s10+$0x4740];
	[tilespmem:s10+$0x46C0] =	vst v28;
	v45 =	vperm.xlane v17, v5;
	v31 =	vmul.f32 v59, v55  }
0x19f: {  	v39 =	vld [tilespmem:s10+$0x4780];
	v32 =	vperm.xlane v17, v4;
	[tilespmem:s10+$0x46D0] =	vst v16;
	v16 =	vmul.f32 v60, v55  }
0x1a0: {  	v58 =	vperm.xlane v17, v6;
	v54 =	vmul.f32 v46, v45;
	v34 =	vld [tilespmem:s10+$0x4750];
	[tilespmem:s10+$0x46E0] =	vst v31  }
0x1a1: {  	v42 =	vld [tilespmem:s10+$0x47A0];
	[tilespmem:s10+$0x46F0] =	vst v16;
	v16 =	vmul.f32 v63, v32  }
0x1a2: {  	v37 =	vld [tilespmem:s10+$0x4770];
	v61 =	vmul.f32 v52, v58;
	[tilespmem:s10+$0x47C0] =	vst v54  }
0x1a3: {  	v59 =	vld [tilespmem:s10+$0x4840];
	[tilespmem:s10+$0x4710] =	vst v16;
	v16 =	vmul.f32 v30, v32  }
0x1a4: {  	v40 =	vld [tilespmem:s10+$0x4790];
	v48 =	vmul.f32 v39, v45;
	[tilespmem:s10+$0x4800] =	vst v61  }
0x1a5: {  	v49 =	vld [tilespmem:s10+$0x47E0];
	[tilespmem:s10+$0x4730] =	vst v16;
	v16 =	vmul.f32 v34, v32  }
0x1a6: {  	v51 =	vmul.f32 v42, v45;
	[tilespmem:s10+$0x4780] =	vst v48;
	v43 =	vld [tilespmem:s10+$0x47B0]  }
0x1a7: {  	v29 =	vld [tilespmem:s10+$0x4720];
	[tilespmem:s10+$0x4750] =	vst v16;
	v16 =	vmul.f32 v37, v32  }
0x1a8: {  	[tilespmem:s10+$0x47A0] =	vst v51;
	v31 =	vmul.f32 v59, v58;
	v47 =	vld [tilespmem:s10+$0x47D0]  }
0x1a9: {  	v36 =	vld [tilespmem:s10+$0x4760];
	[tilespmem:s10+$0x4770] =	vst v16;
	v16 =	vmul.f32 v40, v45  }
0x1aa: {  	v35 =	vmul.f32 v62, v32;
	[tilespmem:s10+$0x4840] =	vst v31;
	v50 =	vld [tilespmem:s10+$0x47F0]  }
0x1ab: {  	v42 =	vld [tilespmem:s10+$0x4900];
	[tilespmem:s10+$0x4790] =	vst v16;
	v16 =	vmul.f32 v43, v45  }
0x1ac: {  	v38 =	vmul.f32 v29, v32;
	[tilespmem:s10+$0x4700] =	vst v35;
	v53 =	vld [tilespmem:s10+$0x4810]  }
0x1ad: {  	v56 =	vld [tilespmem:s10+$0x4830];
	[tilespmem:s10+$0x47B0] =	vst v16;
	v16 =	vmul.f32 v47, v45  }
0x1ae: {  	v46 =	vld [tilespmem:s10+$0x4930];
	v48 =	vperm.xlane v17, v8;
	[tilespmem:s10+$0x4720] =	vst v38;
	v41 =	vmul.f32 v33, v32  }
0x1af: {  	v29 =	vld [tilespmem:s10+$0x4880];
	[tilespmem:s10+$0x47D0] =	vst v16;
	v16 =	vmul.f32 v50, v45  }
0x1b0: {  	v51 =	vmul.f32 v42, v48;
	[tilespmem:s10+$0x4740] =	vst v41;
	v60 =	vld [tilespmem:s10+$0x4850]  }
0x1b1: {  	v44 =	vmul.f32 v36, v32;
	v36 =	vld [tilespmem:s10+$0x48C0];
	[tilespmem:s10+$0x47F0] =	vst v16;
	v16 =	vmul.f32 v53, v58  }
0x1b2: {  	v35 =	vperm.xlane v17, v7;
	[tilespmem:s10+$0x4900] =	vst v51;
	v63 =	vld [tilespmem:s10+$0x4870]  }
0x1b3: {  	v52 =	vld [tilespmem:s10+$0x4960];
	[tilespmem:s10+$0x4810] =	vst v16;
	v16 =	vmul.f32 v56, v58  }
0x1b4: {  	v38 =	vmul.f32 v29, v35;
	[tilespmem:s10+$0x4760] =	vst v44;
	v30 =	vld [tilespmem:s10+$0x4890]  }
0x1b5: {  	v55 =	vld [tilespmem:s10+$0x4820];
	[tilespmem:s10+$0x4830] =	vst v16;
	v16 =	vmul.f32 v60, v58  }
0x1b6: {  	v33 =	vld [tilespmem:s10+$0x48B0];
	[tilespmem:s10+$0x4880] =	vst v38;
	v44 =	vmul.f32 v36, v35  }
0x1b7: {  	v57 =	vmul.f32 v49, v45;
	v49 =	vld [tilespmem:s10+$0x4940];
	[tilespmem:s10+$0x4850] =	vst v16;
	v16 =	vmul.f32 v63, v58  }
0x1b8: {  	[tilespmem:s10+$0x48C0] =	vst v44;
	v37 =	vld [tilespmem:s10+$0x48D0]  }
0x1b9: {  	v62 =	vld [tilespmem:s10+$0x4860];
	[tilespmem:s10+$0x4870] =	vst v16;
	v16 =	vmul.f32 v30, v35  }
0x1ba: {  	[tilespmem:s10+$0x47E0] =	vst v57;
	v28 =	vmul.f32 v55, v58;
	v40 =	vld [tilespmem:s10+$0x48F0]  }
0x1bb: {  	v55 =	vld [tilespmem:s10+$0x4980];
	[tilespmem:s10+$0x4890] =	vst v16;
	v16 =	vmul.f32 v33, v35  }
0x1bc: {  	v57 =	vmul.f32 v49, v48;
	[tilespmem:s10+$0x4820] =	vst v28;
	v43 =	vld [tilespmem:s10+$0x4910]  }
0x1bd: {  	v28 =	vld [tilespmem:s10+$0x49E0];
	[tilespmem:s10+$0x48B0] =	vst v16;
	v16 =	vmul.f32 v37, v35  }
0x1be: {  	v39 =	vld [tilespmem:s10+$0x48E0];
	v61 =	vperm.xlane v17, v9;
	[tilespmem:s10+$0x4940] =	vst v57;
	v34 =	vmul.f32 v62, v58  }
0x1bf: {  	v32 =	vld [tilespmem:s10+$0x48A0];
	[tilespmem:s10+$0x48D0] =	vst v16;
	v16 =	vmul.f32 v40, v35  }
0x1c0: {  	[tilespmem:s10+$0x4860] =	vst v34;
	v27 =	vmul.f32 v55, v61;
	v50 =	vld [tilespmem:s10+$0x4950]  }
0x1c1: {  	v59 =	vld [tilespmem:s10+$0x49B0];
	[tilespmem:s10+$0x48F0] =	vst v16;
	v16 =	vmul.f32 v43, v48  }
0x1c2: {  	[tilespmem:s10+$0x4980] =	vst v27;
	v36 =	vmul.f32 v28, v61;
	v53 =	vld [tilespmem:s10+$0x4970]  }
0x1c3: {  	v45 =	vld [tilespmem:s10+$0x4920];
	[tilespmem:s10+$0x4910] =	vst v16;
	v16 =	vmul.f32 v46, v48  }
0x1c4: {  	v41 =	vmul.f32 v32, v35;
	[tilespmem:s10+$0x49E0] =	vst v36;
	v56 =	vld [tilespmem:s10+$0x4990]  }
0x1c5: {  	v31 =	vld [tilespmem:s10+$0x4A00];
	[tilespmem:s10+$0x4930] =	vst v16;
	v16 =	vmul.f32 v50, v48  }
0x1c6: {  	v42 =	vld [tilespmem:s10+$0x4A70];
	v47 =	vmul.f32 v39, v35;
	[tilespmem:s10+$0x48A0] =	vst v41  }
0x1c7: {  	v62 =	vld [tilespmem:s10+$0x49C0];
	[tilespmem:s10+$0x4950] =	vst v16;
	v16 =	vmul.f32 v53, v48  }
0x1c8: {  	[tilespmem:s10+$0x48E0] =	vst v47;
	v54 =	vmul.f32 v45, v48;
	v63 =	vld [tilespmem:s10+$0x49D0]  }
0x1c9: {  	v58 =	vld [tilespmem:s10+$0x49A0];
	[tilespmem:s10+$0x4970] =	vst v16;
	v16 =	vmul.f32 v56, v61  }
0x1ca: {  	v29 =	vld [tilespmem:s10+$0x49F0];
	v60 =	vmul.f32 v52, v48;
	[tilespmem:s10+$0x4920] =	vst v54  }
0x1cb: {  	v51 =	vld [tilespmem:s10+$0x4AC0];
	[tilespmem:s10+$0x4990] =	vst v16;
	v16 =	vmul.f32 v59, v61  }
0x1cc: {  	v32 =	vld [tilespmem:s10+$0x4A10];
	[tilespmem:s10+$0x4960] =	vst v60;
	v33 =	vmul.f32 v62, v61  }
0x1cd: {  	v41 =	vld [tilespmem:s10+$0x4A60];
	[tilespmem:s10+$0x49B0] =	vst v16;
	v16 =	vmul.f32 v63, v61  }
0x1ce: {  	v30 =	vmul.f32 v58, v61;
	[tilespmem:s10+$0x49C0] =	vst v33;
	v37 =	vperm.xlane v17, v10;
	v35 =	vld [tilespmem:s10+$0x4A30]  }
0x1cf: {  	v34 =	vld [tilespmem:s10+$0x4A20];
	[tilespmem:s10+$0x49D0] =	vst v16;
	v16 =	vmul.f32 v29, v61  }
0x1d0: {  	v39 =	vld [tilespmem:s10+$0x4A50];
	[tilespmem:s10+$0x49A0] =	vst v30;
	v40 =	vmul.f32 v31, v37  }
0x1d1: {  	v38 =	vld [tilespmem:s10+$0x4A40];
	[tilespmem:s10+$0x49F0] =	vst v16;
	v16 =	vmul.f32 v32, v37  }
0x1d2: {  	v44 =	vld [tilespmem:s10+$0x4A80];
	v49 =	vmul.f32 v41, v37;
	[tilespmem:s10+$0x4A00] =	vst v40  }
0x1d3: {  	v41 =	vld [tilespmem:s10+$0x4BC0];
	[tilespmem:s10+$0x4A10] =	vst v16;
	v16 =	vmul.f32 v35, v37  }
0x1d4: {  	v45 =	vld [tilespmem:s10+$0x4A90];
	v43 =	vmul.f32 v34, v37;
	[tilespmem:s10+$0x4A60] =	vst v49  }
0x1d5: {  	v34 =	vld [tilespmem:s10+$0x4B80];
	[tilespmem:s10+$0x4A30] =	vst v16;
	v16 =	vmul.f32 v39, v37  }
0x1d6: {  	v40 =	vperm.xlane v17, v13;
	[tilespmem:s10+$0x4A20] =	vst v43;
	v46 =	vmul.f32 v38, v37;
	v48 =	vld [tilespmem:s10+$0x4AB0]  }
0x1d7: {  	v47 =	vld [tilespmem:s10+$0x4AA0];
	v50 =	vperm.xlane v17, v11;
	[tilespmem:s10+$0x4A50] =	vst v16;
	v16 =	vmul.f32 v42, v37  }
0x1d8: {  	v52 =	vld [tilespmem:s10+$0x4AD0];
	v49 =	vmul.f32 v41, v40;
	[tilespmem:s10+$0x4A40] =	vst v46  }
0x1d9: {  	v54 =	vld [tilespmem:s10+$0x4AE0];
	[tilespmem:s10+$0x4A70] =	vst v16;
	v16 =	vmul.f32 v45, v50  }
0x1da: {  	v55 =	vld [tilespmem:s10+$0x4AF0];
	v43 =	vmul.f32 v34, v40;
	[tilespmem:s10+$0x4BC0] =	vst v49  }
0x1db: {  	v57 =	vld [tilespmem:s10+$0x4B00];
	[tilespmem:s10+$0x4A90] =	vst v16;
	v16 =	vmul.f32 v48, v50  }
0x1dc: {  	v58 =	vld [tilespmem:s10+$0x4B10];
	v53 =	vmul.f32 v44, v50;
	[tilespmem:s10+$0x4B80] =	vst v43  }
0x1dd: {  	v28 =	vld [tilespmem:s10+$0x4B40];
	[tilespmem:s10+$0x4AB0] =	vst v16;
	v16 =	vmul.f32 v52, v50  }
0x1de: {  	v62 =	vmul.f32 v54, v50;
	[tilespmem:s10+$0x4A80] =	vst v53;
	v56 =	vmul.f32 v47, v50;
	v61 =	vld [tilespmem:s10+$0x4B30]  }
0x1df: {  	v47 =	vld [tilespmem:s10+$0x4C00];
	v63 =	vperm.xlane v17, v12;
	[tilespmem:s10+$0x4AD0] =	vst v16;
	v16 =	vmul.f32 v55, v50  }
0x1e0: {  	[tilespmem:s10+$0x4AE0] =	vst v62;
	v29 =	vld [tilespmem:s10+$0x4B50]  }
0x1e1: {  	v60 =	vld [tilespmem:s10+$0x4B20];
	[tilespmem:s10+$0x4AF0] =	vst v16;
	v16 =	vmul.f32 v58, v63  }
0x1e2: {  	v53 =	vperm.xlane v17, v14;
	[tilespmem:s10+$0x4AA0] =	vst v56;
	v59 =	vmul.f32 v51, v50;
	v32 =	vld [tilespmem:s10+$0x4B70]  }
0x1e3: {  	v31 =	vld [tilespmem:s10+$0x4B60];
	[tilespmem:s10+$0x4B10] =	vst v16;
	v16 =	vmul.f32 v61, v63  }
0x1e4: {  	[tilespmem:s10+$0x4AC0] =	vst v59;
	v56 =	vmul.f32 v47, v53;
	v35 =	vld [tilespmem:s10+$0x4B90]  }
0x1e5: {  	v38 =	vld [tilespmem:s10+$0x4BB0];
	[tilespmem:s10+$0x4B30] =	vst v16;
	v16 =	vmul.f32 v29, v63  }
0x1e6: {  	v41 =	vld [tilespmem:s10+$0x4C90];
	v30 =	vmul.f32 v57, v63;
	[tilespmem:s10+$0x4C00] =	vst v56  }
0x1e7: {  	v44 =	vld [tilespmem:s10+$0x4BE0];
	[tilespmem:s10+$0x4B50] =	vst v16;
	v16 =	vmul.f32 v32, v63  }
0x1e8: {  	v33 =	vmul.f32 v60, v63;
	[tilespmem:s10+$0x4B00] =	vst v30;
	v42 =	vld [tilespmem:s10+$0x4BD0]  }
0x1e9: {  	v51 =	vld [tilespmem:s10+$0x4C30];
	[tilespmem:s10+$0x4B70] =	vst v16;
	v16 =	vmul.f32 v35, v40  }
0x1ea: {  	v17 =	vperm.xlane v17, v15;
	v36 =	vmul.f32 v28, v63;
	[tilespmem:s10+$0x4B20] =	vst v33;
	v45 =	vld [tilespmem:s10+$0x4BF0]  }
0x1eb: {  	v57 =	vld [tilespmem:s10+$0x4C60];
	[tilespmem:s10+$0x4B90] =	vst v16;
	v16 =	vmul.f32 v38, v40  }
0x1ec: {  	v60 =	vld [tilespmem:s10+$0x4C80];
	v18 =	vmul.f32 v41, v17;
	[tilespmem:s10+$0x4B40] =	vst v36  }
0x1ed: {  	v54 =	vld [tilespmem:s10+$0x4C40];
	[tilespmem:s10+$0x4BB0] =	vst v16;
	v16 =	vmul.f32 v42, v40  }
0x1ee: {  	v20 =	vmul.f32 v51, v53;
	[tilespmem:s10+$0x4C90] =	vst v18;
	v37 =	vld [tilespmem:s10+$0x4BA0]  }
0x1ef: {  	v43 =	vld [tilespmem:s10+$0x4CB0];
	[tilespmem:s10+$0x4BD0] =	vst v16;
	v16 =	vmul.f32 v45, v40  }
0x1f0: {  	[tilespmem:s10+$0x4C30] =	vst v20;
	v28 =	vmul.f32 v57, v53;
	v48 =	vld [tilespmem:s10+$0x4C10]  }
0x1f1: {  	s14 =	sor.u32 $0x800, s14;
	v33 =	vmul.f32 v60, v17;
	[tilespmem:s10+$0x4BF0] =	vst v16;
	v16 =	vld [tilespmem:s13+$0x310]  }
0x1f2: {  	v39 =	vmul.f32 v31, v63;
	[tilespmem:s10+$0x4C60] =	vst v28;
	v52 =	vmul.f32 v44, v40;
	v44 =	vld [tilespmem:s10+$0x4CC0];
	s13 =	sand.u32 $0x3FFFF800, s14  }
0x1f3: {  	[tilespmem:s10+$0x4C80] =	vst v33;
	v46 =	vmul.f32 v37, v40;
	v62 =	vld [tilespmem:s13+$0x4500]  }
0x1f4: {  	[tilespmem:s10+$0x4B60] =	vst v39;
	v63 =	vld [tilespmem:s13+$0x4510]  }
0x1f5: {  	[tilespmem:s10+$0x4BA0] =	vst v46;
	v21 =	vmul.f32 v48, v53;
	v29 =	vld [tilespmem:s13+$0x4520]  }
0x1f6: {  	[tilespmem:s10+$0x4BE0] =	vst v52;
	v48 =	vmul.f32 v43, v17;
	v32 =	vld [tilespmem:s13+$0x4530];
	v31 =	vperm.xlane v16, v0  }
0x1f7: {  	[tilespmem:s10+$0x4C10] =	vst v21;
	v49 =	vmul.f32 v44, v17;
	v34 =	vld [tilespmem:s13+$0x4540]  }
0x1f8: {  	[tilespmem:s10+$0x4CB0] =	vst v48;
	v36 =	vld [tilespmem:s13+$0x4550];
	v35 =	vmul.f32 v62, v31  }
0x1f9: {  	[tilespmem:s10+$0x4CC0] =	vst v49;
	v38 =	vld [tilespmem:s13+$0x4560];
	v37 =	vmul.f32 v63, v31  }
0x1fa: {  	v40 =	vld [tilespmem:s13+$0x4570];
	v39 =	vmul.f32 v29, v31;
	[tilespmem:s13+$0x4500] =	vst v35  }
0x1fb: {  	v47 =	vld [tilespmem:s10+$0x4CF0];
	v24 =	vmul.f32 v32, v31;
	[tilespmem:s13+$0x4510] =	vst v37  }
0x1fc: {  	v50 =	vld [tilespmem:s10+$0x4C20];
	v21 =	vmul.f32 v34, v31;
	[tilespmem:s13+$0x4520] =	vst v39  }
0x1fd: {  	v55 =	vld [tilespmem:s10+$0x4C50];
	v25 =	vmul.f32 v36, v31;
	[tilespmem:s13+$0x4530] =	vst v24  }
0x1fe: {  	v58 =	vld [tilespmem:s10+$0x4C70];
	v20 =	vmul.f32 v38, v31;
	[tilespmem:s13+$0x4540] =	vst v21  }
0x1ff: {  	v46 =	vld [tilespmem:s10+$0x4CE0];
	v22 =	vmul.f32 v40, v31;
	[tilespmem:s13+$0x4550] =	vst v25  }
0x200: {  	v61 =	vmul.f32 v54, v53;
	v42 =	vld [tilespmem:s10+$0x4CA0];
	[tilespmem:s13+$0x4560] =	vst v20  }
0x201: {  	v59 =	vmul.f32 v50, v53;
	v45 =	vld [tilespmem:s10+$0x4CD0];
	[tilespmem:s13+$0x4570] =	vst v22  }
0x202: {  	v19 =	vmul.f32 v55, v53;
	[tilespmem:s10+$0x4C40] =	vst v61;
	v22 =	vld [tilespmem:s10+$0x4D80]  }
0x203: {  	[tilespmem:s10+$0x4C20] =	vst v59;
	v30 =	vmul.f32 v58, v53;
	v50 =	vld [tilespmem:s10+$0x4D90]  }
0x204: {  	[tilespmem:s10+$0x4C50] =	vst v19;
	v53 =	vmul.f32 v46, v17;
	v52 =	vld [tilespmem:s10+$0x4DA0]  }
0x205: {  	[tilespmem:s10+$0x4C70] =	vst v30;
	v19 =	vmul.f32 v42, v17;
	v55 =	vld [tilespmem:s10+$0x4DB0]  }
0x206: {  	[tilespmem:s10+$0x4CE0] =	vst v53;
	v51 =	vmul.f32 v45, v17;
	v54 =	vperm.xlane v16, v1;
	v56 =	vld [tilespmem:s10+$0x4DC0]  }
0x207: {  	[tilespmem:s10+$0x4CA0] =	vst v19;
	v17 =	vmul.f32 v47, v17;
	v58 =	vld [tilespmem:s10+$0x4DD0]  }
0x208: {  	[tilespmem:s10+$0x4CD0] =	vst v51;
	v59 =	vld [tilespmem:s10+$0x4DE0];
	v57 =	vmul.f32 v22, v54  }
0x209: {  	[tilespmem:s10+$0x4CF0] =	vst v17;
	v61 =	vld [tilespmem:s10+$0x4DF0];
	v17 =	vmul.f32 v50, v54  }
0x20a: {  	v62 =	vld [tilespmem:s10+$0x4E00];
	v60 =	vmul.f32 v52, v54;
	[tilespmem:s10+$0x4D80] =	vst v57  }
0x20b: {  	v63 =	vld [tilespmem:s10+$0x4E10];
	v18 =	vmul.f32 v56, v54;
	[tilespmem:s10+$0x4D90] =	vst v17  }
0x20c: {  	v28 =	vld [tilespmem:s10+$0x4E20];
	v17 =	vmul.f32 v55, v54;
	[tilespmem:s10+$0x4DA0] =	vst v60  }
0x20d: {  	v30 =	vperm.xlane v16, v2;
	v31 =	vld [tilespmem:s10+$0x4E30];
	v29 =	vmul.f32 v59, v54;
	[tilespmem:s10+$0x4DC0] =	vst v18  }
0x20e: {  	v32 =	vld [tilespmem:s10+$0x4E40];
	[tilespmem:s10+$0x4DB0] =	vst v17;
	v17 =	vmul.f32 v58, v54  }
0x20f: {  	v34 =	vld [tilespmem:s10+$0x4E50];
	v33 =	vmul.f32 v62, v30;
	[tilespmem:s10+$0x4DE0] =	vst v29  }
0x210: {  	v35 =	vld [tilespmem:s10+$0x4E60];
	[tilespmem:s10+$0x4DD0] =	vst v17;
	v17 =	vmul.f32 v61, v54  }
0x211: {  	v37 =	vld [tilespmem:s10+$0x4E70];
	v36 =	vmul.f32 v28, v30;
	[tilespmem:s10+$0x4E00] =	vst v33  }
0x212: {  	v38 =	vld [tilespmem:s10+$0x4E80];
	[tilespmem:s10+$0x4DF0] =	vst v17;
	v17 =	vmul.f32 v63, v30  }
0x213: {  	v40 =	vld [tilespmem:s10+$0x4E90];
	v39 =	vmul.f32 v32, v30;
	[tilespmem:s10+$0x4E20] =	vst v36  }
0x214: {  	v41 =	vld [tilespmem:s10+$0x4EA0];
	[tilespmem:s10+$0x4E10] =	vst v17;
	v17 =	vmul.f32 v31, v30  }
0x215: {  	v43 =	vperm.xlane v16, v3;
	v44 =	vld [tilespmem:s10+$0x4EB0];
	v42 =	vmul.f32 v35, v30;
	[tilespmem:s10+$0x4E40] =	vst v39  }
0x216: {  	v45 =	vld [tilespmem:s10+$0x4EC0];
	[tilespmem:s10+$0x4E30] =	vst v17;
	v17 =	vmul.f32 v34, v30  }
0x217: {  	v47 =	vld [tilespmem:s10+$0x4ED0];
	v46 =	vmul.f32 v38, v43;
	[tilespmem:s10+$0x4E60] =	vst v42  }
0x218: {  	v48 =	vld [tilespmem:s10+$0x4EE0];
	[tilespmem:s10+$0x4E50] =	vst v17;
	v17 =	vmul.f32 v37, v30  }
0x219: {  	v51 =	vld [tilespmem:s10+$0x4F00];
	v49 =	vmul.f32 v41, v43;
	[tilespmem:s10+$0x4E80] =	vst v46  }
0x21a: {  	v53 =	vld [tilespmem:s10+$0x4F10];
	[tilespmem:s10+$0x4E70] =	vst v17;
	v17 =	vmul.f32 v40, v43  }
0x21b: {  	v50 =	vld [tilespmem:s10+$0x4EF0];
	v52 =	vmul.f32 v45, v43;
	[tilespmem:s10+$0x4EA0] =	vst v49  }
0x21c: {  	v28 =	vld [tilespmem:s10+$0x4F80];
	[tilespmem:s10+$0x4E90] =	vst v17;
	v17 =	vmul.f32 v44, v43  }
0x21d: {  	v56 =	vperm.xlane v16, v4;
	v35 =	vld [tilespmem:s10+$0x4FC0];
	[tilespmem:s10+$0x4EC0] =	vst v52;
	v55 =	vmul.f32 v48, v43  }
0x21e: {  	v38 =	vld [tilespmem:s10+$0x4FE0];
	[tilespmem:s10+$0x4EB0] =	vst v17;
	v17 =	vmul.f32 v47, v43  }
0x21f: {  	v57 =	vld [tilespmem:s10+$0x4F30];
	v59 =	vmul.f32 v51, v56;
	v33 =	vperm.xlane v16, v5;
	[tilespmem:s10+$0x4EE0] =	vst v55  }
0x220: {  	v41 =	vld [tilespmem:s10+$0x5000];
	[tilespmem:s10+$0x4ED0] =	vst v17;
	v17 =	vmul.f32 v50, v43  }
0x221: {  	v60 =	vld [tilespmem:s10+$0x4F50];
	[tilespmem:s10+$0x4F00] =	vst v59;
	v36 =	vmul.f32 v28, v33  }
0x222: {  	v48 =	vld [tilespmem:s10+$0x5040];
	[tilespmem:s10+$0x4EF0] =	vst v17;
	v17 =	vmul.f32 v53, v56  }
0x223: {  	v42 =	vmul.f32 v35, v33;
	[tilespmem:s10+$0x4F80] =	vst v36;
	v63 =	vld [tilespmem:s10+$0x4F70]  }
0x224: {  	v51 =	vld [tilespmem:s10+$0x5060];
	[tilespmem:s10+$0x4F10] =	vst v17;
	v17 =	vmul.f32 v57, v56  }
0x225: {  	v46 =	vperm.xlane v16, v6;
	v45 =	vmul.f32 v38, v33;
	[tilespmem:s10+$0x4FC0] =	vst v42;
	v30 =	vld [tilespmem:s10+$0x4F90]  }
0x226: {  	v58 =	vld [tilespmem:s10+$0x4F40];
	[tilespmem:s10+$0x4F30] =	vst v17;
	v17 =	vmul.f32 v60, v56  }
0x227: {  	v49 =	vmul.f32 v41, v46;
	[tilespmem:s10+$0x4FE0] =	vst v45;
	v34 =	vld [tilespmem:s10+$0x4FB0]  }
0x228: {  	v28 =	vld [tilespmem:s10+$0x50E0];
	[tilespmem:s10+$0x4F50] =	vst v17;
	v17 =	vmul.f32 v63, v56  }
0x229: {  	[tilespmem:s10+$0x5000] =	vst v49;
	v55 =	vmul.f32 v48, v46;
	v37 =	vld [tilespmem:s10+$0x4FD0]  }
0x22a: {  	v38 =	vld [tilespmem:s10+$0x5140];
	[tilespmem:s10+$0x4F70] =	vst v17;
	v17 =	vmul.f32 v30, v33  }
0x22b: {  	v29 =	vmul.f32 v58, v56;
	[tilespmem:s10+$0x5040] =	vst v55;
	v40 =	vld [tilespmem:s10+$0x4FF0]  }
0x22c: {  	v41 =	vld [tilespmem:s10+$0x5160];
	[tilespmem:s10+$0x4F90] =	vst v17;
	v17 =	vmul.f32 v34, v33  }
0x22d: {  	v59 =	vperm.xlane v16, v7;
	v58 =	vmul.f32 v51, v46;
	[tilespmem:s10+$0x4F40] =	vst v29;
	v43 =	vld [tilespmem:s10+$0x5010]  }
0x22e: {  	v54 =	vld [tilespmem:s10+$0x4F20];
	[tilespmem:s10+$0x4FB0] =	vst v17;
	v17 =	vmul.f32 v37, v33  }
0x22f: {  	v36 =	vperm.xlane v16, v8;
	v35 =	vmul.f32 v28, v59;
	[tilespmem:s10+$0x5060] =	vst v58;
	v47 =	vld [tilespmem:s10+$0x5030]  }
0x230: {  	v61 =	vld [tilespmem:s10+$0x4F60];
	[tilespmem:s10+$0x4FD0] =	vst v17;
	v17 =	vmul.f32 v40, v33  }
0x231: {  	v45 =	vmul.f32 v38, v36;
	[tilespmem:s10+$0x50E0] =	vst v35;
	v50 =	vld [tilespmem:s10+$0x5050]  }
0x232: {  	v51 =	vld [tilespmem:s10+$0x51C0];
	[tilespmem:s10+$0x4FF0] =	vst v17;
	v17 =	vmul.f32 v43, v46  }
0x233: {  	v48 =	vmul.f32 v41, v36;
	[tilespmem:s10+$0x5140] =	vst v45;
	v53 =	vld [tilespmem:s10+$0x5070]  }
0x234: {  	v31 =	vld [tilespmem:s10+$0x4FA0];
	[tilespmem:s10+$0x5010] =	vst v17;
	v17 =	vmul.f32 v47, v46  }
0x235: {  	v62 =	vmul.f32 v54, v56;
	v32 =	vmul.f32 v61, v56;
	[tilespmem:s10+$0x5160] =	vst v48;
	v56 =	vld [tilespmem:s10+$0x5090]  }
0x236: {  	v28 =	vld [tilespmem:s10+$0x5240];
	[tilespmem:s10+$0x5030] =	vst v17;
	v17 =	vmul.f32 v50, v46  }
0x237: {  	v49 =	vperm.xlane v16, v9;
	[tilespmem:s10+$0x4F20] =	vst v62;
	v60 =	vld [tilespmem:s10+$0x50B0]  }
0x238: {  	v54 =	vld [tilespmem:s10+$0x5080];
	[tilespmem:s10+$0x5050] =	vst v17;
	v17 =	vmul.f32 v53, v46  }
0x239: {  	[tilespmem:s10+$0x4F60] =	vst v32;
	v58 =	vmul.f32 v51, v49;
	v63 =	vld [tilespmem:s10+$0x50D0]  }
0x23a: {  	v61 =	vld [tilespmem:s10+$0x50C0];
	[tilespmem:s10+$0x5070] =	vst v17;
	v17 =	vmul.f32 v56, v59  }
0x23b: {  	v39 =	vmul.f32 v31, v33;
	[tilespmem:s10+$0x51C0] =	vst v58;
	v30 =	vld [tilespmem:s10+$0x50F0]  }
0x23c: {  	v31 =	vld [tilespmem:s10+$0x5100];
	[tilespmem:s10+$0x5090] =	vst v17;
	v17 =	vmul.f32 v60, v59  }
0x23d: {  	v62 =	vmul.f32 v54, v59;
	[tilespmem:s10+$0x4FA0] =	vst v39;
	v33 =	vld [tilespmem:s10+$0x5110]  }
0x23e: {  	v54 =	vld [tilespmem:s10+$0x51E0];
	[tilespmem:s10+$0x50B0] =	vst v17;
	v17 =	vmul.f32 v63, v59  }
0x23f: {  	v32 =	vmul.f32 v61, v59;
	[tilespmem:s10+$0x5080] =	vst v62;
	v37 =	vld [tilespmem:s10+$0x5130]  }
0x240: {  	v44 =	vld [tilespmem:s10+$0x5020];
	[tilespmem:s10+$0x50D0] =	vst v17;
	v17 =	vmul.f32 v30, v59  }
0x241: {  	[tilespmem:s10+$0x50C0] =	vst v32;
	v62 =	vperm.xlane v16, v10;
	v39 =	vmul.f32 v31, v36;
	v40 =	vld [tilespmem:s10+$0x5150]  }
0x242: {  	v41 =	vld [tilespmem:s10+$0x52C0];
	[tilespmem:s10+$0x50F0] =	vst v17;
	v17 =	vmul.f32 v33, v36  }
0x243: {  	v35 =	vmul.f32 v28, v62;
	[tilespmem:s10+$0x5100] =	vst v39;
	v43 =	vld [tilespmem:s10+$0x5170]  }
0x244: {  	v31 =	vld [tilespmem:s10+$0x5260];
	[tilespmem:s10+$0x5110] =	vst v17;
	v17 =	vmul.f32 v37, v36  }
0x245: {  	v61 =	vmul.f32 v54, v49;
	[tilespmem:s10+$0x5240] =	vst v35;
	v52 =	vmul.f32 v44, v46;
	v46 =	vld [tilespmem:s10+$0x5190]  }
0x246: {  	v44 =	vld [tilespmem:s10+$0x5180];
	[tilespmem:s10+$0x5130] =	vst v17;
	v17 =	vmul.f32 v40, v36  }
0x247: {  	v39 =	vperm.xlane v16, v11;
	[tilespmem:s10+$0x51E0] =	vst v61;
	v50 =	vld [tilespmem:s10+$0x51B0]  }
0x248: {  	v57 =	vld [tilespmem:s10+$0x50A0];
	[tilespmem:s10+$0x5150] =	vst v17;
	v17 =	vmul.f32 v43, v36  }
0x249: {  	v48 =	vmul.f32 v41, v39;
	[tilespmem:s10+$0x5020] =	vst v52;
	v53 =	vld [tilespmem:s10+$0x51D0]  }
0x24a: {  	v54 =	vld [tilespmem:s10+$0x5340];
	[tilespmem:s10+$0x5170] =	vst v17;
	v17 =	vmul.f32 v46, v49  }
0x24b: {  	v38 =	vmul.f32 v31, v62;
	[tilespmem:s10+$0x52C0] =	vst v48;
	v56 =	vld [tilespmem:s10+$0x51F0]  }
0x24c: {  	v52 =	vmul.f32 v44, v49;
	v44 =	vld [tilespmem:s10+$0x52E0];
	[tilespmem:s10+$0x5190] =	vst v17;
	v17 =	vmul.f32 v50, v49  }
0x24d: {  	[tilespmem:s10+$0x5260] =	vst v38;
	v29 =	vmul.f32 v57, v59;
	v59 =	vld [tilespmem:s10+$0x5210]  }
0x24e: {  	v57 =	vld [tilespmem:s10+$0x5200];
	[tilespmem:s10+$0x51B0] =	vst v17;
	v17 =	vmul.f32 v53, v49  }
0x24f: {  	[tilespmem:s10+$0x5180] =	vst v52;
	v52 =	vperm.xlane v16, v12;
	v63 =	vld [tilespmem:s10+$0x5230]  }
0x250: {  	v34 =	vld [tilespmem:s10+$0x5120];
	[tilespmem:s10+$0x51D0] =	vst v17;
	v17 =	vmul.f32 v56, v49  }
0x251: {  	v61 =	vmul.f32 v54, v52;
	[tilespmem:s10+$0x50A0] =	vst v29;
	v30 =	vld [tilespmem:s10+$0x5250]  }
0x252: {  	v31 =	vld [tilespmem:s10+$0x53C0];
	[tilespmem:s10+$0x51F0] =	vst v17;
	v17 =	vmul.f32 v59, v62  }
0x253: {  	v51 =	vmul.f32 v44, v39;
	[tilespmem:s10+$0x5340] =	vst v61;
	v33 =	vld [tilespmem:s10+$0x5270]  }
0x254: {  	v29 =	vmul.f32 v57, v62;
	v57 =	vld [tilespmem:s10+$0x5360];
	[tilespmem:s10+$0x5210] =	vst v17;
	v17 =	vmul.f32 v63, v62  }
0x255: {  	[tilespmem:s10+$0x52E0] =	vst v51;
	v42 =	vmul.f32 v34, v36;
	v36 =	vld [tilespmem:s10+$0x5290]  }
0x256: {  	v47 =	vld [tilespmem:s10+$0x51A0];
	[tilespmem:s10+$0x5230] =	vst v17;
	v17 =	vmul.f32 v30, v62  }
0x257: {  	[tilespmem:s10+$0x5200] =	vst v29;
	v29 =	vperm.xlane v16, v13;
	v40 =	vld [tilespmem:s10+$0x52B0]  }
0x258: {  	v34 =	vld [tilespmem:s10+$0x5280];
	[tilespmem:s10+$0x5250] =	vst v17;
	v17 =	vmul.f32 v33, v62  }
0x259: {  	v38 =	vmul.f32 v31, v29;
	[tilespmem:s10+$0x5120] =	vst v42;
	v43 =	vld [tilespmem:s10+$0x52D0]  }
0x25a: {  	v44 =	vld [tilespmem:s10+$0x5440];
	[tilespmem:s10+$0x5270] =	vst v17;
	v17 =	vmul.f32 v36, v39  }
0x25b: {  	v28 =	vmul.f32 v57, v52;
	[tilespmem:s10+$0x53C0] =	vst v38;
	v46 =	vld [tilespmem:s10+$0x52F0]  }
0x25c: {  	v55 =	vmul.f32 v47, v49;
	v47 =	vld [tilespmem:s10+$0x5300];
	[tilespmem:s10+$0x5290] =	vst v17;
	v17 =	vmul.f32 v40, v39  }
0x25d: {  	[tilespmem:s10+$0x5360] =	vst v28;
	v42 =	vmul.f32 v34, v39;
	v49 =	vld [tilespmem:s10+$0x5310]  }
0x25e: {  	v34 =	vld [tilespmem:s10+$0x53E0];
	[tilespmem:s10+$0x52B0] =	vst v17;
	v17 =	vmul.f32 v43, v39  }
0x25f: {  	[tilespmem:s10+$0x5280] =	vst v42;
	v42 =	vperm.xlane v16, v14;
	v53 =	vld [tilespmem:s10+$0x5330]  }
0x260: {  	v60 =	vld [tilespmem:s10+$0x5220];
	[tilespmem:s10+$0x52D0] =	vst v17;
	v17 =	vmul.f32 v46, v39  }
0x261: {  	v51 =	vmul.f32 v44, v42;
	[tilespmem:s10+$0x51A0] =	vst v55;
	v56 =	vld [tilespmem:s10+$0x5350]  }
0x262: {  	v55 =	vmul.f32 v47, v52;
	v47 =	vld [tilespmem:s10+$0x5460];
	[tilespmem:s10+$0x52F0] =	vst v17;
	v17 =	vmul.f32 v49, v52  }
0x263: {  	v41 =	vmul.f32 v34, v29;
	[tilespmem:s10+$0x5440] =	vst v51;
	v59 =	vld [tilespmem:s10+$0x5370]  }
0x264: {  	v37 =	vld [tilespmem:s10+$0x52A0];
	[tilespmem:s10+$0x5310] =	vst v17;
	v17 =	vmul.f32 v53, v52  }
0x265: {  	[tilespmem:s10+$0x53E0] =	vst v41;
	v32 =	vmul.f32 v60, v62;
	v62 =	vld [tilespmem:s10+$0x5390]  }
0x266: {  	v60 =	vld [tilespmem:s10+$0x5380];
	[tilespmem:s10+$0x5330] =	vst v17;
	v17 =	vmul.f32 v56, v52  }
0x267: {  	[tilespmem:s10+$0x5300] =	vst v55;
	v30 =	vld [tilespmem:s10+$0x53B0]  }
0x268: {  	v50 =	vld [tilespmem:s10+$0x5320];
	[tilespmem:s10+$0x5350] =	vst v17;
	v17 =	vmul.f32 v59, v52  }
0x269: {  	[tilespmem:s10+$0x5220] =	vst v32;
	v54 =	vmul.f32 v47, v42;
	v33 =	vld [tilespmem:s10+$0x53D0]  }
0x26a: {  	v45 =	vmul.f32 v37, v39;
	v37 =	vld [tilespmem:s10+$0x5400];
	[tilespmem:s10+$0x5370] =	vst v17;
	v17 =	vmul.f32 v62, v29  }
0x26b: {  	[tilespmem:s10+$0x5460] =	vst v54;
	v32 =	vmul.f32 v60, v29;
	v36 =	vld [tilespmem:s10+$0x53F0]  }
0x26c: {  	[tilespmem:s10+$0x5390] =	vst v17;
	v17 =	vmul.f32 v30, v29  }
0x26d: {  	[tilespmem:s10+$0x5380] =	vst v32;
	v39 =	vld [tilespmem:s10+$0x5410]  }
0x26e: {  	v58 =	vmul.f32 v50, v52;
	v50 =	vld [tilespmem:s10+$0x5480];
	[tilespmem:s10+$0x53B0] =	vst v17;
	v17 =	vmul.f32 v33, v29  }
0x26f: {  	[tilespmem:s10+$0x52A0] =	vst v45;
	v45 =	vmul.f32 v37, v42;
	v43 =	vld [tilespmem:s10+$0x5430]  }
0x270: {  	v63 =	vld [tilespmem:s10+$0x53A0];
	[tilespmem:s10+$0x53D0] =	vst v17;
	v17 =	vmul.f32 v36, v29  }
0x271: {  	v16 =	vperm.xlane v16, v15;
	[tilespmem:s10+$0x5400] =	vst v45;
	v46 =	vld [tilespmem:s10+$0x5450]  }
0x272: {  	v40 =	vld [tilespmem:s10+$0x5420];
	[tilespmem:s10+$0x53F0] =	vst v17;
	v17 =	vmul.f32 v39, v42  }
0x273: {  	[tilespmem:s10+$0x5320] =	vst v58;
	v57 =	vmul.f32 v50, v16;
	v49 =	vld [tilespmem:s10+$0x5470]  }
0x274: {  	v53 =	vld [tilespmem:s10+$0x54A0];
	[tilespmem:s10+$0x5410] =	vst v17;
	v17 =	vmul.f32 v43, v42  }
0x275: {  	[tilespmem:s10+$0x5480] =	vst v57;
	v35 =	vmul.f32 v63, v29;
	v52 =	vld [tilespmem:s10+$0x5490]  }
0x276: {  	v56 =	vld [tilespmem:s10+$0x54C0];
	[tilespmem:s10+$0x5430] =	vst v17;
	v17 =	vmul.f32 v46, v42  }
0x277: {  	v55 =	vld [tilespmem:s10+$0x54B0];
	[tilespmem:s10+$0x53A0] =	vst v35;
	v48 =	vmul.f32 v40, v42  }
0x278: {  	v59 =	vld [tilespmem:s10+$0x54E0];
	[tilespmem:s10+$0x5450] =	vst v17;
	v17 =	vmul.f32 v49, v42  }
0x279: {  	v58 =	vld [tilespmem:s10+$0x54D0];
	[tilespmem:s10+$0x5420] =	vst v48;
	v60 =	vmul.f32 v53, v16  }
0x27a: {  	v61 =	vld [tilespmem:s10+$0x54F0];
	[tilespmem:s10+$0x5470] =	vst v17;
	v17 =	vmul.f32 v52, v16  }
0x27b: {  	[tilespmem:s10+$0x54A0] =	vst v60;
	v62 =	vmul.f32 v56, v16  }
0x27c: {  	p1 =	slt.u32 s9, $0x6;
	[tilespmem:s10+$0x5490] =	vst v17;
	v17 =	vmul.f32 v55, v16  }
.Ltmp3:
0x27d: {  	[tilespmem:s10+$0x54C0] =	vst v62;
	v63 =	vmul.f32 v59, v16;
	(pc) =	sbr.rel @p1 .LBB2_5-.Ltmp3, $4  }
0x27e: {  	[tilespmem:s10+$0x54B0] =	vst v17;
	v17 =	vmul.f32 v58, v16  }
0x27f: {  	[tilespmem:s10+$0x54E0] =	vst v63;
	v16 =	vmul.f32 v61, v16  }
0x280: {  	s14 =	sadd.s32 $0x2, s9;
	[tilespmem:s10+$0x54D0] =	vst v17  }
0x281: {  	s9 =	smov.u32 s14;
	[tilespmem:s10+$0x54F0] =	vst v16  }
0x282: {  	v16 =	vld [tilespmem:$0x200]  }
0x283: {  	v17 =	vld [tilespmem:$0x210]  }
0x284: {  	v18 =	vld [tilespmem:$0x220]  }
0x285: {  	v19 =	vld [tilespmem:$0x230]  }
0x286: {  	v20 =	vld [tilespmem:$0x240]  }
0x287: {  	v63 =	vld [tilespmem:$0x270];
	[tilespmem:$0x480] =	vst v16  }
0x288: {  	v16 =	vld [tilespmem:$0x250];
	[tilespmem:$0x490] =	vst v17  }
0x289: {  	v17 =	vld [tilespmem:$0x260];
	[tilespmem:$0x4A0] =	vst v18  }
0x28a: {  	[tilespmem:$0x4B0] =	vst v19  }
.Ltmp4:
0x28b: {  	[tilespmem:$0x4C0] =	vst v20;
	(pc) =	sbr.rel @p0 .LBB2_8-.Ltmp4, $4  }
0x28c: {  	[tilespmem:$0x4F0] =	vst v63  }
0x28d: {  	[tilespmem:$0x4D0] =	vst v16  }
0x28e: {  	[tilespmem:$0x4E0] =	vst v17  }
0x28f: {  	[spmem:s3] =	stream.indirect.scatter.add.f32 [tilespmem:s23], [sflag:$0x6], $0x80, s28, s18, $0xb8;
	[tilespmem:$0x1C500] =	vst v63  }
.Ltmp5:
0x290: {  	s8 =	sadd.s32 s8, s12;
	(pc) =	sbr.rel .LBB2_2-.Ltmp5, $4  }
0x291: {  	s8 =	sshll.u32 s8, $0x6  }
0x292: {  	s8 =	sand.u32 $0x1FFFFFC0, s8  }
0x293: {  	s1 =	sadd.s32 $0x1, s1;
	s8 =	sadd.s32 s5, s8  }
0x294: {  	[tilespmem:s16], [sflag:$0x2] =	stream.linear.gather [hbm4b:s8+s4], $0x180, $0x38;
	[tilespmem:$0x1C500] =	vst v63  }
.LBB2_9:
0x295: {  	_ =	sfence.sel $0x180000  }
0x296: {  	[bflag:$0x0] =	sbarrier.arrive $0xFFFF  }
0x297: {  	_ =	strace $0x90000047  }
0x298: {  	s0 =	stileid.u32;
	[bflag:$0x2] =	sbarrier.arrive $0xFFFF  }
0x299: {  	p0 =	sne.s32 s0, $0x0;
	s0 =	rddreg [dreg:$0x3]  }
0x29a: {  	s0 =	sadd.s32 @!p0 $0x100000, s0  }
0x29b: {  	[sflag:s0] =	ssyncadd.tile.s32 @!p0 $0x1;
	_ =	shalt  }
.Lfunc_end2:
_tile_overlayer_lowered:
.L_overlay_start_2:
0x29c: {  	(tag) =	ssettag $0x2  }
0x29d: {  	s0 =	rddreg [dreg:$0x0];
	s2 =	stileid.u32  }
0x29e: {  	s1 =	rddreg [dreg:$0x1];
	p0 =	sne.s32 s2, $0x0  }
0x29f: {  	s3 =	rddreg [dreg:$0x2];
	[bflag:$0x3] =	sbarrier.arrive $0xFFFF;
	s2 =	simm.s32 @!p0 $0x1C08  }
0x2a0: {  	[timem:s3], [sflag:s2] =	dma.local @!p0 [hbm:s0], s1  }
0x2a1: {  	s0 =	simm.s32 @!p0 $0x8  }
0x2a2: {  	_ =	swait.ge @!p0 [sflag:s0], s1  }
0x2a3: {  	s1 =	ssub.s32 @!p0 $0x0, s1;
	[sflag:s0] =	ssyncset.done @!p0 $0x0  }
0x2a4: {  	[sflag:s0] =	ssyncadd.s32 @!p0 s1  }
0x2a5: {  	[bflag:$0x3] =	sbarrier.arrive $0xFFFF  }
0x2a6: {  	_ =	shalt  }

</sc_bundles>
